<compile_context>
chip_gen: v7x
topology: tpu7x:2x2x1
jax: 0.10.2.dev20260603
libtpu: 0.0.44.dev20260713+nightly
codegen_flags: <defaults>
</compile_context>

<pallas_src>
import functools

import jax
import jax.numpy as jnp
from jax import lax
from jax.experimental import pallas as pl
from jax.experimental.pallas import tpu as pltpu
from jax.experimental.pallas import tpu_sc as plsc

_THRD = 0.5
_EPS = 1e-8
_L = 16
_NC, _NS = 2, 16
_NW = _NC * _NS
_C = 80


def _row_norms(X):
  def body(x_ref, o_ref):
    x = x_ref[...]
    o_ref[...] = jnp.sqrt(jnp.sum(x * x, axis=1))

  return pl.pallas_call(
      body,
      out_shape=jax.ShapeDtypeStruct((X.shape[0],), jnp.float32),
  )(X)


def _edge_hinge_partials(Xp, a0, a1, norms):
  n_rows, n_pair = Xp.shape
  n_edges = a0.shape[0]
  assert n_edges % _NW == 0
  W = n_edges // _NW
  assert W % _C == 0
  n_chunks = W // _C
  assert n_chunks % 2 == 1
  n_groups = _C // _L

  mesh = plsc.VectorSubcoreMesh(core_axis_name="c", subcore_axis_name="s")

  @functools.partial(
      pl.kernel,
      out_type=jax.ShapeDtypeStruct((_NW, _L), jnp.float32),
      mesh=mesh,
      compiler_params=pltpu.CompilerParams(
          needs_layout_passes=False, use_tc_tiling_on_sc=False),
      scratch_types=[
          pltpu.VMEM_SHARED((n_rows, n_pair), jnp.int32),
          pltpu.VMEM((n_rows,), jnp.float32),
          pltpu.VMEM((W,), jnp.int32),
          pltpu.VMEM((W,), jnp.int32),
          pltpu.VMEM((_C, n_pair), jnp.int32),
          pltpu.VMEM((_C, n_pair), jnp.int32),
          pltpu.VMEM((_C, n_pair), jnp.int32),
          pltpu.VMEM((_C, n_pair), jnp.int32),
          pltpu.VMEM((_L,), jnp.float32),
          pltpu.SemaphoreType.DMA,
          pltpu.SemaphoreType.DMA,
          pltpu.SemaphoreType.DMA,
          pltpu.SemaphoreType.DMA,
      ],
  )
  def k(xp_hbm, a0_hbm, a1_hbm, n_hbm, out_hbm,
        xs_sh, norm_v, idx1_v, idx2_v, r1a, r2a, r1b, r2b, ostage,
        s1a, s2a, s1b, s2b):
    sid = lax.axis_index("s")
    wid = sid * _NC + lax.axis_index("c")
    base = wid * W

    @pl.when(sid == 0)
    def _():
      pltpu.sync_copy(xp_hbm, xs_sh)

    pltpu.sync_copy(n_hbm, norm_v)
    pltpu.sync_copy(a0_hbm.at[pl.ds(base, W)], idx1_v)
    pltpu.sync_copy(a1_hbm.at[pl.ds(base, W)], idx2_v)
    plsc.subcore_barrier()

    bufs = ((r1a, r2a, s1a, s2a), (r1b, r2b, s1b, s2b))

    def start(c, b):
      r1, r2, s1, s2 = bufs[b]
      pltpu.async_copy(xs_sh.at[idx1_v.at[pl.ds(c * _C, _C)]], r1, s1)
      pltpu.async_copy(xs_sh.at[idx2_v.at[pl.ds(c * _C, _C)]], r2, s2)

    def wait(b):
      r1, r2, s1, s2 = bufs[b]
      pltpu.make_async_copy(xp_hbm.at[pl.ds(0, _C)], r1, s1).wait()
      pltpu.make_async_copy(xp_hbm.at[pl.ds(0, _C)], r2, s2).wait()

    lane = lax.iota(jnp.int32, _L)

    def compute(c, b, acc):
      r1, r2, _, _ = bufs[b]

      def group(g, acc):
        off = c * _C + g * _L
        i1 = idx1_v[pl.ds(off, _L)]
        i2 = idx2_v[pl.ds(off, _L)]
        rows = g * _L + lane
        dotb = jnp.zeros((2 * _L,), jnp.bfloat16)
        for d in range(n_pair):
          col = jnp.bitwise_and(lane + d, n_pair - 1)
          w1 = plsc.load_gather(r1, [rows, col])
          w2 = plsc.load_gather(r2, [rows, col])
          b1 = plsc.bitcast(w1, jnp.bfloat16)
          b2 = plsc.bitcast(w2, jnp.bfloat16)
          dotb = dotb + b1 * b2
        di = plsc.bitcast(dotb, jnp.int32)
        lo = plsc.bitcast(lax.shift_left(di, 16), jnp.float32)
        hi = plsc.bitcast(jnp.bitwise_and(di, jnp.int32(-65536)), jnp.float32)
        dot = lo + hi
        n1 = plsc.load_gather(norm_v, [i1])
        n2 = plsc.load_gather(norm_v, [i2])
        sims = dot / jnp.maximum(n1 * n2, _EPS)
        return acc + jnp.maximum(_THRD - sims, 0.0)

      return plsc.parallel_loop(0, n_groups, unroll=2, carry=acc)(group)

    start(0, 0)
    acc0 = jnp.zeros((_L,), jnp.float32)

    def body(j, acc):
      c0 = 2 * j
      wait(0)
      start(c0 + 1, 1)
      acc = compute(c0, 0, acc)
      wait(1)
      start(c0 + 2, 0)
      acc = compute(c0 + 1, 1, acc)
      return acc

    acc = lax.fori_loop(0, (n_chunks - 1) // 2, body, acc0)
    wait(0)
    acc = compute(n_chunks - 1, 0, acc)

    ostage[...] = acc
    pltpu.sync_copy(ostage, out_hbm.at[wid])

  return k(Xp, a0, a1, norms)


def kernel(X, A):
  a0 = A[0].astype(jnp.int32)
  a1 = A[1].astype(jnp.int32)
  norms = _row_norms(X)
  n_rows, n_feat = X.shape
  Xp = lax.bitcast_convert_type(
      X.astype(jnp.bfloat16).reshape(n_rows, n_feat // 2, 2), jnp.int32)
  partials = _edge_hinge_partials(Xp, a0, a1, norms)
  return jnp.sum(partials) / jnp.float32(A.shape[1])

# --- scband reference (transcript-rebuilt; emitter-appended) ---
"""Pipeline reference for scband-homo-loss-90159953478446 (READ-ONLY COPY).

The authoritative reference and input builder live on the scoring server;
editing this copy changes nothing except your own understanding.
"""

import jax, jax.numpy as jnp
import numpy as np

THRD = 0.5
EPS = 1e-8

def setup_inputs(seed: int = 0) -> dict:
    key = jax.random.key(seed)
    k1, k2 = jax.random.split(key)
    X = jax.random.normal(k1, (10000, 128), dtype=jnp.float32)
    A = jax.random.randint(k2, (2, 320000), 0, 10000, dtype=jnp.int64)
    return {"X": X, "A": A}

def reference(X, A):
    x1 = jnp.take(X, A[0], axis=0)
    x2 = jnp.take(X, A[1], axis=0)
    dot = jnp.sum(x1 * x2, axis=1)
    n1 = jnp.sqrt(jnp.sum(x1 * x1, axis=1))
    n2 = jnp.sqrt(jnp.sum(x2 * x2, axis=1))
    sims = dot / jnp.maximum(n1 * n2, EPS)
    loss = jnp.mean(jax.nn.relu(THRD - sims))
    return loss

if __name__ == "__main__":
    import jax
    _d = setup_inputs()
    print(jax.jit(kernel)(*tuple(_d.values())))

</pallas_src>

<mosaic_0001>
#map = affine_map<(d0, d1) -> (0, 0)>
#map1 = affine_map<(d0, d1) -> (0)>
module attributes {stable_mosaic.version = 14 : i64} {
  func.func @k(%arg0: i32, %arg1: i32, %arg2: memref<10000x64xi32, #tpu.memory_space<hbm>>, %arg3: memref<320000xi32, #tpu.memory_space<hbm>>, %arg4: memref<320000xi32, #tpu.memory_space<hbm>>, %arg5: memref<10000xf32, #tpu.memory_space<hbm>>, %arg6: memref<32x16xf32, #tpu.memory_space<hbm>>, %arg7: memref<10000x64xi32, #tpu.memory_space<vmem_shared>>, %arg8: memref<10000xf32, #tpu.memory_space<vmem>>, %arg9: memref<10000xi32, #tpu.memory_space<vmem>>, %arg10: memref<10000xi32, #tpu.memory_space<vmem>>, %arg11: memref<80x64xi32, #tpu.memory_space<vmem>>, %arg12: memref<80x64xi32, #tpu.memory_space<vmem>>, %arg13: memref<80x64xi32, #tpu.memory_space<vmem>>, %arg14: memref<80x64xi32, #tpu.memory_space<vmem>>, %arg15: memref<16xf32, #tpu.memory_space<vmem>>, %arg16: memref<!tpu.dma_semaphore, #tpu.memory_space<semaphore_mem>>, %arg17: memref<!tpu.dma_semaphore, #tpu.memory_space<semaphore_mem>>, %arg18: memref<!tpu.dma_semaphore, #tpu.memory_space<semaphore_mem>>, %arg19: memref<!tpu.dma_semaphore, #tpu.memory_space<semaphore_mem>>) attributes {dimension_semantics = [#tpu.dimension_semantics<core_parallel>, #tpu.dimension_semantics<subcore_parallel>], iteration_bounds = array<i64: 2, 16>, scalar_prefetch = 0 : i64, scratch_operands = 13 : i64, tpu.core_type = #tpu.core_type<sc_vector_subcore>, window_params = [{transform_indices = #map}, {transform_indices = #map1}, {transform_indices = #map1}, {transform_indices = #map1}, {transform_indices = #map}]} {
    %mul3A = arith.constant 2 : i32
    %mul3A_0 = arith.muli %arg1, %mul3A : i32
    %add3A = arith.addi %mul3A_0, %arg0 : i32
    %mul3A_1 = arith.constant 10000 : i32
    %mul3A_2 = arith.muli %add3A, %mul3A_1 : i32
    %eq3A = arith.constant 0 : i32
    %eq3A_3 = arith.cmpi eq, %arg1, %eq3A : i32
    %convert_element_type3A = arith.extui %eq3A_3 : i1 to i32
    %cond3A = arith.constant 0 : i32
    %cond3A_4 = arith.cmpi ne, %convert_element_type3A, %cond3A : i32
    scf.if %cond3A_4 {
      "tpu.region"() ({
        %run_scoped3A = tpu.sem_alloc : memref<!tpu.dma_semaphore, #tpu.memory_space<semaphore_mem>>
        tpu.enqueue_dma source(%arg2 : memref<10000x64xi32, #tpu.memory_space<hbm>>) target(%arg7 : memref<10000x64xi32, #tpu.memory_space<vmem_shared>>) target_semaphore(%run_scoped3A : memref<!tpu.dma_semaphore, #tpu.memory_space<semaphore_mem>>)
        tpu.wait_dma2 semaphore(%run_scoped3A : memref<!tpu.dma_semaphore, #tpu.memory_space<semaphore_mem>>) src(%arg2 : memref<10000x64xi32, #tpu.memory_space<hbm>>) dst(%arg7 : memref<10000x64xi32, #tpu.memory_space<vmem_shared>>)
        tpu.yield
      }) : () -> ()
    } else {
    }
    "tpu.region"() ({
      %run_scoped3A = tpu.sem_alloc : memref<!tpu.dma_semaphore, #tpu.memory_space<semaphore_mem>>
      tpu.enqueue_dma source(%arg5 : memref<10000xf32, #tpu.memory_space<hbm>>) target(%arg8 : memref<10000xf32, #tpu.memory_space<vmem>>) target_semaphore(%run_scoped3A : memref<!tpu.dma_semaphore, #tpu.memory_space<semaphore_mem>>)
      tpu.wait_dma2 semaphore(%run_scoped3A : memref<!tpu.dma_semaphore, #tpu.memory_space<semaphore_mem>>) src(%arg5 : memref<10000xf32, #tpu.memory_space<hbm>>) dst(%arg8 : memref<10000xf32, #tpu.memory_space<vmem>>)
      tpu.yield
    }) : () -> ()
    "tpu.region"() ({
      %run_scoped3A = tpu.sem_alloc : memref<!tpu.dma_semaphore, #tpu.memory_space<semaphore_mem>>
      %dma_start3A_35 = tpu.memref_slice %arg3[%mul3A_2] : memref<320000xi32, #tpu.memory_space<hbm>> -> memref<10000xi32, #tpu.memory_space<hbm>>
      %dma_start3A_36 = tpu.memref_slice %arg3[%mul3A_2] : memref<320000xi32, #tpu.memory_space<hbm>> -> memref<10000xi32, #tpu.memory_space<hbm>>
      tpu.enqueue_dma source(%dma_start3A_36 : memref<10000xi32, #tpu.memory_space<hbm>>) target(%arg9 : memref<10000xi32, #tpu.memory_space<vmem>>) target_semaphore(%run_scoped3A : memref<!tpu.dma_semaphore, #tpu.memory_space<semaphore_mem>>)
      %dma_wait3A_37 = tpu.memref_slice %arg3[%mul3A_2] : memref<320000xi32, #tpu.memory_space<hbm>> -> memref<10000xi32, #tpu.memory_space<hbm>>
      %dma_wait3A_38 = tpu.memref_slice %arg3[%mul3A_2] : memref<320000xi32, #tpu.memory_space<hbm>> -> memref<10000xi32, #tpu.memory_space<hbm>>
      tpu.wait_dma2 semaphore(%run_scoped3A : memref<!tpu.dma_semaphore, #tpu.memory_space<semaphore_mem>>) src(%dma_wait3A_38 : memref<10000xi32, #tpu.memory_space<hbm>>) dst(%arg9 : memref<10000xi32, #tpu.memory_space<vmem>>)
      tpu.yield
    }) : () -> ()
    "tpu.region"() ({
      %run_scoped3A = tpu.sem_alloc : memref<!tpu.dma_semaphore, #tpu.memory_space<semaphore_mem>>
      %dma_start3A_35 = tpu.memref_slice %arg4[%mul3A_2] : memref<320000xi32, #tpu.memory_space<hbm>> -> memref<10000xi32, #tpu.memory_space<hbm>>
      %dma_start3A_36 = tpu.memref_slice %arg4[%mul3A_2] : memref<320000xi32, #tpu.memory_space<hbm>> -> memref<10000xi32, #tpu.memory_space<hbm>>
      tpu.enqueue_dma source(%dma_start3A_36 : memref<10000xi32, #tpu.memory_space<hbm>>) target(%arg10 : memref<10000xi32, #tpu.memory_space<vmem>>) target_semaphore(%run_scoped3A : memref<!tpu.dma_semaphore, #tpu.memory_space<semaphore_mem>>)
      %dma_wait3A_37 = tpu.memref_slice %arg4[%mul3A_2] : memref<320000xi32, #tpu.memory_space<hbm>> -> memref<10000xi32, #tpu.memory_space<hbm>>
      %dma_wait3A_38 = tpu.memref_slice %arg4[%mul3A_2] : memref<320000xi32, #tpu.memory_space<hbm>> -> memref<10000xi32, #tpu.memory_space<hbm>>
      tpu.wait_dma2 semaphore(%run_scoped3A : memref<!tpu.dma_semaphore, #tpu.memory_space<semaphore_mem>>) src(%dma_wait3A_38 : memref<10000xi32, #tpu.memory_space<hbm>>) dst(%arg10 : memref<10000xi32, #tpu.memory_space<vmem>>)
      tpu.yield
    }) : () -> ()
    %barrier3A = arith.constant 0 : index
    tpu.barrier barrier_id(%barrier3A)
    %iota3A = tpu.iota {dimensions = array<i32: 0>} : vector<16xi32>
    %dma_start3A = arith.constant 0 : i32
    %dma_start3A_5 = tpu.memref_slice %arg9[%dma_start3A] : memref<10000xi32, #tpu.memory_space<vmem>> -> memref<80xi32, #tpu.memory_space<vmem>>
    %dma_start3A_6 = arith.constant 0 : i32
    %dma_start3A_7 = arith.constant 0 : i32
    %dma_start3A_8 = tpu.memref_slice %arg7[%dma_start3A_6, %dma_start3A_7] : memref<10000x64xi32, #tpu.memory_space<vmem_shared>> -> memref<10000x64xi32, #tpu.memory_space<vmem_shared>>
    tpu.enqueue_indirect_dma source(%dma_start3A_8 : memref<10000x64xi32, #tpu.memory_space<vmem_shared>>) target(%arg11 : memref<80x64xi32, #tpu.memory_space<vmem>>) offsets(%dma_start3A_5 : memref<80xi32, #tpu.memory_space<vmem>>) semaphore(%arg16 : memref<!tpu.dma_semaphore, #tpu.memory_space<semaphore_mem>>)
    %dma_start3A_9 = arith.constant 0 : i32
    %dma_start3A_10 = tpu.memref_slice %arg10[%dma_start3A_9] : memref<10000xi32, #tpu.memory_space<vmem>> -> memref<80xi32, #tpu.memory_space<vmem>>
    %dma_start3A_11 = arith.constant 0 : i32
    %dma_start3A_12 = arith.constant 0 : i32
    %dma_start3A_13 = tpu.memref_slice %arg7[%dma_start3A_11, %dma_start3A_12] : memref<10000x64xi32, #tpu.memory_space<vmem_shared>> -> memref<10000x64xi32, #tpu.memory_space<vmem_shared>>
    tpu.enqueue_indirect_dma source(%dma_start3A_13 : memref<10000x64xi32, #tpu.memory_space<vmem_shared>>) target(%arg12 : memref<80x64xi32, #tpu.memory_space<vmem>>) offsets(%dma_start3A_10 : memref<80xi32, #tpu.memory_space<vmem>>) semaphore(%arg17 : memref<!tpu.dma_semaphore, #tpu.memory_space<semaphore_mem>>)
    %broadcast_in_dim3A = arith.constant 0.000000e+00 : f32
    %broadcast_in_dim3A_14 = vector.broadcast %broadcast_in_dim3A : f32 to vector<16xf32>
    %scan3A = arith.constant 0 : i32
    %scan3A_15 = arith.constant 62 : i32
    %scan3A_16 = arith.addi %scan3A, %scan3A_15 : i32
    %scan3A_17 = arith.constant 1 : i32
    %scan3A_18 = scf.for %scan3A_35 = %scan3A to %scan3A_16 step %scan3A_17 iter_args(%scan3A_36 = %broadcast_in_dim3A_14) -> (vector<16xf32>)  : i32 {
      %mul3A_37 = arith.constant 2 : i32
      %mul3A_38 = arith.muli %mul3A_37, %scan3A_35 : i32
      %dma_wait3A_39 = arith.constant 0 : i32
      %dma_wait3A_40 = arith.constant 0 : i32
      %dma_wait3A_41 = tpu.memref_slice %arg2[%dma_wait3A_39, %dma_wait3A_40] : memref<10000x64xi32, #tpu.memory_space<hbm>> -> memref<80x64xi32, #tpu.memory_space<hbm>>
      %dma_wait3A_42 = arith.constant 0 : i32
      %dma_wait3A_43 = arith.constant 0 : i32
      %dma_wait3A_44 = tpu.memref_slice %arg2[%dma_wait3A_42, %dma_wait3A_43] : memref<10000x64xi32, #tpu.memory_space<hbm>> -> memref<80x64xi32, #tpu.memory_space<hbm>>
      tpu.wait_dma2 semaphore(%arg16 : memref<!tpu.dma_semaphore, #tpu.memory_space<semaphore_mem>>) src(%dma_wait3A_44 : memref<80x64xi32, #tpu.memory_space<hbm>>) dst(%arg11 : memref<80x64xi32, #tpu.memory_space<vmem>>)
      %dma_wait3A_45 = arith.constant 0 : i32
      %dma_wait3A_46 = arith.constant 0 : i32
      %dma_wait3A_47 = tpu.memref_slice %arg2[%dma_wait3A_45, %dma_wait3A_46] : memref<10000x64xi32, #tpu.memory_space<hbm>> -> memref<80x64xi32, #tpu.memory_space<hbm>>
      %dma_wait3A_48 = arith.constant 0 : i32
      %dma_wait3A_49 = arith.constant 0 : i32
      %dma_wait3A_50 = tpu.memref_slice %arg2[%dma_wait3A_48, %dma_wait3A_49] : memref<10000x64xi32, #tpu.memory_space<hbm>> -> memref<80x64xi32, #tpu.memory_space<hbm>>
      tpu.wait_dma2 semaphore(%arg17 : memref<!tpu.dma_semaphore, #tpu.memory_space<semaphore_mem>>) src(%dma_wait3A_50 : memref<80x64xi32, #tpu.memory_space<hbm>>) dst(%arg12 : memref<80x64xi32, #tpu.memory_space<vmem>>)
      %add3A_51 = arith.constant 1 : i32
      %add3A_52 = arith.addi %mul3A_38, %add3A_51 : i32
      %mul3A_53 = arith.constant 80 : i32
      %mul3A_54 = arith.muli %add3A_52, %mul3A_53 : i32
      %dma_start3A_55 = tpu.memref_slice %arg9[%mul3A_54] : memref<10000xi32, #tpu.memory_space<vmem>> -> memref<80xi32, #tpu.memory_space<vmem>>
      %dma_start3A_56 = arith.constant 0 : i32
      %dma_start3A_57 = arith.constant 0 : i32
      %dma_start3A_58 = tpu.memref_slice %arg7[%dma_start3A_56, %dma_start3A_57] : memref<10000x64xi32, #tpu.memory_space<vmem_shared>> -> memref<10000x64xi32, #tpu.memory_space<vmem_shared>>
      tpu.enqueue_indirect_dma source(%dma_start3A_58 : memref<10000x64xi32, #tpu.memory_space<vmem_shared>>) target(%arg13 : memref<80x64xi32, #tpu.memory_space<vmem>>) offsets(%dma_start3A_55 : memref<80xi32, #tpu.memory_space<vmem>>) semaphore(%arg18 : memref<!tpu.dma_semaphore, #tpu.memory_space<semaphore_mem>>)
      %mul3A_59 = arith.constant 80 : i32
      %mul3A_60 = arith.muli %add3A_52, %mul3A_59 : i32
      %dma_start3A_61 = tpu.memref_slice %arg10[%mul3A_60] : memref<10000xi32, #tpu.memory_space<vmem>> -> memref<80xi32, #tpu.memory_space<vmem>>
      %dma_start3A_62 = arith.constant 0 : i32
      %dma_start3A_63 = arith.constant 0 : i32
      %dma_start3A_64 = tpu.memref_slice %arg7[%dma_start3A_62, %dma_start3A_63] : memref<10000x64xi32, #tpu.memory_space<vmem_shared>> -> memref<10000x64xi32, #tpu.memory_space<vmem_shared>>
      tpu.enqueue_indirect_dma source(%dma_start3A_64 : memref<10000x64xi32, #tpu.memory_space<vmem_shared>>) target(%arg14 : memref<80x64xi32, #tpu.memory_space<vmem>>) offsets(%dma_start3A_61 : memref<80xi32, #tpu.memory_space<vmem>>) semaphore(%arg19 : memref<!tpu.dma_semaphore, #tpu.memory_space<semaphore_mem>>)
      %parallel_loop3A_65 = arith.constant 0 : i32
      %parallel_loop3A_66 = arith.constant 5 : i32
      %parallel_loop3A_67 = arith.constant 1 : i32
      %parallel_loop3A_68 = scf.for %parallel_loop3A_101 = %parallel_loop3A_65 to %parallel_loop3A_66 step %parallel_loop3A_67 iter_args(%parallel_loop3A_102 = %scan3A_36) -> (vector<16xf32>)  : i32 {
        %parallel_loop3A_103 = arith.constant 80 : i32
        %parallel_loop3A_104 = arith.muli %mul3A_38, %parallel_loop3A_103 : i32
        %parallel_loop3A_105 = arith.constant 16 : i32
        %parallel_loop3A_106 = arith.muli %parallel_loop3A_101, %parallel_loop3A_105 : i32
        %parallel_loop3A_107 = arith.addi %parallel_loop3A_104, %parallel_loop3A_106 : i32
        %parallel_loop3A_108 = arith.index_cast %parallel_loop3A_107 : i32 to index
        %parallel_loop3A_109 = tpu.vector_load %arg9[%parallel_loop3A_108] {strides = array<i32>} : memref<10000xi32, #tpu.memory_space<vmem>>, vector<16xi32>,
        %parallel_loop3A_110 = arith.index_cast %parallel_loop3A_107 : i32 to index
        %parallel_loop3A_111 = tpu.vector_load %arg10[%parallel_loop3A_110] {strides = array<i32>} : memref<10000xi32, #tpu.memory_space<vmem>>, vector<16xi32>,
        %parallel_loop3A_112 = arith.constant 16 : i32
        %parallel_loop3A_113 = arith.muli %parallel_loop3A_101, %parallel_loop3A_112 : i32
        %parallel_loop3A_114 = vector.broadcast %parallel_loop3A_113 : i32 to vector<16xi32>
        %parallel_loop3A_115 = arith.addi %parallel_loop3A_114, %iota3A : vector<16xi32>
        %parallel_loop3A_116 = arith.constant 0.000000e+00 : bf16
        %parallel_loop3A_117 = vector.broadcast %parallel_loop3A_116 : bf16 to vector<32xbf16>
        %parallel_loop3A_118 = arith.constant 0 : i32
        %parallel_loop3A_119 = vector.broadcast %parallel_loop3A_118 : i32 to vector<16xi32>
        %parallel_loop3A_120 = arith.addi %iota3A, %parallel_loop3A_119 : vector<16xi32>
        %parallel_loop3A_121 = arith.constant 63 : i32
        %parallel_loop3A_122 = vector.broadcast %parallel_loop3A_121 : i32 to vector<16xi32>
        %parallel_loop3A_123 = arith.andi %parallel_loop3A_120, %parallel_loop3A_122 : vector<16xi32>
        %parallel_loop3A_124 = tpu.vector_load_idx %arg11[%parallel_loop3A_115, %parallel_loop3A_123] : memref<80x64xi32, #tpu.memory_space<vmem>>[vector<16xi32>, vector<16xi32>], vector<16xi32>,
        %parallel_loop3A_125 = tpu.vector_load_idx %arg12[%parallel_loop3A_115, %parallel_loop3A_123] : memref<80x64xi32, #tpu.memory_space<vmem>>[vector<16xi32>, vector<16xi32>], vector<16xi32>,
        %parallel_loop3A_126 = vector.bitcast %parallel_loop3A_124 : vector<16xi32> to vector<32xbf16>
        %parallel_loop3A_127 = vector.bitcast %parallel_loop3A_125 : vector<16xi32> to vector<32xbf16>
        %parallel_loop3A_128 = arith.mulf %parallel_loop3A_126, %parallel_loop3A_127 : vector<32xbf16>
        %parallel_loop3A_129 = arith.addf %parallel_loop3A_117, %parallel_loop3A_128 : vector<32xbf16>
        %parallel_loop3A_130 = arith.constant 1 : i32
        %parallel_loop3A_131 = vector.broadcast %parallel_loop3A_130 : i32 to vector<16xi32>
        %parallel_loop3A_132 = arith.addi %iota3A, %parallel_loop3A_131 : vector<16xi32>
        %parallel_loop3A_133 = arith.constant 63 : i32
        %parallel_loop3A_134 = vector.broadcast %parallel_loop3A_133 : i32 to vector<16xi32>
        %parallel_loop3A_135 = arith.andi %parallel_loop3A_132, %parallel_loop3A_134 : vector<16xi32>
        %parallel_loop3A_136 = tpu.vector_load_idx %arg11[%parallel_loop3A_115, %parallel_loop3A_135] : memref<80x64xi32, #tpu.memory_space<vmem>>[vector<16xi32>, vector<16xi32>], vector<16xi32>,
        %parallel_loop3A_137 = tpu.vector_load_idx %arg12[%parallel_loop3A_115, %parallel_loop3A_135] : memref<80x64xi32, #tpu.memory_space<vmem>>[vector<16xi32>, vector<16xi32>], vector<16xi32>,
        %parallel_loop3A_138 = vector.bitcast %parallel_loop3A_136 : vector<16xi32> to vector<32xbf16>
        %parallel_loop3A_139 = vector.bitcast %parallel_loop3A_137 : vector<16xi32> to vector<32xbf16>
        %parallel_loop3A_140 = arith.mulf %parallel_loop3A_138, %parallel_loop3A_139 : vector<32xbf16>
        %parallel_loop3A_141 = arith.addf %parallel_loop3A_129, %parallel_loop3A_140 : vector<32xbf16>
        %parallel_loop3A_142 = arith.constant 2 : i32
        %parallel_loop3A_143 = vector.broadcast %parallel_loop3A_142 : i32 to vector<16xi32>
        %parallel_loop3A_144 = arith.addi %iota3A, %parallel_loop3A_143 : vector<16xi32>
        %parallel_loop3A_145 = arith.constant 63 : i32
        %parallel_loop3A_146 = vector.broadcast %parallel_loop3A_145 : i32 to vector<16xi32>
        %parallel_loop3A_147 = arith.andi %parallel_loop3A_144, %parallel_loop3A_146 : vector<16xi32>
        %parallel_loop3A_148 = tpu.vector_load_idx %arg11[%parallel_loop3A_115, %parallel_loop3A_147] : memref<80x64xi32, #tpu.memory_space<vmem>>[vector<16xi32>, vector<16xi32>], vector<16xi32>,
        %parallel_loop3A_149 = tpu.vector_load_idx %arg12[%parallel_loop3A_115, %parallel_loop3A_147] : memref<80x64xi32, #tpu.memory_space<vmem>>[vector<16xi32>, vector<16xi32>], vector<16xi32>,
        %parallel_loop3A_150 = vector.bitcast %parallel_loop3A_148 : vector<16xi32> to vector<32xbf16>
        %parallel_loop3A_151 = vector.bitcast %parallel_loop3A_149 : vector<16xi32> to vector<32xbf16>
        %parallel_loop3A_152 = arith.mulf %parallel_loop3A_150, %parallel_loop3A_151 : vector<32xbf16>
        %parallel_loop3A_153 = arith.addf %parallel_loop3A_141, %parallel_loop3A_152 : vector<32xbf16>
        %parallel_loop3A_154 = arith.constant 3 : i32
        %parallel_loop3A_155 = vector.broadcast %parallel_loop3A_154 : i32 to vector<16xi32>
        %parallel_loop3A_156 = arith.addi %iota3A, %parallel_loop3A_155 : vector<16xi32>
        %parallel_loop3A_157 = arith.constant 63 : i32
        %parallel_loop3A_158 = vector.broadcast %parallel_loop3A_157 : i32 to vector<16xi32>
        %parallel_loop3A_159 = arith.andi %parallel_loop3A_156, %parallel_loop3A_158 : vector<16xi32>
        %parallel_loop3A_160 = tpu.vector_load_idx %arg11[%parallel_loop3A_115, %parallel_loop3A_159] : memref<80x64xi32, #tpu.memory_space<vmem>>[vector<16xi32>, vector<16xi32>], vector<16xi32>,
        %parallel_loop3A_161 = tpu.vector_load_idx %arg12[%parallel_loop3A_115, %parallel_loop3A_159] : memref<80x64xi32, #tpu.memory_space<vmem>>[vector<16xi32>, vector<16xi32>], vector<16xi32>,
        %parallel_loop3A_162 = vector.bitcast %parallel_loop3A_160 : vector<16xi32> to vector<32xbf16>
        %parallel_loop3A_163 = vector.bitcast %parallel_loop3A_161 : vector<16xi32> to vector<32xbf16>
        %parallel_loop3A_164 = arith.mulf %parallel_loop3A_162, %parallel_loop3A_163 : vector<32xbf16>
        %parallel_loop3A_165 = arith.addf %parallel_loop3A_153, %parallel_loop3A_164 : vector<32xbf16>
        %parallel_loop3A_166 = arith.constant 4 : i32
        %parallel_loop3A_167 = vector.broadcast %parallel_loop3A_166 : i32 to vector<16xi32>
        %parallel_loop3A_168 = arith.addi %iota3A, %parallel_loop3A_167 : vector<16xi32>
        %parallel_loop3A_169 = arith.constant 63 : i32
        %parallel_loop3A_170 = vector.broadcast %parallel_loop3A_169 : i32 to vector<16xi32>
        %parallel_loop3A_171 = arith.andi %parallel_loop3A_168, %parallel_loop3A_170 : vector<16xi32>
        %parallel_loop3A_172 = tpu.vector_load_idx %arg11[%parallel_loop3A_115, %parallel_loop3A_171] : memref<80x64xi32, #tpu.memory_space<vmem>>[vector<16xi32>, vector<16xi32>], vector<16xi32>,
        %parallel_loop3A_173 = tpu.vector_load_idx %arg12[%parallel_loop3A_115, %parallel_loop3A_171] : memref<80x64xi32, #tpu.memory_space<vmem>>[vector<16xi32>, vector<16xi32>], vector<16xi32>,
        %parallel_loop3A_174 = vector.bitcast %parallel_loop3A_172 : vector<16xi32> to vector<32xbf16>
        %parallel_loop3A_175 = vector.bitcast %parallel_loop3A_173 : vector<16xi32> to vector<32xbf16>
        %parallel_loop3A_176 = arith.mulf %parallel_loop3A_174, %parallel_loop3A_175 : vector<32xbf16>
        %parallel_loop3A_177 = arith.addf %parallel_loop3A_165, %parallel_loop3A_176 : vector<32xbf16>
        %parallel_loop3A_178 = arith.constant 5 : i32
        %parallel_loop3A_179 = vector.broadcast %parallel_loop3A_178 : i32 to vector<16xi32>
        %parallel_loop3A_180 = arith.addi %iota3A, %parallel_loop3A_179 : vector<16xi32>
        %parallel_loop3A_181 = arith.constant 63 : i32
        %parallel_loop3A_182 = vector.broadcast %parallel_loop3A_181 : i32 to vector<16xi32>
        %parallel_loop3A_183 = arith.andi %parallel_loop3A_180, %parallel_loop3A_182 : vector<16xi32>
        %parallel_loop3A_184 = tpu.vector_load_idx %arg11[%parallel_loop3A_115, %parallel_loop3A_183] : memref<80x64xi32, #tpu.memory_space<vmem>>[vector<16xi32>, vector<16xi32>], vector<16xi32>,
        %parallel_loop3A_185 = tpu.vector_load_idx %arg12[%parallel_loop3A_115, %parallel_loop3A_183] : memref<80x64xi32, #tpu.memory_space<vmem>>[vector<16xi32>, vector<16xi32>], vector<16xi32>,
        %parallel_loop3A_186 = vector.bitcast %parallel_loop3A_184 : vector<16xi32> to vector<32xbf16>
        %parallel_loop3A_187 = vector.bitcast %parallel_loop3A_185 : vector<16xi32> to vector<32xbf16>
        %parallel_loop3A_188 = arith.mulf %parallel_loop3A_186, %parallel_loop3A_187 : vector<32xbf16>
        %parallel_loop3A_189 = arith.addf %parallel_loop3A_177, %parallel_loop3A_188 : vector<32xbf16>
        %parallel_loop3A_190 = arith.constant 6 : i32
        %parallel_loop3A_191 = vector.broadcast %parallel_loop3A_190 : i32 to vector<16xi32>
        %parallel_loop3A_192 = arith.addi %iota3A, %parallel_loop3A_191 : vector<16xi32>
        %parallel_loop3A_193 = arith.constant 63 : i32
        %parallel_loop3A_194 = vector.broadcast %parallel_loop3A_193 : i32 to vector<16xi32>
        %parallel_loop3A_195 = arith.andi %parallel_loop3A_192, %parallel_loop3A_194 : vector<16xi32>
        %parallel_loop3A_196 = tpu.vector_load_idx %arg11[%parallel_loop3A_115, %parallel_loop3A_195] : memref<80x64xi32, #tpu.memory_space<vmem>>[vector<16xi32>, vector<16xi32>], vector<16xi32>,
        %parallel_loop3A_197 = tpu.vector_load_idx %arg12[%parallel_loop3A_115, %parallel_loop3A_195] : memref<80x64xi32, #tpu.memory_space<vmem>>[vector<16xi32>, vector<16xi32>], vector<16xi32>,
        %parallel_loop3A_198 = vector.bitcast %parallel_loop3A_196 : vector<16xi32> to vector<32xbf16>
        %parallel_loop3A_199 = vector.bitcast %parallel_loop3A_197 : vector<16xi32> to vector<32xbf16>
        %parallel_loop3A_200 = arith.mulf %parallel_loop3A_198, %parallel_loop3A_199 : vector<32xbf16>
        %parallel_loop3A_201 = arith.addf %parallel_loop3A_189, %parallel_loop3A_200 : vector<32xbf16>
        %parallel_loop3A_202 = arith.constant 7 : i32
        %parallel_loop3A_203 = vector.broadcast %parallel_loop3A_202 : i32 to vector<16xi32>
        %parallel_loop3A_204 = arith.addi %iota3A, %parallel_loop3A_203 : vector<16xi32>
        %parallel_loop3A_205 = arith.constant 63 : i32
        %parallel_loop3A_206 = vector.broadcast %parallel_loop3A_205 : i32 to vector<16xi32>
        %parallel_loop3A_207 = arith.andi %parallel_loop3A_204, %parallel_loop3A_206 : vector<16xi32>
        %parallel_loop3A_208 = tpu.vector_load_idx %arg11[%parallel_loop3A_115, %parallel_loop3A_207] : memref<80x64xi32, #tpu.memory_space<vmem>>[vector<16xi32>, vector<16xi32>], vector<16xi32>,
        %parallel_loop3A_209 = tpu.vector_load_idx %arg12[%parallel_loop3A_115, %parallel_loop3A_207] : memref<80x64xi32, #tpu.memory_space<vmem>>[vector<16xi32>, vector<16xi32>], vector<16xi32>,
        %parallel_loop3A_210 = vector.bitcast %parallel_loop3A_208 : vector<16xi32> to vector<32xbf16>
        %parallel_loop3A_211 = vector.bitcast %parallel_loop3A_209 : vector<16xi32> to vector<32xbf16>
        %parallel_loop3A_212 = arith.mulf %parallel_loop3A_210, %parallel_loop3A_211 : vector<32xbf16>
        %parallel_loop3A_213 = arith.addf %parallel_loop3A_201, %parallel_loop3A_212 : vector<32xbf16>
        %parallel_loop3A_214 = arith.constant 8 : i32
        %parallel_loop3A_215 = vector.broadcast %parallel_loop3A_214 : i32 to vector<16xi32>
        %parallel_loop3A_216 = arith.addi %iota3A, %parallel_loop3A_215 : vector<16xi32>
        %parallel_loop3A_217 = arith.constant 63 : i32
        %parallel_loop3A_218 = vector.broadcast %parallel_loop3A_217 : i32 to vector<16xi32>
        %parallel_loop3A_219 = arith.andi %parallel_loop3A_216, %parallel_loop3A_218 : vector<16xi32>
        %parallel_loop3A_220 = tpu.vector_load_idx %arg11[%parallel_loop3A_115, %parallel_loop3A_219] : memref<80x64xi32, #tpu.memory_space<vmem>>[vector<16xi32>, vector<16xi32>], vector<16xi32>,
        %parallel_loop3A_221 = tpu.vector_load_idx %arg12[%parallel_loop3A_115, %parallel_loop3A_219] : memref<80x64xi32, #tpu.memory_space<vmem>>[vector<16xi32>, vector<16xi32>], vector<16xi32>,
        %parallel_loop3A_222 = vector.bitcast %parallel_loop3A_220 : vector<16xi32> to vector<32xbf16>
        %parallel_loop3A_223 = vector.bitcast %parallel_loop3A_221 : vector<16xi32> to vector<32xbf16>
        %parallel_loop3A_224 = arith.mulf %parallel_loop3A_222, %parallel_loop3A_223 : vector<32xbf16>
        %parallel_loop3A_225 = arith.addf %parallel_loop3A_213, %parallel_loop3A_224 : vector<32xbf16>
        %parallel_loop3A_226 = arith.constant 9 : i32
        %parallel_loop3A_227 = vector.broadcast %parallel_loop3A_226 : i32 to vector<16xi32>
        %parallel_loop3A_228 = arith.addi %iota3A, %parallel_loop3A_227 : vector<16xi32>
        %parallel_loop3A_229 = arith.constant 63 : i32
        %parallel_loop3A_230 = vector.broadcast %parallel_loop3A_229 : i32 to vector<16xi32>
        %parallel_loop3A_231 = arith.andi %parallel_loop3A_228, %parallel_loop3A_230 : vector<16xi32>
        %parallel_loop3A_232 = tpu.vector_load_idx %arg11[%parallel_loop3A_115, %parallel_loop3A_231] : memref<80x64xi32, #tpu.memory_space<vmem>>[vector<16xi32>, vector<16xi32>], vector<16xi32>,
        %parallel_loop3A_233 = tpu.vector_load_idx %arg12[%parallel_loop3A_115, %parallel_loop3A_231] : memref<80x64xi32, #tpu.memory_space<vmem>>[vector<16xi32>, vector<16xi32>], vector<16xi32>,
        %parallel_loop3A_234 = vector.bitcast %parallel_loop3A_232 : vector<16xi32> to vector<32xbf16>
        %parallel_loop3A_235 = vector.bitcast %parallel_loop3A_233 : vector<16xi32> to vector<32xbf16>
        %parallel_loop3A_236 = arith.mulf %parallel_loop3A_234, %parallel_loop3A_235 : vector<32xbf16>
        %parallel_loop3A_237 = arith.addf %parallel_loop3A_225, %parallel_loop3A_236 : vector<32xbf16>
        %parallel_loop3A_238 = arith.constant 10 : i32
        %parallel_loop3A_239 = vector.broadcast %parallel_loop3A_238 : i32 to vector<16xi32>
        %parallel_loop3A_240 = arith.addi %iota3A, %parallel_loop3A_239 : vector<16xi32>
        %parallel_loop3A_241 = arith.constant 63 : i32
        %parallel_loop3A_242 = vector.broadcast %parallel_loop3A_241 : i32 to vector<16xi32>
        %parallel_loop3A_243 = arith.andi %parallel_loop3A_240, %parallel_loop3A_242 : vector<16xi32>
        %parallel_loop3A_244 = tpu.vector_load_idx %arg11[%parallel_loop3A_115, %parallel_loop3A_243] : memref<80x64xi32, #tpu.memory_space<vmem>>[vector<16xi32>, vector<16xi32>], vector<16xi32>,
        %parallel_loop3A_245 = tpu.vector_load_idx %arg12[%parallel_loop3A_115, %parallel_loop3A_243] : memref<80x64xi32, #tpu.memory_space<vmem>>[vector<16xi32>, vector<16xi32>], vector<16xi32>,
        %parallel_loop3A_246 = vector.bitcast %parallel_loop3A_244 : vector<16xi32> to vector<32xbf16>
        %parallel_loop3A_247 = vector.bitcast %parallel_loop3A_245 : vector<16xi32> to vector<32xbf16>
        %parallel_loop3A_248 = arith.mulf %parallel_loop3A_246, %parallel_loop3A_247 : vector<32xbf16>
        %parallel_loop3A_249 = arith.addf %parallel_loop3A_237, %parallel_loop3A_248 : vector<32xbf16>
        %parallel_loop3A_250 = arith.constant 11 : i32
        %parallel_loop3A_251 = vector.broadcast %parallel_loop3A_250 : i32 to vector<16xi32>
        %parallel_loop3A_252 = arith.addi %iota3A, %parallel_loop3A_251 : vector<16xi32>
        %parallel_loop3A_253 = arith.constant 63 : i32
        %parallel_loop3A_254 = vector.broadcast %parallel_loop3A_253 : i32 to vector<16xi32>
        %parallel_loop3A_255 = arith.andi %parallel_loop3A_252, %parallel_loop3A_254 : vector<16xi32>
        %parallel_loop3A_256 = tpu.vector_load_idx %arg11[%parallel_loop3A_115, %parallel_loop3A_255] : memref<80x64xi32, #tpu.memory_space<vmem>>[vector<16xi32>, vector<16xi32>], vector<16xi32>,
        %parallel_loop3A_257 = tpu.vector_load_idx %arg12[%parallel_loop3A_115, %parallel_loop3A_255] : memref<80x64xi32, #tpu.memory_space<vmem>>[vector<16xi32>, vector<16xi32>], vector<16xi32>,
        %parallel_loop3A_258 = vector.bitcast %parallel_loop3A_256 : vector<16xi32> to vector<32xbf16>
        %parallel_loop3A_259 = vector.bitcast %parallel_loop3A_257 : vector<16xi32> to vector<32xbf16>
        %parallel_loop3A_260 = arith.mulf %parallel_loop3A_258, %parallel_loop3A_259 : vector<32xbf16>
        %parallel_loop3A_261 = arith.addf %parallel_loop3A_249, %parallel_loop3A_260 : vector<32xbf16>
        %parallel_loop3A_262 = arith.constant 12 : i32
        %parallel_loop3A_263 = vector.broadcast %parallel_loop3A_262 : i32 to vector<16xi32>
        %parallel_loop3A_264 = arith.addi %iota3A, %parallel_loop3A_263 : vector<16xi32>
        %parallel_loop3A_265 = arith.constant 63 : i32
        %parallel_loop3A_266 = vector.broadcast %parallel_loop3A_265 : i32 to vector<16xi32>
        %parallel_loop3A_267 = arith.andi %parallel_loop3A_264, %parallel_loop3A_266 : vector<16xi32>
        %parallel_loop3A_268 = tpu.vector_load_idx %arg11[%parallel_loop3A_115, %parallel_loop3A_267] : memref<80x64xi32, #tpu.memory_space<vmem>>[vector<16xi32>, vector<16xi32>], vector<16xi32>,
        %parallel_loop3A_269 = tpu.vector_load_idx %arg12[%parallel_loop3A_115, %parallel_loop3A_267] : memref<80x64xi32, #tpu.memory_space<vmem>>[vector<16xi32>, vector<16xi32>], vector<16xi32>,
        %parallel_loop3A_270 = vector.bitcast %parallel_loop3A_268 : vector<16xi32> to vector<32xbf16>
        %parallel_loop3A_271 = vector.bitcast %parallel_loop3A_269 : vector<16xi32> to vector<32xbf16>
        %parallel_loop3A_272 = arith.mulf %parallel_loop3A_270, %parallel_loop3A_271 : vector<32xbf16>
        %parallel_loop3A_273 = arith.addf %parallel_loop3A_261, %parallel_loop3A_272 : vector<32xbf16>
        %parallel_loop3A_274 = arith.constant 13 : i32
        %parallel_loop3A_275 = vector.broadcast %parallel_loop3A_274 : i32 to vector<16xi32>
        %parallel_loop3A_276 = arith.addi %iota3A, %parallel_loop3A_275 : vector<16xi32>
        %parallel_loop3A_277 = arith.constant 63 : i32
        %parallel_loop3A_278 = vector.broadcast %parallel_loop3A_277 : i32 to vector<16xi32>
        %parallel_loop3A_279 = arith.andi %parallel_loop3A_276, %parallel_loop3A_278 : vector<16xi32>
        %parallel_loop3A_280 = tpu.vector_load_idx %arg11[%parallel_loop3A_115, %parallel_loop3A_279] : memref<80x64xi32, #tpu.memory_space<vmem>>[vector<16xi32>, vector<16xi32>], vector<16xi32>,
        %parallel_loop3A_281 = tpu.vector_load_idx %arg12[%parallel_loop3A_115, %parallel_loop3A_279] : memref<80x64xi32, #tpu.memory_space<vmem>>[vector<16xi32>, vector<16xi32>], vector<16xi32>,
        %parallel_loop3A_282 = vector.bitcast %parallel_loop3A_280 : vector<16xi32> to vector<32xbf16>
        %parallel_loop3A_283 = vector.bitcast %parallel_loop3A_281 : vector<16xi32> to vector<32xbf16>
        %parallel_loop3A_284 = arith.mulf %parallel_loop3A_282, %parallel_loop3A_283 : vector<32xbf16>
        %parallel_loop3A_285 = arith.addf %parallel_loop3A_273, %parallel_loop3A_284 : vector<32xbf16>
        %parallel_loop3A_286 = arith.constant 14 : i32
        %parallel_loop3A_287 = vector.broadcast %parallel_loop3A_286 : i32 to vector<16xi32>
        %parallel_loop3A_288 = arith.addi %iota3A, %parallel_loop3A_287 : vector<16xi32>
        %parallel_loop3A_289 = arith.constant 63 : i32
        %parallel_loop3A_290 = vector.broadcast %parallel_loop3A_289 : i32 to vector<16xi32>
        %parallel_loop3A_291 = arith.andi %parallel_loop3A_288, %parallel_loop3A_290 : vector<16xi32>
        %parallel_loop3A_292 = tpu.vector_load_idx %arg11[%parallel_loop3A_115, %parallel_loop3A_291] : memref<80x64xi32, #tpu.memory_space<vmem>>[vector<16xi32>, vector<16xi32>], vector<16xi32>,
        %parallel_loop3A_293 = tpu.vector_load_idx %arg12[%parallel_loop3A_115, %parallel_loop3A_291] : memref<80x64xi32, #tpu.memory_space<vmem>>[vector<16xi32>, vector<16xi32>], vector<16xi32>,
        %parallel_loop3A_294 = vector.bitcast %parallel_loop3A_292 : vector<16xi32> to vector<32xbf16>
        %parallel_loop3A_295 = vector.bitcast %parallel_loop3A_293 : vector<16xi32> to vector<32xbf16>
        %parallel_loop3A_296 = arith.mulf %parallel_loop3A_294, %parallel_loop3A_295 : vector<32xbf16>
        %parallel_loop3A_297 = arith.addf %parallel_loop3A_285, %parallel_loop3A_296 : vector<32xbf16>
        %parallel_loop3A_298 = arith.constant 15 : i32
        %parallel_loop3A_299 = vector.broadcast %parallel_loop3A_298 : i32 to vector<16xi32>
        %parallel_loop3A_300 = arith.addi %iota3A, %parallel_loop3A_299 : vector<16xi32>
        %parallel_loop3A_301 = arith.constant 63 : i32
        %parallel_loop3A_302 = vector.broadcast %parallel_loop3A_301 : i32 to vector<16xi32>
        %parallel_loop3A_303 = arith.andi %parallel_loop3A_300, %parallel_loop3A_302 : vector<16xi32>
        %parallel_loop3A_304 = tpu.vector_load_idx %arg11[%parallel_loop3A_115, %parallel_loop3A_303] : memref<80x64xi32, #tpu.memory_space<vmem>>[vector<16xi32>, vector<16xi32>], vector<16xi32>,
        %parallel_loop3A_305 = tpu.vector_load_idx %arg12[%parallel_loop3A_115, %parallel_loop3A_303] : memref<80x64xi32, #tpu.memory_space<vmem>>[vector<16xi32>, vector<16xi32>], vector<16xi32>,
        %parallel_loop3A_306 = vector.bitcast %parallel_loop3A_304 : vector<16xi32> to vector<32xbf16>
        %parallel_loop3A_307 = vector.bitcast %parallel_loop3A_305 : vector<16xi32> to vector<32xbf16>
        %parallel_loop3A_308 = arith.mulf %parallel_loop3A_306, %parallel_loop3A_307 : vector<32xbf16>
        %parallel_loop3A_309 = arith.addf %parallel_loop3A_297, %parallel_loop3A_308 : vector<32xbf16>
        %parallel_loop3A_310 = arith.constant 16 : i32
        %parallel_loop3A_311 = vector.broadcast %parallel_loop3A_310 : i32 to vector<16xi32>
        %parallel_loop3A_312 = arith.addi %iota3A, %parallel_loop3A_311 : vector<16xi32>
        %parallel_loop3A_313 = arith.constant 63 : i32
        %parallel_loop3A_314 = vector.broadcast %parallel_loop3A_313 : i32 to vector<16xi32>
        %parallel_loop3A_315 = arith.andi %parallel_loop3A_312, %parallel_loop3A_314 : vector<16xi32>
        %parallel_loop3A_316 = tpu.vector_load_idx %arg11[%parallel_loop3A_115, %parallel_loop3A_315] : memref<80x64xi32, #tpu.memory_space<vmem>>[vector<16xi32>, vector<16xi32>], vector<16xi32>,
        %parallel_loop3A_317 = tpu.vector_load_idx %arg12[%parallel_loop3A_115, %parallel_loop3A_315] : memref<80x64xi32, #tpu.memory_space<vmem>>[vector<16xi32>, vector<16xi32>], vector<16xi32>,
        %parallel_loop3A_318 = vector.bitcast %parallel_loop3A_316 : vector<16xi32> to vector<32xbf16>
        %parallel_loop3A_319 = vector.bitcast %parallel_loop3A_317 : vector<16xi32> to vector<32xbf16>
        %parallel_loop3A_320 = arith.mulf %parallel_loop3A_318, %parallel_loop3A_319 : vector<32xbf16>
        %parallel_loop3A_321 = arith.addf %parallel_loop3A_309, %parallel_loop3A_320 : vector<32xbf16>
        %parallel_loop3A_322 = arith.constant 17 : i32
        %parallel_loop3A_323 = vector.broadcast %parallel_loop3A_322 : i32 to vector<16xi32>
        %parallel_loop3A_324 = arith.addi %iota3A, %parallel_loop3A_323 : vector<16xi32>
        %parallel_loop3A_325 = arith.constant 63 : i32
        %parallel_loop3A_326 = vector.broadcast %parallel_loop3A_325 : i32 to vector<16xi32>
        %parallel_loop3A_327 = arith.andi %parallel_loop3A_324, %parallel_loop3A_326 : vector<16xi32>
        %parallel_loop3A_328 = tpu.vector_load_idx %arg11[%parallel_loop3A_115, %parallel_loop3A_327] : memref<80x64xi32, #tpu.memory_space<vmem>>[vector<16xi32>, vector<16xi32>], vector<16xi32>,
        %parallel_loop3A_329 = tpu.vector_load_idx %arg12[%parallel_loop3A_115, %parallel_loop3A_327] : memref<80x64xi32, #tpu.memory_space<vmem>>[vector<16xi32>, vector<16xi32>], vector<16xi32>,
        %parallel_loop3A_330 = vector.bitcast %parallel_loop3A_328 : vector<16xi32> to vector<32xbf16>
        %parallel_loop3A_331 = vector.bitcast %parallel_loop3A_329 : vector<16xi32> to vector<32xbf16>
        %parallel_loop3A_332 = arith.mulf %parallel_loop3A_330, %parallel_loop3A_331 : vector<32xbf16>
        %parallel_loop3A_333 = arith.addf %parallel_loop3A_321, %parallel_loop3A_332 : vector<32xbf16>
        %parallel_loop3A_334 = arith.constant 18 : i32
        %parallel_loop3A_335 = vector.broadcast %parallel_loop3A_334 : i32 to vector<16xi32>
        %parallel_loop3A_336 = arith.addi %iota3A, %parallel_loop3A_335 : vector<16xi32>
        %parallel_loop3A_337 = arith.constant 63 : i32
        %parallel_loop3A_338 = vector.broadcast %parallel_loop3A_337 : i32 to vector<16xi32>
        %parallel_loop3A_339 = arith.andi %parallel_loop3A_336, %parallel_loop3A_338 : vector<16xi32>
        %parallel_loop3A_340 = tpu.vector_load_idx %arg11[%parallel_loop3A_115, %parallel_loop3A_339] : memref<80x64xi32, #tpu.memory_space<vmem>>[vector<16xi32>, vector<16xi32>], vector<16xi32>,
        %parallel_loop3A_341 = tpu.vector_load_idx %arg12[%parallel_loop3A_115, %parallel_loop3A_339] : memref<80x64xi32, #tpu.memory_space<vmem>>[vector<16xi32>, vector<16xi32>], vector<16xi32>,
        %parallel_loop3A_342 = vector.bitcast %parallel_loop3A_340 : vector<16xi32> to vector<32xbf16>
        %parallel_loop3A_343 = vector.bitcast %parallel_loop3A_341 : vector<16xi32> to vector<32xbf16>
        %parallel_loop3A_344 = arith.mulf %parallel_loop3A_342, %parallel_loop3A_343 : vector<32xbf16>
        %parallel_loop3A_345 = arith.addf %parallel_loop3A_333, %parallel_loop3A_344 : vector<32xbf16>
        %parallel_loop3A_346 = arith.constant 19 : i32
        %parallel_loop3A_347 = vector.broadcast %parallel_loop3A_346 : i32 to vector<16xi32>
        %parallel_loop3A_348 = arith.addi %iota3A, %parallel_loop3A_347 : vector<16xi32>
        %parallel_loop3A_349 = arith.constant 63 : i32
        %parallel_loop3A_350 = vector.broadcast %parallel_loop3A_349 : i32 to vector<16xi32>
        %parallel_loop3A_351 = arith.andi %parallel_loop3A_348, %parallel_loop3A_350 : vector<16xi32>
        %parallel_loop3A_352 = tpu.vector_load_idx %arg11[%parallel_loop3A_115, %parallel_loop3A_351] : memref<80x64xi32, #tpu.memory_space<vmem>>[vector<16xi32>, vector<16xi32>], vector<16xi32>,
        %parallel_loop3A_353 = tpu.vector_load_idx %arg12[%parallel_loop3A_115, %parallel_loop3A_351] : memref<80x64xi32, #tpu.memory_space<vmem>>[vector<16xi32>, vector<16xi32>], vector<16xi32>,
        %parallel_loop3A_354 = vector.bitcast %parallel_loop3A_352 : vector<16xi32> to vector<32xbf16>
        %parallel_loop3A_355 = vector.bitcast %parallel_loop3A_353 : vector<16xi32> to vector<32xbf16>
        %parallel_loop3A_356 = arith.mulf %parallel_loop3A_354, %parallel_loop3A_355 : vector<32xbf16>
        %parallel_loop3A_357 = arith.addf %parallel_loop3A_345, %parallel_loop3A_356 : vector<32xbf16>
        %parallel_loop3A_358 = arith.constant 20 : i32
        %parallel_loop3A_359 = vector.broadcast %parallel_loop3A_358 : i32 to vector<16xi32>
        %parallel_loop3A_360 = arith.addi %iota3A, %parallel_loop3A_359 : vector<16xi32>
        %parallel_loop3A_361 = arith.constant 63 : i32
        %parallel_loop3A_362 = vector.broadcast %parallel_loop3A_361 : i32 to vector<16xi32>
        %parallel_loop3A_363 = arith.andi %parallel_loop3A_360, %parallel_loop3A_362 : vector<16xi32>
        %parallel_loop3A_364 = tpu.vector_load_idx %arg11[%parallel_loop3A_115, %parallel_loop3A_363] : memref<80x64xi32, #tpu.memory_space<vmem>>[vector<16xi32>, vector<16xi32>], vector<16xi32>,
        %parallel_loop3A_365 = tpu.vector_load_idx %arg12[%parallel_loop3A_115, %parallel_loop3A_363] : memref<80x64xi32, #tpu.memory_space<vmem>>[vector<16xi32>, vector<16xi32>], vector<16xi32>,
        %parallel_loop3A_366 = vector.bitcast %parallel_loop3A_364 : vector<16xi32> to vector<32xbf16>
        %parallel_loop3A_367 = vector.bitcast %parallel_loop3A_365 : vector<16xi32> to vector<32xbf16>
        %parallel_loop3A_368 = arith.mulf %parallel_loop3A_366, %parallel_loop3A_367 : vector<32xbf16>
        %parallel_loop3A_369 = arith.addf %parallel_loop3A_357, %parallel_loop3A_368 : vector<32xbf16>
        %parallel_loop3A_370 = arith.constant 21 : i32
        %parallel_loop3A_371 = vector.broadcast %parallel_loop3A_370 : i32 to vector<16xi32>
        %parallel_loop3A_372 = arith.addi %iota3A, %parallel_loop3A_371 : vector<16xi32>
        %parallel_loop3A_373 = arith.constant 63 : i32
        %parallel_loop3A_374 = vector.broadcast %parallel_loop3A_373 : i32 to vector<16xi32>
        %parallel_loop3A_375 = arith.andi %parallel_loop3A_372, %parallel_loop3A_374 : vector<16xi32>
        %parallel_loop3A_376 = tpu.vector_load_idx %arg11[%parallel_loop3A_115, %parallel_loop3A_375] : memref<80x64xi32, #tpu.memory_space<vmem>>[vector<16xi32>, vector<16xi32>], vector<16xi32>,
        %parallel_loop3A_377 = tpu.vector_load_idx %arg12[%parallel_loop3A_115, %parallel_loop3A_375] : memref<80x64xi32, #tpu.memory_space<vmem>>[vector<16xi32>, vector<16xi32>], vector<16xi32>,
        %parallel_loop3A_378 = vector.bitcast %parallel_loop3A_376 : vector<16xi32> to vector<32xbf16>
        %parallel_loop3A_379 = vector.bitcast %parallel_loop3A_377 : vector<16xi32> to vector<32xbf16>
        %parallel_loop3A_380 = arith.mulf %parallel_loop3A_378, %parallel_loop3A_379 : vector<32xbf16>
        %parallel_loop3A_381 = arith.addf %parallel_loop3A_369, %parallel_loop3A_380 : vector<32xbf16>
        %parallel_loop3A_382 = arith.constant 22 : i32
        %parallel_loop3A_383 = vector.broadcast %parallel_loop3A_382 : i32 to vector<16xi32>
        %parallel_loop3A_384 = arith.addi %iota3A, %parallel_loop3A_383 : vector<16xi32>
        %parallel_loop3A_385 = arith.constant 63 : i32
        %parallel_loop3A_386 = vector.broadcast %parallel_loop3A_385 : i32 to vector<16xi32>
        %parallel_loop3A_387 = arith.andi %parallel_loop3A_384, %parallel_loop3A_386 : vector<16xi32>
        %parallel_loop3A_388 = tpu.vector_load_idx %arg11[%parallel_loop3A_115, %parallel_loop3A_387] : memref<80x64xi32, #tpu.memory_space<vmem>>[vector<16xi32>, vector<16xi32>], vector<16xi32>,
        %parallel_loop3A_389 = tpu.vector_load_idx %arg12[%parallel_loop3A_115, %parallel_loop3A_387] : memref<80x64xi32, #tpu.memory_space<vmem>>[vector<16xi32>, vector<16xi32>], vector<16xi32>,
        %parallel_loop3A_390 = vector.bitcast %parallel_loop3A_388 : vector<16xi32> to vector<32xbf16>
        %parallel_loop3A_391 = vector.bitcast %parallel_loop3A_389 : vector<16xi32> to vector<32xbf16>
        %parallel_loop3A_392 = arith.mulf %parallel_loop3A_390, %parallel_loop3A_391 : vector<32xbf16>
        %parallel_loop3A_393 = arith.addf %parallel_loop3A_381, %parallel_loop3A_392 : vector<32xbf16>
        %parallel_loop3A_394 = arith.constant 23 : i32
        %parallel_loop3A_395 = vector.broadcast %parallel_loop3A_394 : i32 to vector<16xi32>
        %parallel_loop3A_396 = arith.addi %iota3A, %parallel_loop3A_395 : vector<16xi32>
        %parallel_loop3A_397 = arith.constant 63 : i32
        %parallel_loop3A_398 = vector.broadcast %parallel_loop3A_397 : i32 to vector<16xi32>
        %parallel_loop3A_399 = arith.andi %parallel_loop3A_396, %parallel_loop3A_398 : vector<16xi32>
        %parallel_loop3A_400 = tpu.vector_load_idx %arg11[%parallel_loop3A_115, %parallel_loop3A_399] : memref<80x64xi32, #tpu.memory_space<vmem>>[vector<16xi32>, vector<16xi32>], vector<16xi32>,
        %parallel_loop3A_401 = tpu.vector_load_idx %arg12[%parallel_loop3A_115, %parallel_loop3A_399] : memref<80x64xi32, #tpu.memory_space<vmem>>[vector<16xi32>, vector<16xi32>], vector<16xi32>,
        %parallel_loop3A_402 = vector.bitcast %parallel_loop3A_400 : vector<16xi32> to vector<32xbf16>
        %parallel_loop3A_403 = vector.bitcast %parallel_loop3A_401 : vector<16xi32> to vector<32xbf16>
        %parallel_loop3A_404 = arith.mulf %parallel_loop3A_402, %parallel_loop3A_403 : vector<32xbf16>
        %parallel_loop3A_405 = arith.addf %parallel_loop3A_393, %parallel_loop3A_404 : vector<32xbf16>
        %parallel_loop3A_406 = arith.constant 24 : i32
        %parallel_loop3A_407 = vector.broadcast %parallel_loop3A_406 : i32 to vector<16xi32>
        %parallel_loop3A_408 = arith.addi %iota3A, %parallel_loop3A_407 : vector<16xi32>
        %parallel_loop3A_409 = arith.constant 63 : i32
        %parallel_loop3A_410 = vector.broadcast %parallel_loop3A_409 : i32 to vector<16xi32>
        %parallel_loop3A_411 = arith.andi %parallel_loop3A_408, %parallel_loop3A_410 : vector<16xi32>
        %parallel_loop3A_412 = tpu.vector_load_idx %arg11[%parallel_loop3A_115, %parallel_loop3A_411] : memref<80x64xi32, #tpu.memory_space<vmem>>[vector<16xi32>, vector<16xi32>], vector<16xi32>,
        %parallel_loop3A_413 = tpu.vector_load_idx %arg12[%parallel_loop3A_115, %parallel_loop3A_411] : memref<80x64xi32, #tpu.memory_space<vmem>>[vector<16xi32>, vector<16xi32>], vector<16xi32>,
        %parallel_loop3A_414 = vector.bitcast %parallel_loop3A_412 : vector<16xi32> to vector<32xbf16>
        %parallel_loop3A_415 = vector.bitcast %parallel_loop3A_413 : vector<16xi32> to vector<32xbf16>
        %parallel_loop3A_416 = arith.mulf %parallel_loop3A_414, %parallel_loop3A_415 : vector<32xbf16>
        %parallel_loop3A_417 = arith.addf %parallel_loop3A_405, %parallel_loop3A_416 : vector<32xbf16>
        %parallel_loop3A_418 = arith.constant 25 : i32
        %parallel_loop3A_419 = vector.broadcast %parallel_loop3A_418 : i32 to vector<16xi32>
        %parallel_loop3A_420 = arith.addi %iota3A, %parallel_loop3A_419 : vector<16xi32>
        %parallel_loop3A_421 = arith.constant 63 : i32
        %parallel_loop3A_422 = vector.broadcast %parallel_loop3A_421 : i32 to vector<16xi32>
        %parallel_loop3A_423 = arith.andi %parallel_loop3A_420, %parallel_loop3A_422 : vector<16xi32>
        %parallel_loop3A_424 = tpu.vector_load_idx %arg11[%parallel_loop3A_115, %parallel_loop3A_423] : memref<80x64xi32, #tpu.memory_space<vmem>>[vector<16xi32>, vector<16xi32>], vector<16xi32>,
        %parallel_loop3A_425 = tpu.vector_load_idx %arg12[%parallel_loop3A_115, %parallel_loop3A_423] : memref<80x64xi32, #tpu.memory_space<vmem>>[vector<16xi32>, vector<16xi32>], vector<16xi32>,
        %parallel_loop3A_426 = vector.bitcast %parallel_loop3A_424 : vector<16xi32> to vector<32xbf16>
        %parallel_loop3A_427 = vector.bitcast %parallel_loop3A_425 : vector<16xi32> to vector<32xbf16>
        %parallel_loop3A_428 = arith.mulf %parallel_loop3A_426, %parallel_loop3A_427 : vector<32xbf16>
        %parallel_loop3A_429 = arith.addf %parallel_loop3A_417, %parallel_loop3A_428 : vector<32xbf16>
        %parallel_loop3A_430 = arith.constant 26 : i32
        %parallel_loop3A_431 = vector.broadcast %parallel_loop3A_430 : i32 to vector<16xi32>
        %parallel_loop3A_432 = arith.addi %iota3A, %parallel_loop3A_431 : vector<16xi32>
        %parallel_loop3A_433 = arith.constant 63 : i32
        %parallel_loop3A_434 = vector.broadcast %parallel_loop3A_433 : i32 to vector<16xi32>
        %parallel_loop3A_435 = arith.andi %parallel_loop3A_432, %parallel_loop3A_434 : vector<16xi32>
        %parallel_loop3A_436 = tpu.vector_load_idx %arg11[%parallel_loop3A_115, %parallel_loop3A_435] : memref<80x64xi32, #tpu.memory_space<vmem>>[vector<16xi32>, vector<16xi32>], vector<16xi32>,
        %parallel_loop3A_437 = tpu.vector_load_idx %arg12[%parallel_loop3A_115, %parallel_loop3A_435] : memref<80x64xi32, #tpu.memory_space<vmem>>[vector<16xi32>, vector<16xi32>], vector<16xi32>,
        %parallel_loop3A_438 = vector.bitcast %parallel_loop3A_436 : vector<16xi32> to vector<32xbf16>
        %parallel_loop3A_439 = vector.bitcast %parallel_loop3A_437 : vector<16xi32> to vector<32xbf16>
        %parallel_loop3A_440 = arith.mulf %parallel_loop3A_438, %parallel_loop3A_439 : vector<32xbf16>
        %parallel_loop3A_441 = arith.addf %parallel_loop3A_429, %parallel_loop3A_440 : vector<32xbf16>
        %parallel_loop3A_442 = arith.constant 27 : i32
        %parallel_loop3A_443 = vector.broadcast %parallel_loop3A_442 : i32 to vector<16xi32>
        %parallel_loop3A_444 = arith.addi %iota3A, %parallel_loop3A_443 : vector<16xi32>
        %parallel_loop3A_445 = arith.constant 63 : i32
        %parallel_loop3A_446 = vector.broadcast %parallel_loop3A_445 : i32 to vector<16xi32>
        %parallel_loop3A_447 = arith.andi %parallel_loop3A_444, %parallel_loop3A_446 : vector<16xi32>
        %parallel_loop3A_448 = tpu.vector_load_idx %arg11[%parallel_loop3A_115, %parallel_loop3A_447] : memref<80x64xi32, #tpu.memory_space<vmem>>[vector<16xi32>, vector<16xi32>], vector<16xi32>,
        %parallel_loop3A_449 = tpu.vector_load_idx %arg12[%parallel_loop3A_115, %parallel_loop3A_447] : memref<80x64xi32, #tpu.memory_space<vmem>>[vector<16xi32>, vector<16xi32>], vector<16xi32>,
        %parallel_loop3A_450 = vector.bitcast %parallel_loop3A_448 : vector<16xi32> to vector<32xbf16>
        %parallel_loop3A_451 = vector.bitcast %parallel_loop3A_449 : vector<16xi32> to vector<32xbf16>
        %parallel_loop3A_452 = arith.mulf %parallel_loop3A_450, %parallel_loop3A_451 : vector<32xbf16>
        %parallel_loop3A_453 = arith.addf %parallel_loop3A_441, %parallel_loop3A_452 : vector<32xbf16>
        %parallel_loop3A_454 = arith.constant 28 : i32
        %parallel_loop3A_455 = vector.broadcast %parallel_loop3A_454 : i32 to vector<16xi32>
        %parallel_loop3A_456 = arith.addi %iota3A, %parallel_loop3A_455 : vector<16xi32>
        %parallel_loop3A_457 = arith.constant 63 : i32
        %parallel_loop3A_458 = vector.broadcast %parallel_loop3A_457 : i32 to vector<16xi32>
        %parallel_loop3A_459 = arith.andi %parallel_loop3A_456, %parallel_loop3A_458 : vector<16xi32>
        %parallel_loop3A_460 = tpu.vector_load_idx %arg11[%parallel_loop3A_115, %parallel_loop3A_459] : memref<80x64xi32, #tpu.memory_space<vmem>>[vector<16xi32>, vector<16xi32>], vector<16xi32>,
        %parallel_loop3A_461 = tpu.vector_load_idx %arg12[%parallel_loop3A_115, %parallel_loop3A_459] : memref<80x64xi32, #tpu.memory_space<vmem>>[vector<16xi32>, vector<16xi32>], vector<16xi32>,
        %parallel_loop3A_462 = vector.bitcast %parallel_loop3A_460 : vector<16xi32> to vector<32xbf16>
        %parallel_loop3A_463 = vector.bitcast %parallel_loop3A_461 : vector<16xi32> to vector<32xbf16>
        %parallel_loop3A_464 = arith.mulf %parallel_loop3A_462, %parallel_loop3A_463 : vector<32xbf16>
        %parallel_loop3A_465 = arith.addf %parallel_loop3A_453, %parallel_loop3A_464 : vector<32xbf16>
        %parallel_loop3A_466 = arith.constant 29 : i32
        %parallel_loop3A_467 = vector.broadcast %parallel_loop3A_466 : i32 to vector<16xi32>
        %parallel_loop3A_468 = arith.addi %iota3A, %parallel_loop3A_467 : vector<16xi32>
        %parallel_loop3A_469 = arith.constant 63 : i32
        %parallel_loop3A_470 = vector.broadcast %parallel_loop3A_469 : i32 to vector<16xi32>
        %parallel_loop3A_471 = arith.andi %parallel_loop3A_468, %parallel_loop3A_470 : vector<16xi32>
        %parallel_loop3A_472 = tpu.vector_load_idx %arg11[%parallel_loop3A_115, %parallel_loop3A_471] : memref<80x64xi32, #tpu.memory_space<vmem>>[vector<16xi32>, vector<16xi32>], vector<16xi32>,
        %parallel_loop3A_473 = tpu.vector_load_idx %arg12[%parallel_loop3A_115, %parallel_loop3A_471] : memref<80x64xi32, #tpu.memory_space<vmem>>[vector<16xi32>, vector<16xi32>], vector<16xi32>,
        %parallel_loop3A_474 = vector.bitcast %parallel_loop3A_472 : vector<16xi32> to vector<32xbf16>
        %parallel_loop3A_475 = vector.bitcast %parallel_loop3A_473 : vector<16xi32> to vector<32xbf16>
        %parallel_loop3A_476 = arith.mulf %parallel_loop3A_474, %parallel_loop3A_475 : vector<32xbf16>
        %parallel_loop3A_477 = arith.addf %parallel_loop3A_465, %parallel_loop3A_476 : vector<32xbf16>
        %parallel_loop3A_478 = arith.constant 30 : i32
        %parallel_loop3A_479 = vector.broadcast %parallel_loop3A_478 : i32 to vector<16xi32>
        %parallel_loop3A_480 = arith.addi %iota3A, %parallel_loop3A_479 : vector<16xi32>
        %parallel_loop3A_481 = arith.constant 63 : i32
        %parallel_loop3A_482 = vector.broadcast %parallel_loop3A_481 : i32 to vector<16xi32>
        %parallel_loop3A_483 = arith.andi %parallel_loop3A_480, %parallel_loop3A_482 : vector<16xi32>
        %parallel_loop3A_484 = tpu.vector_load_idx %arg11[%parallel_loop3A_115, %parallel_loop3A_483] : memref<80x64xi32, #tpu.memory_space<vmem>>[vector<16xi32>, vector<16xi32>], vector<16xi32>,
        %parallel_loop3A_485 = tpu.vector_load_idx %arg12[%parallel_loop3A_115, %parallel_loop3A_483] : memref<80x64xi32, #tpu.memory_space<vmem>>[vector<16xi32>, vector<16xi32>], vector<16xi32>,
        %parallel_loop3A_486 = vector.bitcast %parallel_loop3A_484 : vector<16xi32> to vector<32xbf16>
        %parallel_loop3A_487 = vector.bitcast %parallel_loop3A_485 : vector<16xi32> to vector<32xbf16>
        %parallel_loop3A_488 = arith.mulf %parallel_loop3A_486, %parallel_loop3A_487 : vector<32xbf16>
        %parallel_loop3A_489 = arith.addf %parallel_loop3A_477, %parallel_loop3A_488 : vector<32xbf16>
        %parallel_loop3A_490 = arith.constant 31 : i32
        %parallel_loop3A_491 = vector.broadcast %parallel_loop3A_490 : i32 to vector<16xi32>
        %parallel_loop3A_492 = arith.addi %iota3A, %parallel_loop3A_491 : vector<16xi32>
        %parallel_loop3A_493 = arith.constant 63 : i32
        %parallel_loop3A_494 = vector.broadcast %parallel_loop3A_493 : i32 to vector<16xi32>
        %parallel_loop3A_495 = arith.andi %parallel_loop3A_492, %parallel_loop3A_494 : vector<16xi32>
        %parallel_loop3A_496 = tpu.vector_load_idx %arg11[%parallel_loop3A_115, %parallel_loop3A_495] : memref<80x64xi32, #tpu.memory_space<vmem>>[vector<16xi32>, vector<16xi32>], vector<16xi32>,
        %parallel_loop3A_497 = tpu.vector_load_idx %arg12[%parallel_loop3A_115, %parallel_loop3A_495] : memref<80x64xi32, #tpu.memory_space<vmem>>[vector<16xi32>, vector<16xi32>], vector<16xi32>,
        %parallel_loop3A_498 = vector.bitcast %parallel_loop3A_496 : vector<16xi32> to vector<32xbf16>
        %parallel_loop3A_499 = vector.bitcast %parallel_loop3A_497 : vector<16xi32> to vector<32xbf16>
        %parallel_loop3A_500 = arith.mulf %parallel_loop3A_498, %parallel_loop3A_499 : vector<32xbf16>
        %parallel_loop3A_501 = arith.addf %parallel_loop3A_489, %parallel_loop3A_500 : vector<32xbf16>
        %parallel_loop3A_502 = arith.constant 32 : i32
        %parallel_loop3A_503 = vector.broadcast %parallel_loop3A_502 : i32 to vector<16xi32>
        %parallel_loop3A_504 = arith.addi %iota3A, %parallel_loop3A_503 : vector<16xi32>
        %parallel_loop3A_505 = arith.constant 63 : i32
        %parallel_loop3A_506 = vector.broadcast %parallel_loop3A_505 : i32 to vector<16xi32>
        %parallel_loop3A_507 = arith.andi %parallel_loop3A_504, %parallel_loop3A_506 : vector<16xi32>
        %parallel_loop3A_508 = tpu.vector_load_idx %arg11[%parallel_loop3A_115, %parallel_loop3A_507] : memref<80x64xi32, #tpu.memory_space<vmem>>[vector<16xi32>, vector<16xi32>], vector<16xi32>,
        %parallel_loop3A_509 = tpu.vector_load_idx %arg12[%parallel_loop3A_115, %parallel_loop3A_507] : memref<80x64xi32, #tpu.memory_space<vmem>>[vector<16xi32>, vector<16xi32>], vector<16xi32>,
        %parallel_loop3A_510 = vector.bitcast %parallel_loop3A_508 : vector<16xi32> to vector<32xbf16>
        %parallel_loop3A_511 = vector.bitcast %parallel_loop3A_509 : vector<16xi32> to vector<32xbf16>
        %parallel_loop3A_512 = arith.mulf %parallel_loop3A_510, %parallel_loop3A_511 : vector<32xbf16>
        %parallel_loop3A_513 = arith.addf %parallel_loop3A_501, %parallel_loop3A_512 : vector<32xbf16>
        %parallel_loop3A_514 = arith.constant 33 : i32
        %parallel_loop3A_515 = vector.broadcast %parallel_loop3A_514 : i32 to vector<16xi32>
        %parallel_loop3A_516 = arith.addi %iota3A, %parallel_loop3A_515 : vector<16xi32>
        %parallel_loop3A_517 = arith.constant 63 : i32
        %parallel_loop3A_518 = vector.broadcast %parallel_loop3A_517 : i32 to vector<16xi32>
        %parallel_loop3A_519 = arith.andi %parallel_loop3A_516, %parallel_loop3A_518 : vector<16xi32>
        %parallel_loop3A_520 = tpu.vector_load_idx %arg11[%parallel_loop3A_115, %parallel_loop3A_519] : memref<80x64xi32, #tpu.memory_space<vmem>>[vector<16xi32>, vector<16xi32>], vector<16xi32>,
        %parallel_loop3A_521 = tpu.vector_load_idx %arg12[%parallel_loop3A_115, %parallel_loop3A_519] : memref<80x64xi32, #tpu.memory_space<vmem>>[vector<16xi32>, vector<16xi32>], vector<16xi32>,
        %parallel_loop3A_522 = vector.bitcast %parallel_loop3A_520 : vector<16xi32> to vector<32xbf16>
        %parallel_loop3A_523 = vector.bitcast %parallel_loop3A_521 : vector<16xi32> to vector<32xbf16>
        %parallel_loop3A_524 = arith.mulf %parallel_loop3A_522, %parallel_loop3A_523 : vector<32xbf16>
        %parallel_loop3A_525 = arith.addf %parallel_loop3A_513, %parallel_loop3A_524 : vector<32xbf16>
        %parallel_loop3A_526 = arith.constant 34 : i32
        %parallel_loop3A_527 = vector.broadcast %parallel_loop3A_526 : i32 to vector<16xi32>
        %parallel_loop3A_528 = arith.addi %iota3A, %parallel_loop3A_527 : vector<16xi32>
        %parallel_loop3A_529 = arith.constant 63 : i32
        %parallel_loop3A_530 = vector.broadcast %parallel_loop3A_529 : i32 to vector<16xi32>
        %parallel_loop3A_531 = arith.andi %parallel_loop3A_528, %parallel_loop3A_530 : vector<16xi32>
        %parallel_loop3A_532 = tpu.vector_load_idx %arg11[%parallel_loop3A_115, %parallel_loop3A_531] : memref<80x64xi32, #tpu.memory_space<vmem>>[vector<16xi32>, vector<16xi32>], vector<16xi32>,
        %parallel_loop3A_533 = tpu.vector_load_idx %arg12[%parallel_loop3A_115, %parallel_loop3A_531] : memref<80x64xi32, #tpu.memory_space<vmem>>[vector<16xi32>, vector<16xi32>], vector<16xi32>,
        %parallel_loop3A_534 = vector.bitcast %parallel_loop3A_532 : vector<16xi32> to vector<32xbf16>
        %parallel_loop3A_535 = vector.bitcast %parallel_loop3A_533 : vector<16xi32> to vector<32xbf16>
        %parallel_loop3A_536 = arith.mulf %parallel_loop3A_534, %parallel_loop3A_535 : vector<32xbf16>
        %parallel_loop3A_537 = arith.addf %parallel_loop3A_525, %parallel_loop3A_536 : vector<32xbf16>
        %parallel_loop3A_538 = arith.constant 35 : i32
        %parallel_loop3A_539 = vector.broadcast %parallel_loop3A_538 : i32 to vector<16xi32>
        %parallel_loop3A_540 = arith.addi %iota3A, %parallel_loop3A_539 : vector<16xi32>
        %parallel_loop3A_541 = arith.constant 63 : i32
        %parallel_loop3A_542 = vector.broadcast %parallel_loop3A_541 : i32 to vector<16xi32>
        %parallel_loop3A_543 = arith.andi %parallel_loop3A_540, %parallel_loop3A_542 : vector<16xi32>
        %parallel_loop3A_544 = tpu.vector_load_idx %arg11[%parallel_loop3A_115, %parallel_loop3A_543] : memref<80x64xi32, #tpu.memory_space<vmem>>[vector<16xi32>, vector<16xi32>], vector<16xi32>,
        %parallel_loop3A_545 = tpu.vector_load_idx %arg12[%parallel_loop3A_115, %parallel_loop3A_543] : memref<80x64xi32, #tpu.memory_space<vmem>>[vector<16xi32>, vector<16xi32>], vector<16xi32>,
        %parallel_loop3A_546 = vector.bitcast %parallel_loop3A_544 : vector<16xi32> to vector<32xbf16>
        %parallel_loop3A_547 = vector.bitcast %parallel_loop3A_545 : vector<16xi32> to vector<32xbf16>
        %parallel_loop3A_548 = arith.mulf %parallel_loop3A_546, %parallel_loop3A_547 : vector<32xbf16>
        %parallel_loop3A_549 = arith.addf %parallel_loop3A_537, %parallel_loop3A_548 : vector<32xbf16>
        %parallel_loop3A_550 = arith.constant 36 : i32
        %parallel_loop3A_551 = vector.broadcast %parallel_loop3A_550 : i32 to vector<16xi32>
        %parallel_loop3A_552 = arith.addi %iota3A, %parallel_loop3A_551 : vector<16xi32>
        %parallel_loop3A_553 = arith.constant 63 : i32
        %parallel_loop3A_554 = vector.broadcast %parallel_loop3A_553 : i32 to vector<16xi32>
        %parallel_loop3A_555 = arith.andi %parallel_loop3A_552, %parallel_loop3A_554 : vector<16xi32>
        %parallel_loop3A_556 = tpu.vector_load_idx %arg11[%parallel_loop3A_115, %parallel_loop3A_555] : memref<80x64xi32, #tpu.memory_space<vmem>>[vector<16xi32>, vector<16xi32>], vector<16xi32>,
        %parallel_loop3A_557 = tpu.vector_load_idx %arg12[%parallel_loop3A_115, %parallel_loop3A_555] : memref<80x64xi32, #tpu.memory_space<vmem>>[vector<16xi32>, vector<16xi32>], vector<16xi32>,
        %parallel_loop3A_558 = vector.bitcast %parallel_loop3A_556 : vector<16xi32> to vector<32xbf16>
        %parallel_loop3A_559 = vector.bitcast %parallel_loop3A_557 : vector<16xi32> to vector<32xbf16>
        %parallel_loop3A_560 = arith.mulf %parallel_loop3A_558, %parallel_loop3A_559 : vector<32xbf16>
        %parallel_loop3A_561 = arith.addf %parallel_loop3A_549, %parallel_loop3A_560 : vector<32xbf16>
        %parallel_loop3A_562 = arith.constant 37 : i32
        %parallel_loop3A_563 = vector.broadcast %parallel_loop3A_562 : i32 to vector<16xi32>
        %parallel_loop3A_564 = arith.addi %iota3A, %parallel_loop3A_563 : vector<16xi32>
        %parallel_loop3A_565 = arith.constant 63 : i32
        %parallel_loop3A_566 = vector.broadcast %parallel_loop3A_565 : i32 to vector<16xi32>
        %parallel_loop3A_567 = arith.andi %parallel_loop3A_564, %parallel_loop3A_566 : vector<16xi32>
        %parallel_loop3A_568 = tpu.vector_load_idx %arg11[%parallel_loop3A_115, %parallel_loop3A_567] : memref<80x64xi32, #tpu.memory_space<vmem>>[vector<16xi32>, vector<16xi32>], vector<16xi32>,
        %parallel_loop3A_569 = tpu.vector_load_idx %arg12[%parallel_loop3A_115, %parallel_loop3A_567] : memref<80x64xi32, #tpu.memory_space<vmem>>[vector<16xi32>, vector<16xi32>], vector<16xi32>,
        %parallel_loop3A_570 = vector.bitcast %parallel_loop3A_568 : vector<16xi32> to vector<32xbf16>
        %parallel_loop3A_571 = vector.bitcast %parallel_loop3A_569 : vector<16xi32> to vector<32xbf16>
        %parallel_loop3A_572 = arith.mulf %parallel_loop3A_570, %parallel_loop3A_571 : vector<32xbf16>
        %parallel_loop3A_573 = arith.addf %parallel_loop3A_561, %parallel_loop3A_572 : vector<32xbf16>
        %parallel_loop3A_574 = arith.constant 38 : i32
        %parallel_loop3A_575 = vector.broadcast %parallel_loop3A_574 : i32 to vector<16xi32>
        %parallel_loop3A_576 = arith.addi %iota3A, %parallel_loop3A_575 : vector<16xi32>
        %parallel_loop3A_577 = arith.constant 63 : i32
        %parallel_loop3A_578 = vector.broadcast %parallel_loop3A_577 : i32 to vector<16xi32>
        %parallel_loop3A_579 = arith.andi %parallel_loop3A_576, %parallel_loop3A_578 : vector<16xi32>
        %parallel_loop3A_580 = tpu.vector_load_idx %arg11[%parallel_loop3A_115, %parallel_loop3A_579] : memref<80x64xi32, #tpu.memory_space<vmem>>[vector<16xi32>, vector<16xi32>], vector<16xi32>,
        %parallel_loop3A_581 = tpu.vector_load_idx %arg12[%parallel_loop3A_115, %parallel_loop3A_579] : memref<80x64xi32, #tpu.memory_space<vmem>>[vector<16xi32>, vector<16xi32>], vector<16xi32>,
        %parallel_loop3A_582 = vector.bitcast %parallel_loop3A_580 : vector<16xi32> to vector<32xbf16>
        %parallel_loop3A_583 = vector.bitcast %parallel_loop3A_581 : vector<16xi32> to vector<32xbf16>
        %parallel_loop3A_584 = arith.mulf %parallel_loop3A_582, %parallel_loop3A_583 : vector<32xbf16>
        %parallel_loop3A_585 = arith.addf %parallel_loop3A_573, %parallel_loop3A_584 : vector<32xbf16>
        %parallel_loop3A_586 = arith.constant 39 : i32
        %parallel_loop3A_587 = vector.broadcast %parallel_loop3A_586 : i32 to vector<16xi32>
        %parallel_loop3A_588 = arith.addi %iota3A, %parallel_loop3A_587 : vector<16xi32>
        %parallel_loop3A_589 = arith.constant 63 : i32
        %parallel_loop3A_590 = vector.broadcast %parallel_loop3A_589 : i32 to vector<16xi32>
        %parallel_loop3A_591 = arith.andi %parallel_loop3A_588, %parallel_loop3A_590 : vector<16xi32>
        %parallel_loop3A_592 = tpu.vector_load_idx %arg11[%parallel_loop3A_115, %parallel_loop3A_591] : memref<80x64xi32, #tpu.memory_space<vmem>>[vector<16xi32>, vector<16xi32>], vector<16xi32>,
        %parallel_loop3A_593 = tpu.vector_load_idx %arg12[%parallel_loop3A_115, %parallel_loop3A_591] : memref<80x64xi32, #tpu.memory_space<vmem>>[vector<16xi32>, vector<16xi32>], vector<16xi32>,
        %parallel_loop3A_594 = vector.bitcast %parallel_loop3A_592 : vector<16xi32> to vector<32xbf16>
        %parallel_loop3A_595 = vector.bitcast %parallel_loop3A_593 : vector<16xi32> to vector<32xbf16>
        %parallel_loop3A_596 = arith.mulf %parallel_loop3A_594, %parallel_loop3A_595 : vector<32xbf16>
        %parallel_loop3A_597 = arith.addf %parallel_loop3A_585, %parallel_loop3A_596 : vector<32xbf16>
        %parallel_loop3A_598 = arith.constant 40 : i32
        %parallel_loop3A_599 = vector.broadcast %parallel_loop3A_598 : i32 to vector<16xi32>
        %parallel_loop3A_600 = arith.addi %iota3A, %parallel_loop3A_599 : vector<16xi32>
        %parallel_loop3A_601 = arith.constant 63 : i32
        %parallel_loop3A_602 = vector.broadcast %parallel_loop3A_601 : i32 to vector<16xi32>
        %parallel_loop3A_603 = arith.andi %parallel_loop3A_600, %parallel_loop3A_602 : vector<16xi32>
        %parallel_loop3A_604 = tpu.vector_load_idx %arg11[%parallel_loop3A_115, %parallel_loop3A_603] : memref<80x64xi32, #tpu.memory_space<vmem>>[vector<16xi32>, vector<16xi32>], vector<16xi32>,
        %parallel_loop3A_605 = tpu.vector_load_idx %arg12[%parallel_loop3A_115, %parallel_loop3A_603] : memref<80x64xi32, #tpu.memory_space<vmem>>[vector<16xi32>, vector<16xi32>], vector<16xi32>,
        %parallel_loop3A_606 = vector.bitcast %parallel_loop3A_604 : vector<16xi32> to vector<32xbf16>
        %parallel_loop3A_607 = vector.bitcast %parallel_loop3A_605 : vector<16xi32> to vector<32xbf16>
        %parallel_loop3A_608 = arith.mulf %parallel_loop3A_606, %parallel_loop3A_607 : vector<32xbf16>
        %parallel_loop3A_609 = arith.addf %parallel_loop3A_597, %parallel_loop3A_608 : vector<32xbf16>
        %parallel_loop3A_610 = arith.constant 41 : i32
        %parallel_loop3A_611 = vector.broadcast %parallel_loop3A_610 : i32 to vector<16xi32>
        %parallel_loop3A_612 = arith.addi %iota3A, %parallel_loop3A_611 : vector<16xi32>
        %parallel_loop3A_613 = arith.constant 63 : i32
        %parallel_loop3A_614 = vector.broadcast %parallel_loop3A_613 : i32 to vector<16xi32>
        %parallel_loop3A_615 = arith.andi %parallel_loop3A_612, %parallel_loop3A_614 : vector<16xi32>
        %parallel_loop3A_616 = tpu.vector_load_idx %arg11[%parallel_loop3A_115, %parallel_loop3A_615] : memref<80x64xi32, #tpu.memory_space<vmem>>[vector<16xi32>, vector<16xi32>], vector<16xi32>,
        %parallel_loop3A_617 = tpu.vector_load_idx %arg12[%parallel_loop3A_115, %parallel_loop3A_615] : memref<80x64xi32, #tpu.memory_space<vmem>>[vector<16xi32>, vector<16xi32>], vector<16xi32>,
        %parallel_loop3A_618 = vector.bitcast %parallel_loop3A_616 : vector<16xi32> to vector<32xbf16>
        %parallel_loop3A_619 = vector.bitcast %parallel_loop3A_617 : vector<16xi32> to vector<32xbf16>
        %parallel_loop3A_620 = arith.mulf %parallel_loop3A_618, %parallel_loop3A_619 : vector<32xbf16>
        %parallel_loop3A_621 = arith.addf %parallel_loop3A_609, %parallel_loop3A_620 : vector<32xbf16>
        %parallel_loop3A_622 = arith.constant 42 : i32
        %parallel_loop3A_623 = vector.broadcast %parallel_loop3A_622 : i32 to vector<16xi32>
        %parallel_loop3A_624 = arith.addi %iota3A, %parallel_loop3A_623 : vector<16xi32>
        %parallel_loop3A_625 = arith.constant 63 : i32
        %parallel_loop3A_626 = vector.broadcast %parallel_loop3A_625 : i32 to vector<16xi32>
        %parallel_loop3A_627 = arith.andi %parallel_loop3A_624, %parallel_loop3A_626 : vector<16xi32>
        %parallel_loop3A_628 = tpu.vector_load_idx %arg11[%parallel_loop3A_115, %parallel_loop3A_627] : memref<80x64xi32, #tpu.memory_space<vmem>>[vector<16xi32>, vector<16xi32>], vector<16xi32>,
        %parallel_loop3A_629 = tpu.vector_load_idx %arg12[%parallel_loop3A_115, %parallel_loop3A_627] : memref<80x64xi32, #tpu.memory_space<vmem>>[vector<16xi32>, vector<16xi32>], vector<16xi32>,
        %parallel_loop3A_630 = vector.bitcast %parallel_loop3A_628 : vector<16xi32> to vector<32xbf16>
        %parallel_loop3A_631 = vector.bitcast %parallel_loop3A_629 : vector<16xi32> to vector<32xbf16>
        %parallel_loop3A_632 = arith.mulf %parallel_loop3A_630, %parallel_loop3A_631 : vector<32xbf16>
        %parallel_loop3A_633 = arith.addf %parallel_loop3A_621, %parallel_loop3A_632 : vector<32xbf16>
        %parallel_loop3A_634 = arith.constant 43 : i32
        %parallel_loop3A_635 = vector.broadcast %parallel_loop3A_634 : i32 to vector<16xi32>
        %parallel_loop3A_636 = arith.addi %iota3A, %parallel_loop3A_635 : vector<16xi32>
        %parallel_loop3A_637 = arith.constant 63 : i32
        %parallel_loop3A_638 = vector.broadcast %parallel_loop3A_637 : i32 to vector<16xi32>
        %parallel_loop3A_639 = arith.andi %parallel_loop3A_636, %parallel_loop3A_638 : vector<16xi32>
        %parallel_loop3A_640 = tpu.vector_load_idx %arg11[%parallel_loop3A_115, %parallel_loop3A_639] : memref<80x64xi32, #tpu.memory_space<vmem>>[vector<16xi32>, vector<16xi32>], vector<16xi32>,
        %parallel_loop3A_641 = tpu.vector_load_idx %arg12[%parallel_loop3A_115, %parallel_loop3A_639] : memref<80x64xi32, #tpu.memory_space<vmem>>[vector<16xi32>, vector<16xi32>], vector<16xi32>,
        %parallel_loop3A_642 = vector.bitcast %parallel_loop3A_640 : vector<16xi32> to vector<32xbf16>
        %parallel_loop3A_643 = vector.bitcast %parallel_loop3A_641 : vector<16xi32> to vector<32xbf16>
        %parallel_loop3A_644 = arith.mulf %parallel_loop3A_642, %parallel_loop3A_643 : vector<32xbf16>
        %parallel_loop3A_645 = arith.addf %parallel_loop3A_633, %parallel_loop3A_644 : vector<32xbf16>
        %parallel_loop3A_646 = arith.constant 44 : i32
        %parallel_loop3A_647 = vector.broadcast %parallel_loop3A_646 : i32 to vector<16xi32>
        %parallel_loop3A_648 = arith.addi %iota3A, %parallel_loop3A_647 : vector<16xi32>
        %parallel_loop3A_649 = arith.constant 63 : i32
        %parallel_loop3A_650 = vector.broadcast %parallel_loop3A_649 : i32 to vector<16xi32>
        %parallel_loop3A_651 = arith.andi %parallel_loop3A_648, %parallel_loop3A_650 : vector<16xi32>
        %parallel_loop3A_652 = tpu.vector_load_idx %arg11[%parallel_loop3A_115, %parallel_loop3A_651] : memref<80x64xi32, #tpu.memory_space<vmem>>[vector<16xi32>, vector<16xi32>], vector<16xi32>,
        %parallel_loop3A_653 = tpu.vector_load_idx %arg12[%parallel_loop3A_115, %parallel_loop3A_651] : memref<80x64xi32, #tpu.memory_space<vmem>>[vector<16xi32>, vector<16xi32>], vector<16xi32>,
        %parallel_loop3A_654 = vector.bitcast %parallel_loop3A_652 : vector<16xi32> to vector<32xbf16>
        %parallel_loop3A_655 = vector.bitcast %parallel_loop3A_653 : vector<16xi32> to vector<32xbf16>
        %parallel_loop3A_656 = arith.mulf %parallel_loop3A_654, %parallel_loop3A_655 : vector<32xbf16>
        %parallel_loop3A_657 = arith.addf %parallel_loop3A_645, %parallel_loop3A_656 : vector<32xbf16>
        %parallel_loop3A_658 = arith.constant 45 : i32
        %parallel_loop3A_659 = vector.broadcast %parallel_loop3A_658 : i32 to vector<16xi32>
        %parallel_loop3A_660 = arith.addi %iota3A, %parallel_loop3A_659 : vector<16xi32>
        %parallel_loop3A_661 = arith.constant 63 : i32
        %parallel_loop3A_662 = vector.broadcast %parallel_loop3A_661 : i32 to vector<16xi32>
        %parallel_loop3A_663 = arith.andi %parallel_loop3A_660, %parallel_loop3A_662 : vector<16xi32>
        %parallel_loop3A_664 = tpu.vector_load_idx %arg11[%parallel_loop3A_115, %parallel_loop3A_663] : memref<80x64xi32, #tpu.memory_space<vmem>>[vector<16xi32>, vector<16xi32>], vector<16xi32>,
        %parallel_loop3A_665 = tpu.vector_load_idx %arg12[%parallel_loop3A_115, %parallel_loop3A_663] : memref<80x64xi32, #tpu.memory_space<vmem>>[vector<16xi32>, vector<16xi32>], vector<16xi32>,
        %parallel_loop3A_666 = vector.bitcast %parallel_loop3A_664 : vector<16xi32> to vector<32xbf16>
        %parallel_loop3A_667 = vector.bitcast %parallel_loop3A_665 : vector<16xi32> to vector<32xbf16>
        %parallel_loop3A_668 = arith.mulf %parallel_loop3A_666, %parallel_loop3A_667 : vector<32xbf16>
        %parallel_loop3A_669 = arith.addf %parallel_loop3A_657, %parallel_loop3A_668 : vector<32xbf16>
        %parallel_loop3A_670 = arith.constant 46 : i32
        %parallel_loop3A_671 = vector.broadcast %parallel_loop3A_670 : i32 to vector<16xi32>
        %parallel_loop3A_672 = arith.addi %iota3A, %parallel_loop3A_671 : vector<16xi32>
        %parallel_loop3A_673 = arith.constant 63 : i32
        %parallel_loop3A_674 = vector.broadcast %parallel_loop3A_673 : i32 to vector<16xi32>
        %parallel_loop3A_675 = arith.andi %parallel_loop3A_672, %parallel_loop3A_674 : vector<16xi32>
        %parallel_loop3A_676 = tpu.vector_load_idx %arg11[%parallel_loop3A_115, %parallel_loop3A_675] : memref<80x64xi32, #tpu.memory_space<vmem>>[vector<16xi32>, vector<16xi32>], vector<16xi32>,
        %parallel_loop3A_677 = tpu.vector_load_idx %arg12[%parallel_loop3A_115, %parallel_loop3A_675] : memref<80x64xi32, #tpu.memory_space<vmem>>[vector<16xi32>, vector<16xi32>], vector<16xi32>,
        %parallel_loop3A_678 = vector.bitcast %parallel_loop3A_676 : vector<16xi32> to vector<32xbf16>
        %parallel_loop3A_679 = vector.bitcast %parallel_loop3A_677 : vector<16xi32> to vector<32xbf16>
        %parallel_loop3A_680 = arith.mulf %parallel_loop3A_678, %parallel_loop3A_679 : vector<32xbf16>
        %parallel_loop3A_681 = arith.addf %parallel_loop3A_669, %parallel_loop3A_680 : vector<32xbf16>
        %parallel_loop3A_682 = arith.constant 47 : i32
        %parallel_loop3A_683 = vector.broadcast %parallel_loop3A_682 : i32 to vector<16xi32>
        %parallel_loop3A_684 = arith.addi %iota3A, %parallel_loop3A_683 : vector<16xi32>
        %parallel_loop3A_685 = arith.constant 63 : i32
        %parallel_loop3A_686 = vector.broadcast %parallel_loop3A_685 : i32 to vector<16xi32>
        %parallel_loop3A_687 = arith.andi %parallel_loop3A_684, %parallel_loop3A_686 : vector<16xi32>
        %parallel_loop3A_688 = tpu.vector_load_idx %arg11[%parallel_loop3A_115, %parallel_loop3A_687] : memref<80x64xi32, #tpu.memory_space<vmem>>[vector<16xi32>, vector<16xi32>], vector<16xi32>,
        %parallel_loop3A_689 = tpu.vector_load_idx %arg12[%parallel_loop3A_115, %parallel_loop3A_687] : memref<80x64xi32, #tpu.memory_space<vmem>>[vector<16xi32>, vector<16xi32>], vector<16xi32>,
        %parallel_loop3A_690 = vector.bitcast %parallel_loop3A_688 : vector<16xi32> to vector<32xbf16>
        %parallel_loop3A_691 = vector.bitcast %parallel_loop3A_689 : vector<16xi32> to vector<32xbf16>
        %parallel_loop3A_692 = arith.mulf %parallel_loop3A_690, %parallel_loop3A_691 : vector<32xbf16>
        %parallel_loop3A_693 = arith.addf %parallel_loop3A_681, %parallel_loop3A_692 : vector<32xbf16>
        %parallel_loop3A_694 = arith.constant 48 : i32
        %parallel_loop3A_695 = vector.broadcast %parallel_loop3A_694 : i32 to vector<16xi32>
        %parallel_loop3A_696 = arith.addi %iota3A, %parallel_loop3A_695 : vector<16xi32>
        %parallel_loop3A_697 = arith.constant 63 : i32
        %parallel_loop3A_698 = vector.broadcast %parallel_loop3A_697 : i32 to vector<16xi32>
        %parallel_loop3A_699 = arith.andi %parallel_loop3A_696, %parallel_loop3A_698 : vector<16xi32>
        %parallel_loop3A_700 = tpu.vector_load_idx %arg11[%parallel_loop3A_115, %parallel_loop3A_699] : memref<80x64xi32, #tpu.memory_space<vmem>>[vector<16xi32>, vector<16xi32>], vector<16xi32>,
        %parallel_loop3A_701 = tpu.vector_load_idx %arg12[%parallel_loop3A_115, %parallel_loop3A_699] : memref<80x64xi32, #tpu.memory_space<vmem>>[vector<16xi32>, vector<16xi32>], vector<16xi32>,
        %parallel_loop3A_702 = vector.bitcast %parallel_loop3A_700 : vector<16xi32> to vector<32xbf16>
        %parallel_loop3A_703 = vector.bitcast %parallel_loop3A_701 : vector<16xi32> to vector<32xbf16>
        %parallel_loop3A_704 = arith.mulf %parallel_loop3A_702, %parallel_loop3A_703 : vector<32xbf16>
        %parallel_loop3A_705 = arith.addf %parallel_loop3A_693, %parallel_loop3A_704 : vector<32xbf16>
        %parallel_loop3A_706 = arith.constant 49 : i32
        %parallel_loop3A_707 = vector.broadcast %parallel_loop3A_706 : i32 to vector<16xi32>
        %parallel_loop3A_708 = arith.addi %iota3A, %parallel_loop3A_707 : vector<16xi32>
        %parallel_loop3A_709 = arith.constant 63 : i32
        %parallel_loop3A_710 = vector.broadcast %parallel_loop3A_709 : i32 to vector<16xi32>
        %parallel_loop3A_711 = arith.andi %parallel_loop3A_708, %parallel_loop3A_710 : vector<16xi32>
        %parallel_loop3A_712 = tpu.vector_load_idx %arg11[%parallel_loop3A_115, %parallel_loop3A_711] : memref<80x64xi32, #tpu.memory_space<vmem>>[vector<16xi32>, vector<16xi32>], vector<16xi32>,
        %parallel_loop3A_713 = tpu.vector_load_idx %arg12[%parallel_loop3A_115, %parallel_loop3A_711] : memref<80x64xi32, #tpu.memory_space<vmem>>[vector<16xi32>, vector<16xi32>], vector<16xi32>,
        %parallel_loop3A_714 = vector.bitcast %parallel_loop3A_712 : vector<16xi32> to vector<32xbf16>
        %parallel_loop3A_715 = vector.bitcast %parallel_loop3A_713 : vector<16xi32> to vector<32xbf16>
        %parallel_loop3A_716 = arith.mulf %parallel_loop3A_714, %parallel_loop3A_715 : vector<32xbf16>
        %parallel_loop3A_717 = arith.addf %parallel_loop3A_705, %parallel_loop3A_716 : vector<32xbf16>
        %parallel_loop3A_718 = arith.constant 50 : i32
        %parallel_loop3A_719 = vector.broadcast %parallel_loop3A_718 : i32 to vector<16xi32>
        %parallel_loop3A_720 = arith.addi %iota3A, %parallel_loop3A_719 : vector<16xi32>
        %parallel_loop3A_721 = arith.constant 63 : i32
        %parallel_loop3A_722 = vector.broadcast %parallel_loop3A_721 : i32 to vector<16xi32>
        %parallel_loop3A_723 = arith.andi %parallel_loop3A_720, %parallel_loop3A_722 : vector<16xi32>
        %parallel_loop3A_724 = tpu.vector_load_idx %arg11[%parallel_loop3A_115, %parallel_loop3A_723] : memref<80x64xi32, #tpu.memory_space<vmem>>[vector<16xi32>, vector<16xi32>], vector<16xi32>,
        %parallel_loop3A_725 = tpu.vector_load_idx %arg12[%parallel_loop3A_115, %parallel_loop3A_723] : memref<80x64xi32, #tpu.memory_space<vmem>>[vector<16xi32>, vector<16xi32>], vector<16xi32>,
        %parallel_loop3A_726 = vector.bitcast %parallel_loop3A_724 : vector<16xi32> to vector<32xbf16>
        %parallel_loop3A_727 = vector.bitcast %parallel_loop3A_725 : vector<16xi32> to vector<32xbf16>
        %parallel_loop3A_728 = arith.mulf %parallel_loop3A_726, %parallel_loop3A_727 : vector<32xbf16>
        %parallel_loop3A_729 = arith.addf %parallel_loop3A_717, %parallel_loop3A_728 : vector<32xbf16>
        %parallel_loop3A_730 = arith.constant 51 : i32
        %parallel_loop3A_731 = vector.broadcast %parallel_loop3A_730 : i32 to vector<16xi32>
        %parallel_loop3A_732 = arith.addi %iota3A, %parallel_loop3A_731 : vector<16xi32>
        %parallel_loop3A_733 = arith.constant 63 : i32
        %parallel_loop3A_734 = vector.broadcast %parallel_loop3A_733 : i32 to vector<16xi32>
        %parallel_loop3A_735 = arith.andi %parallel_loop3A_732, %parallel_loop3A_734 : vector<16xi32>
        %parallel_loop3A_736 = tpu.vector_load_idx %arg11[%parallel_loop3A_115, %parallel_loop3A_735] : memref<80x64xi32, #tpu.memory_space<vmem>>[vector<16xi32>, vector<16xi32>], vector<16xi32>,
        %parallel_loop3A_737 = tpu.vector_load_idx %arg12[%parallel_loop3A_115, %parallel_loop3A_735] : memref<80x64xi32, #tpu.memory_space<vmem>>[vector<16xi32>, vector<16xi32>], vector<16xi32>,
        %parallel_loop3A_738 = vector.bitcast %parallel_loop3A_736 : vector<16xi32> to vector<32xbf16>
        %parallel_loop3A_739 = vector.bitcast %parallel_loop3A_737 : vector<16xi32> to vector<32xbf16>
        %parallel_loop3A_740 = arith.mulf %parallel_loop3A_738, %parallel_loop3A_739 : vector<32xbf16>
        %parallel_loop3A_741 = arith.addf %parallel_loop3A_729, %parallel_loop3A_740 : vector<32xbf16>
        %parallel_loop3A_742 = arith.constant 52 : i32
        %parallel_loop3A_743 = vector.broadcast %parallel_loop3A_742 : i32 to vector<16xi32>
        %parallel_loop3A_744 = arith.addi %iota3A, %parallel_loop3A_743 : vector<16xi32>
        %parallel_loop3A_745 = arith.constant 63 : i32
        %parallel_loop3A_746 = vector.broadcast %parallel_loop3A_745 : i32 to vector<16xi32>
        %parallel_loop3A_747 = arith.andi %parallel_loop3A_744, %parallel_loop3A_746 : vector<16xi32>
        %parallel_loop3A_748 = tpu.vector_load_idx %arg11[%parallel_loop3A_115, %parallel_loop3A_747] : memref<80x64xi32, #tpu.memory_space<vmem>>[vector<16xi32>, vector<16xi32>], vector<16xi32>,
        %parallel_loop3A_749 = tpu.vector_load_idx %arg12[%parallel_loop3A_115, %parallel_loop3A_747] : memref<80x64xi32, #tpu.memory_space<vmem>>[vector<16xi32>, vector<16xi32>], vector<16xi32>,
        %parallel_loop3A_750 = vector.bitcast %parallel_loop3A_748 : vector<16xi32> to vector<32xbf16>
        %parallel_loop3A_751 = vector.bitcast %parallel_loop3A_749 : vector<16xi32> to vector<32xbf16>
        %parallel_loop3A_752 = arith.mulf %parallel_loop3A_750, %parallel_loop3A_751 : vector<32xbf16>
        %parallel_loop3A_753 = arith.addf %parallel_loop3A_741, %parallel_loop3A_752 : vector<32xbf16>
        %parallel_loop3A_754 = arith.constant 53 : i32
        %parallel_loop3A_755 = vector.broadcast %parallel_loop3A_754 : i32 to vector<16xi32>
        %parallel_loop3A_756 = arith.addi %iota3A, %parallel_loop3A_755 : vector<16xi32>
        %parallel_loop3A_757 = arith.constant 63 : i32
        %parallel_loop3A_758 = vector.broadcast %parallel_loop3A_757 : i32 to vector<16xi32>
        %parallel_loop3A_759 = arith.andi %parallel_loop3A_756, %parallel_loop3A_758 : vector<16xi32>
        %parallel_loop3A_760 = tpu.vector_load_idx %arg11[%parallel_loop3A_115, %parallel_loop3A_759] : memref<80x64xi32, #tpu.memory_space<vmem>>[vector<16xi32>, vector<16xi32>], vector<16xi32>,
        %parallel_loop3A_761 = tpu.vector_load_idx %arg12[%parallel_loop3A_115, %parallel_loop3A_759] : memref<80x64xi32, #tpu.memory_space<vmem>>[vector<16xi32>, vector<16xi32>], vector<16xi32>,
        %parallel_loop3A_762 = vector.bitcast %parallel_loop3A_760 : vector<16xi32> to vector<32xbf16>
        %parallel_loop3A_763 = vector.bitcast %parallel_loop3A_761 : vector<16xi32> to vector<32xbf16>
        %parallel_loop3A_764 = arith.mulf %parallel_loop3A_762, %parallel_loop3A_763 : vector<32xbf16>
        %parallel_loop3A_765 = arith.addf %parallel_loop3A_753, %parallel_loop3A_764 : vector<32xbf16>
        %parallel_loop3A_766 = arith.constant 54 : i32
        %parallel_loop3A_767 = vector.broadcast %parallel_loop3A_766 : i32 to vector<16xi32>
        %parallel_loop3A_768 = arith.addi %iota3A, %parallel_loop3A_767 : vector<16xi32>
        %parallel_loop3A_769 = arith.constant 63 : i32
        %parallel_loop3A_770 = vector.broadcast %parallel_loop3A_769 : i32 to vector<16xi32>
        %parallel_loop3A_771 = arith.andi %parallel_loop3A_768, %parallel_loop3A_770 : vector<16xi32>
        %parallel_loop3A_772 = tpu.vector_load_idx %arg11[%parallel_loop3A_115, %parallel_loop3A_771] : memref<80x64xi32, #tpu.memory_space<vmem>>[vector<16xi32>, vector<16xi32>], vector<16xi32>,
        %parallel_loop3A_773 = tpu.vector_load_idx %arg12[%parallel_loop3A_115, %parallel_loop3A_771] : memref<80x64xi32, #tpu.memory_space<vmem>>[vector<16xi32>, vector<16xi32>], vector<16xi32>,
        %parallel_loop3A_774 = vector.bitcast %parallel_loop3A_772 : vector<16xi32> to vector<32xbf16>
        %parallel_loop3A_775 = vector.bitcast %parallel_loop3A_773 : vector<16xi32> to vector<32xbf16>
        %parallel_loop3A_776 = arith.mulf %parallel_loop3A_774, %parallel_loop3A_775 : vector<32xbf16>
        %parallel_loop3A_777 = arith.addf %parallel_loop3A_765, %parallel_loop3A_776 : vector<32xbf16>
        %parallel_loop3A_778 = arith.constant 55 : i32
        %parallel_loop3A_779 = vector.broadcast %parallel_loop3A_778 : i32 to vector<16xi32>
        %parallel_loop3A_780 = arith.addi %iota3A, %parallel_loop3A_779 : vector<16xi32>
        %parallel_loop3A_781 = arith.constant 63 : i32
        %parallel_loop3A_782 = vector.broadcast %parallel_loop3A_781 : i32 to vector<16xi32>
        %parallel_loop3A_783 = arith.andi %parallel_loop3A_780, %parallel_loop3A_782 : vector<16xi32>
        %parallel_loop3A_784 = tpu.vector_load_idx %arg11[%parallel_loop3A_115, %parallel_loop3A_783] : memref<80x64xi32, #tpu.memory_space<vmem>>[vector<16xi32>, vector<16xi32>], vector<16xi32>,
        %parallel_loop3A_785 = tpu.vector_load_idx %arg12[%parallel_loop3A_115, %parallel_loop3A_783] : memref<80x64xi32, #tpu.memory_space<vmem>>[vector<16xi32>, vector<16xi32>], vector<16xi32>,
        %parallel_loop3A_786 = vector.bitcast %parallel_loop3A_784 : vector<16xi32> to vector<32xbf16>
        %parallel_loop3A_787 = vector.bitcast %parallel_loop3A_785 : vector<16xi32> to vector<32xbf16>
        %parallel_loop3A_788 = arith.mulf %parallel_loop3A_786, %parallel_loop3A_787 : vector<32xbf16>
        %parallel_loop3A_789 = arith.addf %parallel_loop3A_777, %parallel_loop3A_788 : vector<32xbf16>
        %parallel_loop3A_790 = arith.constant 56 : i32
        %parallel_loop3A_791 = vector.broadcast %parallel_loop3A_790 : i32 to vector<16xi32>
        %parallel_loop3A_792 = arith.addi %iota3A, %parallel_loop3A_791 : vector<16xi32>
        %parallel_loop3A_793 = arith.constant 63 : i32
        %parallel_loop3A_794 = vector.broadcast %parallel_loop3A_793 : i32 to vector<16xi32>
        %parallel_loop3A_795 = arith.andi %parallel_loop3A_792, %parallel_loop3A_794 : vector<16xi32>
        %parallel_loop3A_796 = tpu.vector_load_idx %arg11[%parallel_loop3A_115, %parallel_loop3A_795] : memref<80x64xi32, #tpu.memory_space<vmem>>[vector<16xi32>, vector<16xi32>], vector<16xi32>,
        %parallel_loop3A_797 = tpu.vector_load_idx %arg12[%parallel_loop3A_115, %parallel_loop3A_795] : memref<80x64xi32, #tpu.memory_space<vmem>>[vector<16xi32>, vector<16xi32>], vector<16xi32>,
        %parallel_loop3A_798 = vector.bitcast %parallel_loop3A_796 : vector<16xi32> to vector<32xbf16>
        %parallel_loop3A_799 = vector.bitcast %parallel_loop3A_797 : vector<16xi32> to vector<32xbf16>
        %parallel_loop3A_800 = arith.mulf %parallel_loop3A_798, %parallel_loop3A_799 : vector<32xbf16>
        %parallel_loop3A_801 = arith.addf %parallel_loop3A_789, %parallel_loop3A_800 : vector<32xbf16>
        %parallel_loop3A_802 = arith.constant 57 : i32
        %parallel_loop3A_803 = vector.broadcast %parallel_loop3A_802 : i32 to vector<16xi32>
        %parallel_loop3A_804 = arith.addi %iota3A, %parallel_loop3A_803 : vector<16xi32>
        %parallel_loop3A_805 = arith.constant 63 : i32
        %parallel_loop3A_806 = vector.broadcast %parallel_loop3A_805 : i32 to vector<16xi32>
        %parallel_loop3A_807 = arith.andi %parallel_loop3A_804, %parallel_loop3A_806 : vector<16xi32>
        %parallel_loop3A_808 = tpu.vector_load_idx %arg11[%parallel_loop3A_115, %parallel_loop3A_807] : memref<80x64xi32, #tpu.memory_space<vmem>>[vector<16xi32>, vector<16xi32>], vector<16xi32>,
        %parallel_loop3A_809 = tpu.vector_load_idx %arg12[%parallel_loop3A_115, %parallel_loop3A_807] : memref<80x64xi32, #tpu.memory_space<vmem>>[vector<16xi32>, vector<16xi32>], vector<16xi32>,
        %parallel_loop3A_810 = vector.bitcast %parallel_loop3A_808 : vector<16xi32> to vector<32xbf16>
        %parallel_loop3A_811 = vector.bitcast %parallel_loop3A_809 : vector<16xi32> to vector<32xbf16>
        %parallel_loop3A_812 = arith.mulf %parallel_loop3A_810, %parallel_loop3A_811 : vector<32xbf16>
        %parallel_loop3A_813 = arith.addf %parallel_loop3A_801, %parallel_loop3A_812 : vector<32xbf16>
        %parallel_loop3A_814 = arith.constant 58 : i32
        %parallel_loop3A_815 = vector.broadcast %parallel_loop3A_814 : i32 to vector<16xi32>
        %parallel_loop3A_816 = arith.addi %iota3A, %parallel_loop3A_815 : vector<16xi32>
        %parallel_loop3A_817 = arith.constant 63 : i32
        %parallel_loop3A_818 = vector.broadcast %parallel_loop3A_817 : i32 to vector<16xi32>
        %parallel_loop3A_819 = arith.andi %parallel_loop3A_816, %parallel_loop3A_818 : vector<16xi32>
        %parallel_loop3A_820 = tpu.vector_load_idx %arg11[%parallel_loop3A_115, %parallel_loop3A_819] : memref<80x64xi32, #tpu.memory_space<vmem>>[vector<16xi32>, vector<16xi32>], vector<16xi32>,
        %parallel_loop3A_821 = tpu.vector_load_idx %arg12[%parallel_loop3A_115, %parallel_loop3A_819] : memref<80x64xi32, #tpu.memory_space<vmem>>[vector<16xi32>, vector<16xi32>], vector<16xi32>,
        %parallel_loop3A_822 = vector.bitcast %parallel_loop3A_820 : vector<16xi32> to vector<32xbf16>
        %parallel_loop3A_823 = vector.bitcast %parallel_loop3A_821 : vector<16xi32> to vector<32xbf16>
        %parallel_loop3A_824 = arith.mulf %parallel_loop3A_822, %parallel_loop3A_823 : vector<32xbf16>
        %parallel_loop3A_825 = arith.addf %parallel_loop3A_813, %parallel_loop3A_824 : vector<32xbf16>
        %parallel_loop3A_826 = arith.constant 59 : i32
        %parallel_loop3A_827 = vector.broadcast %parallel_loop3A_826 : i32 to vector<16xi32>
        %parallel_loop3A_828 = arith.addi %iota3A, %parallel_loop3A_827 : vector<16xi32>
        %parallel_loop3A_829 = arith.constant 63 : i32
        %parallel_loop3A_830 = vector.broadcast %parallel_loop3A_829 : i32 to vector<16xi32>
        %parallel_loop3A_831 = arith.andi %parallel_loop3A_828, %parallel_loop3A_830 : vector<16xi32>
        %parallel_loop3A_832 = tpu.vector_load_idx %arg11[%parallel_loop3A_115, %parallel_loop3A_831] : memref<80x64xi32, #tpu.memory_space<vmem>>[vector<16xi32>, vector<16xi32>], vector<16xi32>,
        %parallel_loop3A_833 = tpu.vector_load_idx %arg12[%parallel_loop3A_115, %parallel_loop3A_831] : memref<80x64xi32, #tpu.memory_space<vmem>>[vector<16xi32>, vector<16xi32>], vector<16xi32>,
        %parallel_loop3A_834 = vector.bitcast %parallel_loop3A_832 : vector<16xi32> to vector<32xbf16>
        %parallel_loop3A_835 = vector.bitcast %parallel_loop3A_833 : vector<16xi32> to vector<32xbf16>
        %parallel_loop3A_836 = arith.mulf %parallel_loop3A_834, %parallel_loop3A_835 : vector<32xbf16>
        %parallel_loop3A_837 = arith.addf %parallel_loop3A_825, %parallel_loop3A_836 : vector<32xbf16>
        %parallel_loop3A_838 = arith.constant 60 : i32
        %parallel_loop3A_839 = vector.broadcast %parallel_loop3A_838 : i32 to vector<16xi32>
        %parallel_loop3A_840 = arith.addi %iota3A, %parallel_loop3A_839 : vector<16xi32>
        %parallel_loop3A_841 = arith.constant 63 : i32
        %parallel_loop3A_842 = vector.broadcast %parallel_loop3A_841 : i32 to vector<16xi32>
        %parallel_loop3A_843 = arith.andi %parallel_loop3A_840, %parallel_loop3A_842 : vector<16xi32>
        %parallel_loop3A_844 = tpu.vector_load_idx %arg11[%parallel_loop3A_115, %parallel_loop3A_843] : memref<80x64xi32, #tpu.memory_space<vmem>>[vector<16xi32>, vector<16xi32>], vector<16xi32>,
        %parallel_loop3A_845 = tpu.vector_load_idx %arg12[%parallel_loop3A_115, %parallel_loop3A_843] : memref<80x64xi32, #tpu.memory_space<vmem>>[vector<16xi32>, vector<16xi32>], vector<16xi32>,
        %parallel_loop3A_846 = vector.bitcast %parallel_loop3A_844 : vector<16xi32> to vector<32xbf16>
        %parallel_loop3A_847 = vector.bitcast %parallel_loop3A_845 : vector<16xi32> to vector<32xbf16>
        %parallel_loop3A_848 = arith.mulf %parallel_loop3A_846, %parallel_loop3A_847 : vector<32xbf16>
        %parallel_loop3A_849 = arith.addf %parallel_loop3A_837, %parallel_loop3A_848 : vector<32xbf16>
        %parallel_loop3A_850 = arith.constant 61 : i32
        %parallel_loop3A_851 = vector.broadcast %parallel_loop3A_850 : i32 to vector<16xi32>
        %parallel_loop3A_852 = arith.addi %iota3A, %parallel_loop3A_851 : vector<16xi32>
        %parallel_loop3A_853 = arith.constant 63 : i32
        %parallel_loop3A_854 = vector.broadcast %parallel_loop3A_853 : i32 to vector<16xi32>
        %parallel_loop3A_855 = arith.andi %parallel_loop3A_852, %parallel_loop3A_854 : vector<16xi32>
        %parallel_loop3A_856 = tpu.vector_load_idx %arg11[%parallel_loop3A_115, %parallel_loop3A_855] : memref<80x64xi32, #tpu.memory_space<vmem>>[vector<16xi32>, vector<16xi32>], vector<16xi32>,
        %parallel_loop3A_857 = tpu.vector_load_idx %arg12[%parallel_loop3A_115, %parallel_loop3A_855] : memref<80x64xi32, #tpu.memory_space<vmem>>[vector<16xi32>, vector<16xi32>], vector<16xi32>,
        %parallel_loop3A_858 = vector.bitcast %parallel_loop3A_856 : vector<16xi32> to vector<32xbf16>
        %parallel_loop3A_859 = vector.bitcast %parallel_loop3A_857 : vector<16xi32> to vector<32xbf16>
        %parallel_loop3A_860 = arith.mulf %parallel_loop3A_858, %parallel_loop3A_859 : vector<32xbf16>
        %parallel_loop3A_861 = arith.addf %parallel_loop3A_849, %parallel_loop3A_860 : vector<32xbf16>
        %parallel_loop3A_862 = arith.constant 62 : i32
        %parallel_loop3A_863 = vector.broadcast %parallel_loop3A_862 : i32 to vector<16xi32>
        %parallel_loop3A_864 = arith.addi %iota3A, %parallel_loop3A_863 : vector<16xi32>
        %parallel_loop3A_865 = arith.constant 63 : i32
        %parallel_loop3A_866 = vector.broadcast %parallel_loop3A_865 : i32 to vector<16xi32>
        %parallel_loop3A_867 = arith.andi %parallel_loop3A_864, %parallel_loop3A_866 : vector<16xi32>
        %parallel_loop3A_868 = tpu.vector_load_idx %arg11[%parallel_loop3A_115, %parallel_loop3A_867] : memref<80x64xi32, #tpu.memory_space<vmem>>[vector<16xi32>, vector<16xi32>], vector<16xi32>,
        %parallel_loop3A_869 = tpu.vector_load_idx %arg12[%parallel_loop3A_115, %parallel_loop3A_867] : memref<80x64xi32, #tpu.memory_space<vmem>>[vector<16xi32>, vector<16xi32>], vector<16xi32>,
        %parallel_loop3A_870 = vector.bitcast %parallel_loop3A_868 : vector<16xi32> to vector<32xbf16>
        %parallel_loop3A_871 = vector.bitcast %parallel_loop3A_869 : vector<16xi32> to vector<32xbf16>
        %parallel_loop3A_872 = arith.mulf %parallel_loop3A_870, %parallel_loop3A_871 : vector<32xbf16>
        %parallel_loop3A_873 = arith.addf %parallel_loop3A_861, %parallel_loop3A_872 : vector<32xbf16>
        %parallel_loop3A_874 = arith.constant 63 : i32
        %parallel_loop3A_875 = vector.broadcast %parallel_loop3A_874 : i32 to vector<16xi32>
        %parallel_loop3A_876 = arith.addi %iota3A, %parallel_loop3A_875 : vector<16xi32>
        %parallel_loop3A_877 = arith.constant 63 : i32
        %parallel_loop3A_878 = vector.broadcast %parallel_loop3A_877 : i32 to vector<16xi32>
        %parallel_loop3A_879 = arith.andi %parallel_loop3A_876, %parallel_loop3A_878 : vector<16xi32>
        %parallel_loop3A_880 = tpu.vector_load_idx %arg11[%parallel_loop3A_115, %parallel_loop3A_879] : memref<80x64xi32, #tpu.memory_space<vmem>>[vector<16xi32>, vector<16xi32>], vector<16xi32>,
        %parallel_loop3A_881 = tpu.vector_load_idx %arg12[%parallel_loop3A_115, %parallel_loop3A_879] : memref<80x64xi32, #tpu.memory_space<vmem>>[vector<16xi32>, vector<16xi32>], vector<16xi32>,
        %parallel_loop3A_882 = vector.bitcast %parallel_loop3A_880 : vector<16xi32> to vector<32xbf16>
        %parallel_loop3A_883 = vector.bitcast %parallel_loop3A_881 : vector<16xi32> to vector<32xbf16>
        %parallel_loop3A_884 = arith.mulf %parallel_loop3A_882, %parallel_loop3A_883 : vector<32xbf16>
        %parallel_loop3A_885 = arith.addf %parallel_loop3A_873, %parallel_loop3A_884 : vector<32xbf16>
        %parallel_loop3A_886 = vector.bitcast %parallel_loop3A_885 : vector<32xbf16> to vector<16xi32>
        %parallel_loop3A_887 = arith.constant 16 : i32
        %parallel_loop3A_888 = vector.broadcast %parallel_loop3A_887 : i32 to vector<16xi32>
        %parallel_loop3A_889 = arith.shli %parallel_loop3A_886, %parallel_loop3A_888 : vector<16xi32>
        %parallel_loop3A_890 = vector.bitcast %parallel_loop3A_889 : vector<16xi32> to vector<16xf32>
        %parallel_loop3A_891 = arith.constant -65536 : i32
        %parallel_loop3A_892 = vector.broadcast %parallel_loop3A_891 : i32 to vector<16xi32>
        %parallel_loop3A_893 = arith.andi %parallel_loop3A_886, %parallel_loop3A_892 : vector<16xi32>
        %parallel_loop3A_894 = vector.bitcast %parallel_loop3A_893 : vector<16xi32> to vector<16xf32>
        %parallel_loop3A_895 = arith.addf %parallel_loop3A_890, %parallel_loop3A_894 : vector<16xf32>
        %parallel_loop3A_896 = tpu.vector_load_idx %arg8[%parallel_loop3A_109] : memref<10000xf32, #tpu.memory_space<vmem>>[vector<16xi32>], vector<16xf32>,
        %parallel_loop3A_897 = tpu.vector_load_idx %arg8[%parallel_loop3A_111] : memref<10000xf32, #tpu.memory_space<vmem>>[vector<16xi32>], vector<16xf32>,
        %parallel_loop3A_898 = arith.mulf %parallel_loop3A_896, %parallel_loop3A_897 : vector<16xf32>
        %parallel_loop3A_899 = arith.constant 9.99999993E-9 : f32
        %parallel_loop3A_900 = vector.broadcast %parallel_loop3A_899 : f32 to vector<16xf32>
        %parallel_loop3A_901 = arith.maximumf %parallel_loop3A_898, %parallel_loop3A_900 : vector<16xf32>
        %parallel_loop3A_902 = arith.divf %parallel_loop3A_895, %parallel_loop3A_901 : vector<16xf32>
        %parallel_loop3A_903 = arith.constant 5.000000e-01 : f32
        %parallel_loop3A_904 = vector.broadcast %parallel_loop3A_903 : f32 to vector<16xf32>
        %parallel_loop3A_905 = arith.subf %parallel_loop3A_904, %parallel_loop3A_902 : vector<16xf32>
        %parallel_loop3A_906 = arith.constant 0.000000e+00 : f32
        %parallel_loop3A_907 = vector.broadcast %parallel_loop3A_906 : f32 to vector<16xf32>
        %parallel_loop3A_908 = arith.maximumf %parallel_loop3A_905, %parallel_loop3A_907 : vector<16xf32>
        %parallel_loop3A_909 = arith.addf %parallel_loop3A_102, %parallel_loop3A_908 : vector<16xf32>
        scf.yield %parallel_loop3A_909 : vector<16xf32>
      } {sc.loop_unroll_factor = 2 : i64, sc.parallel_access}
      %dma_wait3A_69 = arith.constant 0 : i32
      %dma_wait3A_70 = arith.constant 0 : i32
      %dma_wait3A_71 = tpu.memref_slice %arg2[%dma_wait3A_69, %dma_wait3A_70] : memref<10000x64xi32, #tpu.memory_space<hbm>> -> memref<80x64xi32, #tpu.memory_space<hbm>>
      %dma_wait3A_72 = arith.constant 0 : i32
      %dma_wait3A_73 = arith.constant 0 : i32
      %dma_wait3A_74 = tpu.memref_slice %arg2[%dma_wait3A_72, %dma_wait3A_73] : memref<10000x64xi32, #tpu.memory_space<hbm>> -> memref<80x64xi32, #tpu.memory_space<hbm>>
      tpu.wait_dma2 semaphore(%arg18 : memref<!tpu.dma_semaphore, #tpu.memory_space<semaphore_mem>>) src(%dma_wait3A_74 : memref<80x64xi32, #tpu.memory_space<hbm>>) dst(%arg13 : memref<80x64xi32, #tpu.memory_space<vmem>>)
      %dma_wait3A_75 = arith.constant 0 : i32
      %dma_wait3A_76 = arith.constant 0 : i32
      %dma_wait3A_77 = tpu.memref_slice %arg2[%dma_wait3A_75, %dma_wait3A_76] : memref<10000x64xi32, #tpu.memory_space<hbm>> -> memref<80x64xi32, #tpu.memory_space<hbm>>
      %dma_wait3A_78 = arith.constant 0 : i32
      %dma_wait3A_79 = arith.constant 0 : i32
      %dma_wait3A_80 = tpu.memref_slice %arg2[%dma_wait3A_78, %dma_wait3A_79] : memref<10000x64xi32, #tpu.memory_space<hbm>> -> memref<80x64xi32, #tpu.memory_space<hbm>>
      tpu.wait_dma2 semaphore(%arg19 : memref<!tpu.dma_semaphore, #tpu.memory_space<semaphore_mem>>) src(%dma_wait3A_80 : memref<80x64xi32, #tpu.memory_space<hbm>>) dst(%arg14 : memref<80x64xi32, #tpu.memory_space<vmem>>)
      %add3A_81 = arith.constant 2 : i32
      %add3A_82 = arith.addi %mul3A_38, %add3A_81 : i32
      %mul3A_83 = arith.constant 80 : i32
      %mul3A_84 = arith.muli %add3A_82, %mul3A_83 : i32
      %dma_start3A_85 = tpu.memref_slice %arg9[%mul3A_84] : memref<10000xi32, #tpu.memory_space<vmem>> -> memref<80xi32, #tpu.memory_space<vmem>>
      %dma_start3A_86 = arith.constant 0 : i32
      %dma_start3A_87 = arith.constant 0 : i32
      %dma_start3A_88 = tpu.memref_slice %arg7[%dma_start3A_86, %dma_start3A_87] : memref<10000x64xi32, #tpu.memory_space<vmem_shared>> -> memref<10000x64xi32, #tpu.memory_space<vmem_shared>>
      tpu.enqueue_indirect_dma source(%dma_start3A_88 : memref<10000x64xi32, #tpu.memory_space<vmem_shared>>) target(%arg11 : memref<80x64xi32, #tpu.memory_space<vmem>>) offsets(%dma_start3A_85 : memref<80xi32, #tpu.memory_space<vmem>>) semaphore(%arg16 : memref<!tpu.dma_semaphore, #tpu.memory_space<semaphore_mem>>)
      %mul3A_89 = arith.constant 80 : i32
      %mul3A_90 = arith.muli %add3A_82, %mul3A_89 : i32
      %dma_start3A_91 = tpu.memref_slice %arg10[%mul3A_90] : memref<10000xi32, #tpu.memory_space<vmem>> -> memref<80xi32, #tpu.memory_space<vmem>>
      %dma_start3A_92 = arith.constant 0 : i32
      %dma_start3A_93 = arith.constant 0 : i32
      %dma_start3A_94 = tpu.memref_slice %arg7[%dma_start3A_92, %dma_start3A_93] : memref<10000x64xi32, #tpu.memory_space<vmem_shared>> -> memref<10000x64xi32, #tpu.memory_space<vmem_shared>>
      tpu.enqueue_indirect_dma source(%dma_start3A_94 : memref<10000x64xi32, #tpu.memory_space<vmem_shared>>) target(%arg12 : memref<80x64xi32, #tpu.memory_space<vmem>>) offsets(%dma_start3A_91 : memref<80xi32, #tpu.memory_space<vmem>>) semaphore(%arg17 : memref<!tpu.dma_semaphore, #tpu.memory_space<semaphore_mem>>)
      %add3A_95 = arith.constant 1 : i32
      %add3A_96 = arith.addi %mul3A_38, %add3A_95 : i32
      %parallel_loop3A_97 = arith.constant 0 : i32
      %parallel_loop3A_98 = arith.constant 5 : i32
      %parallel_loop3A_99 = arith.constant 1 : i32
      %parallel_loop3A_100 = scf.for %parallel_loop3A_101 = %parallel_loop3A_97 to %parallel_loop3A_98 step %parallel_loop3A_99 iter_args(%parallel_loop3A_102 = %parallel_loop3A_68) -> (vector<16xf32>)  : i32 {
        %parallel_loop3A_103 = arith.constant 80 : i32
        %parallel_loop3A_104 = arith.muli %add3A_96, %parallel_loop3A_103 : i32
        %parallel_loop3A_105 = arith.constant 16 : i32
        %parallel_loop3A_106 = arith.muli %parallel_loop3A_101, %parallel_loop3A_105 : i32
        %parallel_loop3A_107 = arith.addi %parallel_loop3A_104, %parallel_loop3A_106 : i32
        %parallel_loop3A_108 = arith.index_cast %parallel_loop3A_107 : i32 to index
        %parallel_loop3A_109 = tpu.vector_load %arg9[%parallel_loop3A_108] {strides = array<i32>} : memref<10000xi32, #tpu.memory_space<vmem>>, vector<16xi32>,
        %parallel_loop3A_110 = arith.index_cast %parallel_loop3A_107 : i32 to index
        %parallel_loop3A_111 = tpu.vector_load %arg10[%parallel_loop3A_110] {strides = array<i32>} : memref<10000xi32, #tpu.memory_space<vmem>>, vector<16xi32>,
        %parallel_loop3A_112 = arith.constant 16 : i32
        %parallel_loop3A_113 = arith.muli %parallel_loop3A_101, %parallel_loop3A_112 : i32
        %parallel_loop3A_114 = vector.broadcast %parallel_loop3A_113 : i32 to vector<16xi32>
        %parallel_loop3A_115 = arith.addi %parallel_loop3A_114, %iota3A : vector<16xi32>
        %parallel_loop3A_116 = arith.constant 0.000000e+00 : bf16
        %parallel_loop3A_117 = vector.broadcast %parallel_loop3A_116 : bf16 to vector<32xbf16>
        %parallel_loop3A_118 = arith.constant 0 : i32
        %parallel_loop3A_119 = vector.broadcast %parallel_loop3A_118 : i32 to vector<16xi32>
        %parallel_loop3A_120 = arith.addi %iota3A, %parallel_loop3A_119 : vector<16xi32>
        %parallel_loop3A_121 = arith.constant 63 : i32
        %parallel_loop3A_122 = vector.broadcast %parallel_loop3A_121 : i32 to vector<16xi32>
        %parallel_loop3A_123 = arith.andi %parallel_loop3A_120, %parallel_loop3A_122 : vector<16xi32>
        %parallel_loop3A_124 = tpu.vector_load_idx %arg13[%parallel_loop3A_115, %parallel_loop3A_123] : memref<80x64xi32, #tpu.memory_space<vmem>>[vector<16xi32>, vector<16xi32>], vector<16xi32>,
        %parallel_loop3A_125 = tpu.vector_load_idx %arg14[%parallel_loop3A_115, %parallel_loop3A_123] : memref<80x64xi32, #tpu.memory_space<vmem>>[vector<16xi32>, vector<16xi32>], vector<16xi32>,
        %parallel_loop3A_126 = vector.bitcast %parallel_loop3A_124 : vector<16xi32> to vector<32xbf16>
        %parallel_loop3A_127 = vector.bitcast %parallel_loop3A_125 : vector<16xi32> to vector<32xbf16>
        %parallel_loop3A_128 = arith.mulf %parallel_loop3A_126, %parallel_loop3A_127 : vector<32xbf16>
        %parallel_loop3A_129 = arith.addf %parallel_loop3A_117, %parallel_loop3A_128 : vector<32xbf16>
        %parallel_loop3A_130 = arith.constant 1 : i32
        %parallel_loop3A_131 = vector.broadcast %parallel_loop3A_130 : i32 to vector<16xi32>
        %parallel_loop3A_132 = arith.addi %iota3A, %parallel_loop3A_131 : vector<16xi32>
        %parallel_loop3A_133 = arith.constant 63 : i32
        %parallel_loop3A_134 = vector.broadcast %parallel_loop3A_133 : i32 to vector<16xi32>
        %parallel_loop3A_135 = arith.andi %parallel_loop3A_132, %parallel_loop3A_134 : vector<16xi32>
        %parallel_loop3A_136 = tpu.vector_load_idx %arg13[%parallel_loop3A_115, %parallel_loop3A_135] : memref<80x64xi32, #tpu.memory_space<vmem>>[vector<16xi32>, vector<16xi32>], vector<16xi32>,
        %parallel_loop3A_137 = tpu.vector_load_idx %arg14[%parallel_loop3A_115, %parallel_loop3A_135] : memref<80x64xi32, #tpu.memory_space<vmem>>[vector<16xi32>, vector<16xi32>], vector<16xi32>,
        %parallel_loop3A_138 = vector.bitcast %parallel_loop3A_136 : vector<16xi32> to vector<32xbf16>
        %parallel_loop3A_139 = vector.bitcast %parallel_loop3A_137 : vector<16xi32> to vector<32xbf16>
        %parallel_loop3A_140 = arith.mulf %parallel_loop3A_138, %parallel_loop3A_139 : vector<32xbf16>
        %parallel_loop3A_141 = arith.addf %parallel_loop3A_129, %parallel_loop3A_140 : vector<32xbf16>
        %parallel_loop3A_142 = arith.constant 2 : i32
        %parallel_loop3A_143 = vector.broadcast %parallel_loop3A_142 : i32 to vector<16xi32>
        %parallel_loop3A_144 = arith.addi %iota3A, %parallel_loop3A_143 : vector<16xi32>
        %parallel_loop3A_145 = arith.constant 63 : i32
        %parallel_loop3A_146 = vector.broadcast %parallel_loop3A_145 : i32 to vector<16xi32>
        %parallel_loop3A_147 = arith.andi %parallel_loop3A_144, %parallel_loop3A_146 : vector<16xi32>
        %parallel_loop3A_148 = tpu.vector_load_idx %arg13[%parallel_loop3A_115, %parallel_loop3A_147] : memref<80x64xi32, #tpu.memory_space<vmem>>[vector<16xi32>, vector<16xi32>], vector<16xi32>,
        %parallel_loop3A_149 = tpu.vector_load_idx %arg14[%parallel_loop3A_115, %parallel_loop3A_147] : memref<80x64xi32, #tpu.memory_space<vmem>>[vector<16xi32>, vector<16xi32>], vector<16xi32>,
        %parallel_loop3A_150 = vector.bitcast %parallel_loop3A_148 : vector<16xi32> to vector<32xbf16>
        %parallel_loop3A_151 = vector.bitcast %parallel_loop3A_149 : vector<16xi32> to vector<32xbf16>
        %parallel_loop3A_152 = arith.mulf %parallel_loop3A_150, %parallel_loop3A_151 : vector<32xbf16>
        %parallel_loop3A_153 = arith.addf %parallel_loop3A_141, %parallel_loop3A_152 : vector<32xbf16>
        %parallel_loop3A_154 = arith.constant 3 : i32
        %parallel_loop3A_155 = vector.broadcast %parallel_loop3A_154 : i32 to vector<16xi32>
        %parallel_loop3A_156 = arith.addi %iota3A, %parallel_loop3A_155 : vector<16xi32>
        %parallel_loop3A_157 = arith.constant 63 : i32
        %parallel_loop3A_158 = vector.broadcast %parallel_loop3A_157 : i32 to vector<16xi32>
        %parallel_loop3A_159 = arith.andi %parallel_loop3A_156, %parallel_loop3A_158 : vector<16xi32>
        %parallel_loop3A_160 = tpu.vector_load_idx %arg13[%parallel_loop3A_115, %parallel_loop3A_159] : memref<80x64xi32, #tpu.memory_space<vmem>>[vector<16xi32>, vector<16xi32>], vector<16xi32>,
        %parallel_loop3A_161 = tpu.vector_load_idx %arg14[%parallel_loop3A_115, %parallel_loop3A_159] : memref<80x64xi32, #tpu.memory_space<vmem>>[vector<16xi32>, vector<16xi32>], vector<16xi32>,
        %parallel_loop3A_162 = vector.bitcast %parallel_loop3A_160 : vector<16xi32> to vector<32xbf16>
        %parallel_loop3A_163 = vector.bitcast %parallel_loop3A_161 : vector<16xi32> to vector<32xbf16>
        %parallel_loop3A_164 = arith.mulf %parallel_loop3A_162, %parallel_loop3A_163 : vector<32xbf16>
        %parallel_loop3A_165 = arith.addf %parallel_loop3A_153, %parallel_loop3A_164 : vector<32xbf16>
        %parallel_loop3A_166 = arith.constant 4 : i32
        %parallel_loop3A_167 = vector.broadcast %parallel_loop3A_166 : i32 to vector<16xi32>
        %parallel_loop3A_168 = arith.addi %iota3A, %parallel_loop3A_167 : vector<16xi32>
        %parallel_loop3A_169 = arith.constant 63 : i32
        %parallel_loop3A_170 = vector.broadcast %parallel_loop3A_169 : i32 to vector<16xi32>
        %parallel_loop3A_171 = arith.andi %parallel_loop3A_168, %parallel_loop3A_170 : vector<16xi32>
        %parallel_loop3A_172 = tpu.vector_load_idx %arg13[%parallel_loop3A_115, %parallel_loop3A_171] : memref<80x64xi32, #tpu.memory_space<vmem>>[vector<16xi32>, vector<16xi32>], vector<16xi32>,
        %parallel_loop3A_173 = tpu.vector_load_idx %arg14[%parallel_loop3A_115, %parallel_loop3A_171] : memref<80x64xi32, #tpu.memory_space<vmem>>[vector<16xi32>, vector<16xi32>], vector<16xi32>,
        %parallel_loop3A_174 = vector.bitcast %parallel_loop3A_172 : vector<16xi32> to vector<32xbf16>
        %parallel_loop3A_175 = vector.bitcast %parallel_loop3A_173 : vector<16xi32> to vector<32xbf16>
        %parallel_loop3A_176 = arith.mulf %parallel_loop3A_174, %parallel_loop3A_175 : vector<32xbf16>
        %parallel_loop3A_177 = arith.addf %parallel_loop3A_165, %parallel_loop3A_176 : vector<32xbf16>
        %parallel_loop3A_178 = arith.constant 5 : i32
        %parallel_loop3A_179 = vector.broadcast %parallel_loop3A_178 : i32 to vector<16xi32>
        %parallel_loop3A_180 = arith.addi %iota3A, %parallel_loop3A_179 : vector<16xi32>
        %parallel_loop3A_181 = arith.constant 63 : i32
        %parallel_loop3A_182 = vector.broadcast %parallel_loop3A_181 : i32 to vector<16xi32>
        %parallel_loop3A_183 = arith.andi %parallel_loop3A_180, %parallel_loop3A_182 : vector<16xi32>
        %parallel_loop3A_184 = tpu.vector_load_idx %arg13[%parallel_loop3A_115, %parallel_loop3A_183] : memref<80x64xi32, #tpu.memory_space<vmem>>[vector<16xi32>, vector<16xi32>], vector<16xi32>,
        %parallel_loop3A_185 = tpu.vector_load_idx %arg14[%parallel_loop3A_115, %parallel_loop3A_183] : memref<80x64xi32, #tpu.memory_space<vmem>>[vector<16xi32>, vector<16xi32>], vector<16xi32>,
        %parallel_loop3A_186 = vector.bitcast %parallel_loop3A_184 : vector<16xi32> to vector<32xbf16>
        %parallel_loop3A_187 = vector.bitcast %parallel_loop3A_185 : vector<16xi32> to vector<32xbf16>
        %parallel_loop3A_188 = arith.mulf %parallel_loop3A_186, %parallel_loop3A_187 : vector<32xbf16>
        %parallel_loop3A_189 = arith.addf %parallel_loop3A_177, %parallel_loop3A_188 : vector<32xbf16>
        %parallel_loop3A_190 = arith.constant 6 : i32
        %parallel_loop3A_191 = vector.broadcast %parallel_loop3A_190 : i32 to vector<16xi32>
        %parallel_loop3A_192 = arith.addi %iota3A, %parallel_loop3A_191 : vector<16xi32>
        %parallel_loop3A_193 = arith.constant 63 : i32
        %parallel_loop3A_194 = vector.broadcast %parallel_loop3A_193 : i32 to vector<16xi32>
        %parallel_loop3A_195 = arith.andi %parallel_loop3A_192, %parallel_loop3A_194 : vector<16xi32>
        %parallel_loop3A_196 = tpu.vector_load_idx %arg13[%parallel_loop3A_115, %parallel_loop3A_195] : memref<80x64xi32, #tpu.memory_space<vmem>>[vector<16xi32>, vector<16xi32>], vector<16xi32>,
        %parallel_loop3A_197 = tpu.vector_load_idx %arg14[%parallel_loop3A_115, %parallel_loop3A_195] : memref<80x64xi32, #tpu.memory_space<vmem>>[vector<16xi32>, vector<16xi32>], vector<16xi32>,
        %parallel_loop3A_198 = vector.bitcast %parallel_loop3A_196 : vector<16xi32> to vector<32xbf16>
        %parallel_loop3A_199 = vector.bitcast %parallel_loop3A_197 : vector<16xi32> to vector<32xbf16>
        %parallel_loop3A_200 = arith.mulf %parallel_loop3A_198, %parallel_loop3A_199 : vector<32xbf16>
        %parallel_loop3A_201 = arith.addf %parallel_loop3A_189, %parallel_loop3A_200 : vector<32xbf16>
        %parallel_loop3A_202 = arith.constant 7 : i32
        %parallel_loop3A_203 = vector.broadcast %parallel_loop3A_202 : i32 to vector<16xi32>
        %parallel_loop3A_204 = arith.addi %iota3A, %parallel_loop3A_203 : vector<16xi32>
        %parallel_loop3A_205 = arith.constant 63 : i32
        %parallel_loop3A_206 = vector.broadcast %parallel_loop3A_205 : i32 to vector<16xi32>
        %parallel_loop3A_207 = arith.andi %parallel_loop3A_204, %parallel_loop3A_206 : vector<16xi32>
        %parallel_loop3A_208 = tpu.vector_load_idx %arg13[%parallel_loop3A_115, %parallel_loop3A_207] : memref<80x64xi32, #tpu.memory_space<vmem>>[vector<16xi32>, vector<16xi32>], vector<16xi32>,
        %parallel_loop3A_209 = tpu.vector_load_idx %arg14[%parallel_loop3A_115, %parallel_loop3A_207] : memref<80x64xi32, #tpu.memory_space<vmem>>[vector<16xi32>, vector<16xi32>], vector<16xi32>,
        %parallel_loop3A_210 = vector.bitcast %parallel_loop3A_208 : vector<16xi32> to vector<32xbf16>
        %parallel_loop3A_211 = vector.bitcast %parallel_loop3A_209 : vector<16xi32> to vector<32xbf16>
        %parallel_loop3A_212 = arith.mulf %parallel_loop3A_210, %parallel_loop3A_211 : vector<32xbf16>
        %parallel_loop3A_213 = arith.addf %parallel_loop3A_201, %parallel_loop3A_212 : vector<32xbf16>
        %parallel_loop3A_214 = arith.constant 8 : i32
        %parallel_loop3A_215 = vector.broadcast %parallel_loop3A_214 : i32 to vector<16xi32>
        %parallel_loop3A_216 = arith.addi %iota3A, %parallel_loop3A_215 : vector<16xi32>
        %parallel_loop3A_217 = arith.constant 63 : i32
        %parallel_loop3A_218 = vector.broadcast %parallel_loop3A_217 : i32 to vector<16xi32>
        %parallel_loop3A_219 = arith.andi %parallel_loop3A_216, %parallel_loop3A_218 : vector<16xi32>
        %parallel_loop3A_220 = tpu.vector_load_idx %arg13[%parallel_loop3A_115, %parallel_loop3A_219] : memref<80x64xi32, #tpu.memory_space<vmem>>[vector<16xi32>, vector<16xi32>], vector<16xi32>,
        %parallel_loop3A_221 = tpu.vector_load_idx %arg14[%parallel_loop3A_115, %parallel_loop3A_219] : memref<80x64xi32, #tpu.memory_space<vmem>>[vector<16xi32>, vector<16xi32>], vector<16xi32>,
        %parallel_loop3A_222 = vector.bitcast %parallel_loop3A_220 : vector<16xi32> to vector<32xbf16>
        %parallel_loop3A_223 = vector.bitcast %parallel_loop3A_221 : vector<16xi32> to vector<32xbf16>
        %parallel_loop3A_224 = arith.mulf %parallel_loop3A_222, %parallel_loop3A_223 : vector<32xbf16>
        %parallel_loop3A_225 = arith.addf %parallel_loop3A_213, %parallel_loop3A_224 : vector<32xbf16>
        %parallel_loop3A_226 = arith.constant 9 : i32
        %parallel_loop3A_227 = vector.broadcast %parallel_loop3A_226 : i32 to vector<16xi32>
        %parallel_loop3A_228 = arith.addi %iota3A, %parallel_loop3A_227 : vector<16xi32>
        %parallel_loop3A_229 = arith.constant 63 : i32
        %parallel_loop3A_230 = vector.broadcast %parallel_loop3A_229 : i32 to vector<16xi32>
        %parallel_loop3A_231 = arith.andi %parallel_loop3A_228, %parallel_loop3A_230 : vector<16xi32>
        %parallel_loop3A_232 = tpu.vector_load_idx %arg13[%parallel_loop3A_115, %parallel_loop3A_231] : memref<80x64xi32, #tpu.memory_space<vmem>>[vector<16xi32>, vector<16xi32>], vector<16xi32>,
        %parallel_loop3A_233 = tpu.vector_load_idx %arg14[%parallel_loop3A_115, %parallel_loop3A_231] : memref<80x64xi32, #tpu.memory_space<vmem>>[vector<16xi32>, vector<16xi32>], vector<16xi32>,
        %parallel_loop3A_234 = vector.bitcast %parallel_loop3A_232 : vector<16xi32> to vector<32xbf16>
        %parallel_loop3A_235 = vector.bitcast %parallel_loop3A_233 : vector<16xi32> to vector<32xbf16>
        %parallel_loop3A_236 = arith.mulf %parallel_loop3A_234, %parallel_loop3A_235 : vector<32xbf16>
        %parallel_loop3A_237 = arith.addf %parallel_loop3A_225, %parallel_loop3A_236 : vector<32xbf16>
        %parallel_loop3A_238 = arith.constant 10 : i32
        %parallel_loop3A_239 = vector.broadcast %parallel_loop3A_238 : i32 to vector<16xi32>
        %parallel_loop3A_240 = arith.addi %iota3A, %parallel_loop3A_239 : vector<16xi32>
        %parallel_loop3A_241 = arith.constant 63 : i32
        %parallel_loop3A_242 = vector.broadcast %parallel_loop3A_241 : i32 to vector<16xi32>
        %parallel_loop3A_243 = arith.andi %parallel_loop3A_240, %parallel_loop3A_242 : vector<16xi32>
        %parallel_loop3A_244 = tpu.vector_load_idx %arg13[%parallel_loop3A_115, %parallel_loop3A_243] : memref<80x64xi32, #tpu.memory_space<vmem>>[vector<16xi32>, vector<16xi32>], vector<16xi32>,
        %parallel_loop3A_245 = tpu.vector_load_idx %arg14[%parallel_loop3A_115, %parallel_loop3A_243] : memref<80x64xi32, #tpu.memory_space<vmem>>[vector<16xi32>, vector<16xi32>], vector<16xi32>,
        %parallel_loop3A_246 = vector.bitcast %parallel_loop3A_244 : vector<16xi32> to vector<32xbf16>
        %parallel_loop3A_247 = vector.bitcast %parallel_loop3A_245 : vector<16xi32> to vector<32xbf16>
        %parallel_loop3A_248 = arith.mulf %parallel_loop3A_246, %parallel_loop3A_247 : vector<32xbf16>
        %parallel_loop3A_249 = arith.addf %parallel_loop3A_237, %parallel_loop3A_248 : vector<32xbf16>
        %parallel_loop3A_250 = arith.constant 11 : i32
        %parallel_loop3A_251 = vector.broadcast %parallel_loop3A_250 : i32 to vector<16xi32>
        %parallel_loop3A_252 = arith.addi %iota3A, %parallel_loop3A_251 : vector<16xi32>
        %parallel_loop3A_253 = arith.constant 63 : i32
        %parallel_loop3A_254 = vector.broadcast %parallel_loop3A_253 : i32 to vector<16xi32>
        %parallel_loop3A_255 = arith.andi %parallel_loop3A_252, %parallel_loop3A_254 : vector<16xi32>
        %parallel_loop3A_256 = tpu.vector_load_idx %arg13[%parallel_loop3A_115, %parallel_loop3A_255] : memref<80x64xi32, #tpu.memory_space<vmem>>[vector<16xi32>, vector<16xi32>], vector<16xi32>,
        %parallel_loop3A_257 = tpu.vector_load_idx %arg14[%parallel_loop3A_115, %parallel_loop3A_255] : memref<80x64xi32, #tpu.memory_space<vmem>>[vector<16xi32>, vector<16xi32>], vector<16xi32>,
        %parallel_loop3A_258 = vector.bitcast %parallel_loop3A_256 : vector<16xi32> to vector<32xbf16>
        %parallel_loop3A_259 = vector.bitcast %parallel_loop3A_257 : vector<16xi32> to vector<32xbf16>
        %parallel_loop3A_260 = arith.mulf %parallel_loop3A_258, %parallel_loop3A_259 : vector<32xbf16>
        %parallel_loop3A_261 = arith.addf %parallel_loop3A_249, %parallel_loop3A_260 : vector<32xbf16>
        %parallel_loop3A_262 = arith.constant 12 : i32
        %parallel_loop3A_263 = vector.broadcast %parallel_loop3A_262 : i32 to vector<16xi32>
        %parallel_loop3A_264 = arith.addi %iota3A, %parallel_loop3A_263 : vector<16xi32>
        %parallel_loop3A_265 = arith.constant 63 : i32
        %parallel_loop3A_266 = vector.broadcast %parallel_loop3A_265 : i32 to vector<16xi32>
        %parallel_loop3A_267 = arith.andi %parallel_loop3A_264, %parallel_loop3A_266 : vector<16xi32>
        %parallel_loop3A_268 = tpu.vector_load_idx %arg13[%parallel_loop3A_115, %parallel_loop3A_267] : memref<80x64xi32, #tpu.memory_space<vmem>>[vector<16xi32>, vector<16xi32>], vector<16xi32>,
        %parallel_loop3A_269 = tpu.vector_load_idx %arg14[%parallel_loop3A_115, %parallel_loop3A_267] : memref<80x64xi32, #tpu.memory_space<vmem>>[vector<16xi32>, vector<16xi32>], vector<16xi32>,
        %parallel_loop3A_270 = vector.bitcast %parallel_loop3A_268 : vector<16xi32> to vector<32xbf16>
        %parallel_loop3A_271 = vector.bitcast %parallel_loop3A_269 : vector<16xi32> to vector<32xbf16>
        %parallel_loop3A_272 = arith.mulf %parallel_loop3A_270, %parallel_loop3A_271 : vector<32xbf16>
        %parallel_loop3A_273 = arith.addf %parallel_loop3A_261, %parallel_loop3A_272 : vector<32xbf16>
        %parallel_loop3A_274 = arith.constant 13 : i32
        %parallel_loop3A_275 = vector.broadcast %parallel_loop3A_274 : i32 to vector<16xi32>
        %parallel_loop3A_276 = arith.addi %iota3A, %parallel_loop3A_275 : vector<16xi32>
        %parallel_loop3A_277 = arith.constant 63 : i32
        %parallel_loop3A_278 = vector.broadcast %parallel_loop3A_277 : i32 to vector<16xi32>
        %parallel_loop3A_279 = arith.andi %parallel_loop3A_276, %parallel_loop3A_278 : vector<16xi32>
        %parallel_loop3A_280 = tpu.vector_load_idx %arg13[%parallel_loop3A_115, %parallel_loop3A_279] : memref<80x64xi32, #tpu.memory_space<vmem>>[vector<16xi32>, vector<16xi32>], vector<16xi32>,
        %parallel_loop3A_281 = tpu.vector_load_idx %arg14[%parallel_loop3A_115, %parallel_loop3A_279] : memref<80x64xi32, #tpu.memory_space<vmem>>[vector<16xi32>, vector<16xi32>], vector<16xi32>,
        %parallel_loop3A_282 = vector.bitcast %parallel_loop3A_280 : vector<16xi32> to vector<32xbf16>
        %parallel_loop3A_283 = vector.bitcast %parallel_loop3A_281 : vector<16xi32> to vector<32xbf16>
        %parallel_loop3A_284 = arith.mulf %parallel_loop3A_282, %parallel_loop3A_283 : vector<32xbf16>
        %parallel_loop3A_285 = arith.addf %parallel_loop3A_273, %parallel_loop3A_284 : vector<32xbf16>
        %parallel_loop3A_286 = arith.constant 14 : i32
        %parallel_loop3A_287 = vector.broadcast %parallel_loop3A_286 : i32 to vector<16xi32>
        %parallel_loop3A_288 = arith.addi %iota3A, %parallel_loop3A_287 : vector<16xi32>
        %parallel_loop3A_289 = arith.constant 63 : i32
        %parallel_loop3A_290 = vector.broadcast %parallel_loop3A_289 : i32 to vector<16xi32>
        %parallel_loop3A_291 = arith.andi %parallel_loop3A_288, %parallel_loop3A_290 : vector<16xi32>
        %parallel_loop3A_292 = tpu.vector_load_idx %arg13[%parallel_loop3A_115, %parallel_loop3A_291] : memref<80x64xi32, #tpu.memory_space<vmem>>[vector<16xi32>, vector<16xi32>], vector<16xi32>,
        %parallel_loop3A_293 = tpu.vector_load_idx %arg14[%parallel_loop3A_115, %parallel_loop3A_291] : memref<80x64xi32, #tpu.memory_space<vmem>>[vector<16xi32>, vector<16xi32>], vector<16xi32>,
        %parallel_loop3A_294 = vector.bitcast %parallel_loop3A_292 : vector<16xi32> to vector<32xbf16>
        %parallel_loop3A_295 = vector.bitcast %parallel_loop3A_293 : vector<16xi32> to vector<32xbf16>
        %parallel_loop3A_296 = arith.mulf %parallel_loop3A_294, %parallel_loop3A_295 : vector<32xbf16>
        %parallel_loop3A_297 = arith.addf %parallel_loop3A_285, %parallel_loop3A_296 : vector<32xbf16>
        %parallel_loop3A_298 = arith.constant 15 : i32
        %parallel_loop3A_299 = vector.broadcast %parallel_loop3A_298 : i32 to vector<16xi32>
        %parallel_loop3A_300 = arith.addi %iota3A, %parallel_loop3A_299 : vector<16xi32>
        %parallel_loop3A_301 = arith.constant 63 : i32
        %parallel_loop3A_302 = vector.broadcast %parallel_loop3A_301 : i32 to vector<16xi32>
        %parallel_loop3A_303 = arith.andi %parallel_loop3A_300, %parallel_loop3A_302 : vector<16xi32>
        %parallel_loop3A_304 = tpu.vector_load_idx %arg13[%parallel_loop3A_115, %parallel_loop3A_303] : memref<80x64xi32, #tpu.memory_space<vmem>>[vector<16xi32>, vector<16xi32>], vector<16xi32>,
        %parallel_loop3A_305 = tpu.vector_load_idx %arg14[%parallel_loop3A_115, %parallel_loop3A_303] : memref<80x64xi32, #tpu.memory_space<vmem>>[vector<16xi32>, vector<16xi32>], vector<16xi32>,
        %parallel_loop3A_306 = vector.bitcast %parallel_loop3A_304 : vector<16xi32> to vector<32xbf16>
        %parallel_loop3A_307 = vector.bitcast %parallel_loop3A_305 : vector<16xi32> to vector<32xbf16>
        %parallel_loop3A_308 = arith.mulf %parallel_loop3A_306, %parallel_loop3A_307 : vector<32xbf16>
        %parallel_loop3A_309 = arith.addf %parallel_loop3A_297, %parallel_loop3A_308 : vector<32xbf16>
        %parallel_loop3A_310 = arith.constant 16 : i32
        %parallel_loop3A_311 = vector.broadcast %parallel_loop3A_310 : i32 to vector<16xi32>
        %parallel_loop3A_312 = arith.addi %iota3A, %parallel_loop3A_311 : vector<16xi32>
        %parallel_loop3A_313 = arith.constant 63 : i32
        %parallel_loop3A_314 = vector.broadcast %parallel_loop3A_313 : i32 to vector<16xi32>
        %parallel_loop3A_315 = arith.andi %parallel_loop3A_312, %parallel_loop3A_314 : vector<16xi32>
        %parallel_loop3A_316 = tpu.vector_load_idx %arg13[%parallel_loop3A_115, %parallel_loop3A_315] : memref<80x64xi32, #tpu.memory_space<vmem>>[vector<16xi32>, vector<16xi32>], vector<16xi32>,
        %parallel_loop3A_317 = tpu.vector_load_idx %arg14[%parallel_loop3A_115, %parallel_loop3A_315] : memref<80x64xi32, #tpu.memory_space<vmem>>[vector<16xi32>, vector<16xi32>], vector<16xi32>,
        %parallel_loop3A_318 = vector.bitcast %parallel_loop3A_316 : vector<16xi32> to vector<32xbf16>
        %parallel_loop3A_319 = vector.bitcast %parallel_loop3A_317 : vector<16xi32> to vector<32xbf16>
        %parallel_loop3A_320 = arith.mulf %parallel_loop3A_318, %parallel_loop3A_319 : vector<32xbf16>
        %parallel_loop3A_321 = arith.addf %parallel_loop3A_309, %parallel_loop3A_320 : vector<32xbf16>
        %parallel_loop3A_322 = arith.constant 17 : i32
        %parallel_loop3A_323 = vector.broadcast %parallel_loop3A_322 : i32 to vector<16xi32>
        %parallel_loop3A_324 = arith.addi %iota3A, %parallel_loop3A_323 : vector<16xi32>
        %parallel_loop3A_325 = arith.constant 63 : i32
        %parallel_loop3A_326 = vector.broadcast %parallel_loop3A_325 : i32 to vector<16xi32>
        %parallel_loop3A_327 = arith.andi %parallel_loop3A_324, %parallel_loop3A_326 : vector<16xi32>
        %parallel_loop3A_328 = tpu.vector_load_idx %arg13[%parallel_loop3A_115, %parallel_loop3A_327] : memref<80x64xi32, #tpu.memory_space<vmem>>[vector<16xi32>, vector<16xi32>], vector<16xi32>,
        %parallel_loop3A_329 = tpu.vector_load_idx %arg14[%parallel_loop3A_115, %parallel_loop3A_327] : memref<80x64xi32, #tpu.memory_space<vmem>>[vector<16xi32>, vector<16xi32>], vector<16xi32>,
        %parallel_loop3A_330 = vector.bitcast %parallel_loop3A_328 : vector<16xi32> to vector<32xbf16>
        %parallel_loop3A_331 = vector.bitcast %parallel_loop3A_329 : vector<16xi32> to vector<32xbf16>
        %parallel_loop3A_332 = arith.mulf %parallel_loop3A_330, %parallel_loop3A_331 : vector<32xbf16>
        %parallel_loop3A_333 = arith.addf %parallel_loop3A_321, %parallel_loop3A_332 : vector<32xbf16>
        %parallel_loop3A_334 = arith.constant 18 : i32
        %parallel_loop3A_335 = vector.broadcast %parallel_loop3A_334 : i32 to vector<16xi32>
        %parallel_loop3A_336 = arith.addi %iota3A, %parallel_loop3A_335 : vector<16xi32>
        %parallel_loop3A_337 = arith.constant 63 : i32
        %parallel_loop3A_338 = vector.broadcast %parallel_loop3A_337 : i32 to vector<16xi32>
        %parallel_loop3A_339 = arith.andi %parallel_loop3A_336, %parallel_loop3A_338 : vector<16xi32>
        %parallel_loop3A_340 = tpu.vector_load_idx %arg13[%parallel_loop3A_115, %parallel_loop3A_339] : memref<80x64xi32, #tpu.memory_space<vmem>>[vector<16xi32>, vector<16xi32>], vector<16xi32>,
        %parallel_loop3A_341 = tpu.vector_load_idx %arg14[%parallel_loop3A_115, %parallel_loop3A_339] : memref<80x64xi32, #tpu.memory_space<vmem>>[vector<16xi32>, vector<16xi32>], vector<16xi32>,
        %parallel_loop3A_342 = vector.bitcast %parallel_loop3A_340 : vector<16xi32> to vector<32xbf16>
        %parallel_loop3A_343 = vector.bitcast %parallel_loop3A_341 : vector<16xi32> to vector<32xbf16>
        %parallel_loop3A_344 = arith.mulf %parallel_loop3A_342, %parallel_loop3A_343 : vector<32xbf16>
        %parallel_loop3A_345 = arith.addf %parallel_loop3A_333, %parallel_loop3A_344 : vector<32xbf16>
        %parallel_loop3A_346 = arith.constant 19 : i32
        %parallel_loop3A_347 = vector.broadcast %parallel_loop3A_346 : i32 to vector<16xi32>
        %parallel_loop3A_348 = arith.addi %iota3A, %parallel_loop3A_347 : vector<16xi32>
        %parallel_loop3A_349 = arith.constant 63 : i32
        %parallel_loop3A_350 = vector.broadcast %parallel_loop3A_349 : i32 to vector<16xi32>
        %parallel_loop3A_351 = arith.andi %parallel_loop3A_348, %parallel_loop3A_350 : vector<16xi32>
        %parallel_loop3A_352 = tpu.vector_load_idx %arg13[%parallel_loop3A_115, %parallel_loop3A_351] : memref<80x64xi32, #tpu.memory_space<vmem>>[vector<16xi32>, vector<16xi32>], vector<16xi32>,
        %parallel_loop3A_353 = tpu.vector_load_idx %arg14[%parallel_loop3A_115, %parallel_loop3A_351] : memref<80x64xi32, #tpu.memory_space<vmem>>[vector<16xi32>, vector<16xi32>], vector<16xi32>,
        %parallel_loop3A_354 = vector.bitcast %parallel_loop3A_352 : vector<16xi32> to vector<32xbf16>
        %parallel_loop3A_355 = vector.bitcast %parallel_loop3A_353 : vector<16xi32> to vector<32xbf16>
        %parallel_loop3A_356 = arith.mulf %parallel_loop3A_354, %parallel_loop3A_355 : vector<32xbf16>
        %parallel_loop3A_357 = arith.addf %parallel_loop3A_345, %parallel_loop3A_356 : vector<32xbf16>
        %parallel_loop3A_358 = arith.constant 20 : i32
        %parallel_loop3A_359 = vector.broadcast %parallel_loop3A_358 : i32 to vector<16xi32>
        %parallel_loop3A_360 = arith.addi %iota3A, %parallel_loop3A_359 : vector<16xi32>
        %parallel_loop3A_361 = arith.constant 63 : i32
        %parallel_loop3A_362 = vector.broadcast %parallel_loop3A_361 : i32 to vector<16xi32>
        %parallel_loop3A_363 = arith.andi %parallel_loop3A_360, %parallel_loop3A_362 : vector<16xi32>
        %parallel_loop3A_364 = tpu.vector_load_idx %arg13[%parallel_loop3A_115, %parallel_loop3A_363] : memref<80x64xi32, #tpu.memory_space<vmem>>[vector<16xi32>, vector<16xi32>], vector<16xi32>,
        %parallel_loop3A_365 = tpu.vector_load_idx %arg14[%parallel_loop3A_115, %parallel_loop3A_363] : memref<80x64xi32, #tpu.memory_space<vmem>>[vector<16xi32>, vector<16xi32>], vector<16xi32>,
        %parallel_loop3A_366 = vector.bitcast %parallel_loop3A_364 : vector<16xi32> to vector<32xbf16>
        %parallel_loop3A_367 = vector.bitcast %parallel_loop3A_365 : vector<16xi32> to vector<32xbf16>
        %parallel_loop3A_368 = arith.mulf %parallel_loop3A_366, %parallel_loop3A_367 : vector<32xbf16>
        %parallel_loop3A_369 = arith.addf %parallel_loop3A_357, %parallel_loop3A_368 : vector<32xbf16>
        %parallel_loop3A_370 = arith.constant 21 : i32
        %parallel_loop3A_371 = vector.broadcast %parallel_loop3A_370 : i32 to vector<16xi32>
        %parallel_loop3A_372 = arith.addi %iota3A, %parallel_loop3A_371 : vector<16xi32>
        %parallel_loop3A_373 = arith.constant 63 : i32
        %parallel_loop3A_374 = vector.broadcast %parallel_loop3A_373 : i32 to vector<16xi32>
        %parallel_loop3A_375 = arith.andi %parallel_loop3A_372, %parallel_loop3A_374 : vector<16xi32>
        %parallel_loop3A_376 = tpu.vector_load_idx %arg13[%parallel_loop3A_115, %parallel_loop3A_375] : memref<80x64xi32, #tpu.memory_space<vmem>>[vector<16xi32>, vector<16xi32>], vector<16xi32>,
        %parallel_loop3A_377 = tpu.vector_load_idx %arg14[%parallel_loop3A_115, %parallel_loop3A_375] : memref<80x64xi32, #tpu.memory_space<vmem>>[vector<16xi32>, vector<16xi32>], vector<16xi32>,
        %parallel_loop3A_378 = vector.bitcast %parallel_loop3A_376 : vector<16xi32> to vector<32xbf16>
        %parallel_loop3A_379 = vector.bitcast %parallel_loop3A_377 : vector<16xi32> to vector<32xbf16>
        %parallel_loop3A_380 = arith.mulf %parallel_loop3A_378, %parallel_loop3A_379 : vector<32xbf16>
        %parallel_loop3A_381 = arith.addf %parallel_loop3A_369, %parallel_loop3A_380 : vector<32xbf16>
        %parallel_loop3A_382 = arith.constant 22 : i32
        %parallel_loop3A_383 = vector.broadcast %parallel_loop3A_382 : i32 to vector<16xi32>
        %parallel_loop3A_384 = arith.addi %iota3A, %parallel_loop3A_383 : vector<16xi32>
        %parallel_loop3A_385 = arith.constant 63 : i32
        %parallel_loop3A_386 = vector.broadcast %parallel_loop3A_385 : i32 to vector<16xi32>
        %parallel_loop3A_387 = arith.andi %parallel_loop3A_384, %parallel_loop3A_386 : vector<16xi32>
        %parallel_loop3A_388 = tpu.vector_load_idx %arg13[%parallel_loop3A_115, %parallel_loop3A_387] : memref<80x64xi32, #tpu.memory_space<vmem>>[vector<16xi32>, vector<16xi32>], vector<16xi32>,
        %parallel_loop3A_389 = tpu.vector_load_idx %arg14[%parallel_loop3A_115, %parallel_loop3A_387] : memref<80x64xi32, #tpu.memory_space<vmem>>[vector<16xi32>, vector<16xi32>], vector<16xi32>,
        %parallel_loop3A_390 = vector.bitcast %parallel_loop3A_388 : vector<16xi32> to vector<32xbf16>
        %parallel_loop3A_391 = vector.bitcast %parallel_loop3A_389 : vector<16xi32> to vector<32xbf16>
        %parallel_loop3A_392 = arith.mulf %parallel_loop3A_390, %parallel_loop3A_391 : vector<32xbf16>
        %parallel_loop3A_393 = arith.addf %parallel_loop3A_381, %parallel_loop3A_392 : vector<32xbf16>
        %parallel_loop3A_394 = arith.constant 23 : i32
        %parallel_loop3A_395 = vector.broadcast %parallel_loop3A_394 : i32 to vector<16xi32>
        %parallel_loop3A_396 = arith.addi %iota3A, %parallel_loop3A_395 : vector<16xi32>
        %parallel_loop3A_397 = arith.constant 63 : i32
        %parallel_loop3A_398 = vector.broadcast %parallel_loop3A_397 : i32 to vector<16xi32>
        %parallel_loop3A_399 = arith.andi %parallel_loop3A_396, %parallel_loop3A_398 : vector<16xi32>
        %parallel_loop3A_400 = tpu.vector_load_idx %arg13[%parallel_loop3A_115, %parallel_loop3A_399] : memref<80x64xi32, #tpu.memory_space<vmem>>[vector<16xi32>, vector<16xi32>], vector<16xi32>,
        %parallel_loop3A_401 = tpu.vector_load_idx %arg14[%parallel_loop3A_115, %parallel_loop3A_399] : memref<80x64xi32, #tpu.memory_space<vmem>>[vector<16xi32>, vector<16xi32>], vector<16xi32>,
        %parallel_loop3A_402 = vector.bitcast %parallel_loop3A_400 : vector<16xi32> to vector<32xbf16>
        %parallel_loop3A_403 = vector.bitcast %parallel_loop3A_401 : vector<16xi32> to vector<32xbf16>
        %parallel_loop3A_404 = arith.mulf %parallel_loop3A_402, %parallel_loop3A_403 : vector<32xbf16>
        %parallel_loop3A_405 = arith.addf %parallel_loop3A_393, %parallel_loop3A_404 : vector<32xbf16>
        %parallel_loop3A_406 = arith.constant 24 : i32
        %parallel_loop3A_407 = vector.broadcast %parallel_loop3A_406 : i32 to vector<16xi32>
        %parallel_loop3A_408 = arith.addi %iota3A, %parallel_loop3A_407 : vector<16xi32>
        %parallel_loop3A_409 = arith.constant 63 : i32
        %parallel_loop3A_410 = vector.broadcast %parallel_loop3A_409 : i32 to vector<16xi32>
        %parallel_loop3A_411 = arith.andi %parallel_loop3A_408, %parallel_loop3A_410 : vector<16xi32>
        %parallel_loop3A_412 = tpu.vector_load_idx %arg13[%parallel_loop3A_115, %parallel_loop3A_411] : memref<80x64xi32, #tpu.memory_space<vmem>>[vector<16xi32>, vector<16xi32>], vector<16xi32>,
        %parallel_loop3A_413 = tpu.vector_load_idx %arg14[%parallel_loop3A_115, %parallel_loop3A_411] : memref<80x64xi32, #tpu.memory_space<vmem>>[vector<16xi32>, vector<16xi32>], vector<16xi32>,
        %parallel_loop3A_414 = vector.bitcast %parallel_loop3A_412 : vector<16xi32> to vector<32xbf16>
        %parallel_loop3A_415 = vector.bitcast %parallel_loop3A_413 : vector<16xi32> to vector<32xbf16>
        %parallel_loop3A_416 = arith.mulf %parallel_loop3A_414, %parallel_loop3A_415 : vector<32xbf16>
        %parallel_loop3A_417 = arith.addf %parallel_loop3A_405, %parallel_loop3A_416 : vector<32xbf16>
        %parallel_loop3A_418 = arith.constant 25 : i32
        %parallel_loop3A_419 = vector.broadcast %parallel_loop3A_418 : i32 to vector<16xi32>
        %parallel_loop3A_420 = arith.addi %iota3A, %parallel_loop3A_419 : vector<16xi32>
        %parallel_loop3A_421 = arith.constant 63 : i32
        %parallel_loop3A_422 = vector.broadcast %parallel_loop3A_421 : i32 to vector<16xi32>
        %parallel_loop3A_423 = arith.andi %parallel_loop3A_420, %parallel_loop3A_422 : vector<16xi32>
        %parallel_loop3A_424 = tpu.vector_load_idx %arg13[%parallel_loop3A_115, %parallel_loop3A_423] : memref<80x64xi32, #tpu.memory_space<vmem>>[vector<16xi32>, vector<16xi32>], vector<16xi32>,
        %parallel_loop3A_425 = tpu.vector_load_idx %arg14[%parallel_loop3A_115, %parallel_loop3A_423] : memref<80x64xi32, #tpu.memory_space<vmem>>[vector<16xi32>, vector<16xi32>], vector<16xi32>,
        %parallel_loop3A_426 = vector.bitcast %parallel_loop3A_424 : vector<16xi32> to vector<32xbf16>
        %parallel_loop3A_427 = vector.bitcast %parallel_loop3A_425 : vector<16xi32> to vector<32xbf16>
        %parallel_loop3A_428 = arith.mulf %parallel_loop3A_426, %parallel_loop3A_427 : vector<32xbf16>
        %parallel_loop3A_429 = arith.addf %parallel_loop3A_417, %parallel_loop3A_428 : vector<32xbf16>
        %parallel_loop3A_430 = arith.constant 26 : i32
        %parallel_loop3A_431 = vector.broadcast %parallel_loop3A_430 : i32 to vector<16xi32>
        %parallel_loop3A_432 = arith.addi %iota3A, %parallel_loop3A_431 : vector<16xi32>
        %parallel_loop3A_433 = arith.constant 63 : i32
        %parallel_loop3A_434 = vector.broadcast %parallel_loop3A_433 : i32 to vector<16xi32>
        %parallel_loop3A_435 = arith.andi %parallel_loop3A_432, %parallel_loop3A_434 : vector<16xi32>
        %parallel_loop3A_436 = tpu.vector_load_idx %arg13[%parallel_loop3A_115, %parallel_loop3A_435] : memref<80x64xi32, #tpu.memory_space<vmem>>[vector<16xi32>, vector<16xi32>], vector<16xi32>,
        %parallel_loop3A_437 = tpu.vector_load_idx %arg14[%parallel_loop3A_115, %parallel_loop3A_435] : memref<80x64xi32, #tpu.memory_space<vmem>>[vector<16xi32>, vector<16xi32>], vector<16xi32>,
        %parallel_loop3A_438 = vector.bitcast %parallel_loop3A_436 : vector<16xi32> to vector<32xbf16>
        %parallel_loop3A_439 = vector.bitcast %parallel_loop3A_437 : vector<16xi32> to vector<32xbf16>
        %parallel_loop3A_440 = arith.mulf %parallel_loop3A_438, %parallel_loop3A_439 : vector<32xbf16>
        %parallel_loop3A_441 = arith.addf %parallel_loop3A_429, %parallel_loop3A_440 : vector<32xbf16>
        %parallel_loop3A_442 = arith.constant 27 : i32
        %parallel_loop3A_443 = vector.broadcast %parallel_loop3A_442 : i32 to vector<16xi32>
        %parallel_loop3A_444 = arith.addi %iota3A, %parallel_loop3A_443 : vector<16xi32>
        %parallel_loop3A_445 = arith.constant 63 : i32
        %parallel_loop3A_446 = vector.broadcast %parallel_loop3A_445 : i32 to vector<16xi32>
        %parallel_loop3A_447 = arith.andi %parallel_loop3A_444, %parallel_loop3A_446 : vector<16xi32>
        %parallel_loop3A_448 = tpu.vector_load_idx %arg13[%parallel_loop3A_115, %parallel_loop3A_447] : memref<80x64xi32, #tpu.memory_space<vmem>>[vector<16xi32>, vector<16xi32>], vector<16xi32>,
        %parallel_loop3A_449 = tpu.vector_load_idx %arg14[%parallel_loop3A_115, %parallel_loop3A_447] : memref<80x64xi32, #tpu.memory_space<vmem>>[vector<16xi32>, vector<16xi32>], vector<16xi32>,
        %parallel_loop3A_450 = vector.bitcast %parallel_loop3A_448 : vector<16xi32> to vector<32xbf16>
        %parallel_loop3A_451 = vector.bitcast %parallel_loop3A_449 : vector<16xi32> to vector<32xbf16>
        %parallel_loop3A_452 = arith.mulf %parallel_loop3A_450, %parallel_loop3A_451 : vector<32xbf16>
        %parallel_loop3A_453 = arith.addf %parallel_loop3A_441, %parallel_loop3A_452 : vector<32xbf16>
        %parallel_loop3A_454 = arith.constant 28 : i32
        %parallel_loop3A_455 = vector.broadcast %parallel_loop3A_454 : i32 to vector<16xi32>
        %parallel_loop3A_456 = arith.addi %iota3A, %parallel_loop3A_455 : vector<16xi32>
        %parallel_loop3A_457 = arith.constant 63 : i32
        %parallel_loop3A_458 = vector.broadcast %parallel_loop3A_457 : i32 to vector<16xi32>
        %parallel_loop3A_459 = arith.andi %parallel_loop3A_456, %parallel_loop3A_458 : vector<16xi32>
        %parallel_loop3A_460 = tpu.vector_load_idx %arg13[%parallel_loop3A_115, %parallel_loop3A_459] : memref<80x64xi32, #tpu.memory_space<vmem>>[vector<16xi32>, vector<16xi32>], vector<16xi32>,
        %parallel_loop3A_461 = tpu.vector_load_idx %arg14[%parallel_loop3A_115, %parallel_loop3A_459] : memref<80x64xi32, #tpu.memory_space<vmem>>[vector<16xi32>, vector<16xi32>], vector<16xi32>,
        %parallel_loop3A_462 = vector.bitcast %parallel_loop3A_460 : vector<16xi32> to vector<32xbf16>
        %parallel_loop3A_463 = vector.bitcast %parallel_loop3A_461 : vector<16xi32> to vector<32xbf16>
        %parallel_loop3A_464 = arith.mulf %parallel_loop3A_462, %parallel_loop3A_463 : vector<32xbf16>
        %parallel_loop3A_465 = arith.addf %parallel_loop3A_453, %parallel_loop3A_464 : vector<32xbf16>
        %parallel_loop3A_466 = arith.constant 29 : i32
        %parallel_loop3A_467 = vector.broadcast %parallel_loop3A_466 : i32 to vector<16xi32>
        %parallel_loop3A_468 = arith.addi %iota3A, %parallel_loop3A_467 : vector<16xi32>
        %parallel_loop3A_469 = arith.constant 63 : i32
        %parallel_loop3A_470 = vector.broadcast %parallel_loop3A_469 : i32 to vector<16xi32>
        %parallel_loop3A_471 = arith.andi %parallel_loop3A_468, %parallel_loop3A_470 : vector<16xi32>
        %parallel_loop3A_472 = tpu.vector_load_idx %arg13[%parallel_loop3A_115, %parallel_loop3A_471] : memref<80x64xi32, #tpu.memory_space<vmem>>[vector<16xi32>, vector<16xi32>], vector<16xi32>,
        %parallel_loop3A_473 = tpu.vector_load_idx %arg14[%parallel_loop3A_115, %parallel_loop3A_471] : memref<80x64xi32, #tpu.memory_space<vmem>>[vector<16xi32>, vector<16xi32>], vector<16xi32>,
        %parallel_loop3A_474 = vector.bitcast %parallel_loop3A_472 : vector<16xi32> to vector<32xbf16>
        %parallel_loop3A_475 = vector.bitcast %parallel_loop3A_473 : vector<16xi32> to vector<32xbf16>
        %parallel_loop3A_476 = arith.mulf %parallel_loop3A_474, %parallel_loop3A_475 : vector<32xbf16>
        %parallel_loop3A_477 = arith.addf %parallel_loop3A_465, %parallel_loop3A_476 : vector<32xbf16>
        %parallel_loop3A_478 = arith.constant 30 : i32
        %parallel_loop3A_479 = vector.broadcast %parallel_loop3A_478 : i32 to vector<16xi32>
        %parallel_loop3A_480 = arith.addi %iota3A, %parallel_loop3A_479 : vector<16xi32>
        %parallel_loop3A_481 = arith.constant 63 : i32
        %parallel_loop3A_482 = vector.broadcast %parallel_loop3A_481 : i32 to vector<16xi32>
        %parallel_loop3A_483 = arith.andi %parallel_loop3A_480, %parallel_loop3A_482 : vector<16xi32>
        %parallel_loop3A_484 = tpu.vector_load_idx %arg13[%parallel_loop3A_115, %parallel_loop3A_483] : memref<80x64xi32, #tpu.memory_space<vmem>>[vector<16xi32>, vector<16xi32>], vector<16xi32>,
        %parallel_loop3A_485 = tpu.vector_load_idx %arg14[%parallel_loop3A_115, %parallel_loop3A_483] : memref<80x64xi32, #tpu.memory_space<vmem>>[vector<16xi32>, vector<16xi32>], vector<16xi32>,
        %parallel_loop3A_486 = vector.bitcast %parallel_loop3A_484 : vector<16xi32> to vector<32xbf16>
        %parallel_loop3A_487 = vector.bitcast %parallel_loop3A_485 : vector<16xi32> to vector<32xbf16>
        %parallel_loop3A_488 = arith.mulf %parallel_loop3A_486, %parallel_loop3A_487 : vector<32xbf16>
        %parallel_loop3A_489 = arith.addf %parallel_loop3A_477, %parallel_loop3A_488 : vector<32xbf16>
        %parallel_loop3A_490 = arith.constant 31 : i32
        %parallel_loop3A_491 = vector.broadcast %parallel_loop3A_490 : i32 to vector<16xi32>
        %parallel_loop3A_492 = arith.addi %iota3A, %parallel_loop3A_491 : vector<16xi32>
        %parallel_loop3A_493 = arith.constant 63 : i32
        %parallel_loop3A_494 = vector.broadcast %parallel_loop3A_493 : i32 to vector<16xi32>
        %parallel_loop3A_495 = arith.andi %parallel_loop3A_492, %parallel_loop3A_494 : vector<16xi32>
        %parallel_loop3A_496 = tpu.vector_load_idx %arg13[%parallel_loop3A_115, %parallel_loop3A_495] : memref<80x64xi32, #tpu.memory_space<vmem>>[vector<16xi32>, vector<16xi32>], vector<16xi32>,
        %parallel_loop3A_497 = tpu.vector_load_idx %arg14[%parallel_loop3A_115, %parallel_loop3A_495] : memref<80x64xi32, #tpu.memory_space<vmem>>[vector<16xi32>, vector<16xi32>], vector<16xi32>,
        %parallel_loop3A_498 = vector.bitcast %parallel_loop3A_496 : vector<16xi32> to vector<32xbf16>
        %parallel_loop3A_499 = vector.bitcast %parallel_loop3A_497 : vector<16xi32> to vector<32xbf16>
        %parallel_loop3A_500 = arith.mulf %parallel_loop3A_498, %parallel_loop3A_499 : vector<32xbf16>
        %parallel_loop3A_501 = arith.addf %parallel_loop3A_489, %parallel_loop3A_500 : vector<32xbf16>
        %parallel_loop3A_502 = arith.constant 32 : i32
        %parallel_loop3A_503 = vector.broadcast %parallel_loop3A_502 : i32 to vector<16xi32>
        %parallel_loop3A_504 = arith.addi %iota3A, %parallel_loop3A_503 : vector<16xi32>
        %parallel_loop3A_505 = arith.constant 63 : i32
        %parallel_loop3A_506 = vector.broadcast %parallel_loop3A_505 : i32 to vector<16xi32>
        %parallel_loop3A_507 = arith.andi %parallel_loop3A_504, %parallel_loop3A_506 : vector<16xi32>
        %parallel_loop3A_508 = tpu.vector_load_idx %arg13[%parallel_loop3A_115, %parallel_loop3A_507] : memref<80x64xi32, #tpu.memory_space<vmem>>[vector<16xi32>, vector<16xi32>], vector<16xi32>,
        %parallel_loop3A_509 = tpu.vector_load_idx %arg14[%parallel_loop3A_115, %parallel_loop3A_507] : memref<80x64xi32, #tpu.memory_space<vmem>>[vector<16xi32>, vector<16xi32>], vector<16xi32>,
        %parallel_loop3A_510 = vector.bitcast %parallel_loop3A_508 : vector<16xi32> to vector<32xbf16>
        %parallel_loop3A_511 = vector.bitcast %parallel_loop3A_509 : vector<16xi32> to vector<32xbf16>
        %parallel_loop3A_512 = arith.mulf %parallel_loop3A_510, %parallel_loop3A_511 : vector<32xbf16>
        %parallel_loop3A_513 = arith.addf %parallel_loop3A_501, %parallel_loop3A_512 : vector<32xbf16>
        %parallel_loop3A_514 = arith.constant 33 : i32
        %parallel_loop3A_515 = vector.broadcast %parallel_loop3A_514 : i32 to vector<16xi32>
        %parallel_loop3A_516 = arith.addi %iota3A, %parallel_loop3A_515 : vector<16xi32>
        %parallel_loop3A_517 = arith.constant 63 : i32
        %parallel_loop3A_518 = vector.broadcast %parallel_loop3A_517 : i32 to vector<16xi32>
        %parallel_loop3A_519 = arith.andi %parallel_loop3A_516, %parallel_loop3A_518 : vector<16xi32>
        %parallel_loop3A_520 = tpu.vector_load_idx %arg13[%parallel_loop3A_115, %parallel_loop3A_519] : memref<80x64xi32, #tpu.memory_space<vmem>>[vector<16xi32>, vector<16xi32>], vector<16xi32>,
        %parallel_loop3A_521 = tpu.vector_load_idx %arg14[%parallel_loop3A_115, %parallel_loop3A_519] : memref<80x64xi32, #tpu.memory_space<vmem>>[vector<16xi32>, vector<16xi32>], vector<16xi32>,
        %parallel_loop3A_522 = vector.bitcast %parallel_loop3A_520 : vector<16xi32> to vector<32xbf16>
        %parallel_loop3A_523 = vector.bitcast %parallel_loop3A_521 : vector<16xi32> to vector<32xbf16>
        %parallel_loop3A_524 = arith.mulf %parallel_loop3A_522, %parallel_loop3A_523 : vector<32xbf16>
        %parallel_loop3A_525 = arith.addf %parallel_loop3A_513, %parallel_loop3A_524 : vector<32xbf16>
        %parallel_loop3A_526 = arith.constant 34 : i32
        %parallel_loop3A_527 = vector.broadcast %parallel_loop3A_526 : i32 to vector<16xi32>
        %parallel_loop3A_528 = arith.addi %iota3A, %parallel_loop3A_527 : vector<16xi32>
        %parallel_loop3A_529 = arith.constant 63 : i32
        %parallel_loop3A_530 = vector.broadcast %parallel_loop3A_529 : i32 to vector<16xi32>
        %parallel_loop3A_531 = arith.andi %parallel_loop3A_528, %parallel_loop3A_530 : vector<16xi32>
        %parallel_loop3A_532 = tpu.vector_load_idx %arg13[%parallel_loop3A_115, %parallel_loop3A_531] : memref<80x64xi32, #tpu.memory_space<vmem>>[vector<16xi32>, vector<16xi32>], vector<16xi32>,
        %parallel_loop3A_533 = tpu.vector_load_idx %arg14[%parallel_loop3A_115, %parallel_loop3A_531] : memref<80x64xi32, #tpu.memory_space<vmem>>[vector<16xi32>, vector<16xi32>], vector<16xi32>,
        %parallel_loop3A_534 = vector.bitcast %parallel_loop3A_532 : vector<16xi32> to vector<32xbf16>
        %parallel_loop3A_535 = vector.bitcast %parallel_loop3A_533 : vector<16xi32> to vector<32xbf16>
        %parallel_loop3A_536 = arith.mulf %parallel_loop3A_534, %parallel_loop3A_535 : vector<32xbf16>
        %parallel_loop3A_537 = arith.addf %parallel_loop3A_525, %parallel_loop3A_536 : vector<32xbf16>
        %parallel_loop3A_538 = arith.constant 35 : i32
        %parallel_loop3A_539 = vector.broadcast %parallel_loop3A_538 : i32 to vector<16xi32>
        %parallel_loop3A_540 = arith.addi %iota3A, %parallel_loop3A_539 : vector<16xi32>
        %parallel_loop3A_541 = arith.constant 63 : i32
        %parallel_loop3A_542 = vector.broadcast %parallel_loop3A_541 : i32 to vector<16xi32>
        %parallel_loop3A_543 = arith.andi %parallel_loop3A_540, %parallel_loop3A_542 : vector<16xi32>
        %parallel_loop3A_544 = tpu.vector_load_idx %arg13[%parallel_loop3A_115, %parallel_loop3A_543] : memref<80x64xi32, #tpu.memory_space<vmem>>[vector<16xi32>, vector<16xi32>], vector<16xi32>,
        %parallel_loop3A_545 = tpu.vector_load_idx %arg14[%parallel_loop3A_115, %parallel_loop3A_543] : memref<80x64xi32, #tpu.memory_space<vmem>>[vector<16xi32>, vector<16xi32>], vector<16xi32>,
        %parallel_loop3A_546 = vector.bitcast %parallel_loop3A_544 : vector<16xi32> to vector<32xbf16>
        %parallel_loop3A_547 = vector.bitcast %parallel_loop3A_545 : vector<16xi32> to vector<32xbf16>
        %parallel_loop3A_548 = arith.mulf %parallel_loop3A_546, %parallel_loop3A_547 : vector<32xbf16>
        %parallel_loop3A_549 = arith.addf %parallel_loop3A_537, %parallel_loop3A_548 : vector<32xbf16>
        %parallel_loop3A_550 = arith.constant 36 : i32
        %parallel_loop3A_551 = vector.broadcast %parallel_loop3A_550 : i32 to vector<16xi32>
        %parallel_loop3A_552 = arith.addi %iota3A, %parallel_loop3A_551 : vector<16xi32>
        %parallel_loop3A_553 = arith.constant 63 : i32
        %parallel_loop3A_554 = vector.broadcast %parallel_loop3A_553 : i32 to vector<16xi32>
        %parallel_loop3A_555 = arith.andi %parallel_loop3A_552, %parallel_loop3A_554 : vector<16xi32>
        %parallel_loop3A_556 = tpu.vector_load_idx %arg13[%parallel_loop3A_115, %parallel_loop3A_555] : memref<80x64xi32, #tpu.memory_space<vmem>>[vector<16xi32>, vector<16xi32>], vector<16xi32>,
        %parallel_loop3A_557 = tpu.vector_load_idx %arg14[%parallel_loop3A_115, %parallel_loop3A_555] : memref<80x64xi32, #tpu.memory_space<vmem>>[vector<16xi32>, vector<16xi32>], vector<16xi32>,
        %parallel_loop3A_558 = vector.bitcast %parallel_loop3A_556 : vector<16xi32> to vector<32xbf16>
        %parallel_loop3A_559 = vector.bitcast %parallel_loop3A_557 : vector<16xi32> to vector<32xbf16>
        %parallel_loop3A_560 = arith.mulf %parallel_loop3A_558, %parallel_loop3A_559 : vector<32xbf16>
        %parallel_loop3A_561 = arith.addf %parallel_loop3A_549, %parallel_loop3A_560 : vector<32xbf16>
        %parallel_loop3A_562 = arith.constant 37 : i32
        %parallel_loop3A_563 = vector.broadcast %parallel_loop3A_562 : i32 to vector<16xi32>
        %parallel_loop3A_564 = arith.addi %iota3A, %parallel_loop3A_563 : vector<16xi32>
        %parallel_loop3A_565 = arith.constant 63 : i32
        %parallel_loop3A_566 = vector.broadcast %parallel_loop3A_565 : i32 to vector<16xi32>
        %parallel_loop3A_567 = arith.andi %parallel_loop3A_564, %parallel_loop3A_566 : vector<16xi32>
        %parallel_loop3A_568 = tpu.vector_load_idx %arg13[%parallel_loop3A_115, %parallel_loop3A_567] : memref<80x64xi32, #tpu.memory_space<vmem>>[vector<16xi32>, vector<16xi32>], vector<16xi32>,
        %parallel_loop3A_569 = tpu.vector_load_idx %arg14[%parallel_loop3A_115, %parallel_loop3A_567] : memref<80x64xi32, #tpu.memory_space<vmem>>[vector<16xi32>, vector<16xi32>], vector<16xi32>,
        %parallel_loop3A_570 = vector.bitcast %parallel_loop3A_568 : vector<16xi32> to vector<32xbf16>
        %parallel_loop3A_571 = vector.bitcast %parallel_loop3A_569 : vector<16xi32> to vector<32xbf16>
        %parallel_loop3A_572 = arith.mulf %parallel_loop3A_570, %parallel_loop3A_571 : vector<32xbf16>
        %parallel_loop3A_573 = arith.addf %parallel_loop3A_561, %parallel_loop3A_572 : vector<32xbf16>
        %parallel_loop3A_574 = arith.constant 38 : i32
        %parallel_loop3A_575 = vector.broadcast %parallel_loop3A_574 : i32 to vector<16xi32>
        %parallel_loop3A_576 = arith.addi %iota3A, %parallel_loop3A_575 : vector<16xi32>
        %parallel_loop3A_577 = arith.constant 63 : i32
        %parallel_loop3A_578 = vector.broadcast %parallel_loop3A_577 : i32 to vector<16xi32>
        %parallel_loop3A_579 = arith.andi %parallel_loop3A_576, %parallel_loop3A_578 : vector<16xi32>
        %parallel_loop3A_580 = tpu.vector_load_idx %arg13[%parallel_loop3A_115, %parallel_loop3A_579] : memref<80x64xi32, #tpu.memory_space<vmem>>[vector<16xi32>, vector<16xi32>], vector<16xi32>,
        %parallel_loop3A_581 = tpu.vector_load_idx %arg14[%parallel_loop3A_115, %parallel_loop3A_579] : memref<80x64xi32, #tpu.memory_space<vmem>>[vector<16xi32>, vector<16xi32>], vector<16xi32>,
        %parallel_loop3A_582 = vector.bitcast %parallel_loop3A_580 : vector<16xi32> to vector<32xbf16>
        %parallel_loop3A_583 = vector.bitcast %parallel_loop3A_581 : vector<16xi32> to vector<32xbf16>
        %parallel_loop3A_584 = arith.mulf %parallel_loop3A_582, %parallel_loop3A_583 : vector<32xbf16>
        %parallel_loop3A_585 = arith.addf %parallel_loop3A_573, %parallel_loop3A_584 : vector<32xbf16>
        %parallel_loop3A_586 = arith.constant 39 : i32
        %parallel_loop3A_587 = vector.broadcast %parallel_loop3A_586 : i32 to vector<16xi32>
        %parallel_loop3A_588 = arith.addi %iota3A, %parallel_loop3A_587 : vector<16xi32>
        %parallel_loop3A_589 = arith.constant 63 : i32
        %parallel_loop3A_590 = vector.broadcast %parallel_loop3A_589 : i32 to vector<16xi32>
        %parallel_loop3A_591 = arith.andi %parallel_loop3A_588, %parallel_loop3A_590 : vector<16xi32>
        %parallel_loop3A_592 = tpu.vector_load_idx %arg13[%parallel_loop3A_115, %parallel_loop3A_591] : memref<80x64xi32, #tpu.memory_space<vmem>>[vector<16xi32>, vector<16xi32>], vector<16xi32>,
        %parallel_loop3A_593 = tpu.vector_load_idx %arg14[%parallel_loop3A_115, %parallel_loop3A_591] : memref<80x64xi32, #tpu.memory_space<vmem>>[vector<16xi32>, vector<16xi32>], vector<16xi32>,
        %parallel_loop3A_594 = vector.bitcast %parallel_loop3A_592 : vector<16xi32> to vector<32xbf16>
        %parallel_loop3A_595 = vector.bitcast %parallel_loop3A_593 : vector<16xi32> to vector<32xbf16>
        %parallel_loop3A_596 = arith.mulf %parallel_loop3A_594, %parallel_loop3A_595 : vector<32xbf16>
        %parallel_loop3A_597 = arith.addf %parallel_loop3A_585, %parallel_loop3A_596 : vector<32xbf16>
        %parallel_loop3A_598 = arith.constant 40 : i32
        %parallel_loop3A_599 = vector.broadcast %parallel_loop3A_598 : i32 to vector<16xi32>
        %parallel_loop3A_600 = arith.addi %iota3A, %parallel_loop3A_599 : vector<16xi32>
        %parallel_loop3A_601 = arith.constant 63 : i32
        %parallel_loop3A_602 = vector.broadcast %parallel_loop3A_601 : i32 to vector<16xi32>
        %parallel_loop3A_603 = arith.andi %parallel_loop3A_600, %parallel_loop3A_602 : vector<16xi32>
        %parallel_loop3A_604 = tpu.vector_load_idx %arg13[%parallel_loop3A_115, %parallel_loop3A_603] : memref<80x64xi32, #tpu.memory_space<vmem>>[vector<16xi32>, vector<16xi32>], vector<16xi32>,
        %parallel_loop3A_605 = tpu.vector_load_idx %arg14[%parallel_loop3A_115, %parallel_loop3A_603] : memref<80x64xi32, #tpu.memory_space<vmem>>[vector<16xi32>, vector<16xi32>], vector<16xi32>,
        %parallel_loop3A_606 = vector.bitcast %parallel_loop3A_604 : vector<16xi32> to vector<32xbf16>
        %parallel_loop3A_607 = vector.bitcast %parallel_loop3A_605 : vector<16xi32> to vector<32xbf16>
        %parallel_loop3A_608 = arith.mulf %parallel_loop3A_606, %parallel_loop3A_607 : vector<32xbf16>
        %parallel_loop3A_609 = arith.addf %parallel_loop3A_597, %parallel_loop3A_608 : vector<32xbf16>
        %parallel_loop3A_610 = arith.constant 41 : i32
        %parallel_loop3A_611 = vector.broadcast %parallel_loop3A_610 : i32 to vector<16xi32>
        %parallel_loop3A_612 = arith.addi %iota3A, %parallel_loop3A_611 : vector<16xi32>
        %parallel_loop3A_613 = arith.constant 63 : i32
        %parallel_loop3A_614 = vector.broadcast %parallel_loop3A_613 : i32 to vector<16xi32>
        %parallel_loop3A_615 = arith.andi %parallel_loop3A_612, %parallel_loop3A_614 : vector<16xi32>
        %parallel_loop3A_616 = tpu.vector_load_idx %arg13[%parallel_loop3A_115, %parallel_loop3A_615] : memref<80x64xi32, #tpu.memory_space<vmem>>[vector<16xi32>, vector<16xi32>], vector<16xi32>,
        %parallel_loop3A_617 = tpu.vector_load_idx %arg14[%parallel_loop3A_115, %parallel_loop3A_615] : memref<80x64xi32, #tpu.memory_space<vmem>>[vector<16xi32>, vector<16xi32>], vector<16xi32>,
        %parallel_loop3A_618 = vector.bitcast %parallel_loop3A_616 : vector<16xi32> to vector<32xbf16>
        %parallel_loop3A_619 = vector.bitcast %parallel_loop3A_617 : vector<16xi32> to vector<32xbf16>
        %parallel_loop3A_620 = arith.mulf %parallel_loop3A_618, %parallel_loop3A_619 : vector<32xbf16>
        %parallel_loop3A_621 = arith.addf %parallel_loop3A_609, %parallel_loop3A_620 : vector<32xbf16>
        %parallel_loop3A_622 = arith.constant 42 : i32
        %parallel_loop3A_623 = vector.broadcast %parallel_loop3A_622 : i32 to vector<16xi32>
        %parallel_loop3A_624 = arith.addi %iota3A, %parallel_loop3A_623 : vector<16xi32>
        %parallel_loop3A_625 = arith.constant 63 : i32
        %parallel_loop3A_626 = vector.broadcast %parallel_loop3A_625 : i32 to vector<16xi32>
        %parallel_loop3A_627 = arith.andi %parallel_loop3A_624, %parallel_loop3A_626 : vector<16xi32>
        %parallel_loop3A_628 = tpu.vector_load_idx %arg13[%parallel_loop3A_115, %parallel_loop3A_627] : memref<80x64xi32, #tpu.memory_space<vmem>>[vector<16xi32>, vector<16xi32>], vector<16xi32>,
        %parallel_loop3A_629 = tpu.vector_load_idx %arg14[%parallel_loop3A_115, %parallel_loop3A_627] : memref<80x64xi32, #tpu.memory_space<vmem>>[vector<16xi32>, vector<16xi32>], vector<16xi32>,
        %parallel_loop3A_630 = vector.bitcast %parallel_loop3A_628 : vector<16xi32> to vector<32xbf16>
        %parallel_loop3A_631 = vector.bitcast %parallel_loop3A_629 : vector<16xi32> to vector<32xbf16>
        %parallel_loop3A_632 = arith.mulf %parallel_loop3A_630, %parallel_loop3A_631 : vector<32xbf16>
        %parallel_loop3A_633 = arith.addf %parallel_loop3A_621, %parallel_loop3A_632 : vector<32xbf16>
        %parallel_loop3A_634 = arith.constant 43 : i32
        %parallel_loop3A_635 = vector.broadcast %parallel_loop3A_634 : i32 to vector<16xi32>
        %parallel_loop3A_636 = arith.addi %iota3A, %parallel_loop3A_635 : vector<16xi32>
        %parallel_loop3A_637 = arith.constant 63 : i32
        %parallel_loop3A_638 = vector.broadcast %parallel_loop3A_637 : i32 to vector<16xi32>
        %parallel_loop3A_639 = arith.andi %parallel_loop3A_636, %parallel_loop3A_638 : vector<16xi32>
        %parallel_loop3A_640 = tpu.vector_load_idx %arg13[%parallel_loop3A_115, %parallel_loop3A_639] : memref<80x64xi32, #tpu.memory_space<vmem>>[vector<16xi32>, vector<16xi32>], vector<16xi32>,
        %parallel_loop3A_641 = tpu.vector_load_idx %arg14[%parallel_loop3A_115, %parallel_loop3A_639] : memref<80x64xi32, #tpu.memory_space<vmem>>[vector<16xi32>, vector<16xi32>], vector<16xi32>,
        %parallel_loop3A_642 = vector.bitcast %parallel_loop3A_640 : vector<16xi32> to vector<32xbf16>
        %parallel_loop3A_643 = vector.bitcast %parallel_loop3A_641 : vector<16xi32> to vector<32xbf16>
        %parallel_loop3A_644 = arith.mulf %parallel_loop3A_642, %parallel_loop3A_643 : vector<32xbf16>
        %parallel_loop3A_645 = arith.addf %parallel_loop3A_633, %parallel_loop3A_644 : vector<32xbf16>
        %parallel_loop3A_646 = arith.constant 44 : i32
        %parallel_loop3A_647 = vector.broadcast %parallel_loop3A_646 : i32 to vector<16xi32>
        %parallel_loop3A_648 = arith.addi %iota3A, %parallel_loop3A_647 : vector<16xi32>
        %parallel_loop3A_649 = arith.constant 63 : i32
        %parallel_loop3A_650 = vector.broadcast %parallel_loop3A_649 : i32 to vector<16xi32>
        %parallel_loop3A_651 = arith.andi %parallel_loop3A_648, %parallel_loop3A_650 : vector<16xi32>
        %parallel_loop3A_652 = tpu.vector_load_idx %arg13[%parallel_loop3A_115, %parallel_loop3A_651] : memref<80x64xi32, #tpu.memory_space<vmem>>[vector<16xi32>, vector<16xi32>], vector<16xi32>,
        %parallel_loop3A_653 = tpu.vector_load_idx %arg14[%parallel_loop3A_115, %parallel_loop3A_651] : memref<80x64xi32, #tpu.memory_space<vmem>>[vector<16xi32>, vector<16xi32>], vector<16xi32>,
        %parallel_loop3A_654 = vector.bitcast %parallel_loop3A_652 : vector<16xi32> to vector<32xbf16>
        %parallel_loop3A_655 = vector.bitcast %parallel_loop3A_653 : vector<16xi32> to vector<32xbf16>
        %parallel_loop3A_656 = arith.mulf %parallel_loop3A_654, %parallel_loop3A_655 : vector<32xbf16>
        %parallel_loop3A_657 = arith.addf %parallel_loop3A_645, %parallel_loop3A_656 : vector<32xbf16>
        %parallel_loop3A_658 = arith.constant 45 : i32
        %parallel_loop3A_659 = vector.broadcast %parallel_loop3A_658 : i32 to vector<16xi32>
        %parallel_loop3A_660 = arith.addi %iota3A, %parallel_loop3A_659 : vector<16xi32>
        %parallel_loop3A_661 = arith.constant 63 : i32
        %parallel_loop3A_662 = vector.broadcast %parallel_loop3A_661 : i32 to vector<16xi32>
        %parallel_loop3A_663 = arith.andi %parallel_loop3A_660, %parallel_loop3A_662 : vector<16xi32>
        %parallel_loop3A_664 = tpu.vector_load_idx %arg13[%parallel_loop3A_115, %parallel_loop3A_663] : memref<80x64xi32, #tpu.memory_space<vmem>>[vector<16xi32>, vector<16xi32>], vector<16xi32>,
        %parallel_loop3A_665 = tpu.vector_load_idx %arg14[%parallel_loop3A_115, %parallel_loop3A_663] : memref<80x64xi32, #tpu.memory_space<vmem>>[vector<16xi32>, vector<16xi32>], vector<16xi32>,
        %parallel_loop3A_666 = vector.bitcast %parallel_loop3A_664 : vector<16xi32> to vector<32xbf16>
        %parallel_loop3A_667 = vector.bitcast %parallel_loop3A_665 : vector<16xi32> to vector<32xbf16>
        %parallel_loop3A_668 = arith.mulf %parallel_loop3A_666, %parallel_loop3A_667 : vector<32xbf16>
        %parallel_loop3A_669 = arith.addf %parallel_loop3A_657, %parallel_loop3A_668 : vector<32xbf16>
        %parallel_loop3A_670 = arith.constant 46 : i32
        %parallel_loop3A_671 = vector.broadcast %parallel_loop3A_670 : i32 to vector<16xi32>
        %parallel_loop3A_672 = arith.addi %iota3A, %parallel_loop3A_671 : vector<16xi32>
        %parallel_loop3A_673 = arith.constant 63 : i32
        %parallel_loop3A_674 = vector.broadcast %parallel_loop3A_673 : i32 to vector<16xi32>
        %parallel_loop3A_675 = arith.andi %parallel_loop3A_672, %parallel_loop3A_674 : vector<16xi32>
        %parallel_loop3A_676 = tpu.vector_load_idx %arg13[%parallel_loop3A_115, %parallel_loop3A_675] : memref<80x64xi32, #tpu.memory_space<vmem>>[vector<16xi32>, vector<16xi32>], vector<16xi32>,
        %parallel_loop3A_677 = tpu.vector_load_idx %arg14[%parallel_loop3A_115, %parallel_loop3A_675] : memref<80x64xi32, #tpu.memory_space<vmem>>[vector<16xi32>, vector<16xi32>], vector<16xi32>,
        %parallel_loop3A_678 = vector.bitcast %parallel_loop3A_676 : vector<16xi32> to vector<32xbf16>
        %parallel_loop3A_679 = vector.bitcast %parallel_loop3A_677 : vector<16xi32> to vector<32xbf16>
        %parallel_loop3A_680 = arith.mulf %parallel_loop3A_678, %parallel_loop3A_679 : vector<32xbf16>
        %parallel_loop3A_681 = arith.addf %parallel_loop3A_669, %parallel_loop3A_680 : vector<32xbf16>
        %parallel_loop3A_682 = arith.constant 47 : i32
        %parallel_loop3A_683 = vector.broadcast %parallel_loop3A_682 : i32 to vector<16xi32>
        %parallel_loop3A_684 = arith.addi %iota3A, %parallel_loop3A_683 : vector<16xi32>
        %parallel_loop3A_685 = arith.constant 63 : i32
        %parallel_loop3A_686 = vector.broadcast %parallel_loop3A_685 : i32 to vector<16xi32>
        %parallel_loop3A_687 = arith.andi %parallel_loop3A_684, %parallel_loop3A_686 : vector<16xi32>
        %parallel_loop3A_688 = tpu.vector_load_idx %arg13[%parallel_loop3A_115, %parallel_loop3A_687] : memref<80x64xi32, #tpu.memory_space<vmem>>[vector<16xi32>, vector<16xi32>], vector<16xi32>,
        %parallel_loop3A_689 = tpu.vector_load_idx %arg14[%parallel_loop3A_115, %parallel_loop3A_687] : memref<80x64xi32, #tpu.memory_space<vmem>>[vector<16xi32>, vector<16xi32>], vector<16xi32>,
        %parallel_loop3A_690 = vector.bitcast %parallel_loop3A_688 : vector<16xi32> to vector<32xbf16>
        %parallel_loop3A_691 = vector.bitcast %parallel_loop3A_689 : vector<16xi32> to vector<32xbf16>
        %parallel_loop3A_692 = arith.mulf %parallel_loop3A_690, %parallel_loop3A_691 : vector<32xbf16>
        %parallel_loop3A_693 = arith.addf %parallel_loop3A_681, %parallel_loop3A_692 : vector<32xbf16>
        %parallel_loop3A_694 = arith.constant 48 : i32
        %parallel_loop3A_695 = vector.broadcast %parallel_loop3A_694 : i32 to vector<16xi32>
        %parallel_loop3A_696 = arith.addi %iota3A, %parallel_loop3A_695 : vector<16xi32>
        %parallel_loop3A_697 = arith.constant 63 : i32
        %parallel_loop3A_698 = vector.broadcast %parallel_loop3A_697 : i32 to vector<16xi32>
        %parallel_loop3A_699 = arith.andi %parallel_loop3A_696, %parallel_loop3A_698 : vector<16xi32>
        %parallel_loop3A_700 = tpu.vector_load_idx %arg13[%parallel_loop3A_115, %parallel_loop3A_699] : memref<80x64xi32, #tpu.memory_space<vmem>>[vector<16xi32>, vector<16xi32>], vector<16xi32>,
        %parallel_loop3A_701 = tpu.vector_load_idx %arg14[%parallel_loop3A_115, %parallel_loop3A_699] : memref<80x64xi32, #tpu.memory_space<vmem>>[vector<16xi32>, vector<16xi32>], vector<16xi32>,
        %parallel_loop3A_702 = vector.bitcast %parallel_loop3A_700 : vector<16xi32> to vector<32xbf16>
        %parallel_loop3A_703 = vector.bitcast %parallel_loop3A_701 : vector<16xi32> to vector<32xbf16>
        %parallel_loop3A_704 = arith.mulf %parallel_loop3A_702, %parallel_loop3A_703 : vector<32xbf16>
        %parallel_loop3A_705 = arith.addf %parallel_loop3A_693, %parallel_loop3A_704 : vector<32xbf16>
        %parallel_loop3A_706 = arith.constant 49 : i32
        %parallel_loop3A_707 = vector.broadcast %parallel_loop3A_706 : i32 to vector<16xi32>
        %parallel_loop3A_708 = arith.addi %iota3A, %parallel_loop3A_707 : vector<16xi32>
        %parallel_loop3A_709 = arith.constant 63 : i32
        %parallel_loop3A_710 = vector.broadcast %parallel_loop3A_709 : i32 to vector<16xi32>
        %parallel_loop3A_711 = arith.andi %parallel_loop3A_708, %parallel_loop3A_710 : vector<16xi32>
        %parallel_loop3A_712 = tpu.vector_load_idx %arg13[%parallel_loop3A_115, %parallel_loop3A_711] : memref<80x64xi32, #tpu.memory_space<vmem>>[vector<16xi32>, vector<16xi32>], vector<16xi32>,
        %parallel_loop3A_713 = tpu.vector_load_idx %arg14[%parallel_loop3A_115, %parallel_loop3A_711] : memref<80x64xi32, #tpu.memory_space<vmem>>[vector<16xi32>, vector<16xi32>], vector<16xi32>,
        %parallel_loop3A_714 = vector.bitcast %parallel_loop3A_712 : vector<16xi32> to vector<32xbf16>
        %parallel_loop3A_715 = vector.bitcast %parallel_loop3A_713 : vector<16xi32> to vector<32xbf16>
        %parallel_loop3A_716 = arith.mulf %parallel_loop3A_714, %parallel_loop3A_715 : vector<32xbf16>
        %parallel_loop3A_717 = arith.addf %parallel_loop3A_705, %parallel_loop3A_716 : vector<32xbf16>
        %parallel_loop3A_718 = arith.constant 50 : i32
        %parallel_loop3A_719 = vector.broadcast %parallel_loop3A_718 : i32 to vector<16xi32>
        %parallel_loop3A_720 = arith.addi %iota3A, %parallel_loop3A_719 : vector<16xi32>
        %parallel_loop3A_721 = arith.constant 63 : i32
        %parallel_loop3A_722 = vector.broadcast %parallel_loop3A_721 : i32 to vector<16xi32>
        %parallel_loop3A_723 = arith.andi %parallel_loop3A_720, %parallel_loop3A_722 : vector<16xi32>
        %parallel_loop3A_724 = tpu.vector_load_idx %arg13[%parallel_loop3A_115, %parallel_loop3A_723] : memref<80x64xi32, #tpu.memory_space<vmem>>[vector<16xi32>, vector<16xi32>], vector<16xi32>,
        %parallel_loop3A_725 = tpu.vector_load_idx %arg14[%parallel_loop3A_115, %parallel_loop3A_723] : memref<80x64xi32, #tpu.memory_space<vmem>>[vector<16xi32>, vector<16xi32>], vector<16xi32>,
        %parallel_loop3A_726 = vector.bitcast %parallel_loop3A_724 : vector<16xi32> to vector<32xbf16>
        %parallel_loop3A_727 = vector.bitcast %parallel_loop3A_725 : vector<16xi32> to vector<32xbf16>
        %parallel_loop3A_728 = arith.mulf %parallel_loop3A_726, %parallel_loop3A_727 : vector<32xbf16>
        %parallel_loop3A_729 = arith.addf %parallel_loop3A_717, %parallel_loop3A_728 : vector<32xbf16>
        %parallel_loop3A_730 = arith.constant 51 : i32
        %parallel_loop3A_731 = vector.broadcast %parallel_loop3A_730 : i32 to vector<16xi32>
        %parallel_loop3A_732 = arith.addi %iota3A, %parallel_loop3A_731 : vector<16xi32>
        %parallel_loop3A_733 = arith.constant 63 : i32
        %parallel_loop3A_734 = vector.broadcast %parallel_loop3A_733 : i32 to vector<16xi32>
        %parallel_loop3A_735 = arith.andi %parallel_loop3A_732, %parallel_loop3A_734 : vector<16xi32>
        %parallel_loop3A_736 = tpu.vector_load_idx %arg13[%parallel_loop3A_115, %parallel_loop3A_735] : memref<80x64xi32, #tpu.memory_space<vmem>>[vector<16xi32>, vector<16xi32>], vector<16xi32>,
        %parallel_loop3A_737 = tpu.vector_load_idx %arg14[%parallel_loop3A_115, %parallel_loop3A_735] : memref<80x64xi32, #tpu.memory_space<vmem>>[vector<16xi32>, vector<16xi32>], vector<16xi32>,
        %parallel_loop3A_738 = vector.bitcast %parallel_loop3A_736 : vector<16xi32> to vector<32xbf16>
        %parallel_loop3A_739 = vector.bitcast %parallel_loop3A_737 : vector<16xi32> to vector<32xbf16>
        %parallel_loop3A_740 = arith.mulf %parallel_loop3A_738, %parallel_loop3A_739 : vector<32xbf16>
        %parallel_loop3A_741 = arith.addf %parallel_loop3A_729, %parallel_loop3A_740 : vector<32xbf16>
        %parallel_loop3A_742 = arith.constant 52 : i32
        %parallel_loop3A_743 = vector.broadcast %parallel_loop3A_742 : i32 to vector<16xi32>
        %parallel_loop3A_744 = arith.addi %iota3A, %parallel_loop3A_743 : vector<16xi32>
        %parallel_loop3A_745 = arith.constant 63 : i32
        %parallel_loop3A_746 = vector.broadcast %parallel_loop3A_745 : i32 to vector<16xi32>
        %parallel_loop3A_747 = arith.andi %parallel_loop3A_744, %parallel_loop3A_746 : vector<16xi32>
        %parallel_loop3A_748 = tpu.vector_load_idx %arg13[%parallel_loop3A_115, %parallel_loop3A_747] : memref<80x64xi32, #tpu.memory_space<vmem>>[vector<16xi32>, vector<16xi32>], vector<16xi32>,
        %parallel_loop3A_749 = tpu.vector_load_idx %arg14[%parallel_loop3A_115, %parallel_loop3A_747] : memref<80x64xi32, #tpu.memory_space<vmem>>[vector<16xi32>, vector<16xi32>], vector<16xi32>,
        %parallel_loop3A_750 = vector.bitcast %parallel_loop3A_748 : vector<16xi32> to vector<32xbf16>
        %parallel_loop3A_751 = vector.bitcast %parallel_loop3A_749 : vector<16xi32> to vector<32xbf16>
        %parallel_loop3A_752 = arith.mulf %parallel_loop3A_750, %parallel_loop3A_751 : vector<32xbf16>
        %parallel_loop3A_753 = arith.addf %parallel_loop3A_741, %parallel_loop3A_752 : vector<32xbf16>
        %parallel_loop3A_754 = arith.constant 53 : i32
        %parallel_loop3A_755 = vector.broadcast %parallel_loop3A_754 : i32 to vector<16xi32>
        %parallel_loop3A_756 = arith.addi %iota3A, %parallel_loop3A_755 : vector<16xi32>
        %parallel_loop3A_757 = arith.constant 63 : i32
        %parallel_loop3A_758 = vector.broadcast %parallel_loop3A_757 : i32 to vector<16xi32>
        %parallel_loop3A_759 = arith.andi %parallel_loop3A_756, %parallel_loop3A_758 : vector<16xi32>
        %parallel_loop3A_760 = tpu.vector_load_idx %arg13[%parallel_loop3A_115, %parallel_loop3A_759] : memref<80x64xi32, #tpu.memory_space<vmem>>[vector<16xi32>, vector<16xi32>], vector<16xi32>,
        %parallel_loop3A_761 = tpu.vector_load_idx %arg14[%parallel_loop3A_115, %parallel_loop3A_759] : memref<80x64xi32, #tpu.memory_space<vmem>>[vector<16xi32>, vector<16xi32>], vector<16xi32>,
        %parallel_loop3A_762 = vector.bitcast %parallel_loop3A_760 : vector<16xi32> to vector<32xbf16>
        %parallel_loop3A_763 = vector.bitcast %parallel_loop3A_761 : vector<16xi32> to vector<32xbf16>
        %parallel_loop3A_764 = arith.mulf %parallel_loop3A_762, %parallel_loop3A_763 : vector<32xbf16>
        %parallel_loop3A_765 = arith.addf %parallel_loop3A_753, %parallel_loop3A_764 : vector<32xbf16>
        %parallel_loop3A_766 = arith.constant 54 : i32
        %parallel_loop3A_767 = vector.broadcast %parallel_loop3A_766 : i32 to vector<16xi32>
        %parallel_loop3A_768 = arith.addi %iota3A, %parallel_loop3A_767 : vector<16xi32>
        %parallel_loop3A_769 = arith.constant 63 : i32
        %parallel_loop3A_770 = vector.broadcast %parallel_loop3A_769 : i32 to vector<16xi32>
        %parallel_loop3A_771 = arith.andi %parallel_loop3A_768, %parallel_loop3A_770 : vector<16xi32>
        %parallel_loop3A_772 = tpu.vector_load_idx %arg13[%parallel_loop3A_115, %parallel_loop3A_771] : memref<80x64xi32, #tpu.memory_space<vmem>>[vector<16xi32>, vector<16xi32>], vector<16xi32>,
        %parallel_loop3A_773 = tpu.vector_load_idx %arg14[%parallel_loop3A_115, %parallel_loop3A_771] : memref<80x64xi32, #tpu.memory_space<vmem>>[vector<16xi32>, vector<16xi32>], vector<16xi32>,
        %parallel_loop3A_774 = vector.bitcast %parallel_loop3A_772 : vector<16xi32> to vector<32xbf16>
        %parallel_loop3A_775 = vector.bitcast %parallel_loop3A_773 : vector<16xi32> to vector<32xbf16>
        %parallel_loop3A_776 = arith.mulf %parallel_loop3A_774, %parallel_loop3A_775 : vector<32xbf16>
        %parallel_loop3A_777 = arith.addf %parallel_loop3A_765, %parallel_loop3A_776 : vector<32xbf16>
        %parallel_loop3A_778 = arith.constant 55 : i32
        %parallel_loop3A_779 = vector.broadcast %parallel_loop3A_778 : i32 to vector<16xi32>
        %parallel_loop3A_780 = arith.addi %iota3A, %parallel_loop3A_779 : vector<16xi32>
        %parallel_loop3A_781 = arith.constant 63 : i32
        %parallel_loop3A_782 = vector.broadcast %parallel_loop3A_781 : i32 to vector<16xi32>
        %parallel_loop3A_783 = arith.andi %parallel_loop3A_780, %parallel_loop3A_782 : vector<16xi32>
        %parallel_loop3A_784 = tpu.vector_load_idx %arg13[%parallel_loop3A_115, %parallel_loop3A_783] : memref<80x64xi32, #tpu.memory_space<vmem>>[vector<16xi32>, vector<16xi32>], vector<16xi32>,
        %parallel_loop3A_785 = tpu.vector_load_idx %arg14[%parallel_loop3A_115, %parallel_loop3A_783] : memref<80x64xi32, #tpu.memory_space<vmem>>[vector<16xi32>, vector<16xi32>], vector<16xi32>,
        %parallel_loop3A_786 = vector.bitcast %parallel_loop3A_784 : vector<16xi32> to vector<32xbf16>
        %parallel_loop3A_787 = vector.bitcast %parallel_loop3A_785 : vector<16xi32> to vector<32xbf16>
        %parallel_loop3A_788 = arith.mulf %parallel_loop3A_786, %parallel_loop3A_787 : vector<32xbf16>
        %parallel_loop3A_789 = arith.addf %parallel_loop3A_777, %parallel_loop3A_788 : vector<32xbf16>
        %parallel_loop3A_790 = arith.constant 56 : i32
        %parallel_loop3A_791 = vector.broadcast %parallel_loop3A_790 : i32 to vector<16xi32>
        %parallel_loop3A_792 = arith.addi %iota3A, %parallel_loop3A_791 : vector<16xi32>
        %parallel_loop3A_793 = arith.constant 63 : i32
        %parallel_loop3A_794 = vector.broadcast %parallel_loop3A_793 : i32 to vector<16xi32>
        %parallel_loop3A_795 = arith.andi %parallel_loop3A_792, %parallel_loop3A_794 : vector<16xi32>
        %parallel_loop3A_796 = tpu.vector_load_idx %arg13[%parallel_loop3A_115, %parallel_loop3A_795] : memref<80x64xi32, #tpu.memory_space<vmem>>[vector<16xi32>, vector<16xi32>], vector<16xi32>,
        %parallel_loop3A_797 = tpu.vector_load_idx %arg14[%parallel_loop3A_115, %parallel_loop3A_795] : memref<80x64xi32, #tpu.memory_space<vmem>>[vector<16xi32>, vector<16xi32>], vector<16xi32>,
        %parallel_loop3A_798 = vector.bitcast %parallel_loop3A_796 : vector<16xi32> to vector<32xbf16>
        %parallel_loop3A_799 = vector.bitcast %parallel_loop3A_797 : vector<16xi32> to vector<32xbf16>
        %parallel_loop3A_800 = arith.mulf %parallel_loop3A_798, %parallel_loop3A_799 : vector<32xbf16>
        %parallel_loop3A_801 = arith.addf %parallel_loop3A_789, %parallel_loop3A_800 : vector<32xbf16>
        %parallel_loop3A_802 = arith.constant 57 : i32
        %parallel_loop3A_803 = vector.broadcast %parallel_loop3A_802 : i32 to vector<16xi32>
        %parallel_loop3A_804 = arith.addi %iota3A, %parallel_loop3A_803 : vector<16xi32>
        %parallel_loop3A_805 = arith.constant 63 : i32
        %parallel_loop3A_806 = vector.broadcast %parallel_loop3A_805 : i32 to vector<16xi32>
        %parallel_loop3A_807 = arith.andi %parallel_loop3A_804, %parallel_loop3A_806 : vector<16xi32>
        %parallel_loop3A_808 = tpu.vector_load_idx %arg13[%parallel_loop3A_115, %parallel_loop3A_807] : memref<80x64xi32, #tpu.memory_space<vmem>>[vector<16xi32>, vector<16xi32>], vector<16xi32>,
        %parallel_loop3A_809 = tpu.vector_load_idx %arg14[%parallel_loop3A_115, %parallel_loop3A_807] : memref<80x64xi32, #tpu.memory_space<vmem>>[vector<16xi32>, vector<16xi32>], vector<16xi32>,
        %parallel_loop3A_810 = vector.bitcast %parallel_loop3A_808 : vector<16xi32> to vector<32xbf16>
        %parallel_loop3A_811 = vector.bitcast %parallel_loop3A_809 : vector<16xi32> to vector<32xbf16>
        %parallel_loop3A_812 = arith.mulf %parallel_loop3A_810, %parallel_loop3A_811 : vector<32xbf16>
        %parallel_loop3A_813 = arith.addf %parallel_loop3A_801, %parallel_loop3A_812 : vector<32xbf16>
        %parallel_loop3A_814 = arith.constant 58 : i32
        %parallel_loop3A_815 = vector.broadcast %parallel_loop3A_814 : i32 to vector<16xi32>
        %parallel_loop3A_816 = arith.addi %iota3A, %parallel_loop3A_815 : vector<16xi32>
        %parallel_loop3A_817 = arith.constant 63 : i32
        %parallel_loop3A_818 = vector.broadcast %parallel_loop3A_817 : i32 to vector<16xi32>
        %parallel_loop3A_819 = arith.andi %parallel_loop3A_816, %parallel_loop3A_818 : vector<16xi32>
        %parallel_loop3A_820 = tpu.vector_load_idx %arg13[%parallel_loop3A_115, %parallel_loop3A_819] : memref<80x64xi32, #tpu.memory_space<vmem>>[vector<16xi32>, vector<16xi32>], vector<16xi32>,
        %parallel_loop3A_821 = tpu.vector_load_idx %arg14[%parallel_loop3A_115, %parallel_loop3A_819] : memref<80x64xi32, #tpu.memory_space<vmem>>[vector<16xi32>, vector<16xi32>], vector<16xi32>,
        %parallel_loop3A_822 = vector.bitcast %parallel_loop3A_820 : vector<16xi32> to vector<32xbf16>
        %parallel_loop3A_823 = vector.bitcast %parallel_loop3A_821 : vector<16xi32> to vector<32xbf16>
        %parallel_loop3A_824 = arith.mulf %parallel_loop3A_822, %parallel_loop3A_823 : vector<32xbf16>
        %parallel_loop3A_825 = arith.addf %parallel_loop3A_813, %parallel_loop3A_824 : vector<32xbf16>
        %parallel_loop3A_826 = arith.constant 59 : i32
        %parallel_loop3A_827 = vector.broadcast %parallel_loop3A_826 : i32 to vector<16xi32>
        %parallel_loop3A_828 = arith.addi %iota3A, %parallel_loop3A_827 : vector<16xi32>
        %parallel_loop3A_829 = arith.constant 63 : i32
        %parallel_loop3A_830 = vector.broadcast %parallel_loop3A_829 : i32 to vector<16xi32>
        %parallel_loop3A_831 = arith.andi %parallel_loop3A_828, %parallel_loop3A_830 : vector<16xi32>
        %parallel_loop3A_832 = tpu.vector_load_idx %arg13[%parallel_loop3A_115, %parallel_loop3A_831] : memref<80x64xi32, #tpu.memory_space<vmem>>[vector<16xi32>, vector<16xi32>], vector<16xi32>,
        %parallel_loop3A_833 = tpu.vector_load_idx %arg14[%parallel_loop3A_115, %parallel_loop3A_831] : memref<80x64xi32, #tpu.memory_space<vmem>>[vector<16xi32>, vector<16xi32>], vector<16xi32>,
        %parallel_loop3A_834 = vector.bitcast %parallel_loop3A_832 : vector<16xi32> to vector<32xbf16>
        %parallel_loop3A_835 = vector.bitcast %parallel_loop3A_833 : vector<16xi32> to vector<32xbf16>
        %parallel_loop3A_836 = arith.mulf %parallel_loop3A_834, %parallel_loop3A_835 : vector<32xbf16>
        %parallel_loop3A_837 = arith.addf %parallel_loop3A_825, %parallel_loop3A_836 : vector<32xbf16>
        %parallel_loop3A_838 = arith.constant 60 : i32
        %parallel_loop3A_839 = vector.broadcast %parallel_loop3A_838 : i32 to vector<16xi32>
        %parallel_loop3A_840 = arith.addi %iota3A, %parallel_loop3A_839 : vector<16xi32>
        %parallel_loop3A_841 = arith.constant 63 : i32
        %parallel_loop3A_842 = vector.broadcast %parallel_loop3A_841 : i32 to vector<16xi32>
        %parallel_loop3A_843 = arith.andi %parallel_loop3A_840, %parallel_loop3A_842 : vector<16xi32>
        %parallel_loop3A_844 = tpu.vector_load_idx %arg13[%parallel_loop3A_115, %parallel_loop3A_843] : memref<80x64xi32, #tpu.memory_space<vmem>>[vector<16xi32>, vector<16xi32>], vector<16xi32>,
        %parallel_loop3A_845 = tpu.vector_load_idx %arg14[%parallel_loop3A_115, %parallel_loop3A_843] : memref<80x64xi32, #tpu.memory_space<vmem>>[vector<16xi32>, vector<16xi32>], vector<16xi32>,
        %parallel_loop3A_846 = vector.bitcast %parallel_loop3A_844 : vector<16xi32> to vector<32xbf16>
        %parallel_loop3A_847 = vector.bitcast %parallel_loop3A_845 : vector<16xi32> to vector<32xbf16>
        %parallel_loop3A_848 = arith.mulf %parallel_loop3A_846, %parallel_loop3A_847 : vector<32xbf16>
        %parallel_loop3A_849 = arith.addf %parallel_loop3A_837, %parallel_loop3A_848 : vector<32xbf16>
        %parallel_loop3A_850 = arith.constant 61 : i32
        %parallel_loop3A_851 = vector.broadcast %parallel_loop3A_850 : i32 to vector<16xi32>
        %parallel_loop3A_852 = arith.addi %iota3A, %parallel_loop3A_851 : vector<16xi32>
        %parallel_loop3A_853 = arith.constant 63 : i32
        %parallel_loop3A_854 = vector.broadcast %parallel_loop3A_853 : i32 to vector<16xi32>
        %parallel_loop3A_855 = arith.andi %parallel_loop3A_852, %parallel_loop3A_854 : vector<16xi32>
        %parallel_loop3A_856 = tpu.vector_load_idx %arg13[%parallel_loop3A_115, %parallel_loop3A_855] : memref<80x64xi32, #tpu.memory_space<vmem>>[vector<16xi32>, vector<16xi32>], vector<16xi32>,
        %parallel_loop3A_857 = tpu.vector_load_idx %arg14[%parallel_loop3A_115, %parallel_loop3A_855] : memref<80x64xi32, #tpu.memory_space<vmem>>[vector<16xi32>, vector<16xi32>], vector<16xi32>,
        %parallel_loop3A_858 = vector.bitcast %parallel_loop3A_856 : vector<16xi32> to vector<32xbf16>
        %parallel_loop3A_859 = vector.bitcast %parallel_loop3A_857 : vector<16xi32> to vector<32xbf16>
        %parallel_loop3A_860 = arith.mulf %parallel_loop3A_858, %parallel_loop3A_859 : vector<32xbf16>
        %parallel_loop3A_861 = arith.addf %parallel_loop3A_849, %parallel_loop3A_860 : vector<32xbf16>
        %parallel_loop3A_862 = arith.constant 62 : i32
        %parallel_loop3A_863 = vector.broadcast %parallel_loop3A_862 : i32 to vector<16xi32>
        %parallel_loop3A_864 = arith.addi %iota3A, %parallel_loop3A_863 : vector<16xi32>
        %parallel_loop3A_865 = arith.constant 63 : i32
        %parallel_loop3A_866 = vector.broadcast %parallel_loop3A_865 : i32 to vector<16xi32>
        %parallel_loop3A_867 = arith.andi %parallel_loop3A_864, %parallel_loop3A_866 : vector<16xi32>
        %parallel_loop3A_868 = tpu.vector_load_idx %arg13[%parallel_loop3A_115, %parallel_loop3A_867] : memref<80x64xi32, #tpu.memory_space<vmem>>[vector<16xi32>, vector<16xi32>], vector<16xi32>,
        %parallel_loop3A_869 = tpu.vector_load_idx %arg14[%parallel_loop3A_115, %parallel_loop3A_867] : memref<80x64xi32, #tpu.memory_space<vmem>>[vector<16xi32>, vector<16xi32>], vector<16xi32>,
        %parallel_loop3A_870 = vector.bitcast %parallel_loop3A_868 : vector<16xi32> to vector<32xbf16>
        %parallel_loop3A_871 = vector.bitcast %parallel_loop3A_869 : vector<16xi32> to vector<32xbf16>
        %parallel_loop3A_872 = arith.mulf %parallel_loop3A_870, %parallel_loop3A_871 : vector<32xbf16>
        %parallel_loop3A_873 = arith.addf %parallel_loop3A_861, %parallel_loop3A_872 : vector<32xbf16>
        %parallel_loop3A_874 = arith.constant 63 : i32
        %parallel_loop3A_875 = vector.broadcast %parallel_loop3A_874 : i32 to vector<16xi32>
        %parallel_loop3A_876 = arith.addi %iota3A, %parallel_loop3A_875 : vector<16xi32>
        %parallel_loop3A_877 = arith.constant 63 : i32
        %parallel_loop3A_878 = vector.broadcast %parallel_loop3A_877 : i32 to vector<16xi32>
        %parallel_loop3A_879 = arith.andi %parallel_loop3A_876, %parallel_loop3A_878 : vector<16xi32>
        %parallel_loop3A_880 = tpu.vector_load_idx %arg13[%parallel_loop3A_115, %parallel_loop3A_879] : memref<80x64xi32, #tpu.memory_space<vmem>>[vector<16xi32>, vector<16xi32>], vector<16xi32>,
        %parallel_loop3A_881 = tpu.vector_load_idx %arg14[%parallel_loop3A_115, %parallel_loop3A_879] : memref<80x64xi32, #tpu.memory_space<vmem>>[vector<16xi32>, vector<16xi32>], vector<16xi32>,
        %parallel_loop3A_882 = vector.bitcast %parallel_loop3A_880 : vector<16xi32> to vector<32xbf16>
        %parallel_loop3A_883 = vector.bitcast %parallel_loop3A_881 : vector<16xi32> to vector<32xbf16>
        %parallel_loop3A_884 = arith.mulf %parallel_loop3A_882, %parallel_loop3A_883 : vector<32xbf16>
        %parallel_loop3A_885 = arith.addf %parallel_loop3A_873, %parallel_loop3A_884 : vector<32xbf16>
        %parallel_loop3A_886 = vector.bitcast %parallel_loop3A_885 : vector<32xbf16> to vector<16xi32>
        %parallel_loop3A_887 = arith.constant 16 : i32
        %parallel_loop3A_888 = vector.broadcast %parallel_loop3A_887 : i32 to vector<16xi32>
        %parallel_loop3A_889 = arith.shli %parallel_loop3A_886, %parallel_loop3A_888 : vector<16xi32>
        %parallel_loop3A_890 = vector.bitcast %parallel_loop3A_889 : vector<16xi32> to vector<16xf32>
        %parallel_loop3A_891 = arith.constant -65536 : i32
        %parallel_loop3A_892 = vector.broadcast %parallel_loop3A_891 : i32 to vector<16xi32>
        %parallel_loop3A_893 = arith.andi %parallel_loop3A_886, %parallel_loop3A_892 : vector<16xi32>
        %parallel_loop3A_894 = vector.bitcast %parallel_loop3A_893 : vector<16xi32> to vector<16xf32>
        %parallel_loop3A_895 = arith.addf %parallel_loop3A_890, %parallel_loop3A_894 : vector<16xf32>
        %parallel_loop3A_896 = tpu.vector_load_idx %arg8[%parallel_loop3A_109] : memref<10000xf32, #tpu.memory_space<vmem>>[vector<16xi32>], vector<16xf32>,
        %parallel_loop3A_897 = tpu.vector_load_idx %arg8[%parallel_loop3A_111] : memref<10000xf32, #tpu.memory_space<vmem>>[vector<16xi32>], vector<16xf32>,
        %parallel_loop3A_898 = arith.mulf %parallel_loop3A_896, %parallel_loop3A_897 : vector<16xf32>
        %parallel_loop3A_899 = arith.constant 9.99999993E-9 : f32
        %parallel_loop3A_900 = vector.broadcast %parallel_loop3A_899 : f32 to vector<16xf32>
        %parallel_loop3A_901 = arith.maximumf %parallel_loop3A_898, %parallel_loop3A_900 : vector<16xf32>
        %parallel_loop3A_902 = arith.divf %parallel_loop3A_895, %parallel_loop3A_901 : vector<16xf32>
        %parallel_loop3A_903 = arith.constant 5.000000e-01 : f32
        %parallel_loop3A_904 = vector.broadcast %parallel_loop3A_903 : f32 to vector<16xf32>
        %parallel_loop3A_905 = arith.subf %parallel_loop3A_904, %parallel_loop3A_902 : vector<16xf32>
        %parallel_loop3A_906 = arith.constant 0.000000e+00 : f32
        %parallel_loop3A_907 = vector.broadcast %parallel_loop3A_906 : f32 to vector<16xf32>
        %parallel_loop3A_908 = arith.maximumf %parallel_loop3A_905, %parallel_loop3A_907 : vector<16xf32>
        %parallel_loop3A_909 = arith.addf %parallel_loop3A_102, %parallel_loop3A_908 : vector<16xf32>
        scf.yield %parallel_loop3A_909 : vector<16xf32>
      } {sc.loop_unroll_factor = 2 : i64, sc.parallel_access}
      scf.yield %parallel_loop3A_100 : vector<16xf32>
    }
    %scan3A_19 = arith.constant 62 : i32
    %dma_wait3A = arith.constant 0 : i32
    %dma_wait3A_20 = arith.constant 0 : i32
    %dma_wait3A_21 = tpu.memref_slice %arg2[%dma_wait3A, %dma_wait3A_20] : memref<10000x64xi32, #tpu.memory_space<hbm>> -> memref<80x64xi32, #tpu.memory_space<hbm>>
    %dma_wait3A_22 = arith.constant 0 : i32
    %dma_wait3A_23 = arith.constant 0 : i32
    %dma_wait3A_24 = tpu.memref_slice %arg2[%dma_wait3A_22, %dma_wait3A_23] : memref<10000x64xi32, #tpu.memory_space<hbm>> -> memref<80x64xi32, #tpu.memory_space<hbm>>
    tpu.wait_dma2 semaphore(%arg16 : memref<!tpu.dma_semaphore, #tpu.memory_space<semaphore_mem>>) src(%dma_wait3A_24 : memref<80x64xi32, #tpu.memory_space<hbm>>) dst(%arg11 : memref<80x64xi32, #tpu.memory_space<vmem>>)
    %dma_wait3A_25 = arith.constant 0 : i32
    %dma_wait3A_26 = arith.constant 0 : i32
    %dma_wait3A_27 = tpu.memref_slice %arg2[%dma_wait3A_25, %dma_wait3A_26] : memref<10000x64xi32, #tpu.memory_space<hbm>> -> memref<80x64xi32, #tpu.memory_space<hbm>>
    %dma_wait3A_28 = arith.constant 0 : i32
    %dma_wait3A_29 = arith.constant 0 : i32
    %dma_wait3A_30 = tpu.memref_slice %arg2[%dma_wait3A_28, %dma_wait3A_29] : memref<10000x64xi32, #tpu.memory_space<hbm>> -> memref<80x64xi32, #tpu.memory_space<hbm>>
    tpu.wait_dma2 semaphore(%arg17 : memref<!tpu.dma_semaphore, #tpu.memory_space<semaphore_mem>>) src(%dma_wait3A_30 : memref<80x64xi32, #tpu.memory_space<hbm>>) dst(%arg12 : memref<80x64xi32, #tpu.memory_space<vmem>>)
    %parallel_loop3A = arith.constant 0 : i32
    %parallel_loop3A_31 = arith.constant 5 : i32
    %parallel_loop3A_32 = arith.constant 1 : i32
    %parallel_loop3A_33 = scf.for %parallel_loop3A_35 = %parallel_loop3A to %parallel_loop3A_31 step %parallel_loop3A_32 iter_args(%parallel_loop3A_36 = %scan3A_18) -> (vector<16xf32>)  : i32 {
      %parallel_loop3A_37 = arith.constant 16 : i32
      %parallel_loop3A_38 = arith.muli %parallel_loop3A_35, %parallel_loop3A_37 : i32
      %parallel_loop3A_39 = arith.constant 9920 : i32
      %parallel_loop3A_40 = arith.addi %parallel_loop3A_39, %parallel_loop3A_38 : i32
      %parallel_loop3A_41 = arith.index_cast %parallel_loop3A_40 : i32 to index
      %parallel_loop3A_42 = tpu.vector_load %arg9[%parallel_loop3A_41] {strides = array<i32>} : memref<10000xi32, #tpu.memory_space<vmem>>, vector<16xi32>,
      %parallel_loop3A_43 = arith.index_cast %parallel_loop3A_40 : i32 to index
      %parallel_loop3A_44 = tpu.vector_load %arg10[%parallel_loop3A_43] {strides = array<i32>} : memref<10000xi32, #tpu.memory_space<vmem>>, vector<16xi32>,
      %parallel_loop3A_45 = arith.constant 16 : i32
      %parallel_loop3A_46 = arith.muli %parallel_loop3A_35, %parallel_loop3A_45 : i32
      %parallel_loop3A_47 = vector.broadcast %parallel_loop3A_46 : i32 to vector<16xi32>
      %parallel_loop3A_48 = arith.addi %parallel_loop3A_47, %iota3A : vector<16xi32>
      %parallel_loop3A_49 = arith.constant 0.000000e+00 : bf16
      %parallel_loop3A_50 = vector.broadcast %parallel_loop3A_49 : bf16 to vector<32xbf16>
      %parallel_loop3A_51 = arith.constant 0 : i32
      %parallel_loop3A_52 = vector.broadcast %parallel_loop3A_51 : i32 to vector<16xi32>
      %parallel_loop3A_53 = arith.addi %iota3A, %parallel_loop3A_52 : vector<16xi32>
      %parallel_loop3A_54 = arith.constant 63 : i32
      %parallel_loop3A_55 = vector.broadcast %parallel_loop3A_54 : i32 to vector<16xi32>
      %parallel_loop3A_56 = arith.andi %parallel_loop3A_53, %parallel_loop3A_55 : vector<16xi32>
      %parallel_loop3A_57 = tpu.vector_load_idx %arg11[%parallel_loop3A_48, %parallel_loop3A_56] : memref<80x64xi32, #tpu.memory_space<vmem>>[vector<16xi32>, vector<16xi32>], vector<16xi32>,
      %parallel_loop3A_58 = tpu.vector_load_idx %arg12[%parallel_loop3A_48, %parallel_loop3A_56] : memref<80x64xi32, #tpu.memory_space<vmem>>[vector<16xi32>, vector<16xi32>], vector<16xi32>,
      %parallel_loop3A_59 = vector.bitcast %parallel_loop3A_57 : vector<16xi32> to vector<32xbf16>
      %parallel_loop3A_60 = vector.bitcast %parallel_loop3A_58 : vector<16xi32> to vector<32xbf16>
      %parallel_loop3A_61 = arith.mulf %parallel_loop3A_59, %parallel_loop3A_60 : vector<32xbf16>
      %parallel_loop3A_62 = arith.addf %parallel_loop3A_50, %parallel_loop3A_61 : vector<32xbf16>
      %parallel_loop3A_63 = arith.constant 1 : i32
      %parallel_loop3A_64 = vector.broadcast %parallel_loop3A_63 : i32 to vector<16xi32>
      %parallel_loop3A_65 = arith.addi %iota3A, %parallel_loop3A_64 : vector<16xi32>
      %parallel_loop3A_66 = arith.constant 63 : i32
      %parallel_loop3A_67 = vector.broadcast %parallel_loop3A_66 : i32 to vector<16xi32>
      %parallel_loop3A_68 = arith.andi %parallel_loop3A_65, %parallel_loop3A_67 : vector<16xi32>
      %parallel_loop3A_69 = tpu.vector_load_idx %arg11[%parallel_loop3A_48, %parallel_loop3A_68] : memref<80x64xi32, #tpu.memory_space<vmem>>[vector<16xi32>, vector<16xi32>], vector<16xi32>,
      %parallel_loop3A_70 = tpu.vector_load_idx %arg12[%parallel_loop3A_48, %parallel_loop3A_68] : memref<80x64xi32, #tpu.memory_space<vmem>>[vector<16xi32>, vector<16xi32>], vector<16xi32>,
      %parallel_loop3A_71 = vector.bitcast %parallel_loop3A_69 : vector<16xi32> to vector<32xbf16>
      %parallel_loop3A_72 = vector.bitcast %parallel_loop3A_70 : vector<16xi32> to vector<32xbf16>
      %parallel_loop3A_73 = arith.mulf %parallel_loop3A_71, %parallel_loop3A_72 : vector<32xbf16>
      %parallel_loop3A_74 = arith.addf %parallel_loop3A_62, %parallel_loop3A_73 : vector<32xbf16>
      %parallel_loop3A_75 = arith.constant 2 : i32
      %parallel_loop3A_76 = vector.broadcast %parallel_loop3A_75 : i32 to vector<16xi32>
      %parallel_loop3A_77 = arith.addi %iota3A, %parallel_loop3A_76 : vector<16xi32>
      %parallel_loop3A_78 = arith.constant 63 : i32
      %parallel_loop3A_79 = vector.broadcast %parallel_loop3A_78 : i32 to vector<16xi32>
      %parallel_loop3A_80 = arith.andi %parallel_loop3A_77, %parallel_loop3A_79 : vector<16xi32>
      %parallel_loop3A_81 = tpu.vector_load_idx %arg11[%parallel_loop3A_48, %parallel_loop3A_80] : memref<80x64xi32, #tpu.memory_space<vmem>>[vector<16xi32>, vector<16xi32>], vector<16xi32>,
      %parallel_loop3A_82 = tpu.vector_load_idx %arg12[%parallel_loop3A_48, %parallel_loop3A_80] : memref<80x64xi32, #tpu.memory_space<vmem>>[vector<16xi32>, vector<16xi32>], vector<16xi32>,
      %parallel_loop3A_83 = vector.bitcast %parallel_loop3A_81 : vector<16xi32> to vector<32xbf16>
      %parallel_loop3A_84 = vector.bitcast %parallel_loop3A_82 : vector<16xi32> to vector<32xbf16>
      %parallel_loop3A_85 = arith.mulf %parallel_loop3A_83, %parallel_loop3A_84 : vector<32xbf16>
      %parallel_loop3A_86 = arith.addf %parallel_loop3A_74, %parallel_loop3A_85 : vector<32xbf16>
      %parallel_loop3A_87 = arith.constant 3 : i32
      %parallel_loop3A_88 = vector.broadcast %parallel_loop3A_87 : i32 to vector<16xi32>
      %parallel_loop3A_89 = arith.addi %iota3A, %parallel_loop3A_88 : vector<16xi32>
      %parallel_loop3A_90 = arith.constant 63 : i32
      %parallel_loop3A_91 = vector.broadcast %parallel_loop3A_90 : i32 to vector<16xi32>
      %parallel_loop3A_92 = arith.andi %parallel_loop3A_89, %parallel_loop3A_91 : vector<16xi32>
      %parallel_loop3A_93 = tpu.vector_load_idx %arg11[%parallel_loop3A_48, %parallel_loop3A_92] : memref<80x64xi32, #tpu.memory_space<vmem>>[vector<16xi32>, vector<16xi32>], vector<16xi32>,
      %parallel_loop3A_94 = tpu.vector_load_idx %arg12[%parallel_loop3A_48, %parallel_loop3A_92] : memref<80x64xi32, #tpu.memory_space<vmem>>[vector<16xi32>, vector<16xi32>], vector<16xi32>,
      %parallel_loop3A_95 = vector.bitcast %parallel_loop3A_93 : vector<16xi32> to vector<32xbf16>
      %parallel_loop3A_96 = vector.bitcast %parallel_loop3A_94 : vector<16xi32> to vector<32xbf16>
      %parallel_loop3A_97 = arith.mulf %parallel_loop3A_95, %parallel_loop3A_96 : vector<32xbf16>
      %parallel_loop3A_98 = arith.addf %parallel_loop3A_86, %parallel_loop3A_97 : vector<32xbf16>
      %parallel_loop3A_99 = arith.constant 4 : i32
      %parallel_loop3A_100 = vector.broadcast %parallel_loop3A_99 : i32 to vector<16xi32>
      %parallel_loop3A_101 = arith.addi %iota3A, %parallel_loop3A_100 : vector<16xi32>
      %parallel_loop3A_102 = arith.constant 63 : i32
      %parallel_loop3A_103 = vector.broadcast %parallel_loop3A_102 : i32 to vector<16xi32>
      %parallel_loop3A_104 = arith.andi %parallel_loop3A_101, %parallel_loop3A_103 : vector<16xi32>
      %parallel_loop3A_105 = tpu.vector_load_idx %arg11[%parallel_loop3A_48, %parallel_loop3A_104] : memref<80x64xi32, #tpu.memory_space<vmem>>[vector<16xi32>, vector<16xi32>], vector<16xi32>,
      %parallel_loop3A_106 = tpu.vector_load_idx %arg12[%parallel_loop3A_48, %parallel_loop3A_104] : memref<80x64xi32, #tpu.memory_space<vmem>>[vector<16xi32>, vector<16xi32>], vector<16xi32>,
      %parallel_loop3A_107 = vector.bitcast %parallel_loop3A_105 : vector<16xi32> to vector<32xbf16>
      %parallel_loop3A_108 = vector.bitcast %parallel_loop3A_106 : vector<16xi32> to vector<32xbf16>
      %parallel_loop3A_109 = arith.mulf %parallel_loop3A_107, %parallel_loop3A_108 : vector<32xbf16>
      %parallel_loop3A_110 = arith.addf %parallel_loop3A_98, %parallel_loop3A_109 : vector<32xbf16>
      %parallel_loop3A_111 = arith.constant 5 : i32
      %parallel_loop3A_112 = vector.broadcast %parallel_loop3A_111 : i32 to vector<16xi32>
      %parallel_loop3A_113 = arith.addi %iota3A, %parallel_loop3A_112 : vector<16xi32>
      %parallel_loop3A_114 = arith.constant 63 : i32
      %parallel_loop3A_115 = vector.broadcast %parallel_loop3A_114 : i32 to vector<16xi32>
      %parallel_loop3A_116 = arith.andi %parallel_loop3A_113, %parallel_loop3A_115 : vector<16xi32>
      %parallel_loop3A_117 = tpu.vector_load_idx %arg11[%parallel_loop3A_48, %parallel_loop3A_116] : memref<80x64xi32, #tpu.memory_space<vmem>>[vector<16xi32>, vector<16xi32>], vector<16xi32>,
      %parallel_loop3A_118 = tpu.vector_load_idx %arg12[%parallel_loop3A_48, %parallel_loop3A_116] : memref<80x64xi32, #tpu.memory_space<vmem>>[vector<16xi32>, vector<16xi32>], vector<16xi32>,
      %parallel_loop3A_119 = vector.bitcast %parallel_loop3A_117 : vector<16xi32> to vector<32xbf16>
      %parallel_loop3A_120 = vector.bitcast %parallel_loop3A_118 : vector<16xi32> to vector<32xbf16>
      %parallel_loop3A_121 = arith.mulf %parallel_loop3A_119, %parallel_loop3A_120 : vector<32xbf16>
      %parallel_loop3A_122 = arith.addf %parallel_loop3A_110, %parallel_loop3A_121 : vector<32xbf16>
      %parallel_loop3A_123 = arith.constant 6 : i32
      %parallel_loop3A_124 = vector.broadcast %parallel_loop3A_123 : i32 to vector<16xi32>
      %parallel_loop3A_125 = arith.addi %iota3A, %parallel_loop3A_124 : vector<16xi32>
      %parallel_loop3A_126 = arith.constant 63 : i32
      %parallel_loop3A_127 = vector.broadcast %parallel_loop3A_126 : i32 to vector<16xi32>
      %parallel_loop3A_128 = arith.andi %parallel_loop3A_125, %parallel_loop3A_127 : vector<16xi32>
      %parallel_loop3A_129 = tpu.vector_load_idx %arg11[%parallel_loop3A_48, %parallel_loop3A_128] : memref<80x64xi32, #tpu.memory_space<vmem>>[vector<16xi32>, vector<16xi32>], vector<16xi32>,
      %parallel_loop3A_130 = tpu.vector_load_idx %arg12[%parallel_loop3A_48, %parallel_loop3A_128] : memref<80x64xi32, #tpu.memory_space<vmem>>[vector<16xi32>, vector<16xi32>], vector<16xi32>,
      %parallel_loop3A_131 = vector.bitcast %parallel_loop3A_129 : vector<16xi32> to vector<32xbf16>
      %parallel_loop3A_132 = vector.bitcast %parallel_loop3A_130 : vector<16xi32> to vector<32xbf16>
      %parallel_loop3A_133 = arith.mulf %parallel_loop3A_131, %parallel_loop3A_132 : vector<32xbf16>
      %parallel_loop3A_134 = arith.addf %parallel_loop3A_122, %parallel_loop3A_133 : vector<32xbf16>
      %parallel_loop3A_135 = arith.constant 7 : i32
      %parallel_loop3A_136 = vector.broadcast %parallel_loop3A_135 : i32 to vector<16xi32>
      %parallel_loop3A_137 = arith.addi %iota3A, %parallel_loop3A_136 : vector<16xi32>
      %parallel_loop3A_138 = arith.constant 63 : i32
      %parallel_loop3A_139 = vector.broadcast %parallel_loop3A_138 : i32 to vector<16xi32>
      %parallel_loop3A_140 = arith.andi %parallel_loop3A_137, %parallel_loop3A_139 : vector<16xi32>
      %parallel_loop3A_141 = tpu.vector_load_idx %arg11[%parallel_loop3A_48, %parallel_loop3A_140] : memref<80x64xi32, #tpu.memory_space<vmem>>[vector<16xi32>, vector<16xi32>], vector<16xi32>,
      %parallel_loop3A_142 = tpu.vector_load_idx %arg12[%parallel_loop3A_48, %parallel_loop3A_140] : memref<80x64xi32, #tpu.memory_space<vmem>>[vector<16xi32>, vector<16xi32>], vector<16xi32>,
      %parallel_loop3A_143 = vector.bitcast %parallel_loop3A_141 : vector<16xi32> to vector<32xbf16>
      %parallel_loop3A_144 = vector.bitcast %parallel_loop3A_142 : vector<16xi32> to vector<32xbf16>
      %parallel_loop3A_145 = arith.mulf %parallel_loop3A_143, %parallel_loop3A_144 : vector<32xbf16>
      %parallel_loop3A_146 = arith.addf %parallel_loop3A_134, %parallel_loop3A_145 : vector<32xbf16>
      %parallel_loop3A_147 = arith.constant 8 : i32
      %parallel_loop3A_148 = vector.broadcast %parallel_loop3A_147 : i32 to vector<16xi32>
      %parallel_loop3A_149 = arith.addi %iota3A, %parallel_loop3A_148 : vector<16xi32>
      %parallel_loop3A_150 = arith.constant 63 : i32
      %parallel_loop3A_151 = vector.broadcast %parallel_loop3A_150 : i32 to vector<16xi32>
      %parallel_loop3A_152 = arith.andi %parallel_loop3A_149, %parallel_loop3A_151 : vector<16xi32>
      %parallel_loop3A_153 = tpu.vector_load_idx %arg11[%parallel_loop3A_48, %parallel_loop3A_152] : memref<80x64xi32, #tpu.memory_space<vmem>>[vector<16xi32>, vector<16xi32>], vector<16xi32>,
      %parallel_loop3A_154 = tpu.vector_load_idx %arg12[%parallel_loop3A_48, %parallel_loop3A_152] : memref<80x64xi32, #tpu.memory_space<vmem>>[vector<16xi32>, vector<16xi32>], vector<16xi32>,
      %parallel_loop3A_155 = vector.bitcast %parallel_loop3A_153 : vector<16xi32> to vector<32xbf16>
      %parallel_loop3A_156 = vector.bitcast %parallel_loop3A_154 : vector<16xi32> to vector<32xbf16>
      %parallel_loop3A_157 = arith.mulf %parallel_loop3A_155, %parallel_loop3A_156 : vector<32xbf16>
      %parallel_loop3A_158 = arith.addf %parallel_loop3A_146, %parallel_loop3A_157 : vector<32xbf16>
      %parallel_loop3A_159 = arith.constant 9 : i32
      %parallel_loop3A_160 = vector.broadcast %parallel_loop3A_159 : i32 to vector<16xi32>
      %parallel_loop3A_161 = arith.addi %iota3A, %parallel_loop3A_160 : vector<16xi32>
      %parallel_loop3A_162 = arith.constant 63 : i32
      %parallel_loop3A_163 = vector.broadcast %parallel_loop3A_162 : i32 to vector<16xi32>
      %parallel_loop3A_164 = arith.andi %parallel_loop3A_161, %parallel_loop3A_163 : vector<16xi32>
      %parallel_loop3A_165 = tpu.vector_load_idx %arg11[%parallel_loop3A_48, %parallel_loop3A_164] : memref<80x64xi32, #tpu.memory_space<vmem>>[vector<16xi32>, vector<16xi32>], vector<16xi32>,
      %parallel_loop3A_166 = tpu.vector_load_idx %arg12[%parallel_loop3A_48, %parallel_loop3A_164] : memref<80x64xi32, #tpu.memory_space<vmem>>[vector<16xi32>, vector<16xi32>], vector<16xi32>,
      %parallel_loop3A_167 = vector.bitcast %parallel_loop3A_165 : vector<16xi32> to vector<32xbf16>
      %parallel_loop3A_168 = vector.bitcast %parallel_loop3A_166 : vector<16xi32> to vector<32xbf16>
      %parallel_loop3A_169 = arith.mulf %parallel_loop3A_167, %parallel_loop3A_168 : vector<32xbf16>
      %parallel_loop3A_170 = arith.addf %parallel_loop3A_158, %parallel_loop3A_169 : vector<32xbf16>
      %parallel_loop3A_171 = arith.constant 10 : i32
      %parallel_loop3A_172 = vector.broadcast %parallel_loop3A_171 : i32 to vector<16xi32>
      %parallel_loop3A_173 = arith.addi %iota3A, %parallel_loop3A_172 : vector<16xi32>
      %parallel_loop3A_174 = arith.constant 63 : i32
      %parallel_loop3A_175 = vector.broadcast %parallel_loop3A_174 : i32 to vector<16xi32>
      %parallel_loop3A_176 = arith.andi %parallel_loop3A_173, %parallel_loop3A_175 : vector<16xi32>
      %parallel_loop3A_177 = tpu.vector_load_idx %arg11[%parallel_loop3A_48, %parallel_loop3A_176] : memref<80x64xi32, #tpu.memory_space<vmem>>[vector<16xi32>, vector<16xi32>], vector<16xi32>,
      %parallel_loop3A_178 = tpu.vector_load_idx %arg12[%parallel_loop3A_48, %parallel_loop3A_176] : memref<80x64xi32, #tpu.memory_space<vmem>>[vector<16xi32>, vector<16xi32>], vector<16xi32>,
      %parallel_loop3A_179 = vector.bitcast %parallel_loop3A_177 : vector<16xi32> to vector<32xbf16>
      %parallel_loop3A_180 = vector.bitcast %parallel_loop3A_178 : vector<16xi32> to vector<32xbf16>
      %parallel_loop3A_181 = arith.mulf %parallel_loop3A_179, %parallel_loop3A_180 : vector<32xbf16>
      %parallel_loop3A_182 = arith.addf %parallel_loop3A_170, %parallel_loop3A_181 : vector<32xbf16>
      %parallel_loop3A_183 = arith.constant 11 : i32
      %parallel_loop3A_184 = vector.broadcast %parallel_loop3A_183 : i32 to vector<16xi32>
      %parallel_loop3A_185 = arith.addi %iota3A, %parallel_loop3A_184 : vector<16xi32>
      %parallel_loop3A_186 = arith.constant 63 : i32
      %parallel_loop3A_187 = vector.broadcast %parallel_loop3A_186 : i32 to vector<16xi32>
      %parallel_loop3A_188 = arith.andi %parallel_loop3A_185, %parallel_loop3A_187 : vector<16xi32>
      %parallel_loop3A_189 = tpu.vector_load_idx %arg11[%parallel_loop3A_48, %parallel_loop3A_188] : memref<80x64xi32, #tpu.memory_space<vmem>>[vector<16xi32>, vector<16xi32>], vector<16xi32>,
      %parallel_loop3A_190 = tpu.vector_load_idx %arg12[%parallel_loop3A_48, %parallel_loop3A_188] : memref<80x64xi32, #tpu.memory_space<vmem>>[vector<16xi32>, vector<16xi32>], vector<16xi32>,
      %parallel_loop3A_191 = vector.bitcast %parallel_loop3A_189 : vector<16xi32> to vector<32xbf16>
      %parallel_loop3A_192 = vector.bitcast %parallel_loop3A_190 : vector<16xi32> to vector<32xbf16>
      %parallel_loop3A_193 = arith.mulf %parallel_loop3A_191, %parallel_loop3A_192 : vector<32xbf16>
      %parallel_loop3A_194 = arith.addf %parallel_loop3A_182, %parallel_loop3A_193 : vector<32xbf16>
      %parallel_loop3A_195 = arith.constant 12 : i32
      %parallel_loop3A_196 = vector.broadcast %parallel_loop3A_195 : i32 to vector<16xi32>
      %parallel_loop3A_197 = arith.addi %iota3A, %parallel_loop3A_196 : vector<16xi32>
      %parallel_loop3A_198 = arith.constant 63 : i32
      %parallel_loop3A_199 = vector.broadcast %parallel_loop3A_198 : i32 to vector<16xi32>
      %parallel_loop3A_200 = arith.andi %parallel_loop3A_197, %parallel_loop3A_199 : vector<16xi32>
      %parallel_loop3A_201 = tpu.vector_load_idx %arg11[%parallel_loop3A_48, %parallel_loop3A_200] : memref<80x64xi32, #tpu.memory_space<vmem>>[vector<16xi32>, vector<16xi32>], vector<16xi32>,
      %parallel_loop3A_202 = tpu.vector_load_idx %arg12[%parallel_loop3A_48, %parallel_loop3A_200] : memref<80x64xi32, #tpu.memory_space<vmem>>[vector<16xi32>, vector<16xi32>], vector<16xi32>,
      %parallel_loop3A_203 = vector.bitcast %parallel_loop3A_201 : vector<16xi32> to vector<32xbf16>
      %parallel_loop3A_204 = vector.bitcast %parallel_loop3A_202 : vector<16xi32> to vector<32xbf16>
      %parallel_loop3A_205 = arith.mulf %parallel_loop3A_203, %parallel_loop3A_204 : vector<32xbf16>
      %parallel_loop3A_206 = arith.addf %parallel_loop3A_194, %parallel_loop3A_205 : vector<32xbf16>
      %parallel_loop3A_207 = arith.constant 13 : i32
      %parallel_loop3A_208 = vector.broadcast %parallel_loop3A_207 : i32 to vector<16xi32>
      %parallel_loop3A_209 = arith.addi %iota3A, %parallel_loop3A_208 : vector<16xi32>
      %parallel_loop3A_210 = arith.constant 63 : i32
      %parallel_loop3A_211 = vector.broadcast %parallel_loop3A_210 : i32 to vector<16xi32>
      %parallel_loop3A_212 = arith.andi %parallel_loop3A_209, %parallel_loop3A_211 : vector<16xi32>
      %parallel_loop3A_213 = tpu.vector_load_idx %arg11[%parallel_loop3A_48, %parallel_loop3A_212] : memref<80x64xi32, #tpu.memory_space<vmem>>[vector<16xi32>, vector<16xi32>], vector<16xi32>,
      %parallel_loop3A_214 = tpu.vector_load_idx %arg12[%parallel_loop3A_48, %parallel_loop3A_212] : memref<80x64xi32, #tpu.memory_space<vmem>>[vector<16xi32>, vector<16xi32>], vector<16xi32>,
      %parallel_loop3A_215 = vector.bitcast %parallel_loop3A_213 : vector<16xi32> to vector<32xbf16>
      %parallel_loop3A_216 = vector.bitcast %parallel_loop3A_214 : vector<16xi32> to vector<32xbf16>
      %parallel_loop3A_217 = arith.mulf %parallel_loop3A_215, %parallel_loop3A_216 : vector<32xbf16>
      %parallel_loop3A_218 = arith.addf %parallel_loop3A_206, %parallel_loop3A_217 : vector<32xbf16>
      %parallel_loop3A_219 = arith.constant 14 : i32
      %parallel_loop3A_220 = vector.broadcast %parallel_loop3A_219 : i32 to vector<16xi32>
      %parallel_loop3A_221 = arith.addi %iota3A, %parallel_loop3A_220 : vector<16xi32>
      %parallel_loop3A_222 = arith.constant 63 : i32
      %parallel_loop3A_223 = vector.broadcast %parallel_loop3A_222 : i32 to vector<16xi32>
      %parallel_loop3A_224 = arith.andi %parallel_loop3A_221, %parallel_loop3A_223 : vector<16xi32>
      %parallel_loop3A_225 = tpu.vector_load_idx %arg11[%parallel_loop3A_48, %parallel_loop3A_224] : memref<80x64xi32, #tpu.memory_space<vmem>>[vector<16xi32>, vector<16xi32>], vector<16xi32>,
      %parallel_loop3A_226 = tpu.vector_load_idx %arg12[%parallel_loop3A_48, %parallel_loop3A_224] : memref<80x64xi32, #tpu.memory_space<vmem>>[vector<16xi32>, vector<16xi32>], vector<16xi32>,
      %parallel_loop3A_227 = vector.bitcast %parallel_loop3A_225 : vector<16xi32> to vector<32xbf16>
      %parallel_loop3A_228 = vector.bitcast %parallel_loop3A_226 : vector<16xi32> to vector<32xbf16>
      %parallel_loop3A_229 = arith.mulf %parallel_loop3A_227, %parallel_loop3A_228 : vector<32xbf16>
      %parallel_loop3A_230 = arith.addf %parallel_loop3A_218, %parallel_loop3A_229 : vector<32xbf16>
      %parallel_loop3A_231 = arith.constant 15 : i32
      %parallel_loop3A_232 = vector.broadcast %parallel_loop3A_231 : i32 to vector<16xi32>
      %parallel_loop3A_233 = arith.addi %iota3A, %parallel_loop3A_232 : vector<16xi32>
      %parallel_loop3A_234 = arith.constant 63 : i32
      %parallel_loop3A_235 = vector.broadcast %parallel_loop3A_234 : i32 to vector<16xi32>
      %parallel_loop3A_236 = arith.andi %parallel_loop3A_233, %parallel_loop3A_235 : vector<16xi32>
      %parallel_loop3A_237 = tpu.vector_load_idx %arg11[%parallel_loop3A_48, %parallel_loop3A_236] : memref<80x64xi32, #tpu.memory_space<vmem>>[vector<16xi32>, vector<16xi32>], vector<16xi32>,
      %parallel_loop3A_238 = tpu.vector_load_idx %arg12[%parallel_loop3A_48, %parallel_loop3A_236] : memref<80x64xi32, #tpu.memory_space<vmem>>[vector<16xi32>, vector<16xi32>], vector<16xi32>,
      %parallel_loop3A_239 = vector.bitcast %parallel_loop3A_237 : vector<16xi32> to vector<32xbf16>
      %parallel_loop3A_240 = vector.bitcast %parallel_loop3A_238 : vector<16xi32> to vector<32xbf16>
      %parallel_loop3A_241 = arith.mulf %parallel_loop3A_239, %parallel_loop3A_240 : vector<32xbf16>
      %parallel_loop3A_242 = arith.addf %parallel_loop3A_230, %parallel_loop3A_241 : vector<32xbf16>
      %parallel_loop3A_243 = arith.constant 16 : i32
      %parallel_loop3A_244 = vector.broadcast %parallel_loop3A_243 : i32 to vector<16xi32>
      %parallel_loop3A_245 = arith.addi %iota3A, %parallel_loop3A_244 : vector<16xi32>
      %parallel_loop3A_246 = arith.constant 63 : i32
      %parallel_loop3A_247 = vector.broadcast %parallel_loop3A_246 : i32 to vector<16xi32>
      %parallel_loop3A_248 = arith.andi %parallel_loop3A_245, %parallel_loop3A_247 : vector<16xi32>
      %parallel_loop3A_249 = tpu.vector_load_idx %arg11[%parallel_loop3A_48, %parallel_loop3A_248] : memref<80x64xi32, #tpu.memory_space<vmem>>[vector<16xi32>, vector<16xi32>], vector<16xi32>,
      %parallel_loop3A_250 = tpu.vector_load_idx %arg12[%parallel_loop3A_48, %parallel_loop3A_248] : memref<80x64xi32, #tpu.memory_space<vmem>>[vector<16xi32>, vector<16xi32>], vector<16xi32>,
      %parallel_loop3A_251 = vector.bitcast %parallel_loop3A_249 : vector<16xi32> to vector<32xbf16>
      %parallel_loop3A_252 = vector.bitcast %parallel_loop3A_250 : vector<16xi32> to vector<32xbf16>
      %parallel_loop3A_253 = arith.mulf %parallel_loop3A_251, %parallel_loop3A_252 : vector<32xbf16>
      %parallel_loop3A_254 = arith.addf %parallel_loop3A_242, %parallel_loop3A_253 : vector<32xbf16>
      %parallel_loop3A_255 = arith.constant 17 : i32
      %parallel_loop3A_256 = vector.broadcast %parallel_loop3A_255 : i32 to vector<16xi32>
      %parallel_loop3A_257 = arith.addi %iota3A, %parallel_loop3A_256 : vector<16xi32>
      %parallel_loop3A_258 = arith.constant 63 : i32
      %parallel_loop3A_259 = vector.broadcast %parallel_loop3A_258 : i32 to vector<16xi32>
      %parallel_loop3A_260 = arith.andi %parallel_loop3A_257, %parallel_loop3A_259 : vector<16xi32>
      %parallel_loop3A_261 = tpu.vector_load_idx %arg11[%parallel_loop3A_48, %parallel_loop3A_260] : memref<80x64xi32, #tpu.memory_space<vmem>>[vector<16xi32>, vector<16xi32>], vector<16xi32>,
      %parallel_loop3A_262 = tpu.vector_load_idx %arg12[%parallel_loop3A_48, %parallel_loop3A_260] : memref<80x64xi32, #tpu.memory_space<vmem>>[vector<16xi32>, vector<16xi32>], vector<16xi32>,
      %parallel_loop3A_263 = vector.bitcast %parallel_loop3A_261 : vector<16xi32> to vector<32xbf16>
      %parallel_loop3A_264 = vector.bitcast %parallel_loop3A_262 : vector<16xi32> to vector<32xbf16>
      %parallel_loop3A_265 = arith.mulf %parallel_loop3A_263, %parallel_loop3A_264 : vector<32xbf16>
      %parallel_loop3A_266 = arith.addf %parallel_loop3A_254, %parallel_loop3A_265 : vector<32xbf16>
      %parallel_loop3A_267 = arith.constant 18 : i32
      %parallel_loop3A_268 = vector.broadcast %parallel_loop3A_267 : i32 to vector<16xi32>
      %parallel_loop3A_269 = arith.addi %iota3A, %parallel_loop3A_268 : vector<16xi32>
      %parallel_loop3A_270 = arith.constant 63 : i32
      %parallel_loop3A_271 = vector.broadcast %parallel_loop3A_270 : i32 to vector<16xi32>
      %parallel_loop3A_272 = arith.andi %parallel_loop3A_269, %parallel_loop3A_271 : vector<16xi32>
      %parallel_loop3A_273 = tpu.vector_load_idx %arg11[%parallel_loop3A_48, %parallel_loop3A_272] : memref<80x64xi32, #tpu.memory_space<vmem>>[vector<16xi32>, vector<16xi32>], vector<16xi32>,
      %parallel_loop3A_274 = tpu.vector_load_idx %arg12[%parallel_loop3A_48, %parallel_loop3A_272] : memref<80x64xi32, #tpu.memory_space<vmem>>[vector<16xi32>, vector<16xi32>], vector<16xi32>,
      %parallel_loop3A_275 = vector.bitcast %parallel_loop3A_273 : vector<16xi32> to vector<32xbf16>
      %parallel_loop3A_276 = vector.bitcast %parallel_loop3A_274 : vector<16xi32> to vector<32xbf16>
      %parallel_loop3A_277 = arith.mulf %parallel_loop3A_275, %parallel_loop3A_276 : vector<32xbf16>
      %parallel_loop3A_278 = arith.addf %parallel_loop3A_266, %parallel_loop3A_277 : vector<32xbf16>
      %parallel_loop3A_279 = arith.constant 19 : i32
      %parallel_loop3A_280 = vector.broadcast %parallel_loop3A_279 : i32 to vector<16xi32>
      %parallel_loop3A_281 = arith.addi %iota3A, %parallel_loop3A_280 : vector<16xi32>
      %parallel_loop3A_282 = arith.constant 63 : i32
      %parallel_loop3A_283 = vector.broadcast %parallel_loop3A_282 : i32 to vector<16xi32>
      %parallel_loop3A_284 = arith.andi %parallel_loop3A_281, %parallel_loop3A_283 : vector<16xi32>
      %parallel_loop3A_285 = tpu.vector_load_idx %arg11[%parallel_loop3A_48, %parallel_loop3A_284] : memref<80x64xi32, #tpu.memory_space<vmem>>[vector<16xi32>, vector<16xi32>], vector<16xi32>,
      %parallel_loop3A_286 = tpu.vector_load_idx %arg12[%parallel_loop3A_48, %parallel_loop3A_284] : memref<80x64xi32, #tpu.memory_space<vmem>>[vector<16xi32>, vector<16xi32>], vector<16xi32>,
      %parallel_loop3A_287 = vector.bitcast %parallel_loop3A_285 : vector<16xi32> to vector<32xbf16>
      %parallel_loop3A_288 = vector.bitcast %parallel_loop3A_286 : vector<16xi32> to vector<32xbf16>
      %parallel_loop3A_289 = arith.mulf %parallel_loop3A_287, %parallel_loop3A_288 : vector<32xbf16>
      %parallel_loop3A_290 = arith.addf %parallel_loop3A_278, %parallel_loop3A_289 : vector<32xbf16>
      %parallel_loop3A_291 = arith.constant 20 : i32
      %parallel_loop3A_292 = vector.broadcast %parallel_loop3A_291 : i32 to vector<16xi32>
      %parallel_loop3A_293 = arith.addi %iota3A, %parallel_loop3A_292 : vector<16xi32>
      %parallel_loop3A_294 = arith.constant 63 : i32
      %parallel_loop3A_295 = vector.broadcast %parallel_loop3A_294 : i32 to vector<16xi32>
      %parallel_loop3A_296 = arith.andi %parallel_loop3A_293, %parallel_loop3A_295 : vector<16xi32>
      %parallel_loop3A_297 = tpu.vector_load_idx %arg11[%parallel_loop3A_48, %parallel_loop3A_296] : memref<80x64xi32, #tpu.memory_space<vmem>>[vector<16xi32>, vector<16xi32>], vector<16xi32>,
      %parallel_loop3A_298 = tpu.vector_load_idx %arg12[%parallel_loop3A_48, %parallel_loop3A_296] : memref<80x64xi32, #tpu.memory_space<vmem>>[vector<16xi32>, vector<16xi32>], vector<16xi32>,
      %parallel_loop3A_299 = vector.bitcast %parallel_loop3A_297 : vector<16xi32> to vector<32xbf16>
      %parallel_loop3A_300 = vector.bitcast %parallel_loop3A_298 : vector<16xi32> to vector<32xbf16>
      %parallel_loop3A_301 = arith.mulf %parallel_loop3A_299, %parallel_loop3A_300 : vector<32xbf16>
      %parallel_loop3A_302 = arith.addf %parallel_loop3A_290, %parallel_loop3A_301 : vector<32xbf16>
      %parallel_loop3A_303 = arith.constant 21 : i32
      %parallel_loop3A_304 = vector.broadcast %parallel_loop3A_303 : i32 to vector<16xi32>
      %parallel_loop3A_305 = arith.addi %iota3A, %parallel_loop3A_304 : vector<16xi32>
      %parallel_loop3A_306 = arith.constant 63 : i32
      %parallel_loop3A_307 = vector.broadcast %parallel_loop3A_306 : i32 to vector<16xi32>
      %parallel_loop3A_308 = arith.andi %parallel_loop3A_305, %parallel_loop3A_307 : vector<16xi32>
      %parallel_loop3A_309 = tpu.vector_load_idx %arg11[%parallel_loop3A_48, %parallel_loop3A_308] : memref<80x64xi32, #tpu.memory_space<vmem>>[vector<16xi32>, vector<16xi32>], vector<16xi32>,
      %parallel_loop3A_310 = tpu.vector_load_idx %arg12[%parallel_loop3A_48, %parallel_loop3A_308] : memref<80x64xi32, #tpu.memory_space<vmem>>[vector<16xi32>, vector<16xi32>], vector<16xi32>,
      %parallel_loop3A_311 = vector.bitcast %parallel_loop3A_309 : vector<16xi32> to vector<32xbf16>
      %parallel_loop3A_312 = vector.bitcast %parallel_loop3A_310 : vector<16xi32> to vector<32xbf16>
      %parallel_loop3A_313 = arith.mulf %parallel_loop3A_311, %parallel_loop3A_312 : vector<32xbf16>
      %parallel_loop3A_314 = arith.addf %parallel_loop3A_302, %parallel_loop3A_313 : vector<32xbf16>
      %parallel_loop3A_315 = arith.constant 22 : i32
      %parallel_loop3A_316 = vector.broadcast %parallel_loop3A_315 : i32 to vector<16xi32>
      %parallel_loop3A_317 = arith.addi %iota3A, %parallel_loop3A_316 : vector<16xi32>
      %parallel_loop3A_318 = arith.constant 63 : i32
      %parallel_loop3A_319 = vector.broadcast %parallel_loop3A_318 : i32 to vector<16xi32>
      %parallel_loop3A_320 = arith.andi %parallel_loop3A_317, %parallel_loop3A_319 : vector<16xi32>
      %parallel_loop3A_321 = tpu.vector_load_idx %arg11[%parallel_loop3A_48, %parallel_loop3A_320] : memref<80x64xi32, #tpu.memory_space<vmem>>[vector<16xi32>, vector<16xi32>], vector<16xi32>,
      %parallel_loop3A_322 = tpu.vector_load_idx %arg12[%parallel_loop3A_48, %parallel_loop3A_320] : memref<80x64xi32, #tpu.memory_space<vmem>>[vector<16xi32>, vector<16xi32>], vector<16xi32>,
      %parallel_loop3A_323 = vector.bitcast %parallel_loop3A_321 : vector<16xi32> to vector<32xbf16>
      %parallel_loop3A_324 = vector.bitcast %parallel_loop3A_322 : vector<16xi32> to vector<32xbf16>
      %parallel_loop3A_325 = arith.mulf %parallel_loop3A_323, %parallel_loop3A_324 : vector<32xbf16>
      %parallel_loop3A_326 = arith.addf %parallel_loop3A_314, %parallel_loop3A_325 : vector<32xbf16>
      %parallel_loop3A_327 = arith.constant 23 : i32
      %parallel_loop3A_328 = vector.broadcast %parallel_loop3A_327 : i32 to vector<16xi32>
      %parallel_loop3A_329 = arith.addi %iota3A, %parallel_loop3A_328 : vector<16xi32>
      %parallel_loop3A_330 = arith.constant 63 : i32
      %parallel_loop3A_331 = vector.broadcast %parallel_loop3A_330 : i32 to vector<16xi32>
      %parallel_loop3A_332 = arith.andi %parallel_loop3A_329, %parallel_loop3A_331 : vector<16xi32>
      %parallel_loop3A_333 = tpu.vector_load_idx %arg11[%parallel_loop3A_48, %parallel_loop3A_332] : memref<80x64xi32, #tpu.memory_space<vmem>>[vector<16xi32>, vector<16xi32>], vector<16xi32>,
      %parallel_loop3A_334 = tpu.vector_load_idx %arg12[%parallel_loop3A_48, %parallel_loop3A_332] : memref<80x64xi32, #tpu.memory_space<vmem>>[vector<16xi32>, vector<16xi32>], vector<16xi32>,
      %parallel_loop3A_335 = vector.bitcast %parallel_loop3A_333 : vector<16xi32> to vector<32xbf16>
      %parallel_loop3A_336 = vector.bitcast %parallel_loop3A_334 : vector<16xi32> to vector<32xbf16>
      %parallel_loop3A_337 = arith.mulf %parallel_loop3A_335, %parallel_loop3A_336 : vector<32xbf16>
      %parallel_loop3A_338 = arith.addf %parallel_loop3A_326, %parallel_loop3A_337 : vector<32xbf16>
      %parallel_loop3A_339 = arith.constant 24 : i32
      %parallel_loop3A_340 = vector.broadcast %parallel_loop3A_339 : i32 to vector<16xi32>
      %parallel_loop3A_341 = arith.addi %iota3A, %parallel_loop3A_340 : vector<16xi32>
      %parallel_loop3A_342 = arith.constant 63 : i32
      %parallel_loop3A_343 = vector.broadcast %parallel_loop3A_342 : i32 to vector<16xi32>
      %parallel_loop3A_344 = arith.andi %parallel_loop3A_341, %parallel_loop3A_343 : vector<16xi32>
      %parallel_loop3A_345 = tpu.vector_load_idx %arg11[%parallel_loop3A_48, %parallel_loop3A_344] : memref<80x64xi32, #tpu.memory_space<vmem>>[vector<16xi32>, vector<16xi32>], vector<16xi32>,
      %parallel_loop3A_346 = tpu.vector_load_idx %arg12[%parallel_loop3A_48, %parallel_loop3A_344] : memref<80x64xi32, #tpu.memory_space<vmem>>[vector<16xi32>, vector<16xi32>], vector<16xi32>,
      %parallel_loop3A_347 = vector.bitcast %parallel_loop3A_345 : vector<16xi32> to vector<32xbf16>
      %parallel_loop3A_348 = vector.bitcast %parallel_loop3A_346 : vector<16xi32> to vector<32xbf16>
      %parallel_loop3A_349 = arith.mulf %parallel_loop3A_347, %parallel_loop3A_348 : vector<32xbf16>
      %parallel_loop3A_350 = arith.addf %parallel_loop3A_338, %parallel_loop3A_349 : vector<32xbf16>
      %parallel_loop3A_351 = arith.constant 25 : i32
      %parallel_loop3A_352 = vector.broadcast %parallel_loop3A_351 : i32 to vector<16xi32>
      %parallel_loop3A_353 = arith.addi %iota3A, %parallel_loop3A_352 : vector<16xi32>
      %parallel_loop3A_354 = arith.constant 63 : i32
      %parallel_loop3A_355 = vector.broadcast %parallel_loop3A_354 : i32 to vector<16xi32>
      %parallel_loop3A_356 = arith.andi %parallel_loop3A_353, %parallel_loop3A_355 : vector<16xi32>
      %parallel_loop3A_357 = tpu.vector_load_idx %arg11[%parallel_loop3A_48, %parallel_loop3A_356] : memref<80x64xi32, #tpu.memory_space<vmem>>[vector<16xi32>, vector<16xi32>], vector<16xi32>,
      %parallel_loop3A_358 = tpu.vector_load_idx %arg12[%parallel_loop3A_48, %parallel_loop3A_356] : memref<80x64xi32, #tpu.memory_space<vmem>>[vector<16xi32>, vector<16xi32>], vector<16xi32>,
      %parallel_loop3A_359 = vector.bitcast %parallel_loop3A_357 : vector<16xi32> to vector<32xbf16>
      %parallel_loop3A_360 = vector.bitcast %parallel_loop3A_358 : vector<16xi32> to vector<32xbf16>
      %parallel_loop3A_361 = arith.mulf %parallel_loop3A_359, %parallel_loop3A_360 : vector<32xbf16>
      %parallel_loop3A_362 = arith.addf %parallel_loop3A_350, %parallel_loop3A_361 : vector<32xbf16>
      %parallel_loop3A_363 = arith.constant 26 : i32
      %parallel_loop3A_364 = vector.broadcast %parallel_loop3A_363 : i32 to vector<16xi32>
      %parallel_loop3A_365 = arith.addi %iota3A, %parallel_loop3A_364 : vector<16xi32>
      %parallel_loop3A_366 = arith.constant 63 : i32
      %parallel_loop3A_367 = vector.broadcast %parallel_loop3A_366 : i32 to vector<16xi32>
      %parallel_loop3A_368 = arith.andi %parallel_loop3A_365, %parallel_loop3A_367 : vector<16xi32>
      %parallel_loop3A_369 = tpu.vector_load_idx %arg11[%parallel_loop3A_48, %parallel_loop3A_368] : memref<80x64xi32, #tpu.memory_space<vmem>>[vector<16xi32>, vector<16xi32>], vector<16xi32>,
      %parallel_loop3A_370 = tpu.vector_load_idx %arg12[%parallel_loop3A_48, %parallel_loop3A_368] : memref<80x64xi32, #tpu.memory_space<vmem>>[vector<16xi32>, vector<16xi32>], vector<16xi32>,
      %parallel_loop3A_371 = vector.bitcast %parallel_loop3A_369 : vector<16xi32> to vector<32xbf16>
      %parallel_loop3A_372 = vector.bitcast %parallel_loop3A_370 : vector<16xi32> to vector<32xbf16>
      %parallel_loop3A_373 = arith.mulf %parallel_loop3A_371, %parallel_loop3A_372 : vector<32xbf16>
      %parallel_loop3A_374 = arith.addf %parallel_loop3A_362, %parallel_loop3A_373 : vector<32xbf16>
      %parallel_loop3A_375 = arith.constant 27 : i32
      %parallel_loop3A_376 = vector.broadcast %parallel_loop3A_375 : i32 to vector<16xi32>
      %parallel_loop3A_377 = arith.addi %iota3A, %parallel_loop3A_376 : vector<16xi32>
      %parallel_loop3A_378 = arith.constant 63 : i32
      %parallel_loop3A_379 = vector.broadcast %parallel_loop3A_378 : i32 to vector<16xi32>
      %parallel_loop3A_380 = arith.andi %parallel_loop3A_377, %parallel_loop3A_379 : vector<16xi32>
      %parallel_loop3A_381 = tpu.vector_load_idx %arg11[%parallel_loop3A_48, %parallel_loop3A_380] : memref<80x64xi32, #tpu.memory_space<vmem>>[vector<16xi32>, vector<16xi32>], vector<16xi32>,
      %parallel_loop3A_382 = tpu.vector_load_idx %arg12[%parallel_loop3A_48, %parallel_loop3A_380] : memref<80x64xi32, #tpu.memory_space<vmem>>[vector<16xi32>, vector<16xi32>], vector<16xi32>,
      %parallel_loop3A_383 = vector.bitcast %parallel_loop3A_381 : vector<16xi32> to vector<32xbf16>
      %parallel_loop3A_384 = vector.bitcast %parallel_loop3A_382 : vector<16xi32> to vector<32xbf16>
      %parallel_loop3A_385 = arith.mulf %parallel_loop3A_383, %parallel_loop3A_384 : vector<32xbf16>
      %parallel_loop3A_386 = arith.addf %parallel_loop3A_374, %parallel_loop3A_385 : vector<32xbf16>
      %parallel_loop3A_387 = arith.constant 28 : i32
      %parallel_loop3A_388 = vector.broadcast %parallel_loop3A_387 : i32 to vector<16xi32>
      %parallel_loop3A_389 = arith.addi %iota3A, %parallel_loop3A_388 : vector<16xi32>
      %parallel_loop3A_390 = arith.constant 63 : i32
      %parallel_loop3A_391 = vector.broadcast %parallel_loop3A_390 : i32 to vector<16xi32>
      %parallel_loop3A_392 = arith.andi %parallel_loop3A_389, %parallel_loop3A_391 : vector<16xi32>
      %parallel_loop3A_393 = tpu.vector_load_idx %arg11[%parallel_loop3A_48, %parallel_loop3A_392] : memref<80x64xi32, #tpu.memory_space<vmem>>[vector<16xi32>, vector<16xi32>], vector<16xi32>,
      %parallel_loop3A_394 = tpu.vector_load_idx %arg12[%parallel_loop3A_48, %parallel_loop3A_392] : memref<80x64xi32, #tpu.memory_space<vmem>>[vector<16xi32>, vector<16xi32>], vector<16xi32>,
      %parallel_loop3A_395 = vector.bitcast %parallel_loop3A_393 : vector<16xi32> to vector<32xbf16>
      %parallel_loop3A_396 = vector.bitcast %parallel_loop3A_394 : vector<16xi32> to vector<32xbf16>
      %parallel_loop3A_397 = arith.mulf %parallel_loop3A_395, %parallel_loop3A_396 : vector<32xbf16>
      %parallel_loop3A_398 = arith.addf %parallel_loop3A_386, %parallel_loop3A_397 : vector<32xbf16>
      %parallel_loop3A_399 = arith.constant 29 : i32
      %parallel_loop3A_400 = vector.broadcast %parallel_loop3A_399 : i32 to vector<16xi32>
      %parallel_loop3A_401 = arith.addi %iota3A, %parallel_loop3A_400 : vector<16xi32>
      %parallel_loop3A_402 = arith.constant 63 : i32
      %parallel_loop3A_403 = vector.broadcast %parallel_loop3A_402 : i32 to vector<16xi32>
      %parallel_loop3A_404 = arith.andi %parallel_loop3A_401, %parallel_loop3A_403 : vector<16xi32>
      %parallel_loop3A_405 = tpu.vector_load_idx %arg11[%parallel_loop3A_48, %parallel_loop3A_404] : memref<80x64xi32, #tpu.memory_space<vmem>>[vector<16xi32>, vector<16xi32>], vector<16xi32>,
      %parallel_loop3A_406 = tpu.vector_load_idx %arg12[%parallel_loop3A_48, %parallel_loop3A_404] : memref<80x64xi32, #tpu.memory_space<vmem>>[vector<16xi32>, vector<16xi32>], vector<16xi32>,
      %parallel_loop3A_407 = vector.bitcast %parallel_loop3A_405 : vector<16xi32> to vector<32xbf16>
      %parallel_loop3A_408 = vector.bitcast %parallel_loop3A_406 : vector<16xi32> to vector<32xbf16>
      %parallel_loop3A_409 = arith.mulf %parallel_loop3A_407, %parallel_loop3A_408 : vector<32xbf16>
      %parallel_loop3A_410 = arith.addf %parallel_loop3A_398, %parallel_loop3A_409 : vector<32xbf16>
      %parallel_loop3A_411 = arith.constant 30 : i32
      %parallel_loop3A_412 = vector.broadcast %parallel_loop3A_411 : i32 to vector<16xi32>
      %parallel_loop3A_413 = arith.addi %iota3A, %parallel_loop3A_412 : vector<16xi32>
      %parallel_loop3A_414 = arith.constant 63 : i32
      %parallel_loop3A_415 = vector.broadcast %parallel_loop3A_414 : i32 to vector<16xi32>
      %parallel_loop3A_416 = arith.andi %parallel_loop3A_413, %parallel_loop3A_415 : vector<16xi32>
      %parallel_loop3A_417 = tpu.vector_load_idx %arg11[%parallel_loop3A_48, %parallel_loop3A_416] : memref<80x64xi32, #tpu.memory_space<vmem>>[vector<16xi32>, vector<16xi32>], vector<16xi32>,
      %parallel_loop3A_418 = tpu.vector_load_idx %arg12[%parallel_loop3A_48, %parallel_loop3A_416] : memref<80x64xi32, #tpu.memory_space<vmem>>[vector<16xi32>, vector<16xi32>], vector<16xi32>,
      %parallel_loop3A_419 = vector.bitcast %parallel_loop3A_417 : vector<16xi32> to vector<32xbf16>
      %parallel_loop3A_420 = vector.bitcast %parallel_loop3A_418 : vector<16xi32> to vector<32xbf16>
      %parallel_loop3A_421 = arith.mulf %parallel_loop3A_419, %parallel_loop3A_420 : vector<32xbf16>
      %parallel_loop3A_422 = arith.addf %parallel_loop3A_410, %parallel_loop3A_421 : vector<32xbf16>
      %parallel_loop3A_423 = arith.constant 31 : i32
      %parallel_loop3A_424 = vector.broadcast %parallel_loop3A_423 : i32 to vector<16xi32>
      %parallel_loop3A_425 = arith.addi %iota3A, %parallel_loop3A_424 : vector<16xi32>
      %parallel_loop3A_426 = arith.constant 63 : i32
      %parallel_loop3A_427 = vector.broadcast %parallel_loop3A_426 : i32 to vector<16xi32>
      %parallel_loop3A_428 = arith.andi %parallel_loop3A_425, %parallel_loop3A_427 : vector<16xi32>
      %parallel_loop3A_429 = tpu.vector_load_idx %arg11[%parallel_loop3A_48, %parallel_loop3A_428] : memref<80x64xi32, #tpu.memory_space<vmem>>[vector<16xi32>, vector<16xi32>], vector<16xi32>,
      %parallel_loop3A_430 = tpu.vector_load_idx %arg12[%parallel_loop3A_48, %parallel_loop3A_428] : memref<80x64xi32, #tpu.memory_space<vmem>>[vector<16xi32>, vector<16xi32>], vector<16xi32>,
      %parallel_loop3A_431 = vector.bitcast %parallel_loop3A_429 : vector<16xi32> to vector<32xbf16>
      %parallel_loop3A_432 = vector.bitcast %parallel_loop3A_430 : vector<16xi32> to vector<32xbf16>
      %parallel_loop3A_433 = arith.mulf %parallel_loop3A_431, %parallel_loop3A_432 : vector<32xbf16>
      %parallel_loop3A_434 = arith.addf %parallel_loop3A_422, %parallel_loop3A_433 : vector<32xbf16>
      %parallel_loop3A_435 = arith.constant 32 : i32
      %parallel_loop3A_436 = vector.broadcast %parallel_loop3A_435 : i32 to vector<16xi32>
      %parallel_loop3A_437 = arith.addi %iota3A, %parallel_loop3A_436 : vector<16xi32>
      %parallel_loop3A_438 = arith.constant 63 : i32
      %parallel_loop3A_439 = vector.broadcast %parallel_loop3A_438 : i32 to vector<16xi32>
      %parallel_loop3A_440 = arith.andi %parallel_loop3A_437, %parallel_loop3A_439 : vector<16xi32>
      %parallel_loop3A_441 = tpu.vector_load_idx %arg11[%parallel_loop3A_48, %parallel_loop3A_440] : memref<80x64xi32, #tpu.memory_space<vmem>>[vector<16xi32>, vector<16xi32>], vector<16xi32>,
      %parallel_loop3A_442 = tpu.vector_load_idx %arg12[%parallel_loop3A_48, %parallel_loop3A_440] : memref<80x64xi32, #tpu.memory_space<vmem>>[vector<16xi32>, vector<16xi32>], vector<16xi32>,
      %parallel_loop3A_443 = vector.bitcast %parallel_loop3A_441 : vector<16xi32> to vector<32xbf16>
      %parallel_loop3A_444 = vector.bitcast %parallel_loop3A_442 : vector<16xi32> to vector<32xbf16>
      %parallel_loop3A_445 = arith.mulf %parallel_loop3A_443, %parallel_loop3A_444 : vector<32xbf16>
      %parallel_loop3A_446 = arith.addf %parallel_loop3A_434, %parallel_loop3A_445 : vector<32xbf16>
      %parallel_loop3A_447 = arith.constant 33 : i32
      %parallel_loop3A_448 = vector.broadcast %parallel_loop3A_447 : i32 to vector<16xi32>
      %parallel_loop3A_449 = arith.addi %iota3A, %parallel_loop3A_448 : vector<16xi32>
      %parallel_loop3A_450 = arith.constant 63 : i32
      %parallel_loop3A_451 = vector.broadcast %parallel_loop3A_450 : i32 to vector<16xi32>
      %parallel_loop3A_452 = arith.andi %parallel_loop3A_449, %parallel_loop3A_451 : vector<16xi32>
      %parallel_loop3A_453 = tpu.vector_load_idx %arg11[%parallel_loop3A_48, %parallel_loop3A_452] : memref<80x64xi32, #tpu.memory_space<vmem>>[vector<16xi32>, vector<16xi32>], vector<16xi32>,
      %parallel_loop3A_454 = tpu.vector_load_idx %arg12[%parallel_loop3A_48, %parallel_loop3A_452] : memref<80x64xi32, #tpu.memory_space<vmem>>[vector<16xi32>, vector<16xi32>], vector<16xi32>,
      %parallel_loop3A_455 = vector.bitcast %parallel_loop3A_453 : vector<16xi32> to vector<32xbf16>
      %parallel_loop3A_456 = vector.bitcast %parallel_loop3A_454 : vector<16xi32> to vector<32xbf16>
      %parallel_loop3A_457 = arith.mulf %parallel_loop3A_455, %parallel_loop3A_456 : vector<32xbf16>
      %parallel_loop3A_458 = arith.addf %parallel_loop3A_446, %parallel_loop3A_457 : vector<32xbf16>
      %parallel_loop3A_459 = arith.constant 34 : i32
      %parallel_loop3A_460 = vector.broadcast %parallel_loop3A_459 : i32 to vector<16xi32>
      %parallel_loop3A_461 = arith.addi %iota3A, %parallel_loop3A_460 : vector<16xi32>
      %parallel_loop3A_462 = arith.constant 63 : i32
      %parallel_loop3A_463 = vector.broadcast %parallel_loop3A_462 : i32 to vector<16xi32>
      %parallel_loop3A_464 = arith.andi %parallel_loop3A_461, %parallel_loop3A_463 : vector<16xi32>
      %parallel_loop3A_465 = tpu.vector_load_idx %arg11[%parallel_loop3A_48, %parallel_loop3A_464] : memref<80x64xi32, #tpu.memory_space<vmem>>[vector<16xi32>, vector<16xi32>], vector<16xi32>,
      %parallel_loop3A_466 = tpu.vector_load_idx %arg12[%parallel_loop3A_48, %parallel_loop3A_464] : memref<80x64xi32, #tpu.memory_space<vmem>>[vector<16xi32>, vector<16xi32>], vector<16xi32>,
      %parallel_loop3A_467 = vector.bitcast %parallel_loop3A_465 : vector<16xi32> to vector<32xbf16>
      %parallel_loop3A_468 = vector.bitcast %parallel_loop3A_466 : vector<16xi32> to vector<32xbf16>
      %parallel_loop3A_469 = arith.mulf %parallel_loop3A_467, %parallel_loop3A_468 : vector<32xbf16>
      %parallel_loop3A_470 = arith.addf %parallel_loop3A_458, %parallel_loop3A_469 : vector<32xbf16>
      %parallel_loop3A_471 = arith.constant 35 : i32
      %parallel_loop3A_472 = vector.broadcast %parallel_loop3A_471 : i32 to vector<16xi32>
      %parallel_loop3A_473 = arith.addi %iota3A, %parallel_loop3A_472 : vector<16xi32>
      %parallel_loop3A_474 = arith.constant 63 : i32
      %parallel_loop3A_475 = vector.broadcast %parallel_loop3A_474 : i32 to vector<16xi32>
      %parallel_loop3A_476 = arith.andi %parallel_loop3A_473, %parallel_loop3A_475 : vector<16xi32>
      %parallel_loop3A_477 = tpu.vector_load_idx %arg11[%parallel_loop3A_48, %parallel_loop3A_476] : memref<80x64xi32, #tpu.memory_space<vmem>>[vector<16xi32>, vector<16xi32>], vector<16xi32>,
      %parallel_loop3A_478 = tpu.vector_load_idx %arg12[%parallel_loop3A_48, %parallel_loop3A_476] : memref<80x64xi32, #tpu.memory_space<vmem>>[vector<16xi32>, vector<16xi32>], vector<16xi32>,
      %parallel_loop3A_479 = vector.bitcast %parallel_loop3A_477 : vector<16xi32> to vector<32xbf16>
      %parallel_loop3A_480 = vector.bitcast %parallel_loop3A_478 : vector<16xi32> to vector<32xbf16>
      %parallel_loop3A_481 = arith.mulf %parallel_loop3A_479, %parallel_loop3A_480 : vector<32xbf16>
      %parallel_loop3A_482 = arith.addf %parallel_loop3A_470, %parallel_loop3A_481 : vector<32xbf16>
      %parallel_loop3A_483 = arith.constant 36 : i32
      %parallel_loop3A_484 = vector.broadcast %parallel_loop3A_483 : i32 to vector<16xi32>
      %parallel_loop3A_485 = arith.addi %iota3A, %parallel_loop3A_484 : vector<16xi32>
      %parallel_loop3A_486 = arith.constant 63 : i32
      %parallel_loop3A_487 = vector.broadcast %parallel_loop3A_486 : i32 to vector<16xi32>
      %parallel_loop3A_488 = arith.andi %parallel_loop3A_485, %parallel_loop3A_487 : vector<16xi32>
      %parallel_loop3A_489 = tpu.vector_load_idx %arg11[%parallel_loop3A_48, %parallel_loop3A_488] : memref<80x64xi32, #tpu.memory_space<vmem>>[vector<16xi32>, vector<16xi32>], vector<16xi32>,
      %parallel_loop3A_490 = tpu.vector_load_idx %arg12[%parallel_loop3A_48, %parallel_loop3A_488] : memref<80x64xi32, #tpu.memory_space<vmem>>[vector<16xi32>, vector<16xi32>], vector<16xi32>,
      %parallel_loop3A_491 = vector.bitcast %parallel_loop3A_489 : vector<16xi32> to vector<32xbf16>
      %parallel_loop3A_492 = vector.bitcast %parallel_loop3A_490 : vector<16xi32> to vector<32xbf16>
      %parallel_loop3A_493 = arith.mulf %parallel_loop3A_491, %parallel_loop3A_492 : vector<32xbf16>
      %parallel_loop3A_494 = arith.addf %parallel_loop3A_482, %parallel_loop3A_493 : vector<32xbf16>
      %parallel_loop3A_495 = arith.constant 37 : i32
      %parallel_loop3A_496 = vector.broadcast %parallel_loop3A_495 : i32 to vector<16xi32>
      %parallel_loop3A_497 = arith.addi %iota3A, %parallel_loop3A_496 : vector<16xi32>
      %parallel_loop3A_498 = arith.constant 63 : i32
      %parallel_loop3A_499 = vector.broadcast %parallel_loop3A_498 : i32 to vector<16xi32>
      %parallel_loop3A_500 = arith.andi %parallel_loop3A_497, %parallel_loop3A_499 : vector<16xi32>
      %parallel_loop3A_501 = tpu.vector_load_idx %arg11[%parallel_loop3A_48, %parallel_loop3A_500] : memref<80x64xi32, #tpu.memory_space<vmem>>[vector<16xi32>, vector<16xi32>], vector<16xi32>,
      %parallel_loop3A_502 = tpu.vector_load_idx %arg12[%parallel_loop3A_48, %parallel_loop3A_500] : memref<80x64xi32, #tpu.memory_space<vmem>>[vector<16xi32>, vector<16xi32>], vector<16xi32>,
      %parallel_loop3A_503 = vector.bitcast %parallel_loop3A_501 : vector<16xi32> to vector<32xbf16>
      %parallel_loop3A_504 = vector.bitcast %parallel_loop3A_502 : vector<16xi32> to vector<32xbf16>
      %parallel_loop3A_505 = arith.mulf %parallel_loop3A_503, %parallel_loop3A_504 : vector<32xbf16>
      %parallel_loop3A_506 = arith.addf %parallel_loop3A_494, %parallel_loop3A_505 : vector<32xbf16>
      %parallel_loop3A_507 = arith.constant 38 : i32
      %parallel_loop3A_508 = vector.broadcast %parallel_loop3A_507 : i32 to vector<16xi32>
      %parallel_loop3A_509 = arith.addi %iota3A, %parallel_loop3A_508 : vector<16xi32>
      %parallel_loop3A_510 = arith.constant 63 : i32
      %parallel_loop3A_511 = vector.broadcast %parallel_loop3A_510 : i32 to vector<16xi32>
      %parallel_loop3A_512 = arith.andi %parallel_loop3A_509, %parallel_loop3A_511 : vector<16xi32>
      %parallel_loop3A_513 = tpu.vector_load_idx %arg11[%parallel_loop3A_48, %parallel_loop3A_512] : memref<80x64xi32, #tpu.memory_space<vmem>>[vector<16xi32>, vector<16xi32>], vector<16xi32>,
      %parallel_loop3A_514 = tpu.vector_load_idx %arg12[%parallel_loop3A_48, %parallel_loop3A_512] : memref<80x64xi32, #tpu.memory_space<vmem>>[vector<16xi32>, vector<16xi32>], vector<16xi32>,
      %parallel_loop3A_515 = vector.bitcast %parallel_loop3A_513 : vector<16xi32> to vector<32xbf16>
      %parallel_loop3A_516 = vector.bitcast %parallel_loop3A_514 : vector<16xi32> to vector<32xbf16>
      %parallel_loop3A_517 = arith.mulf %parallel_loop3A_515, %parallel_loop3A_516 : vector<32xbf16>
      %parallel_loop3A_518 = arith.addf %parallel_loop3A_506, %parallel_loop3A_517 : vector<32xbf16>
      %parallel_loop3A_519 = arith.constant 39 : i32
      %parallel_loop3A_520 = vector.broadcast %parallel_loop3A_519 : i32 to vector<16xi32>
      %parallel_loop3A_521 = arith.addi %iota3A, %parallel_loop3A_520 : vector<16xi32>
      %parallel_loop3A_522 = arith.constant 63 : i32
      %parallel_loop3A_523 = vector.broadcast %parallel_loop3A_522 : i32 to vector<16xi32>
      %parallel_loop3A_524 = arith.andi %parallel_loop3A_521, %parallel_loop3A_523 : vector<16xi32>
      %parallel_loop3A_525 = tpu.vector_load_idx %arg11[%parallel_loop3A_48, %parallel_loop3A_524] : memref<80x64xi32, #tpu.memory_space<vmem>>[vector<16xi32>, vector<16xi32>], vector<16xi32>,
      %parallel_loop3A_526 = tpu.vector_load_idx %arg12[%parallel_loop3A_48, %parallel_loop3A_524] : memref<80x64xi32, #tpu.memory_space<vmem>>[vector<16xi32>, vector<16xi32>], vector<16xi32>,
      %parallel_loop3A_527 = vector.bitcast %parallel_loop3A_525 : vector<16xi32> to vector<32xbf16>
      %parallel_loop3A_528 = vector.bitcast %parallel_loop3A_526 : vector<16xi32> to vector<32xbf16>
      %parallel_loop3A_529 = arith.mulf %parallel_loop3A_527, %parallel_loop3A_528 : vector<32xbf16>
      %parallel_loop3A_530 = arith.addf %parallel_loop3A_518, %parallel_loop3A_529 : vector<32xbf16>
      %parallel_loop3A_531 = arith.constant 40 : i32
      %parallel_loop3A_532 = vector.broadcast %parallel_loop3A_531 : i32 to vector<16xi32>
      %parallel_loop3A_533 = arith.addi %iota3A, %parallel_loop3A_532 : vector<16xi32>
      %parallel_loop3A_534 = arith.constant 63 : i32
      %parallel_loop3A_535 = vector.broadcast %parallel_loop3A_534 : i32 to vector<16xi32>
      %parallel_loop3A_536 = arith.andi %parallel_loop3A_533, %parallel_loop3A_535 : vector<16xi32>
      %parallel_loop3A_537 = tpu.vector_load_idx %arg11[%parallel_loop3A_48, %parallel_loop3A_536] : memref<80x64xi32, #tpu.memory_space<vmem>>[vector<16xi32>, vector<16xi32>], vector<16xi32>,
      %parallel_loop3A_538 = tpu.vector_load_idx %arg12[%parallel_loop3A_48, %parallel_loop3A_536] : memref<80x64xi32, #tpu.memory_space<vmem>>[vector<16xi32>, vector<16xi32>], vector<16xi32>,
      %parallel_loop3A_539 = vector.bitcast %parallel_loop3A_537 : vector<16xi32> to vector<32xbf16>
      %parallel_loop3A_540 = vector.bitcast %parallel_loop3A_538 : vector<16xi32> to vector<32xbf16>
      %parallel_loop3A_541 = arith.mulf %parallel_loop3A_539, %parallel_loop3A_540 : vector<32xbf16>
      %parallel_loop3A_542 = arith.addf %parallel_loop3A_530, %parallel_loop3A_541 : vector<32xbf16>
      %parallel_loop3A_543 = arith.constant 41 : i32
      %parallel_loop3A_544 = vector.broadcast %parallel_loop3A_543 : i32 to vector<16xi32>
      %parallel_loop3A_545 = arith.addi %iota3A, %parallel_loop3A_544 : vector<16xi32>
      %parallel_loop3A_546 = arith.constant 63 : i32
      %parallel_loop3A_547 = vector.broadcast %parallel_loop3A_546 : i32 to vector<16xi32>
      %parallel_loop3A_548 = arith.andi %parallel_loop3A_545, %parallel_loop3A_547 : vector<16xi32>
      %parallel_loop3A_549 = tpu.vector_load_idx %arg11[%parallel_loop3A_48, %parallel_loop3A_548] : memref<80x64xi32, #tpu.memory_space<vmem>>[vector<16xi32>, vector<16xi32>], vector<16xi32>,
      %parallel_loop3A_550 = tpu.vector_load_idx %arg12[%parallel_loop3A_48, %parallel_loop3A_548] : memref<80x64xi32, #tpu.memory_space<vmem>>[vector<16xi32>, vector<16xi32>], vector<16xi32>,
      %parallel_loop3A_551 = vector.bitcast %parallel_loop3A_549 : vector<16xi32> to vector<32xbf16>
      %parallel_loop3A_552 = vector.bitcast %parallel_loop3A_550 : vector<16xi32> to vector<32xbf16>
      %parallel_loop3A_553 = arith.mulf %parallel_loop3A_551, %parallel_loop3A_552 : vector<32xbf16>
      %parallel_loop3A_554 = arith.addf %parallel_loop3A_542, %parallel_loop3A_553 : vector<32xbf16>
      %parallel_loop3A_555 = arith.constant 42 : i32
      %parallel_loop3A_556 = vector.broadcast %parallel_loop3A_555 : i32 to vector<16xi32>
      %parallel_loop3A_557 = arith.addi %iota3A, %parallel_loop3A_556 : vector<16xi32>
      %parallel_loop3A_558 = arith.constant 63 : i32
      %parallel_loop3A_559 = vector.broadcast %parallel_loop3A_558 : i32 to vector<16xi32>
      %parallel_loop3A_560 = arith.andi %parallel_loop3A_557, %parallel_loop3A_559 : vector<16xi32>
      %parallel_loop3A_561 = tpu.vector_load_idx %arg11[%parallel_loop3A_48, %parallel_loop3A_560] : memref<80x64xi32, #tpu.memory_space<vmem>>[vector<16xi32>, vector<16xi32>], vector<16xi32>,
      %parallel_loop3A_562 = tpu.vector_load_idx %arg12[%parallel_loop3A_48, %parallel_loop3A_560] : memref<80x64xi32, #tpu.memory_space<vmem>>[vector<16xi32>, vector<16xi32>], vector<16xi32>,
      %parallel_loop3A_563 = vector.bitcast %parallel_loop3A_561 : vector<16xi32> to vector<32xbf16>
      %parallel_loop3A_564 = vector.bitcast %parallel_loop3A_562 : vector<16xi32> to vector<32xbf16>
      %parallel_loop3A_565 = arith.mulf %parallel_loop3A_563, %parallel_loop3A_564 : vector<32xbf16>
      %parallel_loop3A_566 = arith.addf %parallel_loop3A_554, %parallel_loop3A_565 : vector<32xbf16>
      %parallel_loop3A_567 = arith.constant 43 : i32
      %parallel_loop3A_568 = vector.broadcast %parallel_loop3A_567 : i32 to vector<16xi32>
      %parallel_loop3A_569 = arith.addi %iota3A, %parallel_loop3A_568 : vector<16xi32>
      %parallel_loop3A_570 = arith.constant 63 : i32
      %parallel_loop3A_571 = vector.broadcast %parallel_loop3A_570 : i32 to vector<16xi32>
      %parallel_loop3A_572 = arith.andi %parallel_loop3A_569, %parallel_loop3A_571 : vector<16xi32>
      %parallel_loop3A_573 = tpu.vector_load_idx %arg11[%parallel_loop3A_48, %parallel_loop3A_572] : memref<80x64xi32, #tpu.memory_space<vmem>>[vector<16xi32>, vector<16xi32>], vector<16xi32>,
      %parallel_loop3A_574 = tpu.vector_load_idx %arg12[%parallel_loop3A_48, %parallel_loop3A_572] : memref<80x64xi32, #tpu.memory_space<vmem>>[vector<16xi32>, vector<16xi32>], vector<16xi32>,
      %parallel_loop3A_575 = vector.bitcast %parallel_loop3A_573 : vector<16xi32> to vector<32xbf16>
      %parallel_loop3A_576 = vector.bitcast %parallel_loop3A_574 : vector<16xi32> to vector<32xbf16>
      %parallel_loop3A_577 = arith.mulf %parallel_loop3A_575, %parallel_loop3A_576 : vector<32xbf16>
      %parallel_loop3A_578 = arith.addf %parallel_loop3A_566, %parallel_loop3A_577 : vector<32xbf16>
      %parallel_loop3A_579 = arith.constant 44 : i32
      %parallel_loop3A_580 = vector.broadcast %parallel_loop3A_579 : i32 to vector<16xi32>
      %parallel_loop3A_581 = arith.addi %iota3A, %parallel_loop3A_580 : vector<16xi32>
      %parallel_loop3A_582 = arith.constant 63 : i32
      %parallel_loop3A_583 = vector.broadcast %parallel_loop3A_582 : i32 to vector<16xi32>
      %parallel_loop3A_584 = arith.andi %parallel_loop3A_581, %parallel_loop3A_583 : vector<16xi32>
      %parallel_loop3A_585 = tpu.vector_load_idx %arg11[%parallel_loop3A_48, %parallel_loop3A_584] : memref<80x64xi32, #tpu.memory_space<vmem>>[vector<16xi32>, vector<16xi32>], vector<16xi32>,
      %parallel_loop3A_586 = tpu.vector_load_idx %arg12[%parallel_loop3A_48, %parallel_loop3A_584] : memref<80x64xi32, #tpu.memory_space<vmem>>[vector<16xi32>, vector<16xi32>], vector<16xi32>,
      %parallel_loop3A_587 = vector.bitcast %parallel_loop3A_585 : vector<16xi32> to vector<32xbf16>
      %parallel_loop3A_588 = vector.bitcast %parallel_loop3A_586 : vector<16xi32> to vector<32xbf16>
      %parallel_loop3A_589 = arith.mulf %parallel_loop3A_587, %parallel_loop3A_588 : vector<32xbf16>
      %parallel_loop3A_590 = arith.addf %parallel_loop3A_578, %parallel_loop3A_589 : vector<32xbf16>
      %parallel_loop3A_591 = arith.constant 45 : i32
      %parallel_loop3A_592 = vector.broadcast %parallel_loop3A_591 : i32 to vector<16xi32>
      %parallel_loop3A_593 = arith.addi %iota3A, %parallel_loop3A_592 : vector<16xi32>
      %parallel_loop3A_594 = arith.constant 63 : i32
      %parallel_loop3A_595 = vector.broadcast %parallel_loop3A_594 : i32 to vector<16xi32>
      %parallel_loop3A_596 = arith.andi %parallel_loop3A_593, %parallel_loop3A_595 : vector<16xi32>
      %parallel_loop3A_597 = tpu.vector_load_idx %arg11[%parallel_loop3A_48, %parallel_loop3A_596] : memref<80x64xi32, #tpu.memory_space<vmem>>[vector<16xi32>, vector<16xi32>], vector<16xi32>,
      %parallel_loop3A_598 = tpu.vector_load_idx %arg12[%parallel_loop3A_48, %parallel_loop3A_596] : memref<80x64xi32, #tpu.memory_space<vmem>>[vector<16xi32>, vector<16xi32>], vector<16xi32>,
      %parallel_loop3A_599 = vector.bitcast %parallel_loop3A_597 : vector<16xi32> to vector<32xbf16>
      %parallel_loop3A_600 = vector.bitcast %parallel_loop3A_598 : vector<16xi32> to vector<32xbf16>
      %parallel_loop3A_601 = arith.mulf %parallel_loop3A_599, %parallel_loop3A_600 : vector<32xbf16>
      %parallel_loop3A_602 = arith.addf %parallel_loop3A_590, %parallel_loop3A_601 : vector<32xbf16>
      %parallel_loop3A_603 = arith.constant 46 : i32
      %parallel_loop3A_604 = vector.broadcast %parallel_loop3A_603 : i32 to vector<16xi32>
      %parallel_loop3A_605 = arith.addi %iota3A, %parallel_loop3A_604 : vector<16xi32>
      %parallel_loop3A_606 = arith.constant 63 : i32
      %parallel_loop3A_607 = vector.broadcast %parallel_loop3A_606 : i32 to vector<16xi32>
      %parallel_loop3A_608 = arith.andi %parallel_loop3A_605, %parallel_loop3A_607 : vector<16xi32>
      %parallel_loop3A_609 = tpu.vector_load_idx %arg11[%parallel_loop3A_48, %parallel_loop3A_608] : memref<80x64xi32, #tpu.memory_space<vmem>>[vector<16xi32>, vector<16xi32>], vector<16xi32>,
      %parallel_loop3A_610 = tpu.vector_load_idx %arg12[%parallel_loop3A_48, %parallel_loop3A_608] : memref<80x64xi32, #tpu.memory_space<vmem>>[vector<16xi32>, vector<16xi32>], vector<16xi32>,
      %parallel_loop3A_611 = vector.bitcast %parallel_loop3A_609 : vector<16xi32> to vector<32xbf16>
      %parallel_loop3A_612 = vector.bitcast %parallel_loop3A_610 : vector<16xi32> to vector<32xbf16>
      %parallel_loop3A_613 = arith.mulf %parallel_loop3A_611, %parallel_loop3A_612 : vector<32xbf16>
      %parallel_loop3A_614 = arith.addf %parallel_loop3A_602, %parallel_loop3A_613 : vector<32xbf16>
      %parallel_loop3A_615 = arith.constant 47 : i32
      %parallel_loop3A_616 = vector.broadcast %parallel_loop3A_615 : i32 to vector<16xi32>
      %parallel_loop3A_617 = arith.addi %iota3A, %parallel_loop3A_616 : vector<16xi32>
      %parallel_loop3A_618 = arith.constant 63 : i32
      %parallel_loop3A_619 = vector.broadcast %parallel_loop3A_618 : i32 to vector<16xi32>
      %parallel_loop3A_620 = arith.andi %parallel_loop3A_617, %parallel_loop3A_619 : vector<16xi32>
      %parallel_loop3A_621 = tpu.vector_load_idx %arg11[%parallel_loop3A_48, %parallel_loop3A_620] : memref<80x64xi32, #tpu.memory_space<vmem>>[vector<16xi32>, vector<16xi32>], vector<16xi32>,
      %parallel_loop3A_622 = tpu.vector_load_idx %arg12[%parallel_loop3A_48, %parallel_loop3A_620] : memref<80x64xi32, #tpu.memory_space<vmem>>[vector<16xi32>, vector<16xi32>], vector<16xi32>,
      %parallel_loop3A_623 = vector.bitcast %parallel_loop3A_621 : vector<16xi32> to vector<32xbf16>
      %parallel_loop3A_624 = vector.bitcast %parallel_loop3A_622 : vector<16xi32> to vector<32xbf16>
      %parallel_loop3A_625 = arith.mulf %parallel_loop3A_623, %parallel_loop3A_624 : vector<32xbf16>
      %parallel_loop3A_626 = arith.addf %parallel_loop3A_614, %parallel_loop3A_625 : vector<32xbf16>
      %parallel_loop3A_627 = arith.constant 48 : i32
      %parallel_loop3A_628 = vector.broadcast %parallel_loop3A_627 : i32 to vector<16xi32>
      %parallel_loop3A_629 = arith.addi %iota3A, %parallel_loop3A_628 : vector<16xi32>
      %parallel_loop3A_630 = arith.constant 63 : i32
      %parallel_loop3A_631 = vector.broadcast %parallel_loop3A_630 : i32 to vector<16xi32>
      %parallel_loop3A_632 = arith.andi %parallel_loop3A_629, %parallel_loop3A_631 : vector<16xi32>
      %parallel_loop3A_633 = tpu.vector_load_idx %arg11[%parallel_loop3A_48, %parallel_loop3A_632] : memref<80x64xi32, #tpu.memory_space<vmem>>[vector<16xi32>, vector<16xi32>], vector<16xi32>,
      %parallel_loop3A_634 = tpu.vector_load_idx %arg12[%parallel_loop3A_48, %parallel_loop3A_632] : memref<80x64xi32, #tpu.memory_space<vmem>>[vector<16xi32>, vector<16xi32>], vector<16xi32>,
      %parallel_loop3A_635 = vector.bitcast %parallel_loop3A_633 : vector<16xi32> to vector<32xbf16>
      %parallel_loop3A_636 = vector.bitcast %parallel_loop3A_634 : vector<16xi32> to vector<32xbf16>
      %parallel_loop3A_637 = arith.mulf %parallel_loop3A_635, %parallel_loop3A_636 : vector<32xbf16>
      %parallel_loop3A_638 = arith.addf %parallel_loop3A_626, %parallel_loop3A_637 : vector<32xbf16>
      %parallel_loop3A_639 = arith.constant 49 : i32
      %parallel_loop3A_640 = vector.broadcast %parallel_loop3A_639 : i32 to vector<16xi32>
      %parallel_loop3A_641 = arith.addi %iota3A, %parallel_loop3A_640 : vector<16xi32>
      %parallel_loop3A_642 = arith.constant 63 : i32
      %parallel_loop3A_643 = vector.broadcast %parallel_loop3A_642 : i32 to vector<16xi32>
      %parallel_loop3A_644 = arith.andi %parallel_loop3A_641, %parallel_loop3A_643 : vector<16xi32>
      %parallel_loop3A_645 = tpu.vector_load_idx %arg11[%parallel_loop3A_48, %parallel_loop3A_644] : memref<80x64xi32, #tpu.memory_space<vmem>>[vector<16xi32>, vector<16xi32>], vector<16xi32>,
      %parallel_loop3A_646 = tpu.vector_load_idx %arg12[%parallel_loop3A_48, %parallel_loop3A_644] : memref<80x64xi32, #tpu.memory_space<vmem>>[vector<16xi32>, vector<16xi32>], vector<16xi32>,
      %parallel_loop3A_647 = vector.bitcast %parallel_loop3A_645 : vector<16xi32> to vector<32xbf16>
      %parallel_loop3A_648 = vector.bitcast %parallel_loop3A_646 : vector<16xi32> to vector<32xbf16>
      %parallel_loop3A_649 = arith.mulf %parallel_loop3A_647, %parallel_loop3A_648 : vector<32xbf16>
      %parallel_loop3A_650 = arith.addf %parallel_loop3A_638, %parallel_loop3A_649 : vector<32xbf16>
      %parallel_loop3A_651 = arith.constant 50 : i32
      %parallel_loop3A_652 = vector.broadcast %parallel_loop3A_651 : i32 to vector<16xi32>
      %parallel_loop3A_653 = arith.addi %iota3A, %parallel_loop3A_652 : vector<16xi32>
      %parallel_loop3A_654 = arith.constant 63 : i32
      %parallel_loop3A_655 = vector.broadcast %parallel_loop3A_654 : i32 to vector<16xi32>
      %parallel_loop3A_656 = arith.andi %parallel_loop3A_653, %parallel_loop3A_655 : vector<16xi32>
      %parallel_loop3A_657 = tpu.vector_load_idx %arg11[%parallel_loop3A_48, %parallel_loop3A_656] : memref<80x64xi32, #tpu.memory_space<vmem>>[vector<16xi32>, vector<16xi32>], vector<16xi32>,
      %parallel_loop3A_658 = tpu.vector_load_idx %arg12[%parallel_loop3A_48, %parallel_loop3A_656] : memref<80x64xi32, #tpu.memory_space<vmem>>[vector<16xi32>, vector<16xi32>], vector<16xi32>,
      %parallel_loop3A_659 = vector.bitcast %parallel_loop3A_657 : vector<16xi32> to vector<32xbf16>
      %parallel_loop3A_660 = vector.bitcast %parallel_loop3A_658 : vector<16xi32> to vector<32xbf16>
      %parallel_loop3A_661 = arith.mulf %parallel_loop3A_659, %parallel_loop3A_660 : vector<32xbf16>
      %parallel_loop3A_662 = arith.addf %parallel_loop3A_650, %parallel_loop3A_661 : vector<32xbf16>
      %parallel_loop3A_663 = arith.constant 51 : i32
      %parallel_loop3A_664 = vector.broadcast %parallel_loop3A_663 : i32 to vector<16xi32>
      %parallel_loop3A_665 = arith.addi %iota3A, %parallel_loop3A_664 : vector<16xi32>
      %parallel_loop3A_666 = arith.constant 63 : i32
      %parallel_loop3A_667 = vector.broadcast %parallel_loop3A_666 : i32 to vector<16xi32>
      %parallel_loop3A_668 = arith.andi %parallel_loop3A_665, %parallel_loop3A_667 : vector<16xi32>
      %parallel_loop3A_669 = tpu.vector_load_idx %arg11[%parallel_loop3A_48, %parallel_loop3A_668] : memref<80x64xi32, #tpu.memory_space<vmem>>[vector<16xi32>, vector<16xi32>], vector<16xi32>,
      %parallel_loop3A_670 = tpu.vector_load_idx %arg12[%parallel_loop3A_48, %parallel_loop3A_668] : memref<80x64xi32, #tpu.memory_space<vmem>>[vector<16xi32>, vector<16xi32>], vector<16xi32>,
      %parallel_loop3A_671 = vector.bitcast %parallel_loop3A_669 : vector<16xi32> to vector<32xbf16>
      %parallel_loop3A_672 = vector.bitcast %parallel_loop3A_670 : vector<16xi32> to vector<32xbf16>
      %parallel_loop3A_673 = arith.mulf %parallel_loop3A_671, %parallel_loop3A_672 : vector<32xbf16>
      %parallel_loop3A_674 = arith.addf %parallel_loop3A_662, %parallel_loop3A_673 : vector<32xbf16>
      %parallel_loop3A_675 = arith.constant 52 : i32
      %parallel_loop3A_676 = vector.broadcast %parallel_loop3A_675 : i32 to vector<16xi32>
      %parallel_loop3A_677 = arith.addi %iota3A, %parallel_loop3A_676 : vector<16xi32>
      %parallel_loop3A_678 = arith.constant 63 : i32
      %parallel_loop3A_679 = vector.broadcast %parallel_loop3A_678 : i32 to vector<16xi32>
      %parallel_loop3A_680 = arith.andi %parallel_loop3A_677, %parallel_loop3A_679 : vector<16xi32>
      %parallel_loop3A_681 = tpu.vector_load_idx %arg11[%parallel_loop3A_48, %parallel_loop3A_680] : memref<80x64xi32, #tpu.memory_space<vmem>>[vector<16xi32>, vector<16xi32>], vector<16xi32>,
      %parallel_loop3A_682 = tpu.vector_load_idx %arg12[%parallel_loop3A_48, %parallel_loop3A_680] : memref<80x64xi32, #tpu.memory_space<vmem>>[vector<16xi32>, vector<16xi32>], vector<16xi32>,
      %parallel_loop3A_683 = vector.bitcast %parallel_loop3A_681 : vector<16xi32> to vector<32xbf16>
      %parallel_loop3A_684 = vector.bitcast %parallel_loop3A_682 : vector<16xi32> to vector<32xbf16>
      %parallel_loop3A_685 = arith.mulf %parallel_loop3A_683, %parallel_loop3A_684 : vector<32xbf16>
      %parallel_loop3A_686 = arith.addf %parallel_loop3A_674, %parallel_loop3A_685 : vector<32xbf16>
      %parallel_loop3A_687 = arith.constant 53 : i32
      %parallel_loop3A_688 = vector.broadcast %parallel_loop3A_687 : i32 to vector<16xi32>
      %parallel_loop3A_689 = arith.addi %iota3A, %parallel_loop3A_688 : vector<16xi32>
      %parallel_loop3A_690 = arith.constant 63 : i32
      %parallel_loop3A_691 = vector.broadcast %parallel_loop3A_690 : i32 to vector<16xi32>
      %parallel_loop3A_692 = arith.andi %parallel_loop3A_689, %parallel_loop3A_691 : vector<16xi32>
      %parallel_loop3A_693 = tpu.vector_load_idx %arg11[%parallel_loop3A_48, %parallel_loop3A_692] : memref<80x64xi32, #tpu.memory_space<vmem>>[vector<16xi32>, vector<16xi32>], vector<16xi32>,
      %parallel_loop3A_694 = tpu.vector_load_idx %arg12[%parallel_loop3A_48, %parallel_loop3A_692] : memref<80x64xi32, #tpu.memory_space<vmem>>[vector<16xi32>, vector<16xi32>], vector<16xi32>,
      %parallel_loop3A_695 = vector.bitcast %parallel_loop3A_693 : vector<16xi32> to vector<32xbf16>
      %parallel_loop3A_696 = vector.bitcast %parallel_loop3A_694 : vector<16xi32> to vector<32xbf16>
      %parallel_loop3A_697 = arith.mulf %parallel_loop3A_695, %parallel_loop3A_696 : vector<32xbf16>
      %parallel_loop3A_698 = arith.addf %parallel_loop3A_686, %parallel_loop3A_697 : vector<32xbf16>
      %parallel_loop3A_699 = arith.constant 54 : i32
      %parallel_loop3A_700 = vector.broadcast %parallel_loop3A_699 : i32 to vector<16xi32>
      %parallel_loop3A_701 = arith.addi %iota3A, %parallel_loop3A_700 : vector<16xi32>
      %parallel_loop3A_702 = arith.constant 63 : i32
      %parallel_loop3A_703 = vector.broadcast %parallel_loop3A_702 : i32 to vector<16xi32>
      %parallel_loop3A_704 = arith.andi %parallel_loop3A_701, %parallel_loop3A_703 : vector<16xi32>
      %parallel_loop3A_705 = tpu.vector_load_idx %arg11[%parallel_loop3A_48, %parallel_loop3A_704] : memref<80x64xi32, #tpu.memory_space<vmem>>[vector<16xi32>, vector<16xi32>], vector<16xi32>,
      %parallel_loop3A_706 = tpu.vector_load_idx %arg12[%parallel_loop3A_48, %parallel_loop3A_704] : memref<80x64xi32, #tpu.memory_space<vmem>>[vector<16xi32>, vector<16xi32>], vector<16xi32>,
      %parallel_loop3A_707 = vector.bitcast %parallel_loop3A_705 : vector<16xi32> to vector<32xbf16>
      %parallel_loop3A_708 = vector.bitcast %parallel_loop3A_706 : vector<16xi32> to vector<32xbf16>
      %parallel_loop3A_709 = arith.mulf %parallel_loop3A_707, %parallel_loop3A_708 : vector<32xbf16>
      %parallel_loop3A_710 = arith.addf %parallel_loop3A_698, %parallel_loop3A_709 : vector<32xbf16>
      %parallel_loop3A_711 = arith.constant 55 : i32
      %parallel_loop3A_712 = vector.broadcast %parallel_loop3A_711 : i32 to vector<16xi32>
      %parallel_loop3A_713 = arith.addi %iota3A, %parallel_loop3A_712 : vector<16xi32>
      %parallel_loop3A_714 = arith.constant 63 : i32
      %parallel_loop3A_715 = vector.broadcast %parallel_loop3A_714 : i32 to vector<16xi32>
      %parallel_loop3A_716 = arith.andi %parallel_loop3A_713, %parallel_loop3A_715 : vector<16xi32>
      %parallel_loop3A_717 = tpu.vector_load_idx %arg11[%parallel_loop3A_48, %parallel_loop3A_716] : memref<80x64xi32, #tpu.memory_space<vmem>>[vector<16xi32>, vector<16xi32>], vector<16xi32>,
      %parallel_loop3A_718 = tpu.vector_load_idx %arg12[%parallel_loop3A_48, %parallel_loop3A_716] : memref<80x64xi32, #tpu.memory_space<vmem>>[vector<16xi32>, vector<16xi32>], vector<16xi32>,
      %parallel_loop3A_719 = vector.bitcast %parallel_loop3A_717 : vector<16xi32> to vector<32xbf16>
      %parallel_loop3A_720 = vector.bitcast %parallel_loop3A_718 : vector<16xi32> to vector<32xbf16>
      %parallel_loop3A_721 = arith.mulf %parallel_loop3A_719, %parallel_loop3A_720 : vector<32xbf16>
      %parallel_loop3A_722 = arith.addf %parallel_loop3A_710, %parallel_loop3A_721 : vector<32xbf16>
      %parallel_loop3A_723 = arith.constant 56 : i32
      %parallel_loop3A_724 = vector.broadcast %parallel_loop3A_723 : i32 to vector<16xi32>
      %parallel_loop3A_725 = arith.addi %iota3A, %parallel_loop3A_724 : vector<16xi32>
      %parallel_loop3A_726 = arith.constant 63 : i32
      %parallel_loop3A_727 = vector.broadcast %parallel_loop3A_726 : i32 to vector<16xi32>
      %parallel_loop3A_728 = arith.andi %parallel_loop3A_725, %parallel_loop3A_727 : vector<16xi32>
      %parallel_loop3A_729 = tpu.vector_load_idx %arg11[%parallel_loop3A_48, %parallel_loop3A_728] : memref<80x64xi32, #tpu.memory_space<vmem>>[vector<16xi32>, vector<16xi32>], vector<16xi32>,
      %parallel_loop3A_730 = tpu.vector_load_idx %arg12[%parallel_loop3A_48, %parallel_loop3A_728] : memref<80x64xi32, #tpu.memory_space<vmem>>[vector<16xi32>, vector<16xi32>], vector<16xi32>,
      %parallel_loop3A_731 = vector.bitcast %parallel_loop3A_729 : vector<16xi32> to vector<32xbf16>
      %parallel_loop3A_732 = vector.bitcast %parallel_loop3A_730 : vector<16xi32> to vector<32xbf16>
      %parallel_loop3A_733 = arith.mulf %parallel_loop3A_731, %parallel_loop3A_732 : vector<32xbf16>
      %parallel_loop3A_734 = arith.addf %parallel_loop3A_722, %parallel_loop3A_733 : vector<32xbf16>
      %parallel_loop3A_735 = arith.constant 57 : i32
      %parallel_loop3A_736 = vector.broadcast %parallel_loop3A_735 : i32 to vector<16xi32>
      %parallel_loop3A_737 = arith.addi %iota3A, %parallel_loop3A_736 : vector<16xi32>
      %parallel_loop3A_738 = arith.constant 63 : i32
      %parallel_loop3A_739 = vector.broadcast %parallel_loop3A_738 : i32 to vector<16xi32>
      %parallel_loop3A_740 = arith.andi %parallel_loop3A_737, %parallel_loop3A_739 : vector<16xi32>
      %parallel_loop3A_741 = tpu.vector_load_idx %arg11[%parallel_loop3A_48, %parallel_loop3A_740] : memref<80x64xi32, #tpu.memory_space<vmem>>[vector<16xi32>, vector<16xi32>], vector<16xi32>,
      %parallel_loop3A_742 = tpu.vector_load_idx %arg12[%parallel_loop3A_48, %parallel_loop3A_740] : memref<80x64xi32, #tpu.memory_space<vmem>>[vector<16xi32>, vector<16xi32>], vector<16xi32>,
      %parallel_loop3A_743 = vector.bitcast %parallel_loop3A_741 : vector<16xi32> to vector<32xbf16>
      %parallel_loop3A_744 = vector.bitcast %parallel_loop3A_742 : vector<16xi32> to vector<32xbf16>
      %parallel_loop3A_745 = arith.mulf %parallel_loop3A_743, %parallel_loop3A_744 : vector<32xbf16>
      %parallel_loop3A_746 = arith.addf %parallel_loop3A_734, %parallel_loop3A_745 : vector<32xbf16>
      %parallel_loop3A_747 = arith.constant 58 : i32
      %parallel_loop3A_748 = vector.broadcast %parallel_loop3A_747 : i32 to vector<16xi32>
      %parallel_loop3A_749 = arith.addi %iota3A, %parallel_loop3A_748 : vector<16xi32>
      %parallel_loop3A_750 = arith.constant 63 : i32
      %parallel_loop3A_751 = vector.broadcast %parallel_loop3A_750 : i32 to vector<16xi32>
      %parallel_loop3A_752 = arith.andi %parallel_loop3A_749, %parallel_loop3A_751 : vector<16xi32>
      %parallel_loop3A_753 = tpu.vector_load_idx %arg11[%parallel_loop3A_48, %parallel_loop3A_752] : memref<80x64xi32, #tpu.memory_space<vmem>>[vector<16xi32>, vector<16xi32>], vector<16xi32>,
      %parallel_loop3A_754 = tpu.vector_load_idx %arg12[%parallel_loop3A_48, %parallel_loop3A_752] : memref<80x64xi32, #tpu.memory_space<vmem>>[vector<16xi32>, vector<16xi32>], vector<16xi32>,
      %parallel_loop3A_755 = vector.bitcast %parallel_loop3A_753 : vector<16xi32> to vector<32xbf16>
      %parallel_loop3A_756 = vector.bitcast %parallel_loop3A_754 : vector<16xi32> to vector<32xbf16>
      %parallel_loop3A_757 = arith.mulf %parallel_loop3A_755, %parallel_loop3A_756 : vector<32xbf16>
      %parallel_loop3A_758 = arith.addf %parallel_loop3A_746, %parallel_loop3A_757 : vector<32xbf16>
      %parallel_loop3A_759 = arith.constant 59 : i32
      %parallel_loop3A_760 = vector.broadcast %parallel_loop3A_759 : i32 to vector<16xi32>
      %parallel_loop3A_761 = arith.addi %iota3A, %parallel_loop3A_760 : vector<16xi32>
      %parallel_loop3A_762 = arith.constant 63 : i32
      %parallel_loop3A_763 = vector.broadcast %parallel_loop3A_762 : i32 to vector<16xi32>
      %parallel_loop3A_764 = arith.andi %parallel_loop3A_761, %parallel_loop3A_763 : vector<16xi32>
      %parallel_loop3A_765 = tpu.vector_load_idx %arg11[%parallel_loop3A_48, %parallel_loop3A_764] : memref<80x64xi32, #tpu.memory_space<vmem>>[vector<16xi32>, vector<16xi32>], vector<16xi32>,
      %parallel_loop3A_766 = tpu.vector_load_idx %arg12[%parallel_loop3A_48, %parallel_loop3A_764] : memref<80x64xi32, #tpu.memory_space<vmem>>[vector<16xi32>, vector<16xi32>], vector<16xi32>,
      %parallel_loop3A_767 = vector.bitcast %parallel_loop3A_765 : vector<16xi32> to vector<32xbf16>
      %parallel_loop3A_768 = vector.bitcast %parallel_loop3A_766 : vector<16xi32> to vector<32xbf16>
      %parallel_loop3A_769 = arith.mulf %parallel_loop3A_767, %parallel_loop3A_768 : vector<32xbf16>
      %parallel_loop3A_770 = arith.addf %parallel_loop3A_758, %parallel_loop3A_769 : vector<32xbf16>
      %parallel_loop3A_771 = arith.constant 60 : i32
      %parallel_loop3A_772 = vector.broadcast %parallel_loop3A_771 : i32 to vector<16xi32>
      %parallel_loop3A_773 = arith.addi %iota3A, %parallel_loop3A_772 : vector<16xi32>
      %parallel_loop3A_774 = arith.constant 63 : i32
      %parallel_loop3A_775 = vector.broadcast %parallel_loop3A_774 : i32 to vector<16xi32>
      %parallel_loop3A_776 = arith.andi %parallel_loop3A_773, %parallel_loop3A_775 : vector<16xi32>
      %parallel_loop3A_777 = tpu.vector_load_idx %arg11[%parallel_loop3A_48, %parallel_loop3A_776] : memref<80x64xi32, #tpu.memory_space<vmem>>[vector<16xi32>, vector<16xi32>], vector<16xi32>,
      %parallel_loop3A_778 = tpu.vector_load_idx %arg12[%parallel_loop3A_48, %parallel_loop3A_776] : memref<80x64xi32, #tpu.memory_space<vmem>>[vector<16xi32>, vector<16xi32>], vector<16xi32>,
      %parallel_loop3A_779 = vector.bitcast %parallel_loop3A_777 : vector<16xi32> to vector<32xbf16>
      %parallel_loop3A_780 = vector.bitcast %parallel_loop3A_778 : vector<16xi32> to vector<32xbf16>
      %parallel_loop3A_781 = arith.mulf %parallel_loop3A_779, %parallel_loop3A_780 : vector<32xbf16>
      %parallel_loop3A_782 = arith.addf %parallel_loop3A_770, %parallel_loop3A_781 : vector<32xbf16>
      %parallel_loop3A_783 = arith.constant 61 : i32
      %parallel_loop3A_784 = vector.broadcast %parallel_loop3A_783 : i32 to vector<16xi32>
      %parallel_loop3A_785 = arith.addi %iota3A, %parallel_loop3A_784 : vector<16xi32>
      %parallel_loop3A_786 = arith.constant 63 : i32
      %parallel_loop3A_787 = vector.broadcast %parallel_loop3A_786 : i32 to vector<16xi32>
      %parallel_loop3A_788 = arith.andi %parallel_loop3A_785, %parallel_loop3A_787 : vector<16xi32>
      %parallel_loop3A_789 = tpu.vector_load_idx %arg11[%parallel_loop3A_48, %parallel_loop3A_788] : memref<80x64xi32, #tpu.memory_space<vmem>>[vector<16xi32>, vector<16xi32>], vector<16xi32>,
      %parallel_loop3A_790 = tpu.vector_load_idx %arg12[%parallel_loop3A_48, %parallel_loop3A_788] : memref<80x64xi32, #tpu.memory_space<vmem>>[vector<16xi32>, vector<16xi32>], vector<16xi32>,
      %parallel_loop3A_791 = vector.bitcast %parallel_loop3A_789 : vector<16xi32> to vector<32xbf16>
      %parallel_loop3A_792 = vector.bitcast %parallel_loop3A_790 : vector<16xi32> to vector<32xbf16>
      %parallel_loop3A_793 = arith.mulf %parallel_loop3A_791, %parallel_loop3A_792 : vector<32xbf16>
      %parallel_loop3A_794 = arith.addf %parallel_loop3A_782, %parallel_loop3A_793 : vector<32xbf16>
      %parallel_loop3A_795 = arith.constant 62 : i32
      %parallel_loop3A_796 = vector.broadcast %parallel_loop3A_795 : i32 to vector<16xi32>
      %parallel_loop3A_797 = arith.addi %iota3A, %parallel_loop3A_796 : vector<16xi32>
      %parallel_loop3A_798 = arith.constant 63 : i32
      %parallel_loop3A_799 = vector.broadcast %parallel_loop3A_798 : i32 to vector<16xi32>
      %parallel_loop3A_800 = arith.andi %parallel_loop3A_797, %parallel_loop3A_799 : vector<16xi32>
      %parallel_loop3A_801 = tpu.vector_load_idx %arg11[%parallel_loop3A_48, %parallel_loop3A_800] : memref<80x64xi32, #tpu.memory_space<vmem>>[vector<16xi32>, vector<16xi32>], vector<16xi32>,
      %parallel_loop3A_802 = tpu.vector_load_idx %arg12[%parallel_loop3A_48, %parallel_loop3A_800] : memref<80x64xi32, #tpu.memory_space<vmem>>[vector<16xi32>, vector<16xi32>], vector<16xi32>,
      %parallel_loop3A_803 = vector.bitcast %parallel_loop3A_801 : vector<16xi32> to vector<32xbf16>
      %parallel_loop3A_804 = vector.bitcast %parallel_loop3A_802 : vector<16xi32> to vector<32xbf16>
      %parallel_loop3A_805 = arith.mulf %parallel_loop3A_803, %parallel_loop3A_804 : vector<32xbf16>
      %parallel_loop3A_806 = arith.addf %parallel_loop3A_794, %parallel_loop3A_805 : vector<32xbf16>
      %parallel_loop3A_807 = arith.constant 63 : i32
      %parallel_loop3A_808 = vector.broadcast %parallel_loop3A_807 : i32 to vector<16xi32>
      %parallel_loop3A_809 = arith.addi %iota3A, %parallel_loop3A_808 : vector<16xi32>
      %parallel_loop3A_810 = arith.constant 63 : i32
      %parallel_loop3A_811 = vector.broadcast %parallel_loop3A_810 : i32 to vector<16xi32>
      %parallel_loop3A_812 = arith.andi %parallel_loop3A_809, %parallel_loop3A_811 : vector<16xi32>
      %parallel_loop3A_813 = tpu.vector_load_idx %arg11[%parallel_loop3A_48, %parallel_loop3A_812] : memref<80x64xi32, #tpu.memory_space<vmem>>[vector<16xi32>, vector<16xi32>], vector<16xi32>,
      %parallel_loop3A_814 = tpu.vector_load_idx %arg12[%parallel_loop3A_48, %parallel_loop3A_812] : memref<80x64xi32, #tpu.memory_space<vmem>>[vector<16xi32>, vector<16xi32>], vector<16xi32>,
      %parallel_loop3A_815 = vector.bitcast %parallel_loop3A_813 : vector<16xi32> to vector<32xbf16>
      %parallel_loop3A_816 = vector.bitcast %parallel_loop3A_814 : vector<16xi32> to vector<32xbf16>
      %parallel_loop3A_817 = arith.mulf %parallel_loop3A_815, %parallel_loop3A_816 : vector<32xbf16>
      %parallel_loop3A_818 = arith.addf %parallel_loop3A_806, %parallel_loop3A_817 : vector<32xbf16>
      %parallel_loop3A_819 = vector.bitcast %parallel_loop3A_818 : vector<32xbf16> to vector<16xi32>
      %parallel_loop3A_820 = arith.constant 16 : i32
      %parallel_loop3A_821 = vector.broadcast %parallel_loop3A_820 : i32 to vector<16xi32>
      %parallel_loop3A_822 = arith.shli %parallel_loop3A_819, %parallel_loop3A_821 : vector<16xi32>
      %parallel_loop3A_823 = vector.bitcast %parallel_loop3A_822 : vector<16xi32> to vector<16xf32>
      %parallel_loop3A_824 = arith.constant -65536 : i32
      %parallel_loop3A_825 = vector.broadcast %parallel_loop3A_824 : i32 to vector<16xi32>
      %parallel_loop3A_826 = arith.andi %parallel_loop3A_819, %parallel_loop3A_825 : vector<16xi32>
      %parallel_loop3A_827 = vector.bitcast %parallel_loop3A_826 : vector<16xi32> to vector<16xf32>
      %parallel_loop3A_828 = arith.addf %parallel_loop3A_823, %parallel_loop3A_827 : vector<16xf32>
      %parallel_loop3A_829 = tpu.vector_load_idx %arg8[%parallel_loop3A_42] : memref<10000xf32, #tpu.memory_space<vmem>>[vector<16xi32>], vector<16xf32>,
      %parallel_loop3A_830 = tpu.vector_load_idx %arg8[%parallel_loop3A_44] : memref<10000xf32, #tpu.memory_space<vmem>>[vector<16xi32>], vector<16xf32>,
      %parallel_loop3A_831 = arith.mulf %parallel_loop3A_829, %parallel_loop3A_830 : vector<16xf32>
      %parallel_loop3A_832 = arith.constant 9.99999993E-9 : f32
      %parallel_loop3A_833 = vector.broadcast %parallel_loop3A_832 : f32 to vector<16xf32>
      %parallel_loop3A_834 = arith.maximumf %parallel_loop3A_831, %parallel_loop3A_833 : vector<16xf32>
      %parallel_loop3A_835 = arith.divf %parallel_loop3A_828, %parallel_loop3A_834 : vector<16xf32>
      %parallel_loop3A_836 = arith.constant 5.000000e-01 : f32
      %parallel_loop3A_837 = vector.broadcast %parallel_loop3A_836 : f32 to vector<16xf32>
      %parallel_loop3A_838 = arith.subf %parallel_loop3A_837, %parallel_loop3A_835 : vector<16xf32>
      %parallel_loop3A_839 = arith.constant 0.000000e+00 : f32
      %parallel_loop3A_840 = vector.broadcast %parallel_loop3A_839 : f32 to vector<16xf32>
      %parallel_loop3A_841 = arith.maximumf %parallel_loop3A_838, %parallel_loop3A_840 : vector<16xf32>
      %parallel_loop3A_842 = arith.addf %parallel_loop3A_36, %parallel_loop3A_841 : vector<16xf32>
      scf.yield %parallel_loop3A_842 : vector<16xf32>
    } {sc.loop_unroll_factor = 2 : i64, sc.parallel_access}
    %swap3A = arith.constant 0 : index
    %swap3A_34 = tpu.vector_load %arg15[%swap3A] {strides = array<i32>} : memref<16xf32, #tpu.memory_space<vmem>>, vector<16xf32>,
    tpu.vector_store %arg15[%swap3A], %parallel_loop3A_33 {strides = array<i32>} : memref<16xf32, #tpu.memory_space<vmem>>, vector<16xf32>,
    "tpu.region"() ({
      %run_scoped3A = tpu.sem_alloc : memref<!tpu.dma_semaphore, #tpu.memory_space<semaphore_mem>>
      %dma_start3A_35 = arith.constant 0 : i32
      %dma_start3A_36 = tpu.memref_slice %arg6[%add3A, %dma_start3A_35] : memref<32x16xf32, #tpu.memory_space<hbm>> -> memref<1x16xf32, #tpu.memory_space<hbm>>
      %dma_start3A_37 = tpu.memref_squeeze %dma_start3A_36 : memref<1x16xf32, #tpu.memory_space<hbm>> -> memref<16xf32, #tpu.memory_space<hbm>>
      %dma_start3A_38 = arith.constant 0 : i32
      %dma_start3A_39 = tpu.memref_slice %arg6[%add3A, %dma_start3A_38] : memref<32x16xf32, #tpu.memory_space<hbm>> -> memref<1x16xf32, #tpu.memory_space<hbm>>
      %dma_start3A_40 = tpu.memref_squeeze %dma_start3A_39 : memref<1x16xf32, #tpu.memory_space<hbm>> -> memref<16xf32, #tpu.memory_space<hbm>>
      tpu.enqueue_dma source(%arg15 : memref<16xf32, #tpu.memory_space<vmem>>) target(%dma_start3A_40 : memref<16xf32, #tpu.memory_space<hbm>>) target_semaphore(%run_scoped3A : memref<!tpu.dma_semaphore, #tpu.memory_space<semaphore_mem>>)
      %dma_wait3A_41 = arith.constant 0 : i32
      %dma_wait3A_42 = tpu.memref_slice %arg6[%add3A, %dma_wait3A_41] : memref<32x16xf32, #tpu.memory_space<hbm>> -> memref<1x16xf32, #tpu.memory_space<hbm>>
      %dma_wait3A_43 = tpu.memref_squeeze %dma_wait3A_42 : memref<1x16xf32, #tpu.memory_space<hbm>> -> memref<16xf32, #tpu.memory_space<hbm>>
      %dma_wait3A_44 = arith.constant 0 : i32
      %dma_wait3A_45 = tpu.memref_slice %arg6[%add3A, %dma_wait3A_44] : memref<32x16xf32, #tpu.memory_space<hbm>> -> memref<1x16xf32, #tpu.memory_space<hbm>>
      %dma_wait3A_46 = tpu.memref_squeeze %dma_wait3A_45 : memref<1x16xf32, #tpu.memory_space<hbm>> -> memref<16xf32, #tpu.memory_space<hbm>>
      tpu.wait_dma2 semaphore(%run_scoped3A : memref<!tpu.dma_semaphore, #tpu.memory_space<semaphore_mem>>) src(%arg15 : memref<16xf32, #tpu.memory_space<vmem>>) dst(%dma_wait3A_46 : memref<16xf32, #tpu.memory_space<hbm>>)
      tpu.yield
    }) : () -> ()
    return
  }
}

module attributes {stable_mosaic.version = 14 : i64} {
  func.func @body(%arg0: memref<10000x128xf32, #tpu.memory_space<vmem>>, %arg1: memref<10000xf32, #tpu.memory_space<vmem>>) attributes {dimension_semantics = [], scalar_prefetch = 0 : i64, scratch_operands = 0 : i64, tpu.core_type = #tpu.core_type<tc>} {
    %get3A = arith.constant 0 : index
    %get3A_0 = arith.constant 0 : index
    %get3A_1 = vector.load %arg0[%get3A, %get3A_0] : memref<10000x128xf32, #tpu.memory_space<vmem>>, vector<10000x128xf32>
    %mul3A = arith.mulf %get3A_1, %get3A_1 : vector<10000x128xf32>
    %reduce_sum3A = arith.constant dense<0.000000e+00> : vector<10000xf32>
    %reduce_sum3A_2 = vector.multi_reduction <add>, %mul3A, %reduce_sum3A [1] : vector<10000x128xf32> to vector<10000xf32>
    %sqrt3A = math.sqrt %reduce_sum3A_2 : vector<10000xf32>
    %swap3A = arith.constant 0 : index
    %swap3A_3 = vector.load %arg1[%swap3A] : memref<10000xf32, #tpu.memory_space<vmem>>, vector<10000xf32>
    tpu.vector_store %arg1[%swap3A], %sqrt3A {strides = array<i32>} : memref<10000xf32, #tpu.memory_space<vmem>>, vector<10000xf32>,
    return
  }
}

</mosaic_0001>

<sc_bundles>
// kernel: kernel.4.cloned.1.call-start
scs
__scs_entry_jumppad:
0x0: {  	(pc) =	sbr.rel $0x88, $3  }
0x1: {  	(tag) =	ssettag $0x0;
	lr =	simm.s32 $0x1  }
0x2: {  	[smem:$0x3F9F] =	sst lr;
	_ =	strace $0xD0000000  }
0x3: {  	_ = 	snop  }
0x4: {  	_ = 	snop  }
0x5: {  	_ = 	snop  }
0x6: {  	_ = 	snop  }
0x7: {  	_ = 	snop  }
__scs_overlays_trampoline_lowered:
0x8: {  	[smem:$0x3FAE] =	sst s0  }
0x9: {  	[smem:$0x3FAF] =	sst s1  }
0xa: {  	[smem:$0x3FB0] =	sst s2  }
0xb: {  	[smem:$0x3FB1] =	sst s3  }
0xc: {  	[smem:$0x3FB2] =	sst s4  }
0xd: {  	[smem:$0x3FB3] =	sst s5  }
0xe: {  	[smem:$0x3FB4] =	sst s6  }
0xf: {  	[smem:$0x3FB5] =	sst s7  }
0x10: {  	[smem:$0x3FB6] =	sst s8  }
0x11: {  	[smem:$0x3FB7] =	sst s9;
	s0 =	simm.s32 @!p0 $0x0  }
0x12: {  	s1 =	sld [smem:$0x3F9D];
	s0 =	simm.s32 @p0 $0x1  }
0x13: {  	[smem:$0x3FB8] =	sst s0;
	s0 =	simm.s32 @!p1 $0x0  }
0x14: {  	s2 =	sld [smem:$0x3F9C];
	s0 =	simm.s32 @p1 $0x1  }
0x15: {  	[smem:$0x3FB9] =	sst s0;
	s0 =	simm.s32 @!p2 $0x0  }
0x16: {  	s3 =	sld [smem:$0x3FDB];
	s0 =	simm.s32 @p2 $0x1  }
0x17: {  	s4 =	simm.s32 $0x1BF5;
	[smem:$0x3FBB] =	sst s0  }
0x18: {  	s0 =	sld [smem:$0x3F9E];
	_ =	swait.ge [sflag:s4], $0x0  }
0x19: {  	s7 =	sld [smem:$0x3F9F]  }
0x1a: {  	s8 =	sadd.s32 $0xFFFFE003, lr  }
0x1b: {  	s9 =	sadd.s32 $0xFFFFFEF7, lr;
	s5 =	simm.s32 $0xFFFFFFFF;
	p2 =	slt.u32 s8, $0xFFFFF086  }
0x1c: {  	p1 =	slt.u32 s9, $0xF7A;
	s5 =	simm.s32 @!p2 $0x0  }
0x1d: {  	s5 =	simm.s32 @p1 $0x1;
	p0 =	seq.s32 s7, s2  }
0x1e: {  	s7 =	smul.u32 @!p0 $0xF7A, s2;
	p2 =	seq.s32 @!p0 s5, $0x0  }
0x1f: {  	s9 =	smul.u32 $0xF7A, s1;
	s8 =	simm.s32 @!p0 $0x1BF5;
	p2 =	por !p2, p0  }
0x20: {  	[sflag:s8] =	ssyncset.s32 @!p0 $0xFFFFF086;
	s6 =	sadd.s32 @!p0 s3, s7;
	s7 =	simm.s32 @!p0 $0x108  }
0x21: {  	s3 =	sadd.s32 s3, s9;
	s6 =	sadd.s32 @!p0 $0x88, s6;
	s7 =	simm.s32 @p2 $0x1082  }
0x22: {  	[simem:s7], [sflag:s8] =	dma.local @!p0 [hbm:s6], $0xF7A  }
0x23: {  	s9 =	sor.u32 $0xD0000000, s2;
	s6 =	simm.s32 $0x108;
	_ =	swait.ge @!p0 [sflag:s8], $0x0  }
0x24: {  	s3 =	sadd.s32 $0x88, s3;
	s6 =	simm.s32 @!p1 $0x1082;
	[sflag:s4] =	ssyncset.s32 $0xFFFFF086  }
0x25: {  	[simem:s6], [sflag:s4] =	dma.local [hbm:s3], $0xF7A  }
0x26: {  	[smem:$0x3F9F] =	sst s1;
	(tag) =	ssettag s2;
	_ =	strace s9  }
0x27: {  	s1 =	sld [smem:$0x3FAF]  }
0x28: {  	s2 =	sld [smem:$0x3FB0]  }
0x29: {  	s4 =	sld [smem:$0x3FB2]  }
0x2a: {  	p0 =	seq.s32 s5, $0x0;
	s5 =	sld [smem:$0x3FB3]  }
0x2b: {  	s6 =	sld [smem:$0x3FB4]  }
0x2c: {  	s7 =	sld [smem:$0x3FB5]  }
0x2d: {  	s3 =	simm.s32 $0x108;
	s8 =	sld [smem:$0x3FB6]  }
0x2e: {  	s3 =	simm.s32 @!p0 $0x1082;
	s9 =	sld [smem:$0x3FB7]  }
0x2f: {  	lr =	sadd.s32 s0, s3;
	s0 =	sld [smem:$0x3FAE]  }
0x30: {  	s3 =	sld [smem:$0x3FB1]  }
0x31: {  	[smem:$0x3FBA] =	sst s10  }
0x32: {  	s10 =	sld [smem:$0x3FB8];
	_ =	sdelay $0x3  }
0x33: {  	p0 =	seq.s32 s10, $0x1;
	s10 =	sld [smem:$0x3FBA];
	_ =	sdelay $0x3  }
0x34: {  	[smem:$0x3FBA] =	sst s10  }
0x35: {  	s10 =	sld [smem:$0x3FB9];
	_ =	sdelay $0x3  }
0x36: {  	p1 =	seq.s32 s10, $0x1;
	s10 =	sld [smem:$0x3FBA];
	_ =	sdelay $0x3  }
0x37: {  	[smem:$0x3FBA] =	sst s10  }
0x38: {  	s10 =	sld [smem:$0x3FBB]  }
0x39: {  	_ = 	snop;
	(pc) =	sbr.ind lr, $3  }
0x3a: {  	_ = 	snop  }
0x3b: {  	_ = 	snop  }
0x3c: {  	p2 =	seq.s32 s10, $0x1;
	s10 =	sld [smem:$0x3FBA]  }
0x3d: {  	_ =	shalt  }
0x3e: {  	_ =	shalt  }
0x3f: {  	_ =	shalt  }
0x40: {  	_ =	shalt  }
0x41: {  	_ =	shalt  }
0x42: {  	_ =	shalt  }
0x43: {  	_ =	shalt  }
0x44: {  	_ =	shalt  }
0x45: {  	_ =	shalt  }
0x46: {  	_ =	shalt  }
0x47: {  	_ =	shalt  }
0x48: {  	_ =	shalt  }
0x49: {  	_ =	shalt  }
0x4a: {  	_ =	shalt  }
0x4b: {  	_ =	shalt  }
0x4c: {  	_ =	shalt  }
0x4d: {  	_ =	shalt  }
0x4e: {  	_ =	shalt  }
0x4f: {  	_ =	shalt  }
0x50: {  	_ =	shalt  }
0x51: {  	_ =	shalt  }
0x52: {  	_ =	shalt  }
0x53: {  	_ =	shalt  }
0x54: {  	_ =	shalt  }
0x55: {  	_ =	shalt  }
0x56: {  	_ =	shalt  }
0x57: {  	_ =	shalt  }
0x58: {  	_ =	shalt  }
0x59: {  	_ =	shalt  }
0x5a: {  	_ =	shalt  }
0x5b: {  	_ =	shalt  }
0x5c: {  	_ =	shalt  }
0x5d: {  	_ =	shalt  }
0x5e: {  	_ =	shalt  }
0x5f: {  	_ =	shalt  }
0x60: {  	_ =	shalt  }
0x61: {  	_ =	shalt  }
0x62: {  	_ =	shalt  }
0x63: {  	_ =	shalt  }
0x64: {  	_ =	shalt  }
0x65: {  	_ =	shalt  }
0x66: {  	_ =	shalt  }
0x67: {  	_ =	shalt  }
0x68: {  	_ =	shalt  }
0x69: {  	_ =	shalt  }
0x6a: {  	_ =	shalt  }
0x6b: {  	_ =	shalt  }
0x6c: {  	_ =	shalt  }
0x6d: {  	_ =	shalt  }
0x6e: {  	_ =	shalt  }
0x6f: {  	_ =	shalt  }
0x70: {  	_ =	shalt  }
0x71: {  	_ =	shalt  }
0x72: {  	_ =	shalt  }
0x73: {  	_ =	shalt  }
0x74: {  	_ =	shalt  }
0x75: {  	_ =	shalt  }
0x76: {  	_ =	shalt  }
0x77: {  	_ =	shalt  }
0x78: {  	_ =	shalt  }
0x79: {  	_ =	shalt  }
0x7a: {  	_ =	shalt  }
0x7b: {  	_ =	shalt  }
0x7c: {  	_ =	shalt  }
0x7d: {  	_ =	shalt  }
0x7e: {  	_ =	shalt  }
0x7f: {  	_ =	shalt  }
0x80: {  	_ =	shalt  }
0x81: {  	_ =	shalt  }
0x82: {  	_ =	shalt  }
0x83: {  	_ =	shalt  }
0x84: {  	_ =	shalt  }
0x85: {  	_ =	shalt  }
0x86: {  	_ =	shalt  }
0x87: {  	_ =	shalt  }
.Lfunc_end0:
.L_simem_size_0:
called_computation_lowered:
.L_overlay_start_0:
0x88: {  	s2 =	sld [smem:$0x3FD9]  }
0x89: {  	s3 =	sld [smem:$0x3FFE];
	_ =	sdelay $0x1  }
0x8a: {  	s1 =	srdreg.scid  }
0x8b: {  	s0 =	sand.u32 $0x1, s1  }
0x8c: {  	s16 =	sshll.u32 s0, $0xA;
	s2 =	sadd.s32 s3, s2  }
0x8d: {  	s2 =	sadd.s32 s2, s16  }
0x8e: {  	[smem:$0x3FC6] =	sst s2  }
0x8f: {  	_ = 	snop  }
0x90: {  	(tm) =	ssettm $0x1  }
0x91: {  	s17 =	sld [smem:$0x3FFB];
	_ =	sdelay $0x3  }
0x92: {  	_ =	strace s17  }
0x93: {  	s2 =	sld [smem:$0x3FFC];
	_ =	sdelay $0x3  }
0x94: {  	_ =	strace s2  }
0x95: {  	s2 =	sld [smem:$0x3FFD];
	_ =	sdelay $0x3  }
0x96: {  	_ =	strace s2  }
0x97: {  	_ =	strace $0x8FFFFFFF  }
0x98: {  	s18 =	sld [smem:$0x3FDB];
	_ =	sdelay $0x1  }
0x99: {  	s19 =	simm.s32 $_scs_section_size  }
0x9a: {  	s4 =	simm.s32 $_size__tile_overlayer_lowered;
	s5 =	simm.s32 $_tile_overlayer_lowered  }
0x9b: {  	s22 =	simm.s32 $0x1BFF;
	s21 =	sshll.u32 s5, $0x1;
	s2 =	sadd.s32 s19, s18  }
0x9c: {  	s6 =	simm.s32 $0x0;
	s20 =	sshll.u32 s4, $0x1;
	s4 =	sadd.s32 s21, s2  }
0x9d: {  	[timem:s6], [sflag:s22] =	dma.local [hbm:s4], s20  }
0x9e: {  	_ =	swait.ge [sflag:s22], s20  }
0x9f: {  	s3 =	ssub.s32 $0x0, s20;
	[sflag:s22] =	ssyncset.done $0x0  }
0xa0: {  	[sflag:s22] =	ssyncadd.s32 s3;
	_ =	sdelay $0x1  }
0xa1: {  	s23 =	simm.s32 $0x1B8B  }
0xa2: {  	_ =	swait.ge [sflag:s23], $0x1  }
0xa3: {  	[sflag:s23] =	ssyncset.done $0x0  }
0xa4: {  	s25 =	simm.s32 $0x1B8E;
	s24 =	sld [smem:$0x3FFE];
	[sflag:s23] =	ssyncadd.s32 $0xFFFFFFFF  }
0xa5: {  	s26 =	simm.s32 $execute0_lowered;
	[smem:$0x3FD2] =	sst s25  }
0xa6: {  	s4 =	sshll.u32 s26, $0x1;
	_ =	strace $0x80000046;
	[dreg:$0x1] =	wrdreg $0xFFFFFFFF  }
0xa7: {  	s28 =	simm.s32 $_size_execute0_lowered;
	s2 =	sadd.s32 s2, s4;
	[dreg:$0x0] =	wrdreg $0x0  }
0xa8: {  	s4 =	sshll.u32 s28, $0x1;
	[dreg:$0x2] =	wrdreg s2  }
0xa9: {  	[dreg:$0x3] =	wrdreg s4  }
0xaa: {  	[dreg:$0x4] =	wrdreg $0xC0  }
0xab: {  	_ =	task [dreg:s6], $0x5FFFF  }
0xac: {  	[dreg:$0x1] =	wrdreg $0xFFFFFFFF  }
0xad: {  	[dreg:$0x0] =	wrdreg $0x60  }
0xae: {  	[dreg:$0x2] =	wrdreg s24  }
0xaf: {  	[dreg:$0x3] =	wrdreg $0x0  }
0xb0: {  	[dreg:$0x4] =	wrdreg $0x9  }
0xb1: {  	_ =	task.clear_ibuf [dreg:s6], $0x5FFFF;
	_ =	strace $0x90000046  }
0xb2: {  	s29 =	simm.s32 $0x9;
	_ =	strace $0x80000048  }
0xb3: {  	_ =	swait.ge [sflag:s29], $0x1  }
0xb4: {  	[sflag:s29] =	ssyncadd.s32 $0xFFFFFFFF  }
0xb5: {  	_ =	strace $0x90000048  }
0xb6: {  	_ =	sfence  }
0xb7: {  	s30 =	sld [smem:$0x0];
	_ =	sdelay $0x2  }
0xb8: {  	s31 =	sshll.u32 s1, $0xD;
	s1 =	sshrl.u32 s1, $0x2  }
0xb9: {  	s3 =	sand.u32 $0x4000, s31;
	s1 =	sadd.s32 s1, s30  }
0xba: {  	s0 =	sor.u32 s3, s0;
	s1 =	sshll.u32 s1, $0x11  }
0xbb: {  	s0 =	sor.u32 s1, s0  }
0xbc: {  	s0 =	sadd.s32 $0x8F2B, s0  }
0xbd: {  	[sflag:s0] =	ssyncadd.remote.s32 $0x1  }
0xbe: {  	_ =	sfence.sel $0xFFFF  }
0xbf: {  	[dreg:$0x0] =	wrdreg $0xFFFFFFFF;
	(pc) =	sbr.abs _section_cstart, $3  }
0xc0: {  	[dreg:$0x1] =	wrdreg $0xFFFFFFFF  }
0xc1: {  	_ =	task.clear_ibuf [dreg:s6], $0x2FFFF;
	_ =	strace $0x9FFFFFFF  }
0xc2: {  	(tm) =	ssettm $0x7FFFFFFF  }
0xc3: {  	_ =	shalt  }
tec
execute0_lowered:
.L_overlay_start_1:
0x0: {  	(tag) =	ssettag $0x1  }
0x1: {  	v8 =	vlaneseq.u32;
	v59 =	vimm.s32 $0x34333231;
	v1 =	vimm.s32 $0x38373635  }
0x2: {  	vm0 =	vcmask $0x1F10;
	v60 =	vimm.s32 $0x3C3B3A39;
	v61 =	vimm.s32 $0x3F3E3D  }
0x3: {  	v2 =	vimm.s32 $0x35343332;
	v3 =	vimm.s32 $0x39383736;
	v62 =	vimm.s32 $0x3D3C3B3A  }
0x4: {  	v4 =	vimm.s32 $0x1003F3E;
	v23 =	vimm.s32 $0x3E3D3C3B;
	v24 =	vimm.s32 $0x3020100  }
0x5: {  	v27 =	vimm.s32 $0x3F3E3D3C;
	v28 =	vimm.s32 $0x37363534;
	v31 =	vimm.s32 $0x6050403  }
0x6: {  	vm1 =	vcmask $0x2F10;
	vm2 =	vcmask $0x3F30;
	v44 =	vimm.s32 $0xC0B0A09  }
0x7: {  	v47 =	vimm.s32 $0x6543A987;
	vm3 =	vcmask $0x300;
	vm4 =	vcmask $0x704  }
0x8: {  	vm5 =	vcmask $0xB08;
	vm6 =	vcmask $0xF0C;
	vm7 =	vcmask $0x1310  }
0x9: {  	vm8 =	vcmask $0x1714;
	vm9 =	vcmask $0x1B18;
	vm10 =	vcmask $0x2724  }
0xa: {  	vm11 =	vcmask $0x2B28;
	vm12 =	vcmask $0x2F2C;
	vm13 =	vcmask $0x3330  }
0xb: {  	vm14 =	vcmask $0x3734;
	vm15 =	vcmask $0x3B38;
	v11 =	vimm.s32 $0x13C8  }
0xc: {  	v13 =	vmul.u32 $0x40, v8;
	v0 =	vadd.s32 $0x1, v8;
	v14 =	vadd.s32 $0x2, v8  }
0xd: {  	v15 =	vadd.s32 $0x3, v8;
	v50 =	vadd.s32 $0x4, v8;
	v51 =	vadd.s32 $0x5, v8  }
0xe: {  	v52 =	vadd.s32 $0x6, v8;
	v53 =	vadd.s32 $0x7, v8;
	v36 =	vadd.s32 $0x8, v8  }
0xf: {  	v54 =	vadd.s32 $0x9, v8;
	v55 =	vadd.s32 $0xA, v8;
	v56 =	vadd.s32 $0xB, v8  }
0x10: {  	v57 =	vadd.s32 $0xC, v8;
	v33 =	vadd.s32 $0xE, v8;
	v58 =	vadd.s32 $0xF, v8  }
0x11: {  	v38 =	vor.u32 $0x10, v8;
	v45 =	vadd.s32 $0x11, v8;
	v26 =	vadd.s32 $0x12, v8  }
0x12: {  	v1 =	vunpack.c.0.s8.s32 v1;
	v29 =	vadd.s32 $0x13, v8;
	v43 =	vadd.s32 $0x14, v8;
	[tilespmem:$0x1FA80] =	vst v0  }
0x13: {  	v40 =	vadd.s32 $0x15, v8;
	v5 =	vunpack.c.0.s8.s32 v60;
	v2 =	vunpack.c.0.s8.s32 v2;
	[tilespmem:$0x1FA90] =	vst v50  }
0x14: {  	v6 =	vunpack.c.0.s8.s32 v3;
	v7 =	vunpack.c.0.s8.s32 v62;
	v63 =	vunpack.c.0.s8.s32 v4;
	[tilespmem:$0x1FAA0] =	vst v51  }
0x15: {  	v4 =	vimm.s32 $0x36353433;
	v42 =	vadd.s32 $0x16, v8;
	v25 =	vunpack.c.0.s8.s32 v24;
	[tilespmem:$0x1FAC0] =	vst v53  }
0x16: {  	v9 =	vunpack.c.0.s8.s32 v27;
	v46 =	vunpack.c.0.s8.s32 v44;
	v60 =	vimm.s32 $0x13C4;
	[tilespmem:$0x1FAD0] =	vst v54  }
0x17: {  	[tilespmem:$0x1FAF0] =	vst v56;
	v56 =	vadd.s32 $0xD, v8;
	v0 =	vunpack.c.0.s8.s32 v59;
	v4 =	vunpack.c.0.s8.s32 v4  }
0x18: {  	[tilespmem:$0x1FAE0] =	vst v55;
	v50 =	vimm.s32 $0x13C0;
	v53 =	vimm.s32 $0xE0D0C0B;
	v54 =	vimm.s32 $0x13C1  }
0x19: {  	v55 =	vimm.s32 $0x13C2;
	v59 =	vimm.s32 $0x13C3;
	[tilespmem:$0x1FB20] =	vst v1;
	v2 =	vsel vm0, v6, v2  }
0x1a: {  	[tilespmem:$0x1FB40] =	vst v6;
	v6 =	vimm.s32 $0x3A393837;
	v0 =	vsel vm0, v1, v0;
	v1 =	vunpack.c.0.s8.s32 v61  }
0x1b: {  	[tilespmem:$0x1FB50] =	vst v7;
	v7 =	vsel vm0, v63, v7;
	v51 =	vsel vm3, $0x1031, v50;
	v6 =	vunpack.c.0.s8.s32 v6  }
0x1c: {  	[tilespmem:$0x1FB30] =	vst v5;
	v21 =	vcombine.low v2, v7;
	v2 =	vunpack.c.0.s8.s32 v28;
	v5 =	vsel vm0, v1, v5  }
0x1d: {  	[tilespmem:$0x1FB80] =	vst v6;
	v22 =	vsel vm0, v6, v4;
	v4 =	vimm.s32 $0x3B3A3938;
	v6 =	vimm.s32 $0x201003F  }
0x1e: {  	v0 =	vcombine.low v0, v5;
	v8 =	vunpack.c.0.s8.s32 v4;
	v4 =	vimm.s32 $0x4030201  }
0x1f: {  	v10 =	vunpack.c.0.s8.s32 v6;
	v6 =	vimm.s32 $0x5040302;
	v4 =	vunpack.c.0.s8.s32 v4  }
0x20: {  	v30 =	vunpack.c.0.s8.s32 v6;
	v6 =	vimm.s32 $0x76543210;
	[tilespmem:$0x1FB60] =	vst v0;
	v0 =	vunpack.c.0.s8.s32 v23  }
0x21: {  	[tilespmem:$0x1FBB0] =	vst v8;
	v2 =	vsel vm0, v8, v2;
	v6 =	vunpack.c.l.s4.s8 v6;
	v8 =	vimm.s32 $0xA9876543  }
0x22: {  	v4 =	vsel vm0, v4, v1;
	v8 =	vunpack.c.l.s4.s8 v8;
	[tilespmem:$0x1FBA0] =	vst v0;
	v0 =	vsel vm0, v25, v9  }
0x23: {  	[tilespmem:$0x1FBD0] =	vst v4;
	v4 =	vimm.s32 $0x87654321;
	v6 =	vunpack.c.0.s8.s32 v6;
	v0 =	vcombine.low v2, v0  }
0x24: {  	v2 =	vunpack.c.0.s8.s32 v31;
	v32 =	vunpack.c.l.s4.s8 v4;
	v4 =	vimm.s32 $0x98765432  }
0x25: {  	v37 =	vunpack.c.0.s8.s32 v8;
	v34 =	vunpack.c.l.s4.s8 v4;
	[tilespmem:$0x1FBC0] =	vst v0;
	v0 =	vsel vm0, v30, v63  }
0x26: {  	v8 =	vimm.s32 $0x54329876;
	v4 =	vimm.s32 $0x32107654;
	v2 =	vsel vm0, v2, v10;
	[tilespmem:$0x1FBE0] =	vst v0  }
0x27: {  	v4 =	vunpack.c.l.s4.s8 v4;
	[tilespmem:$0x1FBF0] =	vst v2;
	v0 =	vunpack.c.0.s8.s32 v32;
	v2 =	vunpack.c.0.s8.s32 v34  }
0x28: {  	v61 =	vimm.s32 $0x13C5;
	[tilespmem:$0x1FC00] =	vst v6;
	v6 =	vimm.s32 $0xB0A0908;
	v8 =	vunpack.c.l.s4.s8 v8  }
0x29: {  	v4 =	vunpack.c.0.s8.s32 v4;
	v0 =	vand.u32 $0xF, v0;
	v35 =	vand.u32 $0xF, v2  }
0x2a: {  	v2 =	vunpack.c.l.s4.s8 v47;
	v0 =	vcombine.low v5, v0;
	v5 =	vimm.s32 $0x43218765  }
0x2b: {  	v6 =	vunpack.c.0.s8.s32 v6;
	v4 =	vand.u32 $0xF, v4;
	v5 =	vunpack.c.l.s4.s8 v5  }
0x2c: {  	[tilespmem:$0x1FB70] =	vst v21;
	v21 =	vimm.s32 $0x13C9;
	v4 =	vsel vm1, v4, v9;
	v2 =	vunpack.c.0.s8.s32 v2  }
0x2d: {  	[tilespmem:$0x1FB90] =	vst v22;
	v22 =	vsel vm2, v6, v4;
	v4 =	vunpack.c.0.s8.s32 v8;
	v5 =	vunpack.c.0.s8.s32 v5  }
0x2e: {  	[tilespmem:$0x1FAB0] =	vst v52;
	v23 =	vimm.s32 $0x13CA;
	v52 =	vand.u32 $0xF, v2;
	v2 =	vunpack.c.0.s8.s32 v53  }
0x2f: {  	v4 =	vand.u32 $0xF, v4;
	v41 =	vand.u32 $0xF, v5;
	v5 =	vimm.s32 $0xD0C0B0A  }
0x30: {  	[tilespmem:$0x1FC10] =	vst v0;
	v48 =	vsel vm1, v4, v63;
	v0 =	vsel vm1, v41, v1;
	v49 =	vunpack.c.0.s8.s32 v5  }
0x31: {  	v1 =	vsel vm1, v52, v10;
	vm1 =	vcmask $0x1F1C;
	v17 =	vsel vm2, v46, v0  }
0x32: {  	v0 =	vsel vm4, $0x1072, v51;
	v20 =	vsel vm2, v2, v1;
	v2 =	vsel vm3, $0x1033, v55  }
0x33: {  	v1 =	vsel vm3, $0x1032, v54;
	v0 =	vsel vm5, $0x10B3, v0;
	v2 =	vsel vm4, $0x1074, v2  }
0x34: {  	v24 =	vsel vm2, v49, v48;
	v0 =	vsel vm6, $0x10F4, v0;
	v2 =	vsel vm5, $0x10B5, v2  }
0x35: {  	vm2 =	vcmask $0x2320;
	v0 =	vsel vm7, $0x1135, v0;
	v2 =	vsel vm6, $0x10F6, v2  }
0x36: {  	v1 =	vsel vm4, $0x1073, v1;
	v0 =	vsel vm8, $0x1176, v0;
	v2 =	vsel vm7, $0x1137, v2  }
0x37: {  	v1 =	vsel vm5, $0x10B4, v1;
	v0 =	vsel vm9, $0x11B7, v0;
	v2 =	vsel vm8, $0x1178, v2  }
0x38: {  	v1 =	vsel vm6, $0x10F5, v1;
	v0 =	vsel vm1, $0x11F8, v0;
	v2 =	vsel vm9, $0x11B9, v2  }
0x39: {  	v1 =	vsel vm7, $0x1136, v1;
	v0 =	vsel vm2, $0x1239, v0;
	v2 =	vsel vm1, $0x11FA, v2  }
0x3a: {  	v1 =	vsel vm8, $0x1177, v1;
	v0 =	vsel vm10, $0x127A, v0;
	v2 =	vsel vm2, $0x123B, v2  }
0x3b: {  	v1 =	vsel vm9, $0x11B8, v1;
	v0 =	vsel vm11, $0x12BB, v0;
	v2 =	vsel vm10, $0x127C, v2  }
0x3c: {  	v1 =	vsel vm1, $0x11F9, v1;
	v0 =	vsel vm12, $0x12FC, v0;
	v2 =	vsel vm11, $0x12BD, v2  }
0x3d: {  	v1 =	vsel vm2, $0x123A, v1;
	v0 =	vsel vm13, $0x133D, v0;
	v2 =	vsel vm12, $0x12FE, v2  }
0x3e: {  	[tilespmem:$0x1FB10] =	vst v58;
	v1 =	vsel vm10, $0x127B, v1;
	v0 =	vsel vm14, $0x137E, v0;
	v2 =	vsel vm13, $0x133F, v2  }
0x3f: {  	[tilespmem:$0x1FC20] =	vst v9;
	v1 =	vsel vm11, $0x12BC, v1;
	v0 =	vsel vm15, $0x13BF, v0;
	v58 =	vsel vm14, $0x1340, v2  }
0x40: {  	v25 =	vimm.s32 $0x13CB;
	v1 =	vsel vm12, $0x12FD, v1;
	[tilespmem:$0x1FC50] =	vst v0;
	v0 =	vsel vm15, $0x1381, v58  }
0x41: {  	v9 =	vimm.s32 $0x13C6;
	v1 =	vsel vm13, $0x133E, v1;
	[tilespmem:$0x1FC70] =	vst v0;
	v0 =	vsel vm3, $0x1034, v59  }
0x42: {  	v1 =	vsel vm14, $0x137F, v1;
	v2 =	vsel vm3, $0x1036, v61;
	v0 =	vsel vm4, $0x1075, v0  }
0x43: {  	[tilespmem:$0x1FB00] =	vst v57;
	v57 =	vsel vm15, $0x1380, v1;
	v2 =	vsel vm4, $0x1077, v2;
	v0 =	vsel vm5, $0x10B6, v0  }
0x44: {  	v1 =	vsel vm3, $0x1035, v60;
	v2 =	vsel vm5, $0x10B8, v2;
	v0 =	vsel vm6, $0x10F7, v0  }
0x45: {  	v1 =	vsel vm4, $0x1076, v1;
	v2 =	vsel vm6, $0x10F9, v2;
	v0 =	vsel vm7, $0x1138, v0  }
0x46: {  	v1 =	vsel vm5, $0x10B7, v1;
	v2 =	vsel vm7, $0x113A, v2;
	v0 =	vsel vm8, $0x1179, v0  }
0x47: {  	v1 =	vsel vm6, $0x10F8, v1;
	v2 =	vsel vm8, $0x117B, v2;
	v0 =	vsel vm9, $0x11BA, v0  }
0x48: {  	v1 =	vsel vm7, $0x1139, v1;
	v2 =	vsel vm9, $0x11BC, v2;
	v0 =	vsel vm1, $0x11FB, v0  }
0x49: {  	v1 =	vsel vm8, $0x117A, v1;
	v2 =	vsel vm1, $0x11FD, v2;
	v0 =	vsel vm2, $0x123C, v0  }
0x4a: {  	v1 =	vsel vm9, $0x11BB, v1;
	v2 =	vsel vm2, $0x123E, v2;
	v0 =	vsel vm10, $0x127D, v0  }
0x4b: {  	v1 =	vsel vm1, $0x11FC, v1;
	v2 =	vsel vm10, $0x127F, v2;
	v0 =	vsel vm11, $0x12BE, v0  }
0x4c: {  	v1 =	vsel vm2, $0x123D, v1;
	v2 =	vsel vm11, $0x1280, v2;
	v0 =	vsel vm12, $0x12FF, v0  }
0x4d: {  	v1 =	vsel vm10, $0x127E, v1;
	v2 =	vsel vm12, $0x12C1, v2;
	v0 =	vsel vm13, $0x1300, v0  }
0x4e: {  	v1 =	vsel vm11, $0x12BF, v1;
	v2 =	vsel vm13, $0x1302, v2;
	v0 =	vsel vm14, $0x1341, v0  }
0x4f: {  	[tilespmem:$0x1FC40] =	vst v10;
	v1 =	vsel vm12, $0x12C0, v1;
	v63 =	vsel vm14, $0x1343, v2;
	v0 =	vsel vm15, $0x1382, v0  }
0x50: {  	v10 =	vimm.s32 $0x13C7;
	v1 =	vsel vm13, $0x1301, v1;
	[tilespmem:$0x1FC80] =	vst v0;
	v0 =	vsel vm15, $0x1384, v63  }
0x51: {  	v2 =	vsel vm3, $0x1039, v11;
	v1 =	vsel vm14, $0x1342, v1;
	[tilespmem:$0x1FCA0] =	vst v0;
	v0 =	vsel vm3, $0x1037, v9  }
0x52: {  	v62 =	vsel vm15, $0x1383, v1;
	v1 =	vsel vm3, $0x1038, v10;
	v0 =	vsel vm4, $0x1078, v0  }
0x53: {  	v2 =	vsel vm4, $0x107A, v2;
	v1 =	vsel vm4, $0x1079, v1;
	v0 =	vsel vm5, $0x10B9, v0  }
0x54: {  	v2 =	vsel vm5, $0x10BB, v2;
	v1 =	vsel vm5, $0x10BA, v1;
	v0 =	vsel vm6, $0x10FA, v0  }
0x55: {  	v2 =	vsel vm6, $0x10FC, v2;
	v1 =	vsel vm6, $0x10FB, v1;
	v0 =	vsel vm7, $0x113B, v0  }
0x56: {  	v2 =	vsel vm7, $0x113D, v2;
	v1 =	vsel vm7, $0x113C, v1;
	v0 =	vsel vm8, $0x117C, v0  }
0x57: {  	v2 =	vsel vm8, $0x117E, v2;
	v1 =	vsel vm8, $0x117D, v1;
	v0 =	vsel vm9, $0x11BD, v0  }
0x58: {  	v2 =	vsel vm9, $0x11BF, v2;
	v1 =	vsel vm9, $0x11BE, v1;
	v0 =	vsel vm1, $0x11FE, v0  }
0x59: {  	v2 =	vsel vm1, $0x11C0, v2;
	v1 =	vsel vm1, $0x11FF, v1;
	v0 =	vsel vm2, $0x123F, v0  }
0x5a: {  	v2 =	vsel vm2, $0x1201, v2;
	v1 =	vsel vm2, $0x1200, v1;
	v0 =	vsel vm10, $0x1240, v0  }
0x5b: {  	v2 =	vsel vm10, $0x1242, v2;
	v1 =	vsel vm10, $0x1241, v1;
	v0 =	vsel vm11, $0x1281, v0  }
0x5c: {  	v2 =	vsel vm11, $0x1283, v2;
	v1 =	vsel vm11, $0x1282, v1;
	v0 =	vsel vm12, $0x12C2, v0  }
0x5d: {  	v2 =	vsel vm12, $0x12C4, v2;
	v1 =	vsel vm12, $0x12C3, v1;
	v0 =	vsel vm13, $0x1303, v0  }
0x5e: {  	v2 =	vsel vm13, $0x1305, v2;
	v1 =	vsel vm13, $0x1304, v1;
	v0 =	vsel vm14, $0x1344, v0  }
0x5f: {  	v19 =	vsel vm14, $0x1346, v2;
	v1 =	vsel vm14, $0x1345, v1;
	v0 =	vsel vm15, $0x1385, v0  }
0x60: {  	v18 =	vsel vm15, $0x1386, v1;
	v1 =	vsel vm3, $0x103B, v23;
	[tilespmem:$0x1FCB0] =	vst v0;
	v0 =	vsel vm15, $0x1387, v19  }
0x61: {  	v39 =	vand.u32 $0xF, v37;
	v1 =	vsel vm4, $0x107C, v1;
	[tilespmem:$0x1FCD0] =	vst v0;
	v0 =	vsel vm3, $0x103A, v21  }
0x62: {  	v2 =	vsel vm3, $0x103C, v25;
	v1 =	vsel vm5, $0x10BD, v1;
	v0 =	vsel vm4, $0x107B, v0  }
0x63: {  	v2 =	vsel vm4, $0x107D, v2;
	v1 =	vsel vm6, $0x10FE, v1;
	v0 =	vsel vm5, $0x10BC, v0  }
0x64: {  	v2 =	vsel vm5, $0x10BE, v2;
	v1 =	vsel vm7, $0x113F, v1;
	v0 =	vsel vm6, $0x10FD, v0  }
0x65: {  	v2 =	vsel vm6, $0x10FF, v2;
	v1 =	vsel vm8, $0x1140, v1;
	v0 =	vsel vm7, $0x113E, v0  }
0x66: {  	v2 =	vsel vm7, $0x1100, v2;
	v1 =	vsel vm9, $0x1181, v1;
	v0 =	vsel vm8, $0x117F, v0  }
0x67: {  	v2 =	vsel vm8, $0x1141, v2;
	v1 =	vsel vm1, $0x11C2, v1;
	v0 =	vsel vm9, $0x1180, v0  }
0x68: {  	v2 =	vsel vm9, $0x1182, v2;
	v1 =	vsel vm2, $0x1203, v1;
	v0 =	vsel vm1, $0x11C1, v0  }
0x69: {  	v2 =	vsel vm1, $0x11C3, v2;
	v1 =	vsel vm10, $0x1244, v1;
	v0 =	vsel vm2, $0x1202, v0  }
0x6a: {  	v2 =	vsel vm2, $0x1204, v2;
	v1 =	vsel vm11, $0x1285, v1;
	v0 =	vsel vm10, $0x1243, v0  }
0x6b: {  	[tilespmem:$0x1FC30] =	vst v39;
	v2 =	vsel vm10, $0x1245, v2;
	v1 =	vsel vm12, $0x12C6, v1;
	v0 =	vsel vm11, $0x1284, v0  }
0x6c: {  	[tilespmem:$0x1FC60] =	vst v57;
	v2 =	vsel vm11, $0x1286, v2;
	v1 =	vsel vm13, $0x1307, v1;
	v0 =	vsel vm12, $0x12C5, v0  }
0x6d: {  	[tilespmem:$0x1FC90] =	vst v62;
	v2 =	vsel vm12, $0x12C7, v2;
	v1 =	vsel vm14, $0x1348, v1;
	v0 =	vsel vm13, $0x1306, v0  }
0x6e: {  	[tilespmem:$0x1FCC0] =	vst v18;
	v2 =	vsel vm13, $0x1308, v2;
	v28 =	vsel vm15, $0x1389, v1;
	v0 =	vsel vm14, $0x1347, v0  }
0x6f: {  	s0 =	rddreg [dreg:$0x0];
	v30 =	vsel vm14, $0x1349, v2;
	[tilespmem:$0x1FCF0] =	vst v28;
	v0 =	vsel vm15, $0x1388, v0  }
0x70: {  	s2 =	rddreg [dreg:$0x1];
	s3 =	simm.s32 $0x0;
	v6 =	vlaneseq.u32;
	[tilespmem:$0x1FCE0] =	vst v0;
	v0 =	vsel vm15, $0x138A, v30  }
0x71: {  	[smem:$0x7FF] =	sst s3;
	v39 =	vadd.s32 $0x28, v6;
	[tilespmem:$0x1FD00] =	vst v0  }
0x72: {  	s1 =	rddreg [dreg:$0x2];
	v44 =	vadd.s32 $0x2A, v6;
	_ =	strace $0x80000047;
	[tilespmem:$0x1FD40] =	vst v39  }
0x73: {  	v48 =	vadd.s32 $0x2B, v6;
	[tilespmem:$0x1FD50] =	vst v44  }
0x74: {  	v52 =	vadd.s32 $0x2C, v6;
	[tilespmem:$0x1FD60] =	vst v48  }
0x75: {  	v55 =	vadd.s32 $0x2D, v6;
	[tilespmem:$0x1FD70] =	vst v52  }
0x76: {  	v57 =	vadd.s32 $0x2E, v6;
	[tilespmem:$0x1FD80] =	vst v55  }
0x77: {  	v60 =	vadd.s32 $0x2F, v6;
	[tilespmem:$0x1FD90] =	vst v57  }
0x78: {  	v62 =	vor.u32 $0x30, v6;
	[tilespmem:$0x1FDA0] =	vst v60  }
0x79: {  	[tilespmem:$0x1FDB0] =	vst v62  }
0x7a: {  	[tilespmem:$0x1FDC0] =	vst v13  }
0x7b: {  	[tilespmem:$0x1FDD0] =	vst v14  }
0x7c: {  	[tilespmem:$0x1FDE0] =	vst v15  }
0x7d: {  	[tilespmem:$0x1FDF0] =	vst v36  }
0x7e: {  	[tilespmem:$0x1FE00] =	vst v56  }
0x7f: {  	[tilespmem:$0x1FE10] =	vst v33  }
0x80: {  	[tilespmem:$0x1FE20] =	vst v38  }
0x81: {  	[tilespmem:$0x1FE30] =	vst v45  }
0x82: {  	[tilespmem:$0x1FE40] =	vst v26  }
0x83: {  	[tilespmem:$0x1FE50] =	vst v29  }
0x84: {  	[tilespmem:$0x1FE60] =	vst v43  }
0x85: {  	v27 =	vcombine.low v7, v35;
	[tilespmem:$0x1FE70] =	vst v40  }
0x86: {  	[tilespmem:$0x1FE80] =	vst v42  }
0x87: {  	[tilespmem:$0x1FE90] =	vst v27  }
0x88: {  	[tilespmem:$0x1FEA0] =	vst v22  }
0x89: {  	v31 =	vimm.s32 $0x13CC;
	v32 =	vimm.s32 $0x13CD;
	v34 =	vimm.s32 $0x13CE;
	[tilespmem:$0x1FEB0] =	vst v17  }
0x8a: {  	v47 =	vadd.s32 $0x19, v6;
	v53 =	vadd.s32 $0x1C, v6;
	v50 =	vadd.s32 $0x24, v6;
	[tilespmem:$0x1FEC0] =	vst v24  }
0x8b: {  	v41 =	vadd.s32 $0x17, v6;
	v51 =	vadd.s32 $0x1B, v6;
	v46 =	vadd.s32 $0x22, v6;
	[tilespmem:$0x1FED0] =	vst v20  }
0x8c: {  	v54 =	vadd.s32 $0x23, v6;
	v49 =	vadd.s32 $0x1A, v6;
	v63 =	vadd.s32 $0x18, v6;
	[tilespmem:$0x1FEE0] =	vst v41  }
0x8d: {  	v61 =	vadd.s32 $0x21, v6;
	v58 =	vadd.s32 $0x26, v6;
	v59 =	vor.u32 $0x20, v6;
	[tilespmem:$0x1FEF0] =	vst v63  }
0x8e: {  	v25 =	vadd.s32 $0x1D, v6;
	v23 =	vadd.s32 $0x25, v6;
	v2 =	vsel vm3, $0x103F, v34;
	[tilespmem:$0x1FF00] =	vst v47  }
0x8f: {  	v18 =	vadd.s32 $0x1F, v6;
	v2 =	vsel vm4, $0x1040, v2;
	v1 =	vsel vm3, $0x103E, v32;
	[tilespmem:$0x1FF10] =	vst v49  }
0x90: {  	v2 =	vsel vm5, $0x1081, v2;
	v1 =	vsel vm4, $0x107F, v1;
	v0 =	vsel vm3, $0x103D, v31;
	[tilespmem:$0x1FF20] =	vst v51  }
0x91: {  	v2 =	vsel vm6, $0x10C2, v2;
	v1 =	vsel vm5, $0x1080, v1;
	v0 =	vsel vm4, $0x107E, v0;
	[tilespmem:$0x1FF30] =	vst v53  }
0x92: {  	v28 =	vadd.s32 $0x1E, v6;
	v1 =	vsel vm6, $0x10C1, v1;
	[tilespmem:$0x1FF40] =	vst v25;
	v0 =	vsel vm5, $0x10BF, v0  }
0x93: {  	v2 =	vsel vm7, $0x1103, v2;
	v1 =	vsel vm7, $0x1102, v1;
	[tilespmem:$0x1FF50] =	vst v28;
	v0 =	vsel vm6, $0x10C0, v0  }
0x94: {  	v32 =	vadd.s32 $0x27, v6;
	v1 =	vsel vm8, $0x1143, v1;
	[tilespmem:$0x1FF60] =	vst v18;
	v0 =	vsel vm7, $0x1101, v0  }
0x95: {  	s4 =	srdreg.scid;
	v2 =	vsel vm8, $0x1144, v2;
	v1 =	vsel vm9, $0x1184, v1;
	[tilespmem:$0x1FF70] =	vst v59;
	v0 =	vsel vm8, $0x1142, v0  }
0x96: {  	s7 =	stileid.u32;
	s12 =	simm.s32 $0xC350;
	s13 =	simm.s32 $0xEA60;
	v2 =	vsel vm9, $0x1185, v2;
	v1 =	vsel vm1, $0x11C5, v1;
	[tilespmem:$0x1FF80] =	vst v61;
	v0 =	vsel vm9, $0x1183, v0  }
0x97: {  	s11 =	simm.s32 $0x5;
	s14 =	simm.s32 $0x50;
	s15 =	simm.s32 $0x11170;
	v2 =	vsel vm1, $0x11C6, v2;
	v1 =	vsel vm2, $0x1206, v1;
	[tilespmem:$0x1FF90] =	vst v46;
	v0 =	vsel vm1, $0x11C4, v0  }
0x98: {  	s16 =	simm.s32 $0x12570;
	s17 =	simm.s32 $0x1;
	s18 =	simm.s32 $0x2;
	v2 =	vsel vm2, $0x1207, v2;
	[tilespmem:$0x1FFA0] =	vst v54;
	v1 =	vsel vm10, $0x1247, v1;
	v0 =	vsel vm2, $0x1205, v0  }
0x99: {  	s19 =	simm.s32 $0x13970;
	s20 =	simm.s32 $0x14D70;
	s21 =	simm.s32 $0x3;
	v2 =	vsel vm10, $0x1248, v2;
	[tilespmem:$0x1FFB0] =	vst v50;
	v1 =	vsel vm11, $0x1288, v1;
	v0 =	vsel vm10, $0x1246, v0  }
0x9a: {  	s22 =	simm.s32 $0x4;
	s23 =	simm.s32 $0x16170;
	s24 =	simm.s32 $0x0;
	v2 =	vsel vm11, $0x1289, v2;
	[tilespmem:$0x1FFC0] =	vst v23;
	v1 =	vsel vm12, $0x12C9, v1;
	v0 =	vsel vm11, $0x1287, v0  }
0x9b: {  	s4 =	sand.u32 $0x1, s4;
	s5 =	sshll.u32 s7, $0x1;
	p0 =	sne.s32 s7, $0x0;
	v2 =	vsel vm12, $0x12CA, v2;
	[tilespmem:$0x1FFD0] =	vst v58;
	v1 =	vsel vm13, $0x130A, v1;
	v0 =	vsel vm12, $0x12C8, v0  }
0x9c: {  	s5 =	sor.u32 s4, s5;
	s8 =	ssub.s32 $0x2, s4;
	s4 =	sadd.s32 $0x600, s0;
	v39 =	vadd.s32 $0x29, v6;
	[tilespmem:$0x1FFE0] =	vst v32;
	v1 =	vsel vm14, $0x134B, v1;
	v0 =	vsel vm13, $0x1309, v0  }
0x9d: {  	s6 =	smul.u32 $0x4E2, s5;
	s5 =	sshll.u32 s5, $0x1;
	s9 =	sshrl.u32 s8, $0x1;
	v2 =	vsel vm13, $0x130B, v2;
	[tilespmem:$0x1FFF0] =	vst v39;
	v35 =	vsel vm15, $0x138C, v1;
	v0 =	vsel vm14, $0x134A, v0  }
0x9e: {  	s10 =	sadd.s32 s5, s0;
	s8 =	ssub.s32 s8, s9;
	s9 =	sshrl.u32 @!p0 s2, $0x3;
	v37 =	vsel vm14, $0x134C, v2;
	[tilespmem:$0x1FD20] =	vst v35;
	v0 =	vsel vm15, $0x138B, v0  }
0x9f: {  	s6 =	sadd.s32 s6, s0;
	s7 =	sadd.s32 $0x27C00, s10;
	s8 =	smax.u32 s8, $0x1;
	[tilespmem:$0x1FD10] =	vst v0;
	v0 =	vsel vm15, $0x138D, v37  }
0xa0: {  	s10 =	simm.s32 $0x9C40;
	s5 =	sadd.s32 $0x1DE00, s6;
	s6 =	sadd.s32 $0x14000, s6;
	[tilespmem:$0x1FD30] =	vst v0  }
.LBB2_1:
0xa1: {  	s25 =	simm.s32 @!p0 $0x1C05  }
0xa2: {  	[spmem:s9], [sflag:s25] =	dma.local @!p0 [hbm:s4], $0x13880  }
0xa3: {  	s25 =	simm.s32 @!p0 $0x5  }
0xa4: {  	_ =	swait.ge @!p0 [sflag:s25], $0x13880  }
0xa5: {  	[sflag:s25] =	ssyncset.done @!p0 $0x0  }
0xa6: {  	[sflag:s25] =	ssyncadd.s32 @!p0 $0xFFFEC780  }
0xa7: {  	[tilespmem:s10], [sflag:$0x5] =	stream.linear.gather [hbm4b:s0+s3], $0x2710, $0x38;
	[tilespmem:$0x16180] =	vst v63  }
0xa8: {  	_ =	swait.ge [sflag:s11], $0x2710  }
0xa9: {  	[sflag:s11] =	ssyncset.done $0x0  }
0xaa: {  	[sflag:s11] =	ssyncadd.s32 $0xFFFFD8F0  }
0xab: {  	[tilespmem:s12], [sflag:$0x5] =	stream.linear.gather [hbm4b:s5+s3], $0x2710, $0x38;
	[tilespmem:$0x16180] =	vst v63  }
0xac: {  	_ =	swait.ge [sflag:s11], $0x2710  }
0xad: {  	[sflag:s11] =	ssyncset.done $0x0  }
0xae: {  	[sflag:s11] =	ssyncadd.s32 $0xFFFFD8F0  }
0xaf: {  	[tilespmem:s13], [sflag:$0x5] =	stream.linear.gather [hbm4b:s6+s3], $0x2710, $0x38;
	[tilespmem:$0x16180] =	vst v63  }
0xb0: {  	_ =	swait.ge [sflag:s11], $0x2710  }
0xb1: {  	[sflag:s11] =	ssyncset.done $0x0  }
0xb2: {  	[sflag:s11] =	ssyncadd.s32 $0xFFFFD8F0  }
0xb3: {  	[bflag:$0x0] =	sbarrier.arrive $0xFFFF  }
0xb4: {  	[tilespmem:s15], [sflag:$0x1] =	stream.indirect.gather [spmem:s2], $0x40, s12, s14, $0xb8;
	[tilespmem:$0x16180] =	vst v63  }
0xb5: {  	s25 =	simm.s32 $0x0  }
0xb6: {  	v31 =	vmov v38;
	v0 =	vimm.f32 $0.0e+00;
	[tilespmem:s16], [sflag:$0x2] =	stream.indirect.gather [spmem:s2], $0x40, s13, s14, $0xb8;
	[tilespmem:$0x16180] =	vst v63  }
.LBB2_2:
0xb7: {  	_ =	swait.ge [sflag:s17], $0x1400  }
0xb8: {  	[sflag:s17] =	ssyncset.done $0x0  }
0xb9: {  	[sflag:s17] =	ssyncadd.s32 $0xFFFFEC00  }
0xba: {  	s26 =	smul.u32 $0xA0, s25;
	_ =	swait.ge [sflag:s18], $0x1400  }
0xbb: {  	[sflag:s18] =	ssyncset.done $0x0  }
0xbc: {  	s28 =	sadd.s32 $0xC3A0, s26;
	[sflag:s18] =	ssyncadd.s32 $0xFFFFEC00  }
0xbd: {  	[tilespmem:s19], [sflag:$0x3] =	stream.indirect.gather [spmem:s2], $0x40, s28, s14, $0xb8;
	[tilespmem:$0x16180] =	vst v63  }
0xbe: {  	s28 =	sadd.s32 $0xEAB0, s26  }
0xbf: {  	v1 =	vmov s26;
	[tilespmem:s20], [sflag:$0x4] =	stream.indirect.gather [spmem:s2], $0x40, s28, s14, $0xb8;
	[tilespmem:$0x16180] =	vst v63  }
0xc0: {  	s30 =	simm.s32 $0x0;
	p1 =	por $0x1, $0x1;
	v30 =	vmov v0;
	[tilespmem:$0x1FA70] =	vst v1;
	s28 =	sadd.s32 $0x50, s26  }
.LBB2_3:
0xc1: {  	v5 =	vld [tilespmem:$0x1FB00]  }
0xc2: {  	v7 =	vld [tilespmem:$0x1FAF0]  }
0xc3: {  	v10 =	vld [tilespmem:$0x1FAE0]  }
0xc4: {  	v8 =	vld [tilespmem:$0x1FAD0]  }
0xc5: {  	v18 =	vld [tilespmem:$0x1FAC0]  }
0xc6: {  	v17 =	vld [tilespmem:$0x1FAB0]  }
0xc7: {  	v1 =	vld [tilespmem:$0x1FA80];
	v0 =	vmov s30  }
0xc8: {  	v4 =	vld [tilespmem:$0x1FAA0];
	v0 =	vshll.u32 v0, $0x6  }
0xc9: {  	v3 =	vld [tilespmem:$0x1FA90];
	v20 =	vor.u32 v13, v0  }
0xca: {  	v23 =	vld [tilespmem:$0x1FE40];
	v0 =	vor.u32 v6, v20  }
0xcb: {  	v27 =	vld [tilespmem:$0x1FE50]  }
0xcc: {  	v60 =	vld [tilespmem:$0x1FEE0];
	v1 =	vor.u32 v1, v20  }
0xcd: {  	v55 =	vor.u32 v10, v20;
	v10 =	vld [tilespmem:$0x1FE10]  }
0xce: {  	v2 =	vor.u32 v14, v20;
	v52 =	vor.u32 v18, v20;
	v18 =	vld [tilespmem:$0x1FB10]  }
0xcf: {  	v12 =	vld.idx.msk [tilespmem:v0+s15+$0x0], $0xffff  }
0xd0: {  	v48 =	vor.u32 v15, v20;
	v9 =	vld.idx.msk [tilespmem:v0+s16+$0x0], $0xffff  }
0xd1: {  	v14 =	vld.idx.msk [tilespmem:v1+s15+$0x0], $0xffff  }
0xd2: {  	v49 =	vor.u32 v3, v20;
	v11 =	vld.idx.msk [tilespmem:v1+s16+$0x0], $0xffff  }
0xd3: {  	v16 =	vld.idx.msk [tilespmem:v2+s15+$0x0], $0xffff  }
0xd4: {  	v50 =	vor.u32 v4, v20;
	v15 =	vld.idx.msk [tilespmem:v2+s16+$0x0], $0xffff  }
0xd5: {  	v33 =	vld.idx.msk [tilespmem:v48+s15+$0x0], $0xffff  }
0xd6: {  	v51 =	vor.u32 v17, v20;
	v26 =	vld.idx.msk [tilespmem:v48+s16+$0x0], $0xffff  }
0xd7: {  	v41 =	vld.idx.msk [tilespmem:v49+s15+$0x0], $0xffff  }
0xd8: {  	v44 =	vld.idx.msk [tilespmem:v49+s16+$0x0], $0xffff  }
0xd9: {  	v29 =	vld.idx.msk [tilespmem:v50+s15+$0x0], $0xffff  }
0xda: {  	v53 =	vor.u32 v36, v20;
	v40 =	vld.idx.msk [tilespmem:v50+s16+$0x0], $0xffff  }
0xdb: {  	v38 =	vld.idx.msk [tilespmem:v51+s15+$0x0], $0xffff  }
0xdc: {  	v54 =	vor.u32 v8, v20;
	v39 =	vld.idx.msk [tilespmem:v51+s16+$0x0], $0xffff  }
0xdd: {  	v35 =	vld.idx.msk [tilespmem:v52+s15+$0x0], $0xffff  }
0xde: {  	v36 =	vld.idx.msk [tilespmem:v52+s16+$0x0], $0xffff  }
0xdf: {  	v32 =	vld.idx.msk [tilespmem:v53+s15+$0x0], $0xffff  }
0xe0: {  	v57 =	vor.u32 v7, v20;
	v34 =	vld.idx.msk [tilespmem:v53+s16+$0x0], $0xffff  }
0xe1: {  	v22 =	vld.idx.msk [tilespmem:v54+s15+$0x0], $0xffff  }
0xe2: {  	v58 =	vor.u32 v5, v20;
	v28 =	vld.idx.msk [tilespmem:v54+s16+$0x0], $0xffff  }
0xe3: {  	v25 =	vld.idx.msk [tilespmem:v55+s15+$0x0], $0xffff  }
0xe4: {  	[tilespmem:$0x1FA60] =	vst v30;
	v59 =	vor.u32 v56, v20;
	v30 =	vld.idx.msk [tilespmem:v55+s16+$0x0], $0xffff  }
0xe5: {  	v61 =	vld.idx.msk [tilespmem:v57+s15+$0x0], $0xffff  }
0xe6: {  	v19 =	vor.u32 v31, v20;
	v24 =	vld.idx.msk [tilespmem:v57+s16+$0x0], $0xffff  }
0xe7: {  	v21 =	vor.u32 v45, v20;
	v55 =	vld.idx.msk [tilespmem:v58+s15+$0x0], $0xffff  }
0xe8: {  	v62 =	vld.idx.msk [tilespmem:v58+s16+$0x0], $0xffff  }
0xe9: {  	v0 =	vor.u32 v18, v20;
	v63 =	vld.idx.msk [tilespmem:v59+s15+$0x0], $0xffff  }
0xea: {  	v46 =	vld.idx.msk [tilespmem:v59+s16+$0x0], $0xffff  }
0xeb: {  	v53 =	vld.idx.msk [tilespmem:v19+s15+$0x0], $0xffff  }
0xec: {  	v51 =	vld.idx.msk [tilespmem:v21+s15+$0x0], $0xffff  }
0xed: {  	v52 =	vld.idx.msk [tilespmem:v21+s16+$0x0], $0xffff  }
0xee: {  	v2 =	vor.u32 v10, v20;
	v45 =	vld.idx.msk [tilespmem:v0+s15+$0x0], $0xffff  }
0xef: {  	v56 =	vld.idx.msk [tilespmem:v0+s16+$0x0], $0xffff;
	v0 =	vor.u32 v23, v20  }
0xf0: {  	v54 =	vld [tilespmem:$0x1FE70]  }
0xf1: {  	v18 =	vld [tilespmem:$0x1FEF0]  }
0xf2: {  	v1 =	vor.u32 v27, v20;
	v21 =	vld [tilespmem:$0x1FF00]  }
0xf3: {  	v31 =	vld.idx.msk [tilespmem:v2+s15+$0x0], $0xffff  }
0xf4: {  	v57 =	vor.u32 v42, v20;
	v49 =	vld.idx.msk [tilespmem:v0+s15+$0x0], $0xffff  }
0xf5: {  	v50 =	vld.idx.msk [tilespmem:v0+s16+$0x0], $0xffff;
	v0 =	vor.u32 v54, v20  }
0xf6: {  	v58 =	vld.idx.msk [tilespmem:v2+s16+$0x0], $0xffff  }
0xf7: {  	v37 =	vor.u32 v43, v20;
	v43 =	vld.idx.msk [tilespmem:v1+s15+$0x0], $0xffff  }
0xf8: {  	v48 =	vld.idx.msk [tilespmem:v1+s16+$0x0], $0xffff  }
0xf9: {  	v1 =	vld.idx.msk [tilespmem:v57+s16+$0x0], $0xffff  }
0xfa: {  	v10 =	vld.idx.msk [tilespmem:v0+s15+$0x0], $0xffff  }
0xfb: {  	v2 =	vor.u32 v60, v20;
	v0 =	vld.idx.msk [tilespmem:v0+s16+$0x0], $0xffff  }
0xfc: {  	v47 =	vld.idx.msk [tilespmem:v19+s16+$0x0], $0xffff  }
0xfd: {  	v59 =	vld.idx.msk [tilespmem:v37+s15+$0x0], $0xffff  }
0xfe: {  	v42 =	vld.idx.msk [tilespmem:v37+s16+$0x0], $0xffff;
	[tilespmem:$0x1F4D0] =	vst v1;
	v1 =	vor.u32 v21, v20  }
0xff: {  	v19 =	vld.idx.msk [tilespmem:v57+s15+$0x0], $0xffff  }
0x100: {  	v23 =	vld.idx.msk [tilespmem:v2+s15+$0x0], $0xffff;
	[tilespmem:$0x1F4B0] =	vst v0;
	v0 =	vor.u32 v18, v20  }
0x101: {  	v2 =	vld.idx.msk [tilespmem:v2+s16+$0x0], $0xffff  }
0x102: {  	v27 =	vld [tilespmem:$0x1FF10]  }
0x103: {  	[tilespmem:$0x1F490] =	vst v59;
	v57 =	vld.idx.msk [tilespmem:v1+s15+$0x0], $0xffff  }
0x104: {  	[tilespmem:$0x1F4C0] =	vst v19;
	v1 =	vld.idx.msk [tilespmem:v1+s16+$0x0], $0xffff  }
0x105: {  	[tilespmem:$0x1F4E0] =	vst v23;
	v37 =	vld.idx.msk [tilespmem:v0+s15+$0x0], $0xffff  }
0x106: {  	[tilespmem:$0x1F4F0] =	vst v2;
	v0 =	vld.idx.msk [tilespmem:v0+s16+$0x0], $0xffff  }
0x107: {  	v54 =	vld [tilespmem:$0x1FF20];
	[tilespmem:$0x1F4A0] =	vst v10  }
0x108: {  	v2 =	vor.u32 v27, v20;
	[tilespmem:$0x1F520] =	vst v57  }
0x109: {  	[tilespmem:$0x1F530] =	vst v1  }
0x10a: {  	[tilespmem:$0x1F500] =	vst v37  }
0x10b: {  	[tilespmem:$0x1F510] =	vst v0  }
0x10c: {  	v0 =	vor.u32 v54, v20;
	v1 =	vld [tilespmem:$0x1FF30]  }
0x10d: {  	v59 =	vld.idx.msk [tilespmem:v2+s15+$0x0], $0xffff  }
0x10e: {  	v2 =	vld.idx.msk [tilespmem:v2+s16+$0x0], $0xffff  }
0x10f: {  	v60 =	vld [tilespmem:$0x1FF40]  }
0x110: {  	v18 =	vld [tilespmem:$0x1FF50]  }
0x111: {  	v10 =	vld.idx.msk [tilespmem:v0+s15+$0x0], $0xffff  }
0x112: {  	v1 =	vor.u32 v1, v20  }
0x113: {  	v23 =	vld [tilespmem:$0x1FF60]  }
0x114: {  	v54 =	vld [tilespmem:$0x1FF70];
	[tilespmem:$0x1F550] =	vst v2;
	v2 =	vor.u32 v60, v20  }
0x115: {  	v0 =	vld.idx.msk [tilespmem:v0+s16+$0x0], $0xffff  }
0x116: {  	v5 =	vor.u32 v18, v20;
	[tilespmem:$0x1F560] =	vst v10;
	v10 =	vld [tilespmem:$0x1FF80]  }
0x117: {  	v19 =	vld.idx.msk [tilespmem:v1+s15+$0x0], $0xffff  }
0x118: {  	v4 =	vor.u32 v23, v20;
	v21 =	vld.idx.msk [tilespmem:v1+s16+$0x0], $0xffff  }
0x119: {  	v57 =	vor.u32 v54, v20;
	v27 =	vld.idx.msk [tilespmem:v2+s15+$0x0], $0xffff  }
0x11a: {  	v37 =	vld.idx.msk [tilespmem:v2+s16+$0x0], $0xffff  }
0x11b: {  	[tilespmem:$0x1F540] =	vst v59;
	v59 =	vld.idx.msk [tilespmem:v5+s15+$0x0], $0xffff  }
0x11c: {  	v60 =	vld.idx.msk [tilespmem:v5+s16+$0x0], $0xffff  }
0x11d: {  	v18 =	vld.idx.msk [tilespmem:v4+s15+$0x0], $0xffff  }
0x11e: {  	[tilespmem:$0x1F570] =	vst v0;
	v23 =	vld.idx.msk [tilespmem:v57+s15+$0x0], $0xffff  }
0x11f: {  	v0 =	vor.u32 v10, v20;
	[tilespmem:$0x1F580] =	vst v19;
	v19 =	vld.idx.msk [tilespmem:v4+s16+$0x0], $0xffff  }
0x120: {  	[tilespmem:$0x1F590] =	vst v21;
	v21 =	vld [tilespmem:$0x1FF90]  }
0x121: {  	[tilespmem:$0x1F5A0] =	vst v27;
	v27 =	vld.idx.msk [tilespmem:v57+s16+$0x0], $0xffff  }
0x122: {  	[tilespmem:$0x1F5B0] =	vst v37;
	v37 =	vld [tilespmem:$0x1FFA0]  }
0x123: {  	[tilespmem:$0x1F5C0] =	vst v59;
	v59 =	vld [tilespmem:$0x1FFB0]  }
0x124: {  	v57 =	vld.idx.msk [tilespmem:v0+s15+$0x0], $0xffff  }
0x125: {  	v0 =	vld.idx.msk [tilespmem:v0+s16+$0x0], $0xffff;
	v4 =	vor.u32 v21, v20;
	_ =	sdelay $0x1  }
0x126: {  	v17 =	vld [tilespmem:$0x1FD60];
	[tilespmem:$0x1F5D0] =	vst v60;
	v54 =	vor.u32 v37, v20  }
0x127: {  	[tilespmem:$0x1F5E0] =	vst v18;
	v18 =	vld [tilespmem:$0x1FFC0]  }
0x128: {  	[tilespmem:$0x1F600] =	vst v23;
	v23 =	vld [tilespmem:$0x1FFD0]  }
0x129: {  	[tilespmem:$0x1F630] =	vst v0;
	v0 =	vor.u32 v59, v20;
	v60 =	vld.idx.msk [tilespmem:v4+s15+$0x0], $0xffff  }
0x12a: {  	v10 =	vld.idx.msk [tilespmem:v4+s16+$0x0], $0xffff  }
0x12b: {  	[tilespmem:$0x1F5F0] =	vst v19;
	v19 =	vld.idx.msk [tilespmem:v54+s15+$0x0], $0xffff  }
0x12c: {  	v21 =	vld.idx.msk [tilespmem:v54+s16+$0x0], $0xffff  }
0x12d: {  	[tilespmem:$0x1F610] =	vst v27;
	v27 =	vor.u32 v23, v20;
	v54 =	vld [tilespmem:$0x1FFE0]  }
0x12e: {  	v37 =	vld.idx.msk [tilespmem:v0+s15+$0x0], $0xffff  }
0x12f: {  	v4 =	vor.u32 v18, v20;
	v0 =	vld.idx.msk [tilespmem:v0+s16+$0x0], $0xffff  }
0x130: {  	v7 =	vld [tilespmem:$0x1FBA0]  }
0x131: {  	[tilespmem:$0x1F640] =	vst v60;
	v60 =	vld [tilespmem:$0x1FD40]  }
0x132: {  	[tilespmem:$0x1F620] =	vst v57;
	v18 =	vld.idx.msk [tilespmem:v27+s16+$0x0], $0xffff  }
0x133: {  	[tilespmem:$0x1F660] =	vst v19;
	v19 =	vld [tilespmem:$0x1FFF0]  }
0x134: {  	v57 =	vld.idx.msk [tilespmem:v4+s15+$0x0], $0xffff;
	[tilespmem:$0x1F690] =	vst v0;
	v0 =	vor.u32 v54, v20  }
0x135: {  	v59 =	vld.idx.msk [tilespmem:v4+s16+$0x0], $0xffff  }
0x136: {  	[tilespmem:$0x1F650] =	vst v10;
	v10 =	vld.idx.msk [tilespmem:v27+s15+$0x0], $0xffff;
	v4 =	vor.u32 v60, v20  }
0x137: {  	v27 =	vld [tilespmem:$0x1FD50]  }
0x138: {  	[tilespmem:$0x1F670] =	vst v21;
	v21 =	vor.u32 v19, v20;
	v60 =	vld [tilespmem:$0x1FD70]  }
0x139: {  	v23 =	vld.idx.msk [tilespmem:v0+s15+$0x0], $0xffff  }
0x13a: {  	v0 =	vld.idx.msk [tilespmem:v0+s16+$0x0], $0xffff  }
0x13b: {  	[tilespmem:$0x1F680] =	vst v37;
	v37 =	vld.idx.msk [tilespmem:v4+s15+$0x0], $0xffff  }
0x13c: {  	v54 =	vld.idx.msk [tilespmem:v4+s16+$0x0], $0xffff;
	v4 =	vor.u32 v17, v20  }
0x13d: {  	[tilespmem:$0x1F6A0] =	vst v57;
	v57 =	vld.idx.msk [tilespmem:v21+s15+$0x0], $0xffff  }
0x13e: {  	[tilespmem:$0x1F6B0] =	vst v59;
	v59 =	vld.idx.msk [tilespmem:v21+s16+$0x0], $0xffff  }
0x13f: {  	v21 =	vld [tilespmem:$0x1FD80];
	[tilespmem:$0x1F6F0] =	vst v0;
	v0 =	vor.u32 v27, v20  }
0x140: {  	[tilespmem:$0x1F6E0] =	vst v23;
	v23 =	vld [tilespmem:$0x1FDA0]  }
0x141: {  	[tilespmem:$0x1F6C0] =	vst v10;
	v10 =	vor.u32 v60, v20;
	v27 =	vld.idx.msk [tilespmem:v4+s15+$0x0], $0xffff  }
0x142: {  	[tilespmem:$0x1F710] =	vst v54;
	v54 =	vld [tilespmem:$0x1FD90]  }
0x143: {  	[tilespmem:$0x1F700] =	vst v37;
	v37 =	vld.idx.msk [tilespmem:v4+s16+$0x0], $0xffff  }
0x144: {  	[tilespmem:$0x1F6D0] =	vst v18;
	v19 =	vor.u32 v21, v20;
	v18 =	vld.idx.msk [tilespmem:v0+s15+$0x0], $0xffff  }
0x145: {  	v0 =	vld.idx.msk [tilespmem:v0+s16+$0x0], $0xffff  }
0x146: {  	[tilespmem:$0x1F720] =	vst v57;
	v57 =	vld.idx.msk [tilespmem:v10+s15+$0x0], $0xffff;
	v60 =	vor.u32 v23, v20  }
0x147: {  	[tilespmem:$0x1F730] =	vst v59;
	v59 =	vld.idx.msk [tilespmem:v10+s16+$0x0], $0xffff;
	v4 =	vor.u32 v54, v20  }
0x148: {  	[tilespmem:$0x1F770] =	vst v37;
	v37 =	vld [tilespmem:$0x1FB60]  }
0x149: {  	v10 =	vld.idx.msk [tilespmem:v19+s15+$0x0], $0xffff  }
0x14a: {  	[tilespmem:$0x1F750] =	vst v0;
	v0 =	vld.idx.msk [tilespmem:v19+s16+$0x0], $0xffff  }
0x14b: {  	v54 =	vld.idx.msk [tilespmem:v60+s15+$0x0], $0xffff  }
0x14c: {  	v19 =	vld.idx.msk [tilespmem:v4+s15+$0x0], $0xffff  }
0x14d: {  	[tilespmem:$0x1F760] =	vst v27;
	v27 =	vld.idx.msk [tilespmem:v4+s16+$0x0], $0xffff;
	v4 =	vor.u32 v37, v20  }
0x14e: {  	[tilespmem:$0x1F780] =	vst v57;
	v57 =	vld [tilespmem:$0x1FC40]  }
0x14f: {  	[tilespmem:$0x1F740] =	vst v18;
	v18 =	vld [tilespmem:$0x1FDB0]  }
0x150: {  	[tilespmem:$0x1F790] =	vst v59;
	v59 =	vld.idx.msk [tilespmem:v60+s16+$0x0], $0xffff  }
0x151: {  	v60 =	vld [tilespmem:$0x1FB70]  }
0x152: {  	[tilespmem:$0x1F7F0] =	vst v54;
	v54 =	vld.idx.msk [tilespmem:v4+s15+$0x0], $0xffff  }
0x153: {  	v4 =	vld.idx.msk [tilespmem:v4+s16+$0x0], $0xffff;
	_ =	sdelay $0x1  }
0x154: {  	v5 =	vld [tilespmem:$0x1FB30]  }
0x155: {  	[tilespmem:$0x1F7A0] =	vst v10;
	v3 =	vsel vm0, v57, v7;
	v57 =	vld [tilespmem:$0x1FB20]  }
0x156: {  	[tilespmem:$0x1F7B0] =	vst v0;
	v0 =	vor.u32 v18, v20;
	v18 =	vld [tilespmem:$0x1FB90]  }
0x157: {  	v10 =	vor.u32 v60, v20;
	[tilespmem:$0x1F840] =	vst v4;
	v4 =	vld [tilespmem:$0x1FBD0];
	_ =	sdelay $0x3  }
0x158: {  	v1 =	vsel vm0, v5, v57  }
0x159: {  	[tilespmem:$0x1F7D0] =	vst v27;
	v27 =	vcombine.low v18, v3;
	v18 =	vcombine.low v1, v4;
	v4 =	vld.idx.msk [tilespmem:v10+s15+$0x0], $0xffff;
	_ =	sdelay $0x2  }
0x15a: {  	v60 =	vld [tilespmem:$0x1FBE0]  }
0x15b: {  	v5 =	vld [tilespmem:$0x1FB50]  }
0x15c: {  	[tilespmem:$0x1F870] =	vst v4;
	v4 =	vld [tilespmem:$0x1FB40]  }
0x15d: {  	[tilespmem:$0x1F7C0] =	vst v19;
	v19 =	vld.idx.msk [tilespmem:v0+s15+$0x0], $0xffff;
	v37 =	vor.u32 v27, v20;
	_ =	sdelay $0x3  }
0x15e: {  	v0 =	vld.idx.msk [tilespmem:v0+s16+$0x0], $0xffff;
	v4 =	vsel vm0, v5, v4  }
0x15f: {  	[tilespmem:$0x1F810] =	vst v19;
	v19 =	vcombine.low v4, v60;
	v4 =	vld.idx.msk [tilespmem:v37+s15+$0x0], $0xffff  }
0x160: {  	[tilespmem:$0x1F800] =	vst v59;
	v59 =	vld [tilespmem:$0x1FBC0];
	_ =	sdelay $0x2  }
0x161: {  	[tilespmem:$0x1F820] =	vst v0;
	v0 =	vld.idx.msk [tilespmem:v37+s16+$0x0], $0xffff  }
0x162: {  	[tilespmem:$0x1F890] =	vst v4;
	v4 =	vld [tilespmem:$0x1FB80]  }
0x163: {  	v1 =	vor.u32 v59, v20;
	v37 =	vld [tilespmem:$0x1FBF0];
	_ =	sdelay $0x3  }
0x164: {  	v4 =	vsel vm0, v7, v4  }
0x165: {  	v7 =	vcombine.low v4, v37;
	v4 =	vld.idx.msk [tilespmem:v1+s15+$0x0], $0xffff;
	_ =	sdelay $0x2  }
0x166: {  	v57 =	vld [tilespmem:$0x1FC00];
	[tilespmem:$0x1F830] =	vst v54;
	v54 =	vor.u32 v19, v20  }
0x167: {  	v5 =	vld [tilespmem:$0x1FBB0]  }
0x168: {  	[tilespmem:$0x1F8B0] =	vst v4;
	v4 =	vld [tilespmem:$0x1FC20]  }
0x169: {  	v2 =	vld.idx.msk [tilespmem:v10+s16+$0x0], $0xffff;
	v10 =	vor.u32 v18, v20;
	_ =	sdelay $0x1  }
0x16a: {  	[tilespmem:$0x1F8A0] =	vst v0;
	v0 =	vld.idx.msk [tilespmem:v54+s16+$0x0], $0xffff  }
0x16b: {  	v37 =	vld [tilespmem:$0x1FC10]  }
0x16c: {  	v1 =	vld.idx.msk [tilespmem:v1+s16+$0x0], $0xffff;
	v59 =	vor.u32 v7, v20;
	v4 =	vsel vm0, v4, v5  }
0x16d: {  	v60 =	vcombine.low v4, v57;
	v4 =	vld.idx.msk [tilespmem:v10+s15+$0x0], $0xffff;
	_ =	sdelay $0x2  }
0x16e: {  	[tilespmem:$0x1F910] =	vst v0;
	v0 =	vor.u32 v37, v20  }
0x16f: {  	[tilespmem:$0x1F8C0] =	vst v1;
	v1 =	vld.idx.msk [tilespmem:v59+s16+$0x0], $0xffff  }
0x170: {  	[tilespmem:$0x1F8D0] =	vst v4;
	v4 =	vld.idx.msk [tilespmem:v54+s15+$0x0], $0xffff  }
0x171: {  	v57 =	vld [tilespmem:$0x1FE90];
	_ =	sdelay $0x1  }
0x172: {  	v37 =	vld.idx.msk [tilespmem:v0+s15+$0x0], $0xffff  }
0x173: {  	v54 =	vld [tilespmem:$0x1FC30]  }
0x174: {  	[tilespmem:$0x1F900] =	vst v4;
	v4 =	vld.idx.msk [tilespmem:v59+s15+$0x0], $0xffff  }
0x175: {  	[tilespmem:$0x1F930] =	vst v1;
	v1 =	vor.u32 v57, v20  }
0x176: {  	[tilespmem:$0x1F880] =	vst v2;
	v2 =	vld.idx.msk [tilespmem:v10+s16+$0x0], $0xffff  }
0x177: {  	v0 =	vld.idx.msk [tilespmem:v0+s16+$0x0], $0xffff;
	v10 =	vor.u32 v60, v20  }
0x178: {  	[tilespmem:$0x1F960] =	vst v37;
	v37 =	vld [tilespmem:$0x1FEB0]  }
0x179: {  	[tilespmem:$0x1F920] =	vst v4;
	v4 =	vcombine.low v3, v54;
	v54 =	vld [tilespmem:$0x1FEA0]  }
0x17a: {  	v57 =	vld.idx.msk [tilespmem:v1+s15+$0x0], $0xffff  }
0x17b: {  	v1 =	vld.idx.msk [tilespmem:v1+s16+$0x0], $0xffff  }
0x17c: {  	[tilespmem:$0x1F8E0] =	vst v2;
	v2 =	vld.idx.msk [tilespmem:v10+s16+$0x0], $0xffff  }
0x17d: {  	v59 =	vld.idx.msk [tilespmem:v10+s15+$0x0], $0xffff;
	v10 =	vor.u32 v4, v20  }
0x17e: {  	[tilespmem:$0x1F970] =	vst v0;
	v0 =	vor.u32 v54, v20  }
0x17f: {  	[tilespmem:$0x1F980] =	vst v57  }
0x180: {  	[tilespmem:$0x1F990] =	vst v1;
	v1 =	vor.u32 v37, v20;
	v57 =	vld [tilespmem:$0x1FEC0]  }
0x181: {  	v37 =	vld [tilespmem:$0x1FA70]  }
0x182: {  	[tilespmem:$0x1F940] =	vst v59;
	v59 =	vld.idx.msk [tilespmem:v10+s15+$0x0], $0xffff  }
0x183: {  	v54 =	vld.idx.msk [tilespmem:v0+s15+$0x0], $0xffff  }
0x184: {  	v0 =	vld.idx.msk [tilespmem:v0+s16+$0x0], $0xffff  }
0x185: {  	v5 =	vld.idx.msk [tilespmem:v1+s15+$0x0], $0xffff  }
0x186: {  	v10 =	vld.idx.msk [tilespmem:v10+s16+$0x0], $0xffff  }
0x187: {  	[tilespmem:$0x1F9A0] =	vst v59;
	v59 =	vld [tilespmem:$0x1FED0]  }
0x188: {  	v47 =	vmul.bf16 v47, v53;
	v53 =	vld [tilespmem:$0x1FF30];
	[tilespmem:$0x1F950] =	vst v2  }
0x189: {  	v1 =	vld.idx.msk [tilespmem:v1+s16+$0x0], $0xffff;
	[tilespmem:$0x1F9D0] =	vst v0;
	v0 =	vor.u32 v57, v20  }
0x18a: {  	[tilespmem:$0x1F8F0] =	vst v4;
	v2 =	vld.idx.msk [tilespmem:v37+s30+$0xC350 ss:$0x1], $0xffff  }
0x18b: {  	s29 =	sor.u32 $0x10, s30;
	v4 =	vld.idx.msk [tilespmem:v37+s30+$0xEA60 ss:$0x1], $0xffff;
	[tilespmem:$0x1FA00] =	vst v5  }
0x18c: {  	v5 =	vld [tilespmem:$0x1FDC0];
	[tilespmem:$0x1F9B0] =	vst v10;
	v10 =	vmov s29;
	v3 =	vor.u32 v59, v20  }
0x18d: {  	v20 =	vshll.u32 v10, $0x6;
	v10 =	vld [tilespmem:$0x1FA80]  }
0x18e: {  	[tilespmem:$0x1F9C0] =	vst v54;
	v54 =	vld.idx.msk [tilespmem:v0+s15+$0x0], $0xffff  }
0x18f: {  	v0 =	vld.idx.msk [tilespmem:v0+s16+$0x0], $0xffff  }
0x190: {  	v45 =	vmul.bf16 v56, v45;
	v56 =	vld [tilespmem:$0x1FF00]  }
0x191: {  	v20 =	vor.u32 v5, v20;
	v57 =	vld.idx.msk [tilespmem:v3+s15+$0x0], $0xffff  }
0x192: {  	[tilespmem:$0x1FA10] =	vst v1;
	v2 =	vld.idx.msk [tilespmem:v2+s10+$0x0], $0xffff;
	v1 =	vor.u32 v10, v20  }
0x193: {  	v59 =	vld.idx.msk [tilespmem:v3+s16+$0x0], $0xffff  }
0x194: {  	v10 =	vld [tilespmem:$0x1FA90];
	[tilespmem:$0x1FA30] =	vst v0;
	v0 =	vor.u32 v6, v20  }
0x195: {  	[tilespmem:$0x1FA20] =	vst v54;
	v54 =	vld.idx.msk [tilespmem:v4+s10+$0x0], $0xffff  }
0x196: {  	[tilespmem:$0x1FA40] =	vst v57;
	v57 =	vld [tilespmem:$0x1FDD0]  }
0x197: {  	[tilespmem:$0x1F860] =	vst v7;
	v7 =	vld.idx.msk [tilespmem:v1+s15+$0x0], $0xffff  }
0x198: {  	v6 =	vld.idx.msk [tilespmem:v1+s16+$0x0], $0xffff  }
0x199: {  	v5 =	vld.idx.msk [tilespmem:v0+s15+$0x0], $0xffff  }
0x19a: {  	v3 =	vld.idx.msk [tilespmem:v0+s16+$0x0], $0xffff;
	v0 =	vor.u32 v10, v20  }
0x19b: {  	[tilespmem:$0x1FA50] =	vst v59;
	v59 =	vld [tilespmem:$0x1FDE0]  }
0x19c: {  	[tilespmem:$0x1F9F0] =	vst v54;
	v54 =	vld [tilespmem:$0x1FAA0]  }
0x19d: {  	[tilespmem:$0x1F9E0] =	vst v2;
	v2 =	vor.u32 v57, v20;
	v57 =	vld [tilespmem:$0x1FAB0]  }
0x19e: {  	v6 =	vmul.bf16 v6, v7;
	v7 =	vld [tilespmem:$0x1FDF0]  }
0x19f: {  	v11 =	vmul.bf16 v11, v14;
	v14 =	vld.idx.msk [tilespmem:v0+s15+$0x0], $0xffff  }
0x1a0: {  	v0 =	vld.idx.msk [tilespmem:v0+s16+$0x0], $0xffff  }
0x1a1: {  	v4 =	vor.u32 v59, v20;
	v3 =	vmul.bf16 v3, v5;
	v5 =	vld [tilespmem:$0x1FAC0]  }
0x1a2: {  	v1 =	vor.u32 v54, v20;
	v54 =	vmul.bf16 v26, v33;
	v26 =	vld [tilespmem:$0x1FB10]  }
0x1a3: {  	v33 =	vld [tilespmem:$0x1FE10]  }
0x1a4: {  	v10 =	vld.idx.msk [tilespmem:v2+s15+$0x0], $0xffff  }
0x1a5: {  	v8 =	vld.idx.msk [tilespmem:v2+s16+$0x0], $0xffff  }
0x1a6: {  	v13 =	vld.idx.msk [tilespmem:v4+s15+$0x0], $0xffff  }
0x1a7: {  	v9 =	vmul.bf16 v9, v12;
	v12 =	vld.idx.msk [tilespmem:v4+s16+$0x0], $0xffff;
	v2 =	vor.u32 v57, v20  }
0x1a8: {  	v57 =	vmul.bf16 v44, v41;
	v41 =	vld [tilespmem:$0x1FEC0]  }
0x1a9: {  	v44 =	vld [tilespmem:$0x1FB60]  }
0x1aa: {  	v59 =	vmul.bf16 v15, v16;
	v7 =	vor.u32 v7, v20;
	v16 =	vld.idx.msk [tilespmem:v1+s15+$0x0], $0xffff  }
0x1ab: {  	v4 =	vimm.bf16 $0.0e+00;
	v1 =	vld.idx.msk [tilespmem:v1+s16+$0x0], $0xffff  }
0x1ac: {  	v9 =	vadd.bf16 v4, v9;
	v3 =	vadd.bf16 v4, v3;
	v15 =	vld.idx.msk [tilespmem:v2+s15+$0x0], $0xffff  }
0x1ad: {  	v2 =	vld.idx.msk [tilespmem:v2+s16+$0x0], $0xffff  }
0x1ae: {  	v9 =	vadd.bf16 v11, v9;
	v3 =	vadd.bf16 v6, v3;
	v6 =	vmul.bf16 v8, v10;
	v8 =	vld [tilespmem:$0x1FAD0]  }
0x1af: {  	v4 =	vmul.bf16 v12, v13;
	v12 =	vld.idx.msk [tilespmem:v7+s15+$0x0], $0xffff  }
0x1b0: {  	v5 =	vor.u32 v5, v20;
	v9 =	vadd.bf16 v59, v9;
	v59 =	vmul.bf16 v40, v29;
	v40 =	vld [tilespmem:$0x1FE70]  }
0x1b1: {  	v29 =	vld [tilespmem:$0x1FE50]  }
0x1b2: {  	v3 =	vadd.bf16 v6, v3;
	v6 =	vld [tilespmem:$0x1FAE0]  }
0x1b3: {  	v9 =	vadd.bf16 v54, v9;
	v54 =	vmul.bf16 v36, v35;
	v36 =	vld [tilespmem:$0x1FEA0]  }
0x1b4: {  	v35 =	vmul.bf16 v62, v55;
	v55 =	vld [tilespmem:$0x1FFF0]  }
0x1b5: {  	v11 =	vld.idx.msk [tilespmem:v5+s15+$0x0], $0xffff  }
0x1b6: {  	v5 =	vld.idx.msk [tilespmem:v5+s16+$0x0], $0xffff  }
0x1b7: {  	v1 =	vmul.bf16 v1, v16;
	v16 =	vld [tilespmem:$0x1FD50];
	v9 =	vadd.bf16 v57, v9;
	v8 =	vor.u32 v8, v20  }
0x1b8: {  	v3 =	vadd.bf16 v4, v3;
	v4 =	vld.idx.msk [tilespmem:v7+s16+$0x0], $0xffff  }
0x1b9: {  	v38 =	vmul.bf16 v39, v38;
	v0 =	vmul.bf16 v0, v14;
	v7 =	vld [tilespmem:$0x1FAF0];
	v9 =	vadd.bf16 v59, v9  }
0x1ba: {  	v59 =	vmul.bf16 v34, v32;
	v34 =	vld [tilespmem:$0x1FC10]  }
0x1bb: {  	v0 =	vadd.bf16 v0, v3;
	v9 =	vadd.bf16 v38, v9;
	v38 =	vld [tilespmem:$0x1FE90]  }
0x1bc: {  	v13 =	vld.idx.msk [tilespmem:v8+s15+$0x0], $0xffff  }
0x1bd: {  	v57 =	vmul.bf16 v2, v15;
	v6 =	vor.u32 v6, v20;
	v0 =	vadd.bf16 v1, v0;
	v3 =	vld.idx.msk [tilespmem:v8+s16+$0x0], $0xffff  }
0x1be: {  	v8 =	vld [tilespmem:$0x1FB00]  }
0x1bf: {  	v0 =	vadd.bf16 v57, v0;
	v57 =	vmul.bf16 v28, v22;
	v22 =	vld [tilespmem:$0x1FB70]  }
0x1c0: {  	v7 =	vor.u32 v7, v20;
	v9 =	vadd.bf16 v54, v9;
	v54 =	vld [tilespmem:$0x1FE40]  }
0x1c1: {  	v28 =	vld [tilespmem:$0x1FF50]  }
0x1c2: {  	v14 =	vld.idx.msk [tilespmem:v6+s15+$0x0], $0xffff  }
0x1c3: {  	v2 =	vld.idx.msk [tilespmem:v6+s16+$0x0], $0xffff  }
0x1c4: {  	v39 =	vmul.bf16 v5, v11;
	v6 =	vld [tilespmem:$0x1FE00]  }
0x1c5: {  	v9 =	vadd.bf16 v59, v9;
	v15 =	vld.idx.msk [tilespmem:v7+s15+$0x0], $0xffff  }
0x1c6: {  	v0 =	vadd.bf16 v39, v0;
	v59 =	vmul.bf16 v4, v12;
	v5 =	vld.idx.msk [tilespmem:v7+s16+$0x0], $0xffff;
	v7 =	vor.u32 v33, v20  }
0x1c7: {  	v33 =	vmul.bf16 v24, v61;
	v61 =	vld [tilespmem:$0x1FF80]  }
0x1c8: {  	v0 =	vadd.bf16 v59, v0;
	v59 =	vld [tilespmem:$0x1FF70];
	v32 =	vmul.bf16 v3, v13  }
0x1c9: {  	v9 =	vadd.bf16 v57, v9;
	v57 =	vmul.bf16 v46, v63;
	v63 =	vld [tilespmem:$0x1FEF0]  }
0x1ca: {  	v8 =	vor.u32 v8, v20;
	v0 =	vadd.bf16 v32, v0;
	v32 =	vld [tilespmem:$0x1FFE0]  }
0x1cb: {  	v13 =	vld.idx.msk [tilespmem:v7+s15+$0x0], $0xffff  }
0x1cc: {  	v24 =	vmov v34;
	v34 =	vmul.bf16 v2, v14;
	v2 =	vld.idx.msk [tilespmem:v7+s16+$0x0], $0xffff  }
0x1cd: {  	v7 =	vld [tilespmem:$0x1FE30]  }
0x1ce: {  	v6 =	vor.u32 v6, v20;
	v0 =	vadd.bf16 v34, v0;
	v34 =	vld [tilespmem:$0x1FD40]  }
0x1cf: {  	v11 =	vld.idx.msk [tilespmem:v8+s15+$0x0], $0xffff  }
0x1d0: {  	v4 =	vld.idx.msk [tilespmem:v8+s16+$0x0], $0xffff  }
0x1d1: {  	v8 =	vor.u32 v26, v20;
	v26 =	vmul.bf16 v30, v25;
	v25 =	vmul.bf16 v58, v31;
	v58 =	vld [tilespmem:$0x1FFD0]  }
0x1d2: {  	v30 =	vld [tilespmem:$0x1FBC0]  }
0x1d3: {  	v12 =	vld.idx.msk [tilespmem:v6+s15+$0x0], $0xffff  }
0x1d4: {  	v3 =	vld.idx.msk [tilespmem:v6+s16+$0x0], $0xffff  }
0x1d5: {  	v6 =	vld [tilespmem:$0x1FE20]  }
0x1d6: {  	v39 =	vmul.bf16 v5, v15;
	v9 =	vadd.bf16 v26, v9;
	v26 =	vld [tilespmem:$0x1FF60]  }
0x1d7: {  	v14 =	vld.idx.msk [tilespmem:v8+s15+$0x0], $0xffff  }
0x1d8: {  	v0 =	vadd.bf16 v39, v0;
	v7 =	vor.u32 v7, v20;
	v9 =	vadd.bf16 v33, v9;
	v5 =	vld.idx.msk [tilespmem:v8+s16+$0x0], $0xffff  }
0x1d9: {  	v8 =	vor.u32 v54, v20;
	v62 =	vmul.bf16 v4, v11;
	v54 =	vmul.bf16 v48, v43;
	v48 =	vld [tilespmem:$0x1FFA0]  }
0x1da: {  	v9 =	vadd.bf16 v35, v9;
	v35 =	vld [tilespmem:$0x1FEE0]  }
0x1db: {  	v0 =	vadd.bf16 v62, v0;
	v62 =	vmul.bf16 v52, v51;
	v52 =	vld [tilespmem:$0x1FFC0]  }
0x1dc: {  	v51 =	vld [tilespmem:$0x1FF20]  }
0x1dd: {  	v11 =	vld.idx.msk [tilespmem:v7+s15+$0x0], $0xffff  }
0x1de: {  	v6 =	vor.u32 v6, v20;
	v39 =	vmul.bf16 v3, v12;
	v3 =	vld.idx.msk [tilespmem:v7+s16+$0x0], $0xffff  }
0x1df: {  	v7 =	vld [tilespmem:$0x1FE60]  }
0x1e0: {  	v0 =	vadd.bf16 v39, v0;
	v39 =	vld [tilespmem:$0x1FF10]  }
0x1e1: {  	v9 =	vadd.bf16 v57, v9;
	v12 =	vld.idx.msk [tilespmem:v8+s15+$0x0], $0xffff  }
0x1e2: {  	v46 =	vmul.bf16 v2, v13;
	v2 =	vld.idx.msk [tilespmem:v8+s16+$0x0], $0xffff  }
0x1e3: {  	v9 =	vadd.bf16 v25, v9;
	v8 =	vor.u32 v40, v20;
	v15 =	vld.idx.msk [tilespmem:v6+s15+$0x0], $0xffff  }
0x1e4: {  	v4 =	vld.idx.msk [tilespmem:v6+s16+$0x0], $0xffff;
	v6 =	vor.u32 v29, v20  }
0x1e5: {  	v25 =	vld [tilespmem:$0x1FF40];
	v9 =	vadd.bf16 v45, v9  }
0x1e6: {  	v0 =	vadd.bf16 v46, v0;
	v46 =	vld [tilespmem:$0x1FF90]  }
0x1e7: {  	v9 =	vadd.bf16 v47, v9;
	v47 =	vld [tilespmem:$0x1F4C0]  }
0x1e8: {  	v40 =	vmul.bf16 v3, v11;
	v3 =	vld.idx.msk [tilespmem:v8+s16+$0x0], $0xffff  }
0x1e9: {  	v7 =	vor.u32 v7, v20;
	v13 =	vld.idx.msk [tilespmem:v6+s15+$0x0], $0xffff  }
0x1ea: {  	v57 =	vmul.bf16 v5, v14;
	v5 =	vld.idx.msk [tilespmem:v6+s16+$0x0], $0xffff  }
0x1eb: {  	v6 =	vld [tilespmem:$0x1FE80]  }
0x1ec: {  	v33 =	vmul.bf16 v4, v15;
	v15 =	vld.idx.msk [tilespmem:v8+s15+$0x0], $0xffff  }
0x1ed: {  	v8 =	vor.u32 v63, v20;
	v63 =	vld [tilespmem:$0x1F490]  }
0x1ee: {  	v0 =	vadd.bf16 v57, v0;
	v14 =	vld.idx.msk [tilespmem:v7+s15+$0x0], $0xffff  }
0x1ef: {  	v9 =	vadd.bf16 v62, v9;
	v4 =	vld.idx.msk [tilespmem:v7+s16+$0x0], $0xffff;
	v7 =	vor.u32 v35, v20;
	v35 =	vmul.bf16 v50, v49  }
0x1f0: {  	v50 =	vld [tilespmem:$0x1FFB0];
	v0 =	vadd.bf16 v33, v0  }
0x1f1: {  	v9 =	vadd.bf16 v35, v9;
	v35 =	vld [tilespmem:$0x1F4A0]  }
0x1f2: {  	v0 =	vadd.bf16 v40, v0;
	v40 =	vld [tilespmem:$0x1F520]  }
0x1f3: {  	v33 =	vmul.bf16 v5, v13;
	v13 =	vld [tilespmem:$0x1F4B0]  }
0x1f4: {  	v49 =	vmul.bf16 v3, v15;
	v15 =	vld [tilespmem:$0x1F4F0]  }
0x1f5: {  	v3 =	vld.idx.msk [tilespmem:v37+s29+$0xEA60 ss:$0x1], $0xffff  }
0x1f6: {  	v57 =	vmul.bf16 v2, v12;
	v6 =	vor.u32 v6, v20;
	v12 =	vld.idx.msk [tilespmem:v7+s15+$0x0], $0xffff  }
0x1f7: {  	v5 =	vld.idx.msk [tilespmem:v7+s16+$0x0], $0xffff  }
0x1f8: {  	v0 =	vadd.bf16 v57, v0;
	v7 =	vor.u32 v39, v20;
	v39 =	vmul.bf16 v4, v14;
	v4 =	vld.idx.msk [tilespmem:v8+s16+$0x0], $0xffff  }
0x1f9: {  	v14 =	vld [tilespmem:$0x1F4D0]  }
0x1fa: {  	v0 =	vadd.bf16 v33, v0;
	v33 =	vld [tilespmem:$0x1F510]  }
0x1fb: {  	v10 =	vmul.bf16 v42, v63;
	v9 =	vadd.bf16 v54, v9;
	v11 =	vld.idx.msk [tilespmem:v6+s15+$0x0], $0xffff  }
0x1fc: {  	v62 =	vld.idx.msk [tilespmem:v6+s16+$0x0], $0xffff  }
0x1fd: {  	v9 =	vadd.bf16 v10, v9;
	v6 =	vor.u32 v56, v20;
	v10 =	vmul.bf16 v13, v35;
	v13 =	vld.idx.msk [tilespmem:v8+s15+$0x0], $0xffff  }
0x1fe: {  	v0 =	vadd.bf16 v39, v0;
	v57 =	vld.idx.msk [tilespmem:v7+s16+$0x0], $0xffff  }
0x1ff: {  	v39 =	vmul.bf16 v5, v12;
	v12 =	vld [tilespmem:$0x1F530]  }
0x200: {  	v8 =	vor.u32 v51, v20;
	v0 =	vadd.bf16 v49, v0;
	v49 =	vld [tilespmem:$0x1F540]  }
0x201: {  	v3 =	vld.idx.msk [tilespmem:v3+s10+$0x0], $0xffff  }
0x202: {  	v9 =	vadd.bf16 v10, v9;
	v10 =	vmul.bf16 v14, v47;
	v14 =	vld.idx.msk [tilespmem:v6+s15+$0x0], $0xffff  }
0x203: {  	v51 =	vld.idx.msk [tilespmem:v6+s16+$0x0], $0xffff  }
0x204: {  	v6 =	vor.u32 v53, v20;
	v53 =	vld [tilespmem:$0x1F4E0]  }
0x205: {  	v54 =	vmul.bf16 v62, v11;
	v35 =	vld.idx.msk [tilespmem:v8+s15+$0x0], $0xffff  }
0x206: {  	v5 =	vld.idx.msk [tilespmem:v8+s16+$0x0], $0xffff  }
0x207: {  	v47 =	vmul.bf16 v4, v13;
	v13 =	vld [tilespmem:$0x1F550];
	v0 =	vadd.bf16 v54, v0  }
0x208: {  	v54 =	vld [tilespmem:$0x1F560]  }
0x209: {  	v0 =	vadd.bf16 v39, v0;
	v39 =	vld [tilespmem:$0x1F5C0]  }
0x20a: {  	v9 =	vadd.bf16 v10, v9;
	v10 =	vmul.bf16 v15, v53;
	v15 =	vld.idx.msk [tilespmem:v7+s15+$0x0], $0xffff;
	v7 =	vor.u32 v25, v20  }
0x20b: {  	v25 =	vld [tilespmem:$0x1F500]  }
0x20c: {  	v4 =	vld.idx.msk [tilespmem:v6+s16+$0x0], $0xffff  }
0x20d: {  	v51 =	vmul.bf16 v51, v14;
	v14 =	vld [tilespmem:$0x1F570]  }
0x20e: {  	v0 =	vadd.bf16 v47, v0;
	v47 =	vld [tilespmem:$0x1F5E0]  }
0x20f: {  	v53 =	vld.idx.msk [tilespmem:v7+s16+$0x0], $0xffff  }
0x210: {  	v9 =	vadd.bf16 v10, v9;
	v10 =	vmul.bf16 v33, v25;
	v57 =	vmul.bf16 v57, v15;
	v15 =	vld [tilespmem:$0x1F590]  }
0x211: {  	v8 =	vor.u32 v28, v20;
	v25 =	vld [tilespmem:$0x1F5A0]  }
0x212: {  	v0 =	vadd.bf16 v51, v0;
	v9 =	vadd.bf16 v10, v9;
	v10 =	vmul.bf16 v12, v40;
	v12 =	vld.idx.msk [tilespmem:v6+s15+$0x0], $0xffff  }
0x213: {  	v6 =	vor.u32 v26, v20;
	v26 =	vld [tilespmem:$0x1F5B0]  }
0x214: {  	v0 =	vadd.bf16 v57, v0;
	v57 =	vld [tilespmem:$0x1F650]  }
0x215: {  	v63 =	vmul.bf16 v5, v35;
	v9 =	vadd.bf16 v10, v9;
	v10 =	vmul.bf16 v13, v49;
	v13 =	vld.idx.msk [tilespmem:v7+s15+$0x0], $0xffff  }
0x216: {  	v7 =	vor.u32 v59, v20;
	v59 =	vld.idx.msk [tilespmem:v8+s16+$0x0], $0xffff  }
0x217: {  	v0 =	vadd.bf16 v63, v0;
	v63 =	vld [tilespmem:$0x1F660]  }
0x218: {  	v9 =	vadd.bf16 v10, v9;
	v10 =	vmul.bf16 v14, v54;
	v14 =	vld.idx.msk [tilespmem:v8+s15+$0x0], $0xffff  }
0x219: {  	v8 =	vor.u32 v61, v20;
	v61 =	vld [tilespmem:$0x1F580]  }
0x21a: {  	v54 =	vld [tilespmem:$0x1F640]  }
0x21b: {  	v5 =	vld.idx.msk [tilespmem:v6+s16+$0x0], $0xffff  }
0x21c: {  	v35 =	vmul.bf16 v4, v12;
	v12 =	vld [tilespmem:$0x1F5D0]  }
0x21d: {  	v33 =	vld.idx.msk [tilespmem:v7+s15+$0x0], $0xffff  }
0x21e: {  	v4 =	vld.idx.msk [tilespmem:v7+s16+$0x0], $0xffff  }
0x21f: {  	v40 =	vmul.bf16 v53, v13;
	v13 =	vld [tilespmem:$0x1F5F0]  }
0x220: {  	v0 =	vadd.bf16 v35, v0;
	v35 =	vld [tilespmem:$0x1F740]  }
0x221: {  	v9 =	vadd.bf16 v10, v9;
	v10 =	vmul.bf16 v15, v61;
	v15 =	vld.idx.msk [tilespmem:v6+s15+$0x0], $0xffff  }
0x222: {  	v6 =	vor.u32 v46, v20;
	v46 =	vld.idx.msk [tilespmem:v8+s16+$0x0], $0xffff  }
0x223: {  	v7 =	vor.u32 v48, v20;
	v0 =	vadd.bf16 v40, v0;
	v48 =	vmul.bf16 v59, v14;
	v14 =	vld [tilespmem:$0x1F610]  }
0x224: {  	v40 =	vld [tilespmem:$0x1FDB0];
	v9 =	vadd.bf16 v10, v9;
	v10 =	vmul.bf16 v26, v25  }
0x225: {  	v0 =	vadd.bf16 v48, v0;
	v48 =	vld [tilespmem:$0x1F6A0]  }
0x226: {  	v9 =	vadd.bf16 v10, v9;
	v10 =	vmul.bf16 v12, v39;
	v12 =	vld.idx.msk [tilespmem:v8+s15+$0x0], $0xffff  }
0x227: {  	v8 =	vor.u32 v50, v20;
	v50 =	vld [tilespmem:$0x1F600]  }
0x228: {  	v49 =	vld.idx.msk [tilespmem:v6+s16+$0x0], $0xffff  }
0x229: {  	v51 =	vmul.bf16 v5, v15;
	v5 =	vld.idx.msk [tilespmem:v7+s16+$0x0], $0xffff  }
0x22a: {  	v15 =	vld [tilespmem:$0x1F630]  }
0x22b: {  	v9 =	vadd.bf16 v10, v9;
	v10 =	vmul.bf16 v13, v47;
	v13 =	vld.idx.msk [tilespmem:v6+s15+$0x0], $0xffff  }
0x22c: {  	v6 =	vor.u32 v52, v20;
	v52 =	vld [tilespmem:$0x1F620]  }
0x22d: {  	v0 =	vadd.bf16 v51, v0;
	v51 =	vld [tilespmem:$0x1F6C0]  }
0x22e: {  	v9 =	vadd.bf16 v10, v9;
	v10 =	vmul.bf16 v14, v50;
	v14 =	vld.idx.msk [tilespmem:v7+s15+$0x0], $0xffff  }
0x22f: {  	v53 =	vmul.bf16 v4, v33;
	v4 =	vld.idx.msk [tilespmem:v8+s16+$0x0], $0xffff  }
0x230: {  	v59 =	vmul.bf16 v46, v12;
	v12 =	vld [tilespmem:$0x1F670]  }
0x231: {  	v46 =	vld [tilespmem:$0x1F680]  }
0x232: {  	v50 =	vld [tilespmem:$0x1FD70]  }
0x233: {  	v9 =	vadd.bf16 v10, v9;
	v10 =	vmul.bf16 v15, v52;
	v15 =	vld.idx.msk [tilespmem:v8+s15+$0x0], $0xffff  }
0x234: {  	v7 =	vor.u32 v58, v20;
	v58 =	vld.idx.msk [tilespmem:v6+s15+$0x0], $0xffff  }
0x235: {  	v61 =	vld.idx.msk [tilespmem:v6+s16+$0x0], $0xffff  }
0x236: {  	v25 =	vmul.bf16 v49, v13;
	v13 =	vld [tilespmem:$0x1F690]  }
0x237: {  	v8 =	vor.u32 v32, v20;
	v32 =	vld [tilespmem:$0x1F720]  }
0x238: {  	v9 =	vadd.bf16 v10, v9;
	v10 =	vmul.bf16 v57, v54;
	v54 =	vld [tilespmem:$0x1F6E0]  }
0x239: {  	v26 =	vld.idx.msk [tilespmem:v7+s16+$0x0], $0xffff  }
0x23a: {  	v6 =	vor.u32 v34, v20;
	v47 =	vmul.bf16 v5, v14;
	v14 =	vld [tilespmem:$0x1F6B0]  }
0x23b: {  	v9 =	vadd.bf16 v10, v9;
	v10 =	vmul.bf16 v12, v63;
	v12 =	vld.idx.msk [tilespmem:v7+s15+$0x0], $0xffff  }
0x23c: {  	v0 =	vadd.bf16 v53, v0;
	v7 =	vor.u32 v55, v20;
	v55 =	vld [tilespmem:$0x1F6F0]  }
0x23d: {  	v63 =	vld [tilespmem:$0x1F710]  }
0x23e: {  	v0 =	vadd.bf16 v59, v0;
	v5 =	vld.idx.msk [tilespmem:v8+s16+$0x0], $0xffff  }
0x23f: {  	v49 =	vmul.bf16 v4, v15;
	v4 =	vld.idx.msk [tilespmem:v6+s16+$0x0], $0xffff  }
0x240: {  	v0 =	vadd.bf16 v25, v0;
	v15 =	vld [tilespmem:$0x1F6D0]  }
0x241: {  	v52 =	vmul.bf16 v61, v58;
	v61 =	vld [tilespmem:$0x1F700]  }
0x242: {  	v0 =	vadd.bf16 v47, v0;
	v9 =	vadd.bf16 v10, v9;
	v10 =	vmul.bf16 v13, v46;
	v13 =	vld.idx.msk [tilespmem:v8+s15+$0x0], $0xffff  }
0x243: {  	v46 =	vld [tilespmem:$0x1F760]  }
0x244: {  	v0 =	vadd.bf16 v49, v0;
	v49 =	vld [tilespmem:$0x1F780]  }
0x245: {  	v9 =	vadd.bf16 v10, v9;
	v10 =	vmul.bf16 v14, v48;
	v14 =	vld.idx.msk [tilespmem:v6+s15+$0x0], $0xffff  }
0x246: {  	v8 =	vor.u32 v16, v20;
	v53 =	vld.idx.msk [tilespmem:v7+s16+$0x0], $0xffff  }
0x247: {  	v58 =	vmul.bf16 v26, v12;
	v26 =	vld [tilespmem:$0x1FD90]  }
0x248: {  	v12 =	vld [tilespmem:$0x1F730]  }
0x249: {  	v9 =	vadd.bf16 v10, v9;
	v10 =	vmul.bf16 v15, v51;
	v15 =	vld.idx.msk [tilespmem:v7+s15+$0x0], $0xffff  }
0x24a: {  	v7 =	vor.u32 v50, v20;
	v50 =	vld [tilespmem:$0x1F790]  }
0x24b: {  	v6 =	vor.u32 v17, v20;
	v57 =	vld.idx.msk [tilespmem:v8+s15+$0x0], $0xffff  }
0x24c: {  	v0 =	vadd.bf16 v52, v0;
	v59 =	vld.idx.msk [tilespmem:v8+s16+$0x0], $0xffff  }
0x24d: {  	v25 =	vmul.bf16 v5, v13;
	v13 =	vld [tilespmem:$0x1F750]  }
0x24e: {  	v0 =	vadd.bf16 v58, v0;
	v58 =	vld [tilespmem:$0x1F7C0]  }
0x24f: {  	v9 =	vadd.bf16 v10, v9;
	v10 =	vmul.bf16 v55, v54;
	v54 =	vld [tilespmem:$0x1F7B0]  }
0x250: {  	v34 =	vmov v18;
	v18 =	vld.idx.msk [tilespmem:v6+s15+$0x0], $0xffff  }
0x251: {  	v5 =	vld.idx.msk [tilespmem:v6+s16+$0x0], $0xffff  }
0x252: {  	v33 =	vmul.bf16 v4, v14;
	v14 =	vor.u32 v23, v20;
	v23 =	vld [tilespmem:$0x1F820]  }
0x253: {  	v8 =	vadd.bf16 v10, v9;
	v9 =	vmul.bf16 v63, v61;
	v63 =	vld [tilespmem:$0x1F7F0]  }
0x254: {  	v4 =	vld.idx.msk [tilespmem:v7+s16+$0x0], $0xffff  }
0x255: {  	v0 =	vadd.bf16 v25, v0;
	v39 =	vmul.bf16 v53, v15;
	v15 =	vld [tilespmem:$0x1F770]  }
0x256: {  	v6 =	vor.u32 v21, v20;
	v53 =	vld [tilespmem:$0x1F7A0]  }
0x257: {  	v0 =	vadd.bf16 v33, v0;
	v8 =	vadd.bf16 v9, v8;
	v9 =	vmul.bf16 v12, v32;
	v12 =	vld.idx.msk [tilespmem:v7+s15+$0x0], $0xffff  }
0x258: {  	v32 =	vld [tilespmem:$0x1F830]  }
0x259: {  	v0 =	vadd.bf16 v39, v0;
	v39 =	vld [tilespmem:$0x1F870]  }
0x25a: {  	v8 =	vadd.bf16 v9, v8;
	v9 =	vmul.bf16 v13, v35;
	v13 =	vld.idx.msk [tilespmem:v37+s29+$0xC350 ss:$0x1], $0xffff  }
0x25b: {  	v7 =	vor.u32 v26, v20;
	v48 =	vld.idx.msk [tilespmem:v6+s16+$0x0], $0xffff  }
0x25c: {  	v55 =	vld.idx.msk [tilespmem:v14+s15+$0x0], $0xffff  }
0x25d: {  	v52 =	vmul.bf16 v5, v18;
	v18 =	vld [tilespmem:$0x1FEB0]  }
0x25e: {  	v37 =	vld [tilespmem:$0x1F860]  }
0x25f: {  	v8 =	vadd.bf16 v9, v8;
	v9 =	vmul.bf16 v15, v46;
	v15 =	vld.idx.msk [tilespmem:v6+s15+$0x0], $0xffff  }
0x260: {  	v51 =	vld.idx.msk [tilespmem:v7+s15+$0x0], $0xffff  }
0x261: {  	v47 =	vmul.bf16 v59, v57;
	v5 =	vld.idx.msk [tilespmem:v7+s16+$0x0], $0xffff  }
0x262: {  	v57 =	vmul.bf16 v4, v12;
	v4 =	vld.idx.msk [tilespmem:v14+s16+$0x0], $0xffff  }
0x263: {  	v0 =	vadd.bf16 v47, v0;
	v14 =	vld [tilespmem:$0x1F7D0]  }
0x264: {  	v6 =	vor.u32 v40, v20;
	v12 =	vor.u32 v22, v20;
	v22 =	vld [tilespmem:$0x1F810]  }
0x265: {  	v7 =	vor.u32 v44, v20;
	v0 =	vadd.bf16 v52, v0;
	v44 =	vld [tilespmem:$0x1F890]  }
0x266: {  	v8 =	vadd.bf16 v9, v8;
	v9 =	vmul.bf16 v50, v49;
	v49 =	vld [tilespmem:$0x1F8C0]  }
0x267: {  	v0 =	vadd.bf16 v57, v0;
	v57 =	vld [tilespmem:$0x1F900]  }
0x268: {  	v8 =	vadd.bf16 v9, v8;
	v9 =	vmul.bf16 v54, v53;
	v53 =	vld [tilespmem:$0x1F8D0]  }
0x269: {  	v61 =	vld.idx.msk [tilespmem:v6+s16+$0x0], $0xffff  }
0x26a: {  	v59 =	vmul.bf16 v48, v15;
	v15 =	vld [tilespmem:$0x1F800]  }
0x26b: {  	v48 =	vld [tilespmem:$0x1F8B0]  }
0x26c: {  	v8 =	vadd.bf16 v9, v8;
	v9 =	vmul.bf16 v14, v58;
	v14 =	vld.idx.msk [tilespmem:v6+s15+$0x0], $0xffff  }
0x26d: {  	v21 =	vmul.bf16 v5, v51;
	v5 =	vld.idx.msk [tilespmem:v7+s16+$0x0], $0xffff  }
0x26e: {  	v25 =	vld.idx.msk [tilespmem:v12+s15+$0x0], $0xffff  }
0x26f: {  	v26 =	vmul.bf16 v4, v55;
	v4 =	vld.idx.msk [tilespmem:v12+s16+$0x0], $0xffff  }
0x270: {  	v6 =	vor.u32 v27, v20;
	v12 =	vld [tilespmem:$0x1F840]  }
0x271: {  	v0 =	vadd.bf16 v59, v0;
	v8 =	vadd.bf16 v9, v8;
	v9 =	vmul.bf16 v15, v63;
	v15 =	vld.idx.msk [tilespmem:v7+s15+$0x0], $0xffff  }
0x272: {  	v55 =	vld [tilespmem:$0x1F8F0]  }
0x273: {  	v0 =	vadd.bf16 v21, v0;
	v21 =	vld [tilespmem:$0x1F940];
	v7 =	vor.u32 v30, v20  }
0x274: {  	[tilespmem:$0x1F7E0] =	vst v27;
	v33 =	vmul.bf16 v61, v14;
	v14 =	vld [tilespmem:$0x1F880]  }
0x275: {  	v27 =	vor.u32 v34, v20;
	v35 =	vld.idx.msk [tilespmem:v6+s16+$0x0], $0xffff;
	v8 =	vadd.bf16 v9, v8;
	v9 =	vmul.bf16 v23, v22  }
0x276: {  	v40 =	vmul.bf16 v5, v15;
	v15 =	vld [tilespmem:$0x1F8A0]  }
0x277: {  	v8 =	vadd.bf16 v9, v8;
	v9 =	vmul.bf16 v12, v32;
	v12 =	vld.idx.msk [tilespmem:v6+s15+$0x0], $0xffff  }
0x278: {  	v5 =	vld.idx.msk [tilespmem:v7+s16+$0x0], $0xffff  }
0x279: {  	v8 =	vadd.bf16 v9, v8;
	v9 =	vmul.bf16 v14, v39;
	v14 =	vld.idx.msk [tilespmem:v7+s15+$0x0], $0xffff  }
0x27a: {  	v46 =	vmul.bf16 v4, v25;
	v4 =	vld.idx.msk [tilespmem:v27+s16+$0x0], $0xffff  }
0x27b: {  	v8 =	vadd.bf16 v9, v8;
	v9 =	vmul.bf16 v15, v44;
	v15 =	vld.idx.msk [tilespmem:v27+s15+$0x0], $0xffff  }
0x27c: {  	v7 =	vor.u32 v37, v20;
	v51 =	vmul.bf16 v35, v12;
	v12 =	vld [tilespmem:$0x1F8E0]  }
0x27d: {  	v61 =	vld [tilespmem:$0x1F920]  }
0x27e: {  	v54 =	vmul.bf16 v5, v14;
	v14 =	vld [tilespmem:$0x1F910]  }
0x27f: {  	v59 =	vor.u32 v55, v20;
	v22 =	vld [tilespmem:$0x1F950];
	v8 =	vadd.bf16 v9, v8;
	v9 =	vmul.bf16 v49, v48  }
0x280: {  	v6 =	vor.u32 v19, v20;
	v58 =	vmul.bf16 v4, v15;
	v15 =	vld [tilespmem:$0x1F930]  }
0x281: {  	v5 =	vld.idx.msk [tilespmem:v7+s16+$0x0], $0xffff;
	v8 =	vadd.bf16 v9, v8;
	v9 =	vmul.bf16 v12, v53  }
0x282: {  	v12 =	vld.idx.msk [tilespmem:v7+s15+$0x0], $0xffff;
	v7 =	vor.u32 v38, v20  }
0x283: {  	v25 =	vld [tilespmem:$0x1F970];
	v8 =	vadd.bf16 v9, v8;
	v9 =	vmul.bf16 v14, v57  }
0x284: {  	v0 =	vadd.bf16 v26, v0;
	v26 =	vld.idx.msk [tilespmem:v59+s15+$0x0], $0xffff  }
0x285: {  	v50 =	vld.idx.msk [tilespmem:v6+s15+$0x0], $0xffff;
	v8 =	vadd.bf16 v9, v8;
	v9 =	vmul.bf16 v15, v61  }
0x286: {  	v52 =	vld.idx.msk [tilespmem:v6+s16+$0x0], $0xffff  }
0x287: {  	v23 =	vld.idx.msk [tilespmem:v7+s15+$0x0], $0xffff;
	v8 =	vadd.bf16 v9, v8;
	v9 =	vmul.bf16 v22, v21  }
0x288: {  	v6 =	vor.u32 v24, v20;
	v24 =	vmul.bf16 v5, v12;
	v5 =	vld.idx.msk [tilespmem:v7+s16+$0x0], $0xffff  }
0x289: {  	v0 =	vadd.bf16 v33, v0;
	v7 =	vadd.bf16 v9, v8;
	v8 =	vld [tilespmem:$0x1F960]  }
0x28a: {  	v37 =	vld [tilespmem:$0x1F9B0]  }
0x28b: {  	v39 =	vld [tilespmem:$0x1F9C0];
	v0 =	vadd.bf16 v40, v0  }
0x28c: {  	v40 =	vld [tilespmem:$0x1F9D0]  }
0x28d: {  	v0 =	vadd.bf16 v46, v0;
	v46 =	vld [tilespmem:$0x1F9F0]  }
0x28e: {  	[tilespmem:$0x1F850] =	vst v19;
	v47 =	vor.u32 v60, v20;
	v19 =	vld.idx.msk [tilespmem:v6+s16+$0x0], $0xffff;
	v8 =	vmul.bf16 v25, v8  }
0x28f: {  	v12 =	vld [tilespmem:$0x1F990]  }
0x290: {  	v7 =	vadd.bf16 v8, v7;
	v8 =	vld [tilespmem:$0x1F980]  }
0x291: {  	v15 =	vld.idx.msk [tilespmem:v6+s15+$0x0], $0xffff;
	v6 =	vor.u32 v36, v20  }
0x292: {  	v44 =	vld [tilespmem:$0x1F9E0]  }
0x293: {  	v4 =	vld.idx.msk [tilespmem:v47+s16+$0x0], $0xffff  }
0x294: {  	v14 =	vld.idx.msk [tilespmem:v47+s15+$0x0], $0xffff  }
0x295: {  	v0 =	vadd.bf16 v51, v0;
	v48 =	vld [tilespmem:$0x1FA00];
	v8 =	vmul.bf16 v12, v8  }
0x296: {  	v35 =	vld.idx.msk [tilespmem:v6+s16+$0x0], $0xffff  }
0x297: {  	v0 =	vadd.bf16 v54, v0;
	v7 =	vadd.bf16 v8, v7;
	v8 =	vld [tilespmem:$0x1F9A0]  }
0x298: {  	v32 =	vor.u32 v18, v20;
	v12 =	vld.idx.msk [tilespmem:v6+s15+$0x0], $0xffff  }
0x299: {  	v63 =	vmul.bf16 v52, v50;
	v0 =	vadd.bf16 v58, v0;
	v27 =	vmul.bf16 v4, v14;
	v4 =	vld.idx.msk [tilespmem:v59+s16+$0x0], $0xffff  }
0x29a: {  	v49 =	vld [tilespmem:$0x1FA10]  }
0x29b: {  	v0 =	vadd.bf16 v63, v0;
	v38 =	vmul.bf16 v5, v23;
	v5 =	vld [tilespmem:$0x1FED0]  }
0x29c: {  	v52 =	vld [tilespmem:$0x1FA20];
	v8 =	vmul.bf16 v37, v8  }
0x29d: {  	v0 =	vadd.bf16 v24, v0;
	v6 =	vor.u32 v41, v20;
	v2 =	vmul.bf16 v35, v12;
	v12 =	vld [tilespmem:$0x1FA30]  }
0x29e: {  	v11 =	vmul.bf16 v40, v39;
	v41 =	vmul.bf16 v4, v26;
	v4 =	vld.idx.msk [tilespmem:v32+s16+$0x0], $0xffff;
	v7 =	vadd.bf16 v8, v7  }
0x29f: {  	v0 =	vadd.bf16 v27, v0;
	v33 =	vmul.bf16 v19, v15;
	v8 =	vld.idx.msk [tilespmem:v32+s15+$0x0], $0xffff  }
0x2a0: {  	v13 =	vld.idx.msk [tilespmem:v13+s10+$0x0], $0xffff;
	v5 =	vor.u32 v5, v20;
	v7 =	vadd.bf16 v11, v7;
	v11 =	vmul.bf16 v49, v48  }
0x2a1: {  	v54 =	vld [tilespmem:$0x1FA40];
	v0 =	vadd.bf16 v33, v0  }
0x2a2: {  	v47 =	vld.idx.msk [tilespmem:v6+s15+$0x0], $0xffff;
	v7 =	vadd.bf16 v11, v7;
	v11 =	vmul.bf16 v12, v52  }
0x2a3: {  	v9 =	vmul.f32 v46, v44;
	v0 =	vadd.bf16 v38, v0;
	v50 =	vld.idx.msk [tilespmem:v6+s16+$0x0], $0xffff  }
0x2a4: {  	v53 =	vmul.bf16 v4, v8;
	v4 =	vadd.bf16 v11, v7;
	v7 =	vld [tilespmem:$0x1FA50]  }
0x2a5: {  	v3 =	vmul.f32 v3, v13;
	v51 =	vld.idx.msk [tilespmem:v5+s15+$0x0], $0xffff;
	v0 =	vadd.bf16 v41, v0;
	v6 =	vmax.f32 v9, $9.999999930e-09  }
0x2a6: {  	v5 =	vld.idx.msk [tilespmem:v5+s16+$0x0], $0xffff;
	(erf) = vrcp.f32 v6  }
0x2a7: {  	v3 =	vmax.f32 v3, $9.999999930e-09;
	v0 =	vadd.bf16 v2, v0  }
0x2a8: {  	(erf) = vrcp.f32 v3  }
0x2a9: {  	v1 =	vmul.bf16 v50, v47;
	v0 =	vadd.bf16 v53, v0;
	v3 =	vmul.bf16 v7, v54;
	_ =	sdelay $0x1  }
0x2aa: {  	v57 =	vmul.bf16 v5, v51;
	v0 =	vadd.bf16 v1, v0;
	v55 =	vadd.bf16 v3, v4  }
0x2ab: {  	v62 =	vld [tilespmem:$0x1FDF0]  }
0x2ac: {  	v0 =	vadd.bf16 v57, v0;
	v3 =	vshll.u32 v55, $0x10;
	v2 =	vand.u32 $0xFFFF0000, v55  }
0x2ad: {  	v58 =	vadd.f32 v2, v3  }
0x2ae: {  	v31 =	vld [tilespmem:$0x1FE20];
	v59 =	vpop (erf);
	v61 =	vshll.u32 v0, $0x10;
	v0 =	vand.u32 $0xFFFF0000, v0  }
0x2af: {  	v63 =	vld [tilespmem:$0x1FA60];
	v0 =	vadd.f32 v0, v61;
	v1 =	vmul.f32 v58, v59  }
0x2b0: {  	v43 =	vld [tilespmem:$0x1FE60];
	v36 =	vmov v62;
	v62 =	vpop (erf)  }
0x2b1: {  	p2 =	por p1, p1;
	v45 =	vld [tilespmem:$0x1FE30];
	v0 =	vmul.f32 v0, v62;
	v1 =	vsub.f32 $5.000000000e-01, v1  }
.Ltmp0:
0x2b2: {  	v42 =	vld [tilespmem:$0x1FE80];
	(pc) =	sbr.rel @p2 .LBB2_3-.Ltmp0, $4  }
0x2b3: {  	v56 =	vld [tilespmem:$0x1FE00];
	v0 =	vsub.f32 $5.000000000e-01, v0;
	v1 =	vmax.f32 v1, $0.0e+00  }
0x2b4: {  	v13 =	vld [tilespmem:$0x1FDC0];
	v1 =	vadd.f32 v1, v63  }
0x2b5: {  	v14 =	vld [tilespmem:$0x1FDD0];
	v0 =	vmax.f32 v0, $0.0e+00  }
0x2b6: {  	p1 =	por $0x0, $0x0;
	s30 =	simm.s32 $0x20;
	v15 =	vld [tilespmem:$0x1FDE0];
	v6 =	vlaneseq.u32;
	v30 =	vadd.f32 v0, v1  }
0x2b7: {  	v2 =	vmul.u32 $0x41, v6;
	_ =	sdelay $0x1  }
0x2b8: {  	v4 =	vor.u32 $0x1000, v2;
	_ =	sdelay $0x1  }
0x2b9: {  	v6 =	vadd.s32 $0x1001, v2  }
0x2ba: {  	v1 =	vld [tilespmem:s26+$0xC390]  }
0x2bb: {  	v0 =	vld [tilespmem:s26+$0xEAA0];
	v8 =	vadd.s32 $0x1002, v2  }
0x2bc: {  	v3 =	vld.idx.msk [tilespmem:v4+s15+$0x0], $0xffff  }
0x2bd: {  	v10 =	vadd.s32 $0x1003, v2;
	[tilespmem:$0x1F160] =	vst v4;
	v4 =	vld.idx.msk [tilespmem:v4+s16+$0x0], $0xffff  }
0x2be: {  	v5 =	vld.idx.msk [tilespmem:v6+s15+$0x0], $0xffff  }
0x2bf: {  	v11 =	vadd.s32 $0x1004, v2;
	[tilespmem:$0x1F170] =	vst v6;
	v6 =	vld.idx.msk [tilespmem:v6+s16+$0x0], $0xffff  }
0x2c0: {  	v7 =	vld.idx.msk [tilespmem:v8+s15+$0x0], $0xffff  }
0x2c1: {  	v12 =	vadd.s32 $0x1005, v2;
	[tilespmem:$0x1F180] =	vst v8;
	v8 =	vld.idx.msk [tilespmem:v8+s16+$0x0], $0xffff  }
0x2c2: {  	v9 =	vld.idx.msk [tilespmem:v10+s15+$0x0], $0xffff  }
0x2c3: {  	v17 =	vadd.s32 $0x1006, v2;
	[tilespmem:$0x1F190] =	vst v10;
	v10 =	vld.idx.msk [tilespmem:v10+s16+$0x0], $0xffff  }
0x2c4: {  	v54 =	vld.idx.msk [tilespmem:v11+s15+$0x0], $0xffff  }
0x2c5: {  	v20 =	vadd.s32 $0x1007, v2;
	[tilespmem:$0x1F1A0] =	vst v11;
	v11 =	vld.idx.msk [tilespmem:v11+s16+$0x0], $0xffff  }
0x2c6: {  	v55 =	vld.idx.msk [tilespmem:v12+s15+$0x0], $0xffff  }
0x2c7: {  	v57 =	vadd.s32 $0x1008, v2;
	[tilespmem:$0x1F1B0] =	vst v12;
	v12 =	vld.idx.msk [tilespmem:v12+s16+$0x0], $0xffff  }
0x2c8: {  	v59 =	vld.idx.msk [tilespmem:v17+s15+$0x0], $0xffff  }
0x2c9: {  	v33 =	vadd.s32 $0x100A, v2;
	v61 =	vld.idx.msk [tilespmem:v17+s16+$0x0], $0xffff  }
0x2ca: {  	v63 =	vld.idx.msk [tilespmem:v20+s15+$0x0], $0xffff  }
0x2cb: {  	v38 =	vadd.s32 $0x100B, v2;
	v32 =	vld.idx.msk [tilespmem:v20+s16+$0x0], $0xffff  }
0x2cc: {  	[tilespmem:$0x1F1C0] =	vst v17;
	v17 =	vadd.s32 $0x1009, v2;
	v35 =	vld.idx.msk [tilespmem:v57+s15+$0x0], $0xffff  }
0x2cd: {  	v37 =	vld.idx.msk [tilespmem:v57+s16+$0x0], $0xffff  }
0x2ce: {  	v44 =	vld.idx.msk [tilespmem:v33+s15+$0x0], $0xffff  }
0x2cf: {  	v47 =	vadd.s32 $0x100D, v2;
	v46 =	vld.idx.msk [tilespmem:v33+s16+$0x0], $0xffff  }
0x2d0: {  	v49 =	vld.idx.msk [tilespmem:v38+s15+$0x0], $0xffff  }
0x2d1: {  	v40 =	vld.idx.msk [tilespmem:v17+s15+$0x0], $0xffff  }
0x2d2: {  	[tilespmem:$0x1F1F0] =	vst v17;
	v39 =	vmul.bf16 v12, v55;
	v12 =	vld.idx.msk [tilespmem:v17+s16+$0x0], $0xffff;
	v17 =	vadd.s32 $0x100C, v2  }
0x2d3: {  	v50 =	vld.idx.msk [tilespmem:v38+s16+$0x0], $0xffff;
	v3 =	vmul.bf16 v4, v3  }
0x2d4: {  	v27 =	vimm.bf16 $0.0e+00;
	v51 =	vadd.s32 $0x100E, v2;
	[tilespmem:$0x1F1E0] =	vst v57;
	v57 =	vld.idx.msk [tilespmem:v47+s15+$0x0], $0xffff  }
0x2d5: {  	v1 =	vld.idx.msk [tilespmem:v1+s10+$0x0], $0xffff;
	v5 =	vmul.bf16 v6, v5;
	v3 =	vadd.bf16 v27, v3  }
0x2d6: {  	v0 =	vld.idx.msk [tilespmem:v0+s10+$0x0], $0xffff  }
0x2d7: {  	v58 =	vmul.bf16 v8, v7;
	v3 =	vadd.bf16 v5, v3;
	v53 =	vld.idx.msk [tilespmem:v17+s15+$0x0], $0xffff  }
0x2d8: {  	v4 =	vmul.bf16 v11, v54;
	[tilespmem:$0x1F220] =	vst v17;
	v54 =	vld.idx.msk [tilespmem:v17+s16+$0x0], $0xffff;
	v17 =	vadd.s32 $0x100F, v2  }
0x2d9: {  	v62 =	vmul.bf16 v10, v9;
	v41 =	vmul.bf16 v61, v59;
	v61 =	vld.idx.msk [tilespmem:v51+s15+$0x0], $0xffff;
	v3 =	vadd.bf16 v58, v3  }
0x2da: {  	v48 =	vmul.bf16 v32, v63;
	v63 =	vadd.s32 $0x1011, v2;
	v55 =	vmul.bf16 v12, v40;
	v12 =	vld.idx.msk [tilespmem:v47+s16+$0x0], $0xffff  }
0x2db: {  	v59 =	vmul.bf16 v46, v44;
	v44 =	vadd.s32 $0x1014, v2;
	v27 =	vld [tilespmem:$0x1FCD0];
	v3 =	vadd.bf16 v62, v3  }
0x2dc: {  	v58 =	vadd.s32 $0x1010, v2;
	v62 =	vld.idx.msk [tilespmem:v51+s16+$0x0], $0xffff  }
0x2dd: {  	v3 =	vadd.bf16 v4, v3;
	v32 =	vld.idx.msk [tilespmem:v17+s15+$0x0], $0xffff  }
0x2de: {  	[tilespmem:$0x1F200] =	vst v33;
	v33 =	vld.idx.msk [tilespmem:v17+s16+$0x0], $0xffff  }
0x2df: {  	[tilespmem:$0x1F250] =	vst v17;
	v17 =	vadd.s32 $0x1012, v2;
	v40 =	vmul.bf16 v12, v57;
	v12 =	vld.idx.msk [tilespmem:v63+s16+$0x0], $0xffff;
	v3 =	vadd.bf16 v39, v3  }
0x2e0: {  	v52 =	vmul.bf16 v37, v35;
	v35 =	vmul.bf16 v54, v53;
	v54 =	vld.idx.msk [tilespmem:v44+s15+$0x0], $0xffff  }
0x2e1: {  	v37 =	vld.idx.msk [tilespmem:v58+s15+$0x0], $0xffff;
	v39 =	vadd.s32 $0x1013, v2;
	v3 =	vadd.bf16 v41, v3  }
0x2e2: {  	[tilespmem:$0x1F210] =	vst v38;
	v38 =	vld.idx.msk [tilespmem:v58+s16+$0x0], $0xffff  }
0x2e3: {  	v57 =	vadd.s32 $0x1017, v2;
	v41 =	vld.idx.msk [tilespmem:v63+s15+$0x0], $0xffff;
	v3 =	vadd.bf16 v48, v3  }
0x2e4: {  	[tilespmem:$0x1F230] =	vst v47;
	v47 =	vld.idx.msk [tilespmem:v17+s15+$0x0], $0xffff  }
0x2e5: {  	[tilespmem:$0x1F280] =	vst v17;
	v48 =	vld.idx.msk [tilespmem:v17+s16+$0x0], $0xffff;
	v17 =	vadd.s32 $0x1015, v2;
	v3 =	vadd.bf16 v52, v3  }
0x2e6: {  	v26 =	vmul.bf16 v50, v49;
	v50 =	vld.idx.msk [tilespmem:v39+s15+$0x0], $0xffff  }
0x2e7: {  	[tilespmem:$0x1F240] =	vst v51;
	v53 =	vmul.bf16 v38, v37;
	v38 =	vadd.s32 $0x101A, v2;
	v51 =	vld.idx.msk [tilespmem:v39+s16+$0x0], $0xffff;
	v3 =	vadd.bf16 v55, v3  }
0x2e8: {  	v37 =	vld.idx.msk [tilespmem:v57+s16+$0x0], $0xffff;
	v52 =	vadd.s32 $0x1016, v2  }
0x2e9: {  	v55 =	vld.idx.msk [tilespmem:v44+s16+$0x0], $0xffff;
	v3 =	vadd.bf16 v59, v3  }
0x2ea: {  	[tilespmem:$0x1F260] =	vst v58;
	v58 =	vmul.bf16 v12, v41;
	v12 =	vld.idx.msk [tilespmem:v17+s16+$0x0], $0xffff  }
0x2eb: {  	v46 =	vmul.bf16 v62, v61;
	[tilespmem:$0x1F2B0] =	vst v17;
	v59 =	vld.idx.msk [tilespmem:v17+s15+$0x0], $0xffff;
	v17 =	vadd.s32 $0x1018, v2;
	v3 =	vadd.bf16 v26, v3  }
0x2ec: {  	v49 =	vmul.bf16 v33, v32;
	v33 =	vmul.bf16 v51, v50;
	v50 =	vld.idx.msk [tilespmem:v38+s16+$0x0], $0xffff  }
0x2ed: {  	v61 =	vmul.bf16 v48, v47;
	v47 =	vadd.s32 $0x101C, v2;
	v62 =	vld.idx.msk [tilespmem:v52+s15+$0x0], $0xffff;
	v3 =	vadd.bf16 v35, v3  }
0x2ee: {  	[tilespmem:$0x1F270] =	vst v63;
	v32 =	vadd.s32 $0x1019, v2;
	v63 =	vld.idx.msk [tilespmem:v52+s16+$0x0], $0xffff  }
0x2ef: {  	v51 =	vadd.s32 $0x101D, v2;
	v35 =	vld.idx.msk [tilespmem:v57+s15+$0x0], $0xffff;
	v3 =	vadd.bf16 v40, v3  }
0x2f0: {  	v41 =	vld.idx.msk [tilespmem:v17+s16+$0x0], $0xffff  }
0x2f1: {  	[tilespmem:$0x1F2E0] =	vst v17;
	v40 =	vld.idx.msk [tilespmem:v17+s15+$0x0], $0xffff;
	v17 =	vadd.s32 $0x101B, v2;
	v3 =	vadd.bf16 v46, v3  }
0x2f2: {  	[tilespmem:$0x1F2D0] =	vst v57;
	v57 =	vld.idx.msk [tilespmem:v47+s15+$0x0], $0xffff  }
0x2f3: {  	[tilespmem:$0x1F2A0] =	vst v44;
	v44 =	vmul.bf16 v12, v59;
	v12 =	vld.idx.msk [tilespmem:v32+s16+$0x0], $0xffff;
	v3 =	vadd.bf16 v49, v3  }
0x2f4: {  	v59 =	vadd.s32 $0x101F, v2;
	v48 =	vmul.bf16 v63, v62;
	v62 =	vld.idx.msk [tilespmem:v51+s15+$0x0], $0xffff  }
0x2f5: {  	v46 =	vld.idx.msk [tilespmem:v32+s15+$0x0], $0xffff;
	v3 =	vadd.bf16 v53, v3  }
0x2f6: {  	[tilespmem:$0x1F290] =	vst v39;
	v39 =	vmul.bf16 v55, v54;
	v54 =	vld.idx.msk [tilespmem:v17+s16+$0x0], $0xffff  }
0x2f7: {  	[tilespmem:$0x1F310] =	vst v17;
	v53 =	vld.idx.msk [tilespmem:v17+s15+$0x0], $0xffff;
	v17 =	vadd.s32 $0x101E, v2;
	v3 =	vadd.bf16 v58, v3  }
0x2f8: {  	v49 =	vld.idx.msk [tilespmem:v38+s15+$0x0], $0xffff  }
0x2f9: {  	[tilespmem:$0x1F2C0] =	vst v52;
	v52 =	vmul.bf16 v37, v35;
	v37 =	vld.idx.msk [tilespmem:v59+s15+$0x0], $0xffff;
	v3 =	vadd.bf16 v61, v3  }
0x2fa: {  	v63 =	vadd.s32 $0x1020, v2;
	v58 =	vld.idx.msk [tilespmem:v47+s16+$0x0], $0xffff  }
0x2fb: {  	v61 =	vmul.bf16 v12, v46;
	v12 =	vld.idx.msk [tilespmem:v51+s16+$0x0], $0xffff;
	v46 =	vadd.s32 $0x1023, v2;
	v3 =	vadd.bf16 v33, v3  }
0x2fc: {  	[tilespmem:$0x1F2F0] =	vst v32;
	v32 =	vld.idx.msk [tilespmem:v17+s15+$0x0], $0xffff  }
0x2fd: {  	[tilespmem:$0x1F340] =	vst v17;
	v33 =	vld.idx.msk [tilespmem:v17+s16+$0x0], $0xffff;
	v17 =	vadd.s32 $0x1021, v2;
	v3 =	vadd.bf16 v39, v3  }
0x2fe: {  	[tilespmem:$0x1F300] =	vst v38;
	v38 =	vld.idx.msk [tilespmem:v59+s16+$0x0], $0xffff;
	v55 =	vmul.bf16 v41, v40  }
0x2ff: {  	v41 =	vld.idx.msk [tilespmem:v63+s15+$0x0], $0xffff;
	v40 =	vmul.bf16 v58, v57;
	v57 =	vadd.s32 $0x1026, v2;
	v3 =	vadd.bf16 v44, v3  }
0x300: {  	v35 =	vmul.bf16 v54, v53;
	v39 =	vadd.s32 $0x1022, v2;
	v54 =	vld.idx.msk [tilespmem:v46+s15+$0x0], $0xffff  }
0x301: {  	v44 =	vld.idx.msk [tilespmem:v63+s16+$0x0], $0xffff;
	v3 =	vadd.bf16 v48, v3  }
0x302: {  	[tilespmem:$0x1F320] =	vst v47;
	v26 =	vmul.bf16 v50, v49;
	v47 =	vmul.bf16 v12, v62;
	v12 =	vld.idx.msk [tilespmem:v17+s16+$0x0], $0xffff  }
0x303: {  	v49 =	vmul.bf16 v33, v32;
	v32 =	vadd.s32 $0x1028, v2;
	v48 =	vld.idx.msk [tilespmem:v17+s15+$0x0], $0xffff;
	v3 =	vadd.bf16 v52, v3  }
0x304: {  	v53 =	vmul.bf16 v38, v37;
	[tilespmem:$0x1F370] =	vst v17;
	v17 =	vadd.s32 $0x1024, v2;
	v37 =	vld.idx.msk [tilespmem:v57+s16+$0x0], $0xffff  }
0x305: {  	v50 =	vld.idx.msk [tilespmem:v39+s15+$0x0], $0xffff;
	v3 =	vadd.bf16 v55, v3  }
0x306: {  	[tilespmem:$0x1F330] =	vst v51;
	v38 =	vadd.s32 $0x1029, v2;
	v51 =	vld.idx.msk [tilespmem:v39+s16+$0x0], $0xffff  }
0x307: {  	v52 =	vadd.s32 $0x1025, v2;
	v55 =	vld.idx.msk [tilespmem:v46+s16+$0x0], $0xffff;
	v3 =	vadd.bf16 v61, v3  }
0x308: {  	[tilespmem:$0x1F390] =	vst v46;
	v46 =	vld.idx.msk [tilespmem:v32+s15+$0x0], $0xffff  }
0x309: {  	[tilespmem:$0x1F350] =	vst v59;
	v59 =	vld.idx.msk [tilespmem:v17+s15+$0x0], $0xffff;
	v3 =	vadd.bf16 v26, v3  }
0x30a: {  	v62 =	vmul.bf16 v12, v48;
	v48 =	vadd.s32 $0x102B, v2;
	v61 =	vld.idx.msk [tilespmem:v17+s16+$0x0], $0xffff  }
0x30b: {  	[tilespmem:$0x1F3A0] =	vst v17;
	v17 =	vadd.s32 $0x1027, v2;
	v33 =	vmul.bf16 v51, v50;
	v50 =	vld.idx.msk [tilespmem:v38+s15+$0x0], $0xffff;
	v3 =	vadd.bf16 v35, v3  }
0x30c: {  	[tilespmem:$0x1F360] =	vst v63;
	v63 =	vld.idx.msk [tilespmem:v52+s15+$0x0], $0xffff  }
0x30d: {  	v12 =	vld.idx.msk [tilespmem:v52+s16+$0x0], $0xffff;
	v3 =	vadd.bf16 v40, v3  }
0x30e: {  	v21 =	vadd.s32 $0x102F, v2;
	v35 =	vld.idx.msk [tilespmem:v57+s15+$0x0], $0xffff  }
0x30f: {  	[tilespmem:$0x1F3C0] =	vst v57;
	v57 =	vld.idx.msk [tilespmem:v48+s15+$0x0], $0xffff;
	v3 =	vadd.bf16 v47, v3  }
0x310: {  	v58 =	vmul.bf16 v44, v41;
	v41 =	vld.idx.msk [tilespmem:v17+s16+$0x0], $0xffff  }
0x311: {  	v40 =	vld.idx.msk [tilespmem:v17+s15+$0x0], $0xffff;
	v3 =	vadd.bf16 v49, v3  }
0x312: {  	v51 =	vadd.s32 $0x102C, v2;
	v44 =	vmul.bf16 v61, v59;
	v47 =	vld.idx.msk [tilespmem:v32+s16+$0x0], $0xffff  }
0x313: {  	[tilespmem:$0x1F3B0] =	vst v52;
	v59 =	vadd.s32 $0x102E, v2;
	v52 =	vmul.bf16 v37, v35;
	v35 =	vld.idx.msk [tilespmem:v21+s15+$0x0], $0xffff;
	v3 =	vadd.bf16 v53, v3  }
0x314: {  	[tilespmem:$0x1F450] =	vst v21;
	v37 =	vld.idx.msk [tilespmem:v21+s16+$0x0], $0xffff  }
0x315: {  	[tilespmem:$0x1F3D0] =	vst v17;
	v17 =	vadd.s32 $0x102A, v2;
	v21 =	vld [tilespmem:$0x1FCB0];
	v3 =	vadd.bf16 v58, v3  }
0x316: {  	v49 =	vmul.bf16 v12, v63;
	v12 =	vld.idx.msk [tilespmem:v38+s16+$0x0], $0xffff  }
0x317: {  	v63 =	vld.idx.msk [tilespmem:v51+s16+$0x0], $0xffff;
	v3 =	vadd.bf16 v62, v3  }
0x318: {  	[tilespmem:$0x1F380] =	vst v39;
	v26 =	vld.idx.msk [tilespmem:v59+s15+$0x0], $0xffff  }
0x319: {  	[tilespmem:$0x1F3E0] =	vst v32;
	v39 =	vmul.bf16 v55, v54;
	v32 =	vld.idx.msk [tilespmem:v59+s16+$0x0], $0xffff;
	v3 =	vadd.bf16 v33, v3  }
0x31a: {  	v54 =	vld.idx.msk [tilespmem:v17+s16+$0x0], $0xffff  }
0x31b: {  	v53 =	vld.idx.msk [tilespmem:v17+s15+$0x0], $0xffff;
	v3 =	vadd.bf16 v39, v3  }
0x31c: {  	[tilespmem:$0x1F410] =	vst v48;
	v58 =	vld.idx.msk [tilespmem:v48+s16+$0x0], $0xffff  }
0x31d: {  	[tilespmem:$0x1F400] =	vst v17;
	v17 =	vadd.s32 $0x102D, v2;
	v48 =	vld [tilespmem:$0x1FC60];
	v3 =	vadd.bf16 v44, v3  }
0x31e: {  	v61 =	vmul.bf16 v47, v46;
	v47 =	vmul.bf16 v32, v26;
	v32 =	vld.idx.msk [tilespmem:v27+s15+$0x0], $0xffff  }
0x31f: {  	v22 =	vmul.bf16 v12, v50;
	v50 =	vmul.bf16 v37, v35;
	v35 =	vld [tilespmem:$0x1FCE0];
	v3 =	vadd.bf16 v49, v3  }
0x320: {  	v62 =	vld.idx.msk [tilespmem:v51+s15+$0x0], $0xffff  }
0x321: {  	[tilespmem:$0x1F420] =	vst v51;
	v55 =	vmul.bf16 v41, v40;
	v51 =	vld [tilespmem:$0x1FC70];
	v3 =	vadd.bf16 v52, v3  }
0x322: {  	v23 =	vld.idx.msk [tilespmem:v17+s15+$0x0], $0xffff  }
0x323: {  	[tilespmem:$0x1F430] =	vst v17;
	v12 =	vld.idx.msk [tilespmem:v17+s16+$0x0], $0xffff;
	v17 =	vadd.s32 $0x1030, v2;
	v3 =	vadd.bf16 v55, v3  }
0x324: {  	v25 =	vmul.bf16 v54, v53;
	v54 =	vld [tilespmem:$0x1FC80]  }
0x325: {  	v33 =	vmul.bf16 v58, v57;
	v58 =	vld [tilespmem:$0x1FC90];
	v3 =	vadd.bf16 v61, v3  }
0x326: {  	[tilespmem:$0x1F3F0] =	vst v38;
	v38 =	vmul.bf16 v63, v62;
	v62 =	vld [tilespmem:$0x1FCA0]  }
0x327: {  	v44 =	vld [tilespmem:$0x1FC50];
	v24 =	vadd.bf16 v22, v3  }
0x328: {  	v39 =	vld.idx.msk [tilespmem:v17+s15+$0x0], $0xffff  }
0x329: {  	v40 =	vld.idx.msk [tilespmem:v17+s16+$0x0], $0xffff;
	v2 =	vadd.bf16 v25, v24  }
0x32a: {  	v7 =	vld.idx.msk [tilespmem:v48+s16+$0x0], $0xffff  }
0x32b: {  	v37 =	vld.idx.msk [tilespmem:v35+s15+$0x0], $0xffff;
	v2 =	vadd.bf16 v33, v2  }
0x32c: {  	v49 =	vld.idx.msk [tilespmem:v48+s15+$0x0], $0xffff  }
0x32d: {  	v41 =	vmul.bf16 v12, v23;
	v9 =	vld.idx.msk [tilespmem:v51+s16+$0x0], $0xffff;
	v2 =	vadd.bf16 v38, v2  }
0x32e: {  	v10 =	vld.idx.msk [tilespmem:v54+s16+$0x0], $0xffff  }
0x32f: {  	v46 =	vld.idx.msk [tilespmem:v44+s15+$0x0], $0xffff;
	v2 =	vadd.bf16 v41, v2  }
0x330: {  	v11 =	vld.idx.msk [tilespmem:v44+s16+$0x0], $0xffff  }
0x331: {  	v52 =	vld.idx.msk [tilespmem:v51+s15+$0x0], $0xffff;
	v2 =	vadd.bf16 v47, v2  }
0x332: {  	[tilespmem:$0x1F440] =	vst v59;
	v59 =	vld.idx.msk [tilespmem:v58+s15+$0x0], $0xffff  }
0x333: {  	v53 =	vmul.bf16 v40, v39;
	v40 =	vld [tilespmem:$0x1FCF0];
	v2 =	vadd.bf16 v50, v2  }
0x334: {  	v55 =	vld.idx.msk [tilespmem:v54+s15+$0x0], $0xffff  }
0x335: {  	v24 =	vld [tilespmem:$0x1FCC0];
	v57 =	vmul.bf16 v11, v46;
	v2 =	vadd.bf16 v53, v2  }
0x336: {  	v63 =	vld.idx.msk [tilespmem:v62+s15+$0x0], $0xffff  }
0x337: {  	v61 =	vmul.bf16 v7, v49;
	v7 =	vld.idx.msk [tilespmem:v62+s16+$0x0], $0xffff;
	v2 =	vadd.bf16 v57, v2  }
0x338: {  	v11 =	vld.idx.msk [tilespmem:v58+s16+$0x0], $0xffff  }
0x339: {  	[tilespmem:$0x1F1D0] =	vst v20;
	v20 =	vmul.bf16 v9, v52;
	v9 =	vld.idx.msk [tilespmem:v21+s16+$0x0], $0xffff;
	v2 =	vadd.bf16 v61, v2  }
0x33a: {  	v22 =	vld.idx.msk [tilespmem:v21+s15+$0x0], $0xffff  }
0x33b: {  	v23 =	vmul.bf16 v10, v55;
	v8 =	vld.idx.msk [tilespmem:v40+s16+$0x0], $0xffff;
	v2 =	vadd.bf16 v20, v2  }
0x33c: {  	v46 =	vld [tilespmem:$0x1FD00]  }
0x33d: {  	v26 =	vmul.bf16 v11, v59;
	v25 =	vld.idx.msk [tilespmem:v24+s15+$0x0], $0xffff;
	v2 =	vadd.bf16 v23, v2  }
0x33e: {  	v10 =	vld.idx.msk [tilespmem:v24+s16+$0x0], $0xffff  }
0x33f: {  	v33 =	vmul.bf16 v7, v63;
	v50 =	vld [tilespmem:$0x1FD10];
	v2 =	vadd.bf16 v26, v2  }
0x340: {  	v11 =	vld.idx.msk [tilespmem:v27+s16+$0x0], $0xffff  }
0x341: {  	v38 =	vmul.bf16 v9, v22;
	v53 =	vld [tilespmem:$0x1FD20];
	v2 =	vadd.bf16 v33, v2  }
0x342: {  	v7 =	vld.idx.msk [tilespmem:v35+s16+$0x0], $0xffff  }
0x343: {  	v39 =	vmul.bf16 v10, v25;
	v57 =	vld [tilespmem:$0x1FD30];
	v2 =	vadd.bf16 v38, v2  }
0x344: {  	v41 =	vld.idx.msk [tilespmem:v40+s15+$0x0], $0xffff  }
0x345: {  	v47 =	vld.idx.msk [tilespmem:v46+s15+$0x0], $0xffff;
	v44 =	vmul.bf16 v11, v32;
	v2 =	vadd.bf16 v39, v2  }
0x346: {  	v48 =	vld.idx.msk [tilespmem:v46+s16+$0x0], $0xffff  }
0x347: {  	v0 =	vmul.f32 v0, v1;
	v49 =	vmul.bf16 v7, v37;
	v51 =	vld.idx.msk [tilespmem:v50+s15+$0x0], $0xffff;
	v2 =	vadd.bf16 v44, v2  }
0x348: {  	v7 =	vld.idx.msk [tilespmem:v50+s16+$0x0], $0xffff  }
0x349: {  	v0 =	vmax.f32 v0, $9.999999930e-09;
	v52 =	vmul.bf16 v8, v41;
	v54 =	vld.idx.msk [tilespmem:v53+s15+$0x0], $0xffff;
	v2 =	vadd.bf16 v49, v2  }
0x34a: {  	(erf) = vrcp.f32 v0;
	v55 =	vld.idx.msk [tilespmem:v53+s16+$0x0], $0xffff  }
0x34b: {  	v1 =	vmul.bf16 v48, v47;
	v58 =	vld.idx.msk [tilespmem:v57+s15+$0x0], $0xffff;
	v2 =	vadd.bf16 v52, v2  }
0x34c: {  	v6 =	vld.idx.msk [tilespmem:v57+s16+$0x0], $0xffff  }
0x34d: {  	v59 =	vmul.bf16 v7, v51;
	v1 =	vadd.bf16 v1, v2;
	_ =	sdelay $0x1  }
0x34e: {  	v0 =	vmul.bf16 v55, v54;
	v1 =	vadd.bf16 v59, v1;
	_ =	sdelay $0x1  }
0x34f: {  	v61 =	vmul.bf16 v6, v58;
	v0 =	vadd.bf16 v0, v1;
	_ =	sdelay $0x1  }
0x350: {  	[tilespmem:$0x1F460] =	vst v17;
	v62 =	vpop (erf);
	v0 =	vadd.bf16 v61, v0  }
0x351: {  	_ =	swait.ge [sflag:s21], $0x1400  }
0x352: {  	[sflag:s21] =	ssyncset.done $0x0;
	v1 =	vshll.u32 v0, $0x10;
	v0 =	vand.u32 $0xFFFF0000, v0  }
0x353: {  	[sflag:s21] =	ssyncadd.s32 $0xFFFFEC00;
	v0 =	vadd.f32 v0, v1  }
0x354: {  	_ =	swait.ge [sflag:s22], $0x1400  }
0x355: {  	[sflag:s22] =	ssyncset.done $0x0;
	v0 =	vmul.f32 v0, v62  }
0x356: {  	s29 =	sadd.s32 $0xC3F0, s26;
	[sflag:s22] =	ssyncadd.s32 $0xFFFFEC00  }
0x357: {  	v63 =	vmov s28;
	[tilespmem:s15], [sflag:$0x1] =	stream.indirect.gather [spmem:s2], $0x40, s29, s14, $0xb8;
	v0 =	vsub.f32 $5.000000000e-01, v0;
	[tilespmem:$0x16180] =	vst v63  }
0x358: {  	[tilespmem:$0x1F470] =	vst v63;
	s29 =	sadd.s32 $0xEB00, s26  }
0x359: {  	[tilespmem:s16], [sflag:$0x2] =	stream.indirect.gather [spmem:s2], $0x40, s29, s14, $0xb8;
	v0 =	vmax.f32 v0, $0.0e+00;
	[tilespmem:$0x16180] =	vst v63  }
0x35a: {  	p1 =	por $0x1, $0x1;
	[tilespmem:$0x1F480] =	vst v34;
	s29 =	simm.s32 $0x0;
	v16 =	vadd.f32 v0, v30  }
.LBB2_5:
0x35b: {  	v1 =	vld [tilespmem:$0x1FA80]  }
0x35c: {  	v44 =	vld [tilespmem:$0x1FA90]  }
0x35d: {  	v47 =	vld [tilespmem:$0x1FAA0]  }
0x35e: {  	v48 =	vld [tilespmem:$0x1FAB0]  }
0x35f: {  	v0 =	vmov s29;
	v49 =	vld [tilespmem:$0x1FAC0]  }
0x360: {  	v51 =	vld [tilespmem:$0x1FAD0];
	v0 =	vshll.u32 v0, $0x6  }
0x361: {  	v6 =	vlaneseq.u32;
	v52 =	vld [tilespmem:$0x1FAE0];
	v20 =	vor.u32 v13, v0  }
0x362: {  	v54 =	vld [tilespmem:$0x1FAF0];
	v0 =	vor.u32 v6, v20  }
0x363: {  	v57 =	vld [tilespmem:$0x1FB00]  }
0x364: {  	v5 =	vld [tilespmem:$0x1FE10];
	v3 =	vor.u32 v1, v20  }
0x365: {  	v23 =	vld [tilespmem:$0x1FE40]  }
0x366: {  	v39 =	vld [tilespmem:$0x1FE50];
	v7 =	vor.u32 v14, v20  }
0x367: {  	v13 =	vld.idx.msk [tilespmem:v0+s19+$0x0], $0xffff  }
0x368: {  	v41 =	vor.u32 v15, v20;
	v9 =	vld.idx.msk [tilespmem:v0+s20+$0x0], $0xffff  }
0x369: {  	v15 =	vld.idx.msk [tilespmem:v3+s19+$0x0], $0xffff  }
0x36a: {  	v46 =	vor.u32 v44, v20;
	v14 =	vld.idx.msk [tilespmem:v3+s20+$0x0], $0xffff  }
0x36b: {  	v17 =	vld.idx.msk [tilespmem:v7+s19+$0x0], $0xffff  }
0x36c: {  	[tilespmem:$0x1F150] =	vst v16;
	v10 =	vor.u32 v47, v20;
	v16 =	vld.idx.msk [tilespmem:v7+s20+$0x0], $0xffff  }
0x36d: {  	v62 =	vld.idx.msk [tilespmem:v41+s19+$0x0], $0xffff  }
0x36e: {  	v63 =	vld.idx.msk [tilespmem:v41+s20+$0x0], $0xffff;
	v0 =	vor.u32 v48, v20  }
0x36f: {  	v24 =	vmov v60;
	v60 =	vld.idx.msk [tilespmem:v46+s19+$0x0], $0xffff  }
0x370: {  	v50 =	vor.u32 v49, v20;
	v61 =	vld.idx.msk [tilespmem:v46+s20+$0x0], $0xffff  }
0x371: {  	v19 =	vld.idx.msk [tilespmem:v10+s19+$0x0], $0xffff  }
0x372: {  	v11 =	vor.u32 v36, v20;
	v59 =	vld.idx.msk [tilespmem:v10+s20+$0x0], $0xffff  }
0x373: {  	v53 =	vor.u32 v52, v20;
	v33 =	vld.idx.msk [tilespmem:v0+s19+$0x0], $0xffff  }
0x374: {  	v18 =	vld.idx.msk [tilespmem:v0+s20+$0x0], $0xffff;
	v0 =	vor.u32 v51, v20  }
0x375: {  	v41 =	vld.idx.msk [tilespmem:v50+s19+$0x0], $0xffff  }
0x376: {  	v44 =	vld.idx.msk [tilespmem:v50+s20+$0x0], $0xffff  }
0x377: {  	v25 =	vld.idx.msk [tilespmem:v11+s19+$0x0], $0xffff  }
0x378: {  	v55 =	vor.u32 v54, v20;
	v34 =	vld.idx.msk [tilespmem:v53+s19+$0x0], $0xffff  }
0x379: {  	v36 =	vld.idx.msk [tilespmem:v0+s19+$0x0], $0xffff  }
0x37a: {  	v38 =	vld.idx.msk [tilespmem:v0+s20+$0x0], $0xffff;
	v0 =	vor.u32 v57, v20  }
0x37b: {  	v10 =	vld [tilespmem:$0x1FB10]  }
0x37c: {  	v58 =	vor.u32 v56, v20;
	v35 =	vld.idx.msk [tilespmem:v53+s20+$0x0], $0xffff  }
0x37d: {  	v28 =	vld.idx.msk [tilespmem:v55+s19+$0x0], $0xffff  }
0x37e: {  	v21 =	vor.u32 v31, v20;
	v32 =	vld.idx.msk [tilespmem:v55+s20+$0x0], $0xffff  }
0x37f: {  	v26 =	vld.idx.msk [tilespmem:v0+s19+$0x0], $0xffff  }
0x380: {  	v27 =	vld.idx.msk [tilespmem:v0+s20+$0x0], $0xffff;
	v0 =	vor.u32 v10, v20  }
0x381: {  	v37 =	vld.idx.msk [tilespmem:v58+s19+$0x0], $0xffff  }
0x382: {  	v30 =	vld.idx.msk [tilespmem:v58+s20+$0x0], $0xffff  }
0x383: {  	v22 =	vor.u32 v45, v20;
	v53 =	vld.idx.msk [tilespmem:v21+s19+$0x0], $0xffff  }
0x384: {  	v48 =	vld.idx.msk [tilespmem:v21+s20+$0x0], $0xffff  }
0x385: {  	v7 =	vor.u32 v5, v20;
	v45 =	vld.idx.msk [tilespmem:v0+s19+$0x0], $0xffff  }
0x386: {  	v56 =	vld.idx.msk [tilespmem:v0+s20+$0x0], $0xffff;
	v0 =	vor.u32 v23, v20  }
0x387: {  	v57 =	vld [tilespmem:$0x1FE70]  }
0x388: {  	v52 =	vld.idx.msk [tilespmem:v22+s20+$0x0], $0xffff  }
0x389: {  	v46 =	vor.u32 v39, v20;
	v5 =	vld [tilespmem:$0x1FEE0]  }
0x38a: {  	v55 =	vor.u32 v43, v20;
	v47 =	vld.idx.msk [tilespmem:v7+s19+$0x0], $0xffff  }
0x38b: {  	v58 =	vor.u32 v42, v20;
	v49 =	vld.idx.msk [tilespmem:v0+s19+$0x0], $0xffff  }
0x38c: {  	v50 =	vld.idx.msk [tilespmem:v0+s20+$0x0], $0xffff;
	v0 =	vor.u32 v57, v20  }
0x38d: {  	v51 =	vld.idx.msk [tilespmem:v22+s19+$0x0], $0xffff  }
0x38e: {  	v1 =	vld.idx.msk [tilespmem:v46+s19+$0x0], $0xffff  }
0x38f: {  	v4 =	vld.idx.msk [tilespmem:v55+s19+$0x0], $0xffff  }
0x390: {  	v23 =	vld.idx.msk [tilespmem:v58+s19+$0x0], $0xffff  }
0x391: {  	v21 =	vld.idx.msk [tilespmem:v0+s19+$0x0], $0xffff  }
0x392: {  	v0 =	vld.idx.msk [tilespmem:v0+s20+$0x0], $0xffff  }
0x393: {  	v39 =	vld.idx.msk [tilespmem:v58+s20+$0x0], $0xffff;
	[tilespmem:$0x1EBC0] =	vst v1  }
0x394: {  	v22 =	vld [tilespmem:$0x1FEF0];
	[tilespmem:$0x1EBD0] =	vst v4  }
0x395: {  	v31 =	vld.idx.msk [tilespmem:v7+s20+$0x0], $0xffff;
	v7 =	vor.u32 v5, v20;
	[tilespmem:$0x1EC00] =	vst v23  }
0x396: {  	v40 =	vld.idx.msk [tilespmem:v11+s20+$0x0], $0xffff;
	[tilespmem:$0x1EBE0] =	vst v21  }
0x397: {  	v43 =	vld.idx.msk [tilespmem:v46+s20+$0x0], $0xffff;
	[tilespmem:$0x1EBF0] =	vst v0  }
0x398: {  	v42 =	vld.idx.msk [tilespmem:v55+s20+$0x0], $0xffff;
	[tilespmem:$0x1EC10] =	vst v39  }
0x399: {  	v0 =	vor.u32 v22, v20;
	v1 =	vld [tilespmem:$0x1FF00]  }
0x39a: {  	v54 =	vld.idx.msk [tilespmem:v7+s19+$0x0], $0xffff  }
0x39b: {  	v55 =	vld.idx.msk [tilespmem:v7+s20+$0x0], $0xffff  }
0x39c: {  	v57 =	vld [tilespmem:$0x1FF10]  }
0x39d: {  	v8 =	vld [tilespmem:$0x1FF20]  }
0x39e: {  	v7 =	vld.idx.msk [tilespmem:v0+s19+$0x0], $0xffff  }
0x39f: {  	v0 =	vld.idx.msk [tilespmem:v0+s20+$0x0], $0xffff;
	_ =	sdelay $0x1  }
0x3a0: {  	v46 =	vor.u32 v1, v20;
	_ =	sdelay $0x1  }
0x3a1: {  	v22 =	vld [tilespmem:$0x1FF30];
	v58 =	vor.u32 v57, v20  }
0x3a2: {  	v57 =	vld [tilespmem:$0x1FF50];
	[tilespmem:$0x1EC50] =	vst v0;
	v0 =	vor.u32 v8, v20  }
0x3a3: {  	v8 =	vld [tilespmem:$0x1FF60]  }
0x3a4: {  	v10 =	vld.idx.msk [tilespmem:v46+s19+$0x0], $0xffff  }
0x3a5: {  	v21 =	vld.idx.msk [tilespmem:v46+s20+$0x0], $0xffff  }
0x3a6: {  	v39 =	vld.idx.msk [tilespmem:v58+s19+$0x0], $0xffff  }
0x3a7: {  	[tilespmem:$0x1EC30] =	vst v55;
	v55 =	vld.idx.msk [tilespmem:v0+s19+$0x0], $0xffff  }
0x3a8: {  	v23 =	vor.u32 v22, v20;
	v0 =	vld.idx.msk [tilespmem:v0+s20+$0x0], $0xffff  }
0x3a9: {  	v46 =	vld.idx.msk [tilespmem:v58+s20+$0x0], $0xffff;
	v58 =	vor.u32 v57, v20;
	_ =	sdelay $0x2  }
0x3aa: {  	v22 =	vld [tilespmem:$0x1FF80]  }
0x3ab: {  	v5 =	vld.idx.msk [tilespmem:v23+s19+$0x0], $0xffff;
	[tilespmem:$0x1ECB0] =	vst v0;
	v0 =	vor.u32 v8, v20  }
0x3ac: {  	v1 =	vld.idx.msk [tilespmem:v58+s20+$0x0], $0xffff  }
0x3ad: {  	[tilespmem:$0x1EC40] =	vst v7;
	v7 =	vld.idx.msk [tilespmem:v23+s20+$0x0], $0xffff  }
0x3ae: {  	[tilespmem:$0x1EC60] =	vst v10;
	v10 =	vld [tilespmem:$0x1FF70]  }
0x3af: {  	[tilespmem:$0x1EC80] =	vst v39;
	v39 =	vld [tilespmem:$0x1FF90]  }
0x3b0: {  	v23 =	vld.idx.msk [tilespmem:v0+s19+$0x0], $0xffff  }
0x3b1: {  	[tilespmem:$0x1ED00] =	vst v1;
	v1 =	vor.u32 v22, v20;
	v0 =	vld.idx.msk [tilespmem:v0+s20+$0x0], $0xffff;
	_ =	sdelay $0x1  }
0x3b2: {  	[tilespmem:$0x1ECA0] =	vst v55;
	v55 =	vld [tilespmem:$0x1FFA0]  }
0x3b3: {  	v4 =	vld [tilespmem:$0x1FFB0]  }
0x3b4: {  	[tilespmem:$0x1EC70] =	vst v21;
	v21 =	vld.idx.msk [tilespmem:v58+s19+$0x0], $0xffff;
	v11 =	vor.u32 v10, v20  }
0x3b5: {  	v58 =	vld.idx.msk [tilespmem:v1+s19+$0x0], $0xffff;
	[tilespmem:$0x1ED20] =	vst v0;
	v0 =	vor.u32 v39, v20  }
0x3b6: {  	v1 =	vld.idx.msk [tilespmem:v1+s20+$0x0], $0xffff  }
0x3b7: {  	[tilespmem:$0x1EC20] =	vst v54;
	v54 =	vld [tilespmem:$0x1FF40];
	v57 =	vor.u32 v55, v20  }
0x3b8: {  	[tilespmem:$0x1ECD0] =	vst v7;
	v7 =	vld [tilespmem:$0x1FFC0]  }
0x3b9: {  	[tilespmem:$0x1EC90] =	vst v46;
	v46 =	vld.idx.msk [tilespmem:v11+s19+$0x0], $0xffff  }
0x3ba: {  	[tilespmem:$0x1ECC0] =	vst v5;
	v5 =	vld.idx.msk [tilespmem:v0+s19+$0x0], $0xffff  }
0x3bb: {  	[tilespmem:$0x1ED60] =	vst v1;
	v1 =	vor.u32 v4, v20;
	v0 =	vld.idx.msk [tilespmem:v0+s20+$0x0], $0xffff  }
0x3bc: {  	v8 =	vld.idx.msk [tilespmem:v57+s19+$0x0], $0xffff  }
0x3bd: {  	v10 =	vld.idx.msk [tilespmem:v57+s20+$0x0], $0xffff  }
0x3be: {  	[tilespmem:$0x1ED10] =	vst v23;
	v23 =	vld [tilespmem:$0x1FFE0]  }
0x3bf: {  	v57 =	vld [tilespmem:$0x1FFF0]  }
0x3c0: {  	v22 =	vld.idx.msk [tilespmem:v1+s19+$0x0], $0xffff;
	[tilespmem:$0x1ED80] =	vst v0;
	v0 =	vor.u32 v7, v20  }
0x3c1: {  	v1 =	vld.idx.msk [tilespmem:v1+s20+$0x0], $0xffff  }
0x3c2: {  	v29 =	vld [tilespmem:$0x1F480]  }
0x3c3: {  	v12 =	vor.u32 v54, v20;
	v54 =	vld.idx.msk [tilespmem:v11+s20+$0x0], $0xffff  }
0x3c4: {  	[tilespmem:$0x1ED30] =	vst v46;
	v46 =	vld [tilespmem:$0x1FD40]  }
0x3c5: {  	[tilespmem:$0x1ED50] =	vst v58;
	v58 =	vor.u32 v57, v20;
	v39 =	vld.idx.msk [tilespmem:v0+s19+$0x0], $0xffff  }
0x3c6: {  	[tilespmem:$0x1EDC0] =	vst v1;
	v1 =	vor.u32 v23, v20;
	v0 =	vld.idx.msk [tilespmem:v0+s20+$0x0], $0xffff  }
0x3c7: {  	v11 =	vld [tilespmem:$0x1FFD0]  }
0x3c8: {  	v4 =	vld [tilespmem:$0x1FD90]  }
0x3c9: {  	[tilespmem:$0x1ED90] =	vst v8;
	v8 =	vld [tilespmem:$0x1FD50]  }
0x3ca: {  	[tilespmem:$0x1EDB0] =	vst v22;
	v22 =	vld.idx.msk [tilespmem:v58+s19+$0x0], $0xffff  }
0x3cb: {  	v7 =	vld.idx.msk [tilespmem:v1+s19+$0x0], $0xffff;
	[tilespmem:$0x1EDE0] =	vst v0;
	v0 =	vor.u32 v46, v20  }
0x3cc: {  	[tilespmem:$0x1EDD0] =	vst v39;
	v39 =	vld [tilespmem:$0x1FD60]  }
0x3cd: {  	[tilespmem:$0x1ECF0] =	vst v21;
	v21 =	vor.u32 v11, v20;
	v1 =	vld.idx.msk [tilespmem:v1+s20+$0x0], $0xffff  }
0x3ce: {  	v23 =	vld.idx.msk [tilespmem:v58+s20+$0x0], $0xffff  }
0x3cf: {  	[tilespmem:$0x1EE50] =	vst v22;
	v22 =	vld [tilespmem:$0x1FD80]  }
0x3d0: {  	[tilespmem:$0x1EDA0] =	vst v10;
	v10 =	vld.idx.msk [tilespmem:v0+s19+$0x0], $0xffff  }
0x3d1: {  	v0 =	vld.idx.msk [tilespmem:v0+s20+$0x0], $0xffff;
	v11 =	vor.u32 v39, v20  }
0x3d2: {  	v55 =	vld.idx.msk [tilespmem:v21+s20+$0x0], $0xffff;
	[tilespmem:$0x1EE20] =	vst v1;
	v1 =	vor.u32 v8, v20  }
0x3d3: {  	[tilespmem:$0x1ED40] =	vst v54;
	v54 =	vld.idx.msk [tilespmem:v21+s19+$0x0], $0xffff  }
0x3d4: {  	v46 =	vld [tilespmem:$0x1FD70]  }
0x3d5: {  	[tilespmem:$0x1EE60] =	vst v23;
	v23 =	vld [tilespmem:$0x1FDA0]  }
0x3d6: {  	v57 =	vor.u32 v22, v20;
	[tilespmem:$0x1EE40] =	vst v0;
	v0 =	vld.idx.msk [tilespmem:v11+s20+$0x0], $0xffff  }
0x3d7: {  	[tilespmem:$0x1EE00] =	vst v55;
	v55 =	vld.idx.msk [tilespmem:v1+s19+$0x0], $0xffff  }
0x3d8: {  	v1 =	vld.idx.msk [tilespmem:v1+s20+$0x0], $0xffff  }
0x3d9: {  	[tilespmem:$0x1EDF0] =	vst v54;
	v54 =	vor.u32 v46, v20;
	v46 =	vld [tilespmem:$0x1FB60]  }
0x3da: {  	v8 =	vor.u32 v23, v20;
	[tilespmem:$0x1EE30] =	vst v10;
	v58 =	vld.idx.msk [tilespmem:v11+s19+$0x0], $0xffff  }
0x3db: {  	v10 =	vld.idx.msk [tilespmem:v57+s19+$0x0], $0xffff;
	[tilespmem:$0x1EEA0] =	vst v0;
	v0 =	vor.u32 v4, v20  }
0x3dc: {  	v11 =	vld [tilespmem:$0x1FDB0]  }
0x3dd: {  	[tilespmem:$0x1EE80] =	vst v1;
	v1 =	vld.idx.msk [tilespmem:v57+s20+$0x0], $0xffff  }
0x3de: {  	v57 =	vld [tilespmem:$0x1FB70]  }
0x3df: {  	[tilespmem:$0x1EE70] =	vst v55;
	v55 =	vld.idx.msk [tilespmem:v8+s20+$0x0], $0xffff  }
0x3e0: {  	v21 =	vld.idx.msk [tilespmem:v0+s19+$0x0], $0xffff  }
0x3e1: {  	[tilespmem:$0x1ED70] =	vst v5;
	v0 =	vld.idx.msk [tilespmem:v0+s20+$0x0], $0xffff  }
0x3e2: {  	v25 =	vmul.bf16 v40, v25;
	v40 =	vld [tilespmem:$0x1FE70];
	[tilespmem:$0x1EE10] =	vst v7  }
0x3e3: {  	v5 =	vld.idx.msk [tilespmem:v54+s19+$0x0], $0xffff;
	[tilespmem:$0x1EE90] =	vst v58;
	v58 =	vor.u32 v57, v20  }
0x3e4: {  	v7 =	vld.idx.msk [tilespmem:v54+s20+$0x0], $0xffff;
	[tilespmem:$0x1EEE0] =	vst v1;
	v1 =	vor.u32 v11, v20  }
0x3e5: {  	v54 =	vld.idx.msk [tilespmem:v8+s19+$0x0], $0xffff;
	[tilespmem:$0x1EF20] =	vst v55  }
0x3e6: {  	v55 =	vld [tilespmem:$0x1F7E0];
	[tilespmem:$0x1EF00] =	vst v0;
	v0 =	vor.u32 v46, v20  }
0x3e7: {  	v11 =	vld [tilespmem:$0x1FBC0]  }
0x3e8: {  	v46 =	vld.idx.msk [tilespmem:v58+s20+$0x0], $0xffff  }
0x3e9: {  	[tilespmem:$0x1EEC0] =	vst v7;
	v7 =	vld.idx.msk [tilespmem:v1+s19+$0x0], $0xffff  }
0x3ea: {  	v1 =	vld.idx.msk [tilespmem:v1+s20+$0x0], $0xffff  }
0x3eb: {  	[tilespmem:$0x1EED0] =	vst v10;
	v8 =	vor.u32 v55, v20;
	v10 =	vld.idx.msk [tilespmem:v0+s19+$0x0], $0xffff  }
0x3ec: {  	[tilespmem:$0x1EF10] =	vst v54;
	v0 =	vld.idx.msk [tilespmem:v0+s20+$0x0], $0xffff  }
0x3ed: {  	[tilespmem:$0x1EF80] =	vst v46;
	v46 =	vld [tilespmem:$0x1F850]  }
0x3ee: {  	v54 =	vor.u32 v29, v20;
	[tilespmem:$0x1EEF0] =	vst v21;
	v21 =	vld.idx.msk [tilespmem:v58+s19+$0x0], $0xffff  }
0x3ef: {  	v44 =	vmul.bf16 v44, v41;
	v41 =	vld [tilespmem:$0x1FE10]  }
0x3f0: {  	[tilespmem:$0x1EF30] =	vst v7;
	v7 =	vld.idx.msk [tilespmem:v8+s19+$0x0], $0xffff  }
0x3f1: {  	v57 =	vld [tilespmem:$0x1F860];
	[tilespmem:$0x1EF60] =	vst v0;
	v0 =	vor.u32 v11, v20  }
0x3f2: {  	[tilespmem:$0x1EF40] =	vst v1;
	v1 =	vld.idx.msk [tilespmem:v8+s20+$0x0], $0xffff;
	v8 =	vor.u32 v46, v20  }
0x3f3: {  	[tilespmem:$0x1EF70] =	vst v21;
	v21 =	vld.idx.msk [tilespmem:v54+s19+$0x0], $0xffff  }
0x3f4: {  	v58 =	vor.u32 v24, v20;
	v54 =	vld.idx.msk [tilespmem:v54+s20+$0x0], $0xffff  }
0x3f5: {  	[tilespmem:$0x1EF90] =	vst v7;
	v7 =	vld [tilespmem:$0x1FC10]  }
0x3f6: {  	[tilespmem:$0x1EF50] =	vst v10;
	v11 =	vor.u32 v57, v20;
	v10 =	vld.idx.msk [tilespmem:v0+s19+$0x0], $0xffff  }
0x3f7: {  	[tilespmem:$0x1EFA0] =	vst v1;
	v1 =	vld.idx.msk [tilespmem:v8+s20+$0x0], $0xffff  }
0x3f8: {  	v0 =	vld.idx.msk [tilespmem:v0+s20+$0x0], $0xffff  }
0x3f9: {  	[tilespmem:$0x1EFD0] =	vst v21;
	v21 =	vld.idx.msk [tilespmem:v58+s20+$0x0], $0xffff  }
0x3fa: {  	[tilespmem:$0x1EEB0] =	vst v5;
	v5 =	vld.idx.msk [tilespmem:v8+s19+$0x0], $0xffff  }
0x3fb: {  	[tilespmem:$0x1EFE0] =	vst v54;
	v8 =	vld.idx.msk [tilespmem:v11+s19+$0x0], $0xffff  }
0x3fc: {  	v54 =	vld [tilespmem:$0x1F8F0];
	[tilespmem:$0x1F000] =	vst v1;
	v1 =	vor.u32 v7, v20  }
0x3fd: {  	[tilespmem:$0x1EFC0] =	vst v0;
	v0 =	vld.idx.msk [tilespmem:v11+s20+$0x0], $0xffff  }
0x3fe: {  	[tilespmem:$0x1EFB0] =	vst v10;
	v10 =	vld [tilespmem:$0x1FE90]  }
0x3ff: {  	v11 =	vld.idx.msk [tilespmem:v58+s19+$0x0], $0xffff  }
0x400: {  	[tilespmem:$0x1F010] =	vst v8;
	v8 =	vld [tilespmem:$0x1FEA0]  }
0x401: {  	v58 =	vor.u32 v54, v20;
	v7 =	vld.idx.msk [tilespmem:v1+s19+$0x0], $0xffff  }
0x402: {  	v1 =	vld.idx.msk [tilespmem:v1+s20+$0x0], $0xffff  }
0x403: {  	v56 =	vmul.bf16 v56, v45;
	v45 =	vmul.bf16 v52, v51;
	v52 =	vld [tilespmem:$0x1FFC0]  }
0x404: {  	v2 =	vld.idx.msk [tilespmem:v12+s19+$0x0], $0xffff;
	[tilespmem:$0x1F020] =	vst v0;
	v0 =	vor.u32 v10, v20  }
0x405: {  	v4 =	vld [tilespmem:$0x1FEC0]  }
0x406: {  	[tilespmem:$0x1F040] =	vst v21;
	v21 =	vld.idx.msk [tilespmem:v58+s20+$0x0], $0xffff  }
0x407: {  	v54 =	vld [tilespmem:$0x1FEB0];
	[tilespmem:$0x1F060] =	vst v1;
	v1 =	vor.u32 v8, v20  }
0x408: {  	[tilespmem:$0x1F030] =	vst v11;
	v11 =	vld.idx.msk [tilespmem:v58+s19+$0x0], $0xffff  }
0x409: {  	v10 =	vld.idx.msk [tilespmem:v0+s19+$0x0], $0xffff  }
0x40a: {  	v0 =	vld.idx.msk [tilespmem:v0+s20+$0x0], $0xffff  }
0x40b: {  	[tilespmem:$0x1F0A0] =	vst v21;
	v21 =	vld [tilespmem:$0x1F470]  }
0x40c: {  	v58 =	vld.idx.msk [tilespmem:v1+s19+$0x0], $0xffff  }
0x40d: {  	v1 =	vld.idx.msk [tilespmem:v1+s20+$0x0], $0xffff  }
0x40e: {  	[tilespmem:$0x1EFF0] =	vst v5;
	v5 =	vld [tilespmem:$0x1FED0]  }
0x40f: {  	s28 =	sor.u32 $0x10, s29;
	v51 =	vld [tilespmem:$0x1FF20];
	[tilespmem:$0x1F050] =	vst v7  }
0x410: {  	v12 =	vld.idx.msk [tilespmem:v12+s20+$0x0], $0xffff;
	v7 =	vmov s28;
	[tilespmem:$0x1F080] =	vst v0;
	v0 =	vor.u32 v54, v20  }
0x411: {  	v8 =	vshll.u32 v7, $0x6;
	v7 =	vld [tilespmem:$0x1FA80];
	[tilespmem:$0x1F070] =	vst v10  }
0x412: {  	v10 =	vld [tilespmem:$0x1FDC0];
	[tilespmem:$0x1F0C0] =	vst v1;
	v1 =	vor.u32 v4, v20  }
0x413: {  	[tilespmem:$0x1ECE0] =	vst v2;
	v2 =	vor.u32 v5, v20;
	v3 =	vld.idx.msk [tilespmem:v21+s29+$0xEA60 ss:$0x1], $0xffff  }
0x414: {  	v4 =	vld.idx.msk [tilespmem:v21+s29+$0xC350 ss:$0x1], $0xffff  }
0x415: {  	v5 =	vld.idx.msk [tilespmem:v0+s19+$0x0], $0xffff  }
0x416: {  	v0 =	vld.idx.msk [tilespmem:v0+s20+$0x0], $0xffff  }
0x417: {  	[tilespmem:$0x1F090] =	vst v11;
	v20 =	vor.u32 v10, v8;
	v11 =	vld.idx.msk [tilespmem:v1+s19+$0x0], $0xffff  }
0x418: {  	[tilespmem:$0x1F0B0] =	vst v58;
	v58 =	vor.u32 v6, v20;
	v6 =	vld.idx.msk [tilespmem:v2+s20+$0x0], $0xffff  }
0x419: {  	v54 =	vld.idx.msk [tilespmem:v1+s20+$0x0], $0xffff  }
0x41a: {  	[tilespmem:$0x1F0F0] =	vst v5;
	v5 =	vld.idx.msk [tilespmem:v2+s19+$0x0], $0xffff  }
0x41b: {  	v10 =	vld.idx.msk [tilespmem:v3+s10+$0x0], $0xffff  }
0x41c: {  	[tilespmem:$0x1F110] =	vst v11;
	v11 =	vld [tilespmem:$0x1FDD0]  }
0x41d: {  	v1 =	vor.u32 v7, v20;
	v3 =	vld.idx.msk [tilespmem:v58+s20+$0x0], $0xffff  }
0x41e: {  	[tilespmem:$0x1F120] =	vst v54;
	v54 =	vld [tilespmem:$0x1FDE0]  }
0x41f: {  	v8 =	vld.idx.msk [tilespmem:v4+s10+$0x0], $0xffff  }
0x420: {  	[tilespmem:$0x1F130] =	vst v5;
	v5 =	vld.idx.msk [tilespmem:v58+s19+$0x0], $0xffff  }
0x421: {  	[tilespmem:$0x1F0E0] =	vst v10;
	v10 =	vld [tilespmem:$0x1FA90];
	v2 =	vor.u32 v11, v20  }
0x422: {  	v7 =	vld.idx.msk [tilespmem:v1+s19+$0x0], $0xffff  }
0x423: {  	[tilespmem:$0x1F140] =	vst v6;
	v6 =	vld.idx.msk [tilespmem:v1+s20+$0x0], $0xffff;
	v58 =	vor.u32 v54, v20  }
0x424: {  	v11 =	vld [tilespmem:$0x1FAA0]  }
0x425: {  	v54 =	vld [tilespmem:$0x1FAB0]  }
0x426: {  	[tilespmem:$0x1F100] =	vst v0;
	v0 =	vor.u32 v10, v20;
	v10 =	vld.idx.msk [tilespmem:v2+s19+$0x0], $0xffff  }
0x427: {  	[tilespmem:$0x1F0D0] =	vst v8;
	v8 =	vld.idx.msk [tilespmem:v2+s20+$0x0], $0xffff  }
0x428: {  	v9 =	vmul.bf16 v9, v13;
	v13 =	vld.idx.msk [tilespmem:v58+s19+$0x0], $0xffff  }
0x429: {  	v1 =	vor.u32 v11, v20;
	v11 =	vld.idx.msk [tilespmem:v58+s20+$0x0], $0xffff  }
0x42a: {  	v2 =	vor.u32 v54, v20;
	v54 =	vld [tilespmem:$0x1FAC0]  }
0x42b: {  	v14 =	vmul.bf16 v14, v15;
	v3 =	vmul.bf16 v3, v5;
	v58 =	vimm.bf16 $0.0e+00;
	v15 =	vld.idx.msk [tilespmem:v0+s19+$0x0], $0xffff  }
0x42c: {  	v9 =	vadd.bf16 v58, v9;
	v0 =	vld.idx.msk [tilespmem:v0+s20+$0x0], $0xffff  }
0x42d: {  	v3 =	vadd.bf16 v58, v3;
	v58 =	vld [tilespmem:$0x1FDF0]  }
0x42e: {  	v9 =	vadd.bf16 v14, v9;
	v14 =	vmul.bf16 v16, v17;
	v16 =	vld.idx.msk [tilespmem:v1+s19+$0x0], $0xffff  }
0x42f: {  	v1 =	vld.idx.msk [tilespmem:v1+s20+$0x0], $0xffff  }
0x430: {  	v9 =	vadd.bf16 v14, v9;
	v14 =	vmul.bf16 v63, v62;
	v62 =	vld [tilespmem:$0x1FF80]  }
0x431: {  	v17 =	vld.idx.msk [tilespmem:v2+s19+$0x0], $0xffff  }
0x432: {  	v2 =	vld.idx.msk [tilespmem:v2+s20+$0x0], $0xffff  }
0x433: {  	v6 =	vmul.bf16 v6, v7;
	v63 =	vld [tilespmem:$0x1FAD0]  }
0x434: {  	v5 =	vor.u32 v54, v20;
	v54 =	vld [tilespmem:$0x1FF70]  }
0x435: {  	v3 =	vadd.bf16 v6, v3;
	v6 =	vmul.bf16 v8, v10;
	v10 =	vmul.bf16 v61, v60;
	v60 =	vmovc v24;
	v24 =	vld [tilespmem:$0x1FAE0]  }
0x436: {  	v4 =	vmul.bf16 v11, v13;
	v11 =	vld [tilespmem:$0x1FAF0]  }
0x437: {  	v7 =	vor.u32 v58, v20;
	v58 =	vld [tilespmem:$0x1FFF0]  }
0x438: {  	v8 =	vor.u32 v63, v20;
	v63 =	vld [tilespmem:$0x1FEF0]  }
0x439: {  	v9 =	vadd.bf16 v14, v9;
	v14 =	vld.idx.msk [tilespmem:v5+s19+$0x0], $0xffff  }
0x43a: {  	v5 =	vld.idx.msk [tilespmem:v5+s20+$0x0], $0xffff  }
0x43b: {  	v61 =	vmov v62;
	v62 =	vmul.bf16 v59, v19;
	v59 =	vld [tilespmem:$0x1FF60]  }
0x43c: {  	v3 =	vadd.bf16 v6, v3;
	v6 =	vor.u32 v24, v20;
	v24 =	vmul.bf16 v18, v33;
	v33 =	vld [tilespmem:$0x1FB00]  }
0x43d: {  	v19 =	vld [tilespmem:$0x1FB10]  }
0x43e: {  	v9 =	vadd.bf16 v10, v9;
	v18 =	vld [tilespmem:$0x1FEC0]  }
0x43f: {  	v13 =	vld.idx.msk [tilespmem:v7+s19+$0x0], $0xffff  }
0x440: {  	v3 =	vadd.bf16 v4, v3;
	v4 =	vld.idx.msk [tilespmem:v7+s20+$0x0], $0xffff;
	v9 =	vadd.bf16 v62, v9  }
0x441: {  	v0 =	vmul.bf16 v0, v15;
	v7 =	vor.u32 v11, v20;
	v11 =	vld [tilespmem:$0x1FEB0]  }
0x442: {  	v9 =	vadd.bf16 v24, v9;
	v24 =	vld [tilespmem:$0x1FE00]  }
0x443: {  	v1 =	vmul.bf16 v1, v16;
	v0 =	vadd.bf16 v0, v3;
	v15 =	vld.idx.msk [tilespmem:v8+s19+$0x0], $0xffff  }
0x444: {  	v3 =	vld.idx.msk [tilespmem:v8+s20+$0x0], $0xffff  }
0x445: {  	v62 =	vmul.bf16 v2, v17;
	v0 =	vadd.bf16 v1, v0;
	v16 =	vld.idx.msk [tilespmem:v6+s19+$0x0], $0xffff  }
0x446: {  	v2 =	vld.idx.msk [tilespmem:v6+s20+$0x0], $0xffff  }
0x447: {  	v0 =	vadd.bf16 v62, v0;
	v62 =	vld [tilespmem:$0x1FEA0]  }
0x448: {  	v8 =	vor.u32 v33, v20;
	v33 =	vmul.bf16 v32, v28;
	v32 =	vmul.bf16 v30, v37;
	v37 =	vld [tilespmem:$0x1FD40]  }
0x449: {  	v28 =	vld [tilespmem:$0x1FF50]  }
0x44a: {  	v30 =	vld [tilespmem:$0x1FBC0]  }
0x44b: {  	v17 =	vld.idx.msk [tilespmem:v7+s19+$0x0], $0xffff  }
0x44c: {  	v9 =	vadd.bf16 v44, v9;
	v44 =	vmul.bf16 v5, v14;
	v5 =	vld.idx.msk [tilespmem:v7+s20+$0x0], $0xffff  }
0x44d: {  	v7 =	vor.u32 v41, v20;
	v41 =	vmul.bf16 v35, v34;
	v34 =	vld [tilespmem:$0x1FE50]  }
0x44e: {  	v6 =	vor.u32 v24, v20;
	v24 =	vmul.bf16 v38, v36;
	v38 =	vld [tilespmem:$0x1FE90]  }
0x44f: {  	v36 =	vld [tilespmem:$0x1FB70]  }
0x450: {  	v9 =	vadd.bf16 v25, v9;
	v0 =	vadd.bf16 v44, v0;
	v25 =	vmul.bf16 v4, v13;
	v14 =	vld.idx.msk [tilespmem:v8+s19+$0x0], $0xffff  }
0x451: {  	v4 =	vld.idx.msk [tilespmem:v8+s20+$0x0], $0xffff  }
0x452: {  	v0 =	vadd.bf16 v25, v0;
	v25 =	vld [tilespmem:$0x1FE20]  }
0x453: {  	v8 =	vor.u32 v19, v20;
	v19 =	vmov v11;
	v11 =	vld [tilespmem:$0x1FE40]  }
0x454: {  	v9 =	vadd.bf16 v24, v9;
	v24 =	vld [tilespmem:$0x1FC10]  }
0x455: {  	v44 =	vmul.bf16 v3, v15;
	v15 =	vld.idx.msk [tilespmem:v7+s19+$0x0], $0xffff  }
0x456: {  	v35 =	vmul.bf16 v2, v16;
	v2 =	vld.idx.msk [tilespmem:v7+s20+$0x0], $0xffff  }
0x457: {  	v9 =	vadd.bf16 v41, v9;
	v41 =	vld [tilespmem:$0x1FE30]  }
0x458: {  	v0 =	vadd.bf16 v44, v0;
	v13 =	vld.idx.msk [tilespmem:v6+s19+$0x0], $0xffff  }
0x459: {  	v3 =	vld.idx.msk [tilespmem:v6+s20+$0x0], $0xffff  }
0x45a: {  	v0 =	vadd.bf16 v35, v0;
	v35 =	vmul.bf16 v31, v47;
	v47 =	vld [tilespmem:$0x1FE60]  }
0x45b: {  	v16 =	vld.idx.msk [tilespmem:v8+s19+$0x0], $0xffff  }
0x45c: {  	v44 =	vmul.bf16 v27, v26;
	v27 =	vmul.bf16 v5, v17;
	v5 =	vld.idx.msk [tilespmem:v8+s20+$0x0], $0xffff  }
0x45d: {  	v6 =	vor.u32 v25, v20;
	v25 =	vld [tilespmem:$0x1FF40]  }
0x45e: {  	v9 =	vadd.bf16 v33, v9;
	v0 =	vadd.bf16 v27, v0;
	v27 =	vmul.bf16 v48, v53;
	v53 =	vld [tilespmem:$0x1FF30]  }
0x45f: {  	v33 =	vmul.bf16 v4, v14;
	v48 =	vld [tilespmem:$0x1FFA0]  }
0x460: {  	v8 =	vor.u32 v11, v20;
	v9 =	vadd.bf16 v44, v9;
	v7 =	vor.u32 v41, v20;
	v41 =	vld [tilespmem:$0x1FEE0]  }
0x461: {  	v0 =	vadd.bf16 v33, v0;
	v33 =	vor.u32 v63, v20;
	v63 =	vld [tilespmem:$0x1EBF0]  }
0x462: {  	v9 =	vadd.bf16 v32, v9;
	v32 =	vld [tilespmem:$0x1FFE0]  }
0x463: {  	v17 =	vld.idx.msk [tilespmem:v6+s19+$0x0], $0xffff  }
0x464: {  	v4 =	vld.idx.msk [tilespmem:v6+s20+$0x0], $0xffff  }
0x465: {  	v44 =	vmul.bf16 v3, v13;
	v13 =	vld.idx.msk [tilespmem:v8+s19+$0x0], $0xffff  }
0x466: {  	v26 =	vmul.bf16 v2, v15;
	v2 =	vld.idx.msk [tilespmem:v8+s20+$0x0], $0xffff  }
0x467: {  	v6 =	vor.u32 v34, v20;
	v34 =	vld [tilespmem:$0x1EBC0]  }
0x468: {  	v9 =	vadd.bf16 v35, v9;
	v35 =	vld [tilespmem:$0x1FFD0]  }
0x469: {  	v0 =	vadd.bf16 v44, v0;
	v44 =	vld [tilespmem:$0x1FE80]  }
0x46a: {  	v14 =	vld.idx.msk [tilespmem:v7+s19+$0x0], $0xffff  }
0x46b: {  	v8 =	vor.u32 v40, v20;
	v3 =	vld.idx.msk [tilespmem:v7+s20+$0x0], $0xffff  }
0x46c: {  	v9 =	vadd.bf16 v56, v9;
	v56 =	vmul.bf16 v50, v49;
	v50 =	vld [tilespmem:$0x1FFB0]  }
0x46d: {  	v0 =	vadd.bf16 v26, v0;
	v26 =	vld [tilespmem:$0x1FF10]  }
0x46e: {  	v15 =	vld.idx.msk [tilespmem:v6+s19+$0x0], $0xffff  }
0x46f: {  	v40 =	vmul.bf16 v5, v16;
	v7 =	vor.u32 v47, v20;
	v5 =	vld.idx.msk [tilespmem:v6+s20+$0x0], $0xffff  }
0x470: {  	v47 =	vmul.bf16 v4, v17;
	v17 =	vld.idx.msk [tilespmem:v8+s19+$0x0], $0xffff  }
0x471: {  	v9 =	vadd.bf16 v27, v9;
	v0 =	vadd.bf16 v40, v0;
	v40 =	vld [tilespmem:$0x1FF00]  }
0x472: {  	v6 =	vor.u32 v44, v20;
	v44 =	vld [tilespmem:$0x1FF90]  }
0x473: {  	v9 =	vadd.bf16 v45, v9;
	v45 =	vld [tilespmem:$0x1EBD0]  }
0x474: {  	v16 =	vld.idx.msk [tilespmem:v7+s19+$0x0], $0xffff  }
0x475: {  	v4 =	vld.idx.msk [tilespmem:v7+s20+$0x0], $0xffff  }
0x476: {  	v27 =	vmul.bf16 v3, v14;
	v3 =	vld.idx.msk [tilespmem:v8+s20+$0x0], $0xffff  }
0x477: {  	v8 =	vor.u32 v51, v20;
	v51 =	vld [tilespmem:$0x1EC40]  }
0x478: {  	v0 =	vadd.bf16 v47, v0;
	v9 =	vadd.bf16 v56, v9;
	v56 =	vld [tilespmem:$0x1EBE0]  }
0x479: {  	v47 =	vmul.bf16 v5, v15;
	v15 =	vld.idx.msk [tilespmem:v33+s19+$0x0], $0xffff  }
0x47a: {  	v7 =	vor.u32 v41, v20;
	v0 =	vadd.bf16 v27, v0;
	v27 =	vld [tilespmem:$0x1EC00]  }
0x47b: {  	v14 =	vld.idx.msk [tilespmem:v6+s19+$0x0], $0xffff  }
0x47c: {  	v41 =	vmul.bf16 v2, v13;
	v2 =	vld.idx.msk [tilespmem:v6+s20+$0x0], $0xffff  }
0x47d: {  	v6 =	vor.u32 v40, v20;
	v40 =	vor.u32 v53, v20;
	v53 =	vld [tilespmem:$0x1EC50]  }
0x47e: {  	v0 =	vadd.bf16 v41, v0;
	v41 =	vld [tilespmem:$0x1EC20]  }
0x47f: {  	v13 =	vld.idx.msk [tilespmem:v7+s19+$0x0], $0xffff  }
0x480: {  	v5 =	vld.idx.msk [tilespmem:v7+s20+$0x0], $0xffff  }
0x481: {  	v7 =	vor.u32 v26, v20;
	v26 =	vmul.bf16 v4, v16;
	v4 =	vld.idx.msk [tilespmem:v33+s20+$0x0], $0xffff  }
0x482: {  	v33 =	vld [tilespmem:$0x1EC10]  }
0x483: {  	v0 =	vadd.bf16 v47, v0;
	v47 =	vld [tilespmem:$0x1EC30]  }
0x484: {  	v10 =	vmul.bf16 v43, v34;
	v16 =	vld.idx.msk [tilespmem:v6+s19+$0x0], $0xffff  }
0x485: {  	v34 =	vmul.bf16 v3, v17;
	v3 =	vld.idx.msk [tilespmem:v6+s20+$0x0], $0xffff  }
0x486: {  	v9 =	vadd.bf16 v10, v9;
	v10 =	vmul.bf16 v42, v45;
	v49 =	vmul.bf16 v2, v14;
	v14 =	vld.idx.msk [tilespmem:v8+s19+$0x0], $0xffff  }
0x487: {  	v0 =	vadd.bf16 v26, v0;
	v26 =	vld [tilespmem:$0x1EC60]  }
0x488: {  	v9 =	vadd.bf16 v10, v9;
	v10 =	vmul.bf16 v63, v56;
	v17 =	vld.idx.msk [tilespmem:v7+s19+$0x0], $0xffff  }
0x489: {  	v2 =	vld.idx.msk [tilespmem:v7+s20+$0x0], $0xffff  }
0x48a: {  	v9 =	vadd.bf16 v10, v9;
	v10 =	vmul.bf16 v33, v27;
	v27 =	vld [tilespmem:$0x1FDF0]  }
0x48b: {  	v63 =	vmul.bf16 v5, v13;
	v5 =	vld.idx.msk [tilespmem:v8+s20+$0x0], $0xffff  }
0x48c: {  	v33 =	vld [tilespmem:$0x1EC70]  }
0x48d: {  	v13 =	vld.idx.msk [tilespmem:v40+s19+$0x0], $0xffff  }
0x48e: {  	v0 =	vadd.bf16 v34, v0;
	v34 =	vmul.bf16 v4, v15;
	v4 =	vld.idx.msk [tilespmem:v40+s20+$0x0], $0xffff  }
0x48f: {  	v7 =	vor.u32 v25, v20;
	v15 =	vld [tilespmem:$0x1ECB0]  }
0x490: {  	v9 =	vadd.bf16 v10, v9;
	v10 =	vmul.bf16 v47, v41;
	v41 =	vld [tilespmem:$0x1EC80]  }
0x491: {  	v25 =	vor.u32 v28, v20;
	v47 =	vld [tilespmem:$0x1EC90]  }
0x492: {  	v40 =	vor.u32 v59, v20;
	v0 =	vadd.bf16 v49, v0;
	v49 =	vmul.bf16 v3, v16;
	v16 =	vld [tilespmem:$0x1ECD0]  }
0x493: {  	v9 =	vadd.bf16 v10, v9;
	v10 =	vmul.bf16 v53, v51;
	v53 =	vor.u32 v54, v20;
	v54 =	vld [tilespmem:$0x1ECA0]  }
0x494: {  	v11 =	vld.idx.msk [tilespmem:v7+s19+$0x0], $0xffff  }
0x495: {  	v51 =	vld.idx.msk [tilespmem:v7+s20+$0x0], $0xffff  }
0x496: {  	v59 =	vmul.bf16 v2, v17;
	v17 =	vld [tilespmem:$0x1FB60]  }
0x497: {  	v0 =	vadd.bf16 v63, v0;
	v2 =	vld.idx.msk [tilespmem:v25+s20+$0x0], $0xffff  }
0x498: {  	v63 =	vor.u32 v61, v20;
	v9 =	vadd.bf16 v10, v9;
	v10 =	vmul.bf16 v33, v26;
	v33 =	vld.idx.msk [tilespmem:v40+s20+$0x0], $0xffff  }
0x499: {  	v26 =	vmul.bf16 v5, v14;
	v14 =	vld [tilespmem:$0x1ED40]  }
0x49a: {  	v9 =	vadd.bf16 v10, v9;
	v10 =	vmul.bf16 v47, v41;
	v47 =	vor.u32 v48, v20;
	v48 =	vld [tilespmem:$0x1ECF0]  }
0x49b: {  	v0 =	vadd.bf16 v34, v0;
	v41 =	vmul.bf16 v4, v13;
	v13 =	vld [tilespmem:$0x1ED00]  }
0x49c: {  	v34 =	vor.u32 v44, v20;
	v44 =	vld.idx.msk [tilespmem:v53+s20+$0x0], $0xffff  }
0x49d: {  	v0 =	vadd.bf16 v49, v0;
	v3 =	vld.idx.msk [tilespmem:v63+s20+$0x0], $0xffff  }
0x49e: {  	v9 =	vadd.bf16 v10, v9;
	v10 =	vmul.bf16 v15, v54;
	v15 =	vld.idx.msk [tilespmem:v25+s19+$0x0], $0xffff  }
0x49f: {  	v25 =	vld [tilespmem:$0x1ECC0];
	v0 =	vadd.bf16 v59, v0  }
0x4a0: {  	v54 =	vld [tilespmem:$0x1ED20]  }
0x4a1: {  	v59 =	vld.idx.msk [tilespmem:v34+s19+$0x0], $0xffff;
	v0 =	vadd.bf16 v26, v0  }
0x4a2: {  	v26 =	vld [tilespmem:$0x1ED30]  }
0x4a3: {  	v0 =	vadd.bf16 v41, v0;
	v41 =	vld [tilespmem:$0x1ED50]  }
0x4a4: {  	v9 =	vadd.bf16 v10, v9;
	v10 =	vmul.bf16 v16, v25;
	v16 =	vld.idx.msk [tilespmem:v40+s19+$0x0], $0xffff  }
0x4a5: {  	v49 =	vmul.bf16 v51, v11;
	v40 =	vld [tilespmem:$0x1ECE0]  }
0x4a6: {  	v61 =	vmul.bf16 v2, v15;
	v15 =	vld [tilespmem:$0x1ED60]  }
0x4a7: {  	v25 =	vor.u32 v52, v20;
	v52 =	vor.u32 v37, v20;
	v2 =	vld.idx.msk [tilespmem:v21+s28+$0xC350 ss:$0x1], $0xffff;
	v0 =	vadd.bf16 v49, v0  }
0x4a8: {  	v49 =	vld [tilespmem:$0x1ED70]  }
0x4a9: {  	v0 =	vadd.bf16 v61, v0;
	v61 =	vld [tilespmem:$0x1EDC0]  }
0x4aa: {  	v9 =	vadd.bf16 v10, v9;
	v10 =	vmul.bf16 v12, v40;
	v12 =	vld.idx.msk [tilespmem:v53+s19+$0x0], $0xffff  }
0x4ab: {  	v53 =	vld [tilespmem:$0x1ED10]  }
0x4ac: {  	v40 =	vor.u32 v35, v20;
	v35 =	vld.idx.msk [tilespmem:v52+s19+$0x0], $0xffff  }
0x4ad: {  	v33 =	vmul.bf16 v33, v16;
	v16 =	vld [tilespmem:$0x1F0C0]  }
0x4ae: {  	v9 =	vadd.bf16 v10, v9;
	v10 =	vmul.bf16 v13, v48;
	v13 =	vld.idx.msk [tilespmem:v63+s19+$0x0], $0xffff  }
0x4af: {  	v63 =	vld.idx.msk [tilespmem:v34+s20+$0x0], $0xffff  }
0x4b0: {  	v34 =	vld.idx.msk [tilespmem:v47+s20+$0x0], $0xffff  }
0x4b1: {  	v0 =	vadd.bf16 v33, v0;
	v33 =	vld [tilespmem:$0x1EDD0]  }
0x4b2: {  	v51 =	vor.u32 v50, v20;
	v2 =	vld.idx.msk [tilespmem:v2+s10+$0x0], $0xffff  }
0x4b3: {  	v44 =	vmul.bf16 v44, v12;
	v12 =	vld [tilespmem:$0x1ED80]  }
0x4b4: {  	v9 =	vadd.bf16 v10, v9;
	v10 =	vmul.bf16 v54, v53;
	v53 =	vld [tilespmem:$0x1ED90]  }
0x4b5: {  	v48 =	vor.u32 v32, v20;
	v7 =	vld.idx.msk [tilespmem:v40+s20+$0x0], $0xffff  }
0x4b6: {  	v9 =	vadd.bf16 v10, v9;
	v10 =	vmul.bf16 v14, v26;
	v14 =	vld.idx.msk [tilespmem:v47+s19+$0x0], $0xffff  }
0x4b7: {  	v47 =	vld.idx.msk [tilespmem:v51+s20+$0x0], $0xffff  }
0x4b8: {  	v58 =	vor.u32 v58, v20;
	v50 =	vmul.bf16 v3, v13;
	v13 =	vld [tilespmem:$0x1EDA0]  }
0x4b9: {  	v54 =	vmul.bf16 v63, v59;
	v59 =	vld [tilespmem:$0x1EDB0]  }
0x4ba: {  	v63 =	vld.idx.msk [tilespmem:v48+s19+$0x0], $0xffff  }
0x4bb: {  	v26 =	vld.idx.msk [tilespmem:v48+s20+$0x0], $0xffff  }
0x4bc: {  	v0 =	vadd.bf16 v44, v0;
	v44 =	vld [tilespmem:$0x1EDF0]  }
0x4bd: {  	v48 =	vld.idx.msk [tilespmem:v58+s20+$0x0], $0xffff  }
0x4be: {  	v9 =	vadd.bf16 v10, v9;
	v10 =	vmul.bf16 v15, v41;
	v15 =	vld.idx.msk [tilespmem:v51+s19+$0x0], $0xffff  }
0x4bf: {  	v51 =	vld.idx.msk [tilespmem:v25+s20+$0x0], $0xffff  }
0x4c0: {  	v41 =	vld [tilespmem:$0x1FD50]  }
0x4c1: {  	v0 =	vadd.bf16 v50, v0;
	v50 =	vld [tilespmem:$0x1EE20]  }
0x4c2: {  	v9 =	vadd.bf16 v10, v9;
	v10 =	vmul.bf16 v12, v49;
	v12 =	vld.idx.msk [tilespmem:v25+s19+$0x0], $0xffff  }
0x4c3: {  	v49 =	vld [tilespmem:$0x1EE10]  }
0x4c4: {  	v0 =	vadd.bf16 v54, v0;
	v54 =	vld [tilespmem:$0x1EE60]  }
0x4c5: {  	v25 =	vmul.bf16 v34, v14;
	v34 =	vld [tilespmem:$0x1EDE0]  }
0x4c6: {  	v14 =	vld [tilespmem:$0x1EE00]  }
0x4c7: {  	v5 =	vmul.bf16 v26, v63;
	v63 =	vld [tilespmem:$0x1EE70]  }
0x4c8: {  	v26 =	vld [tilespmem:$0x1FDB0]  }
0x4c9: {  	v9 =	vadd.bf16 v10, v9;
	v10 =	vmul.bf16 v13, v53;
	v13 =	vld.idx.msk [tilespmem:v40+s19+$0x0], $0xffff  }
0x4ca: {  	v40 =	vld.idx.msk [tilespmem:v52+s20+$0x0], $0xffff  }
0x4cb: {  	v53 =	vld [tilespmem:$0x1EE50]  }
0x4cc: {  	v52 =	vor.u32 v22, v20;
	v22 =	vld [tilespmem:$0x1EE90]  }
0x4cd: {  	v37 =	vmul.bf16 v47, v15;
	v15 =	vld [tilespmem:$0x1EE40]  }
0x4ce: {  	v0 =	vadd.bf16 v25, v0;
	v9 =	vadd.bf16 v10, v9;
	v10 =	vmul.bf16 v61, v59;
	v61 =	vld [tilespmem:$0x1FD90]  }
0x4cf: {  	v47 =	vmul.bf16 v51, v12;
	v51 =	vld [tilespmem:$0x1EE30]  }
0x4d0: {  	v0 =	vadd.bf16 v37, v0;
	v37 =	vld [tilespmem:$0x1EED0]  }
0x4d1: {  	v12 =	vor.u32 v39, v20;
	v39 =	vld [tilespmem:$0x1EEE0]  }
0x4d2: {  	v1 =	vadd.bf16 v47, v0;
	v0 =	vld.idx.msk [tilespmem:v21+s28+$0xEA60 ss:$0x1], $0xffff  }
0x4d3: {  	v7 =	vmul.bf16 v7, v13;
	v13 =	vld [tilespmem:$0x1FD70]  }
0x4d4: {  	v32 =	vadd.bf16 v10, v9;
	v9 =	vmul.bf16 v34, v33;
	v25 =	vld.idx.msk [tilespmem:v52+s20+$0x0], $0xffff  }
0x4d5: {  	v47 =	vld [tilespmem:$0x1EEF0]  }
0x4d6: {  	v8 =	vadd.bf16 v9, v32;
	v9 =	vmul.bf16 v14, v44;
	v14 =	vld.idx.msk [tilespmem:v58+s19+$0x0], $0xffff  }
0x4d7: {  	v6 =	vor.u32 v41, v20;
	v32 =	vld [tilespmem:$0x1EEB0]  }
0x4d8: {  	v58 =	vld.idx.msk [tilespmem:v12+s19+$0x0], $0xffff  }
0x4d9: {  	v59 =	vld.idx.msk [tilespmem:v12+s20+$0x0], $0xffff  }
0x4da: {  	v8 =	vadd.bf16 v9, v8;
	v9 =	vmul.bf16 v50, v49;
	v12 =	vld [tilespmem:$0x1EE80]  }
0x4db: {  	v1 =	vadd.bf16 v7, v1;
	v10 =	vor.u32 v61, v20;
	v50 =	vor.u32 v55, v20;
	v55 =	vld [tilespmem:$0x1EF30]  }
0x4dc: {  	v7 =	vor.u32 v26, v20;
	v8 =	vadd.bf16 v9, v8;
	v9 =	vmul.bf16 v15, v51;
	v15 =	vld.idx.msk [tilespmem:v6+s19+$0x0], $0xffff  }
0x4dd: {  	v4 =	vmul.bf16 v40, v35;
	v35 =	vor.u32 v17, v20;
	v6 =	vld.idx.msk [tilespmem:v6+s20+$0x0], $0xffff  }
0x4de: {  	v51 =	vld [tilespmem:$0x1EF10]  }
0x4df: {  	v13 =	vor.u32 v13, v20;
	v3 =	vmul.bf16 v48, v14;
	v14 =	vld [tilespmem:$0x1EEA0]  }
0x4e0: {  	v34 =	vld.idx.msk [tilespmem:v10+s20+$0x0], $0xffff  }
0x4e1: {  	v49 =	vld.idx.msk [tilespmem:v7+s20+$0x0], $0xffff  }
0x4e2: {  	v1 =	vadd.bf16 v5, v1;
	v8 =	vadd.bf16 v9, v8;
	v9 =	vmul.bf16 v54, v53;
	v53 =	vld.idx.msk [tilespmem:v35+s20+$0x0], $0xffff  }
0x4e3: {  	v0 =	vld.idx.msk [tilespmem:v0+s10+$0x0], $0xffff  }
0x4e4: {  	v1 =	vadd.bf16 v4, v1;
	v8 =	vadd.bf16 v9, v8;
	v9 =	vmul.bf16 v12, v63;
	v12 =	vld.idx.msk [tilespmem:v13+s19+$0x0], $0xffff  }
0x4e5: {  	v21 =	vld.idx.msk [tilespmem:v13+s20+$0x0], $0xffff  }
0x4e6: {  	v1 =	vadd.bf16 v3, v1;
	v13 =	vor.u32 v23, v20;
	v23 =	vmul.bf16 v6, v15;
	v15 =	vld [tilespmem:$0x1EEC0]  }
0x4e7: {  	v33 =	vmul.bf16 v59, v58;
	v63 =	vld [tilespmem:$0x1EF50]  }
0x4e8: {  	v8 =	vadd.bf16 v9, v8;
	v9 =	vmul.bf16 v14, v22;
	v14 =	vld.idx.msk [tilespmem:v52+s19+$0x0], $0xffff;
	v1 =	vadd.bf16 v23, v1  }
0x4e9: {  	v22 =	vld.idx.msk [tilespmem:v50+s20+$0x0], $0xffff  }
0x4ea: {  	v54 =	vor.u32 v30, v20;
	v1 =	vadd.bf16 v33, v1;
	v33 =	vld [tilespmem:$0x1EF90]  }
0x4eb: {  	v8 =	vadd.bf16 v9, v8;
	v9 =	vmul.bf16 v15, v32;
	v15 =	vld.idx.msk [tilespmem:v10+s19+$0x0], $0xffff  }
0x4ec: {  	v40 =	vld.idx.msk [tilespmem:v13+s19+$0x0], $0xffff  }
0x4ed: {  	v44 =	vld.idx.msk [tilespmem:v13+s20+$0x0], $0xffff  }
0x4ee: {  	v23 =	vor.u32 v46, v20;
	v13 =	vld [tilespmem:$0x1EF00]  }
0x4ef: {  	v41 =	vmul.bf16 v21, v12;
	v12 =	vor.u32 v36, v20;
	v36 =	vmov v27;
	v27 =	vld.idx.msk [tilespmem:v54+s20+$0x0], $0xffff  }
0x4f0: {  	v48 =	vmul.bf16 v25, v14;
	v14 =	vld [tilespmem:$0x1EF20]  }
0x4f1: {  	v25 =	vld [tilespmem:$0x1EF70]  }
0x4f2: {  	v1 =	vadd.bf16 v41, v1;
	v41 =	vld [tilespmem:$0x1EFB0]  }
0x4f3: {  	v8 =	vadd.bf16 v9, v8;
	v9 =	vmul.bf16 v39, v37;
	v46 =	vld.idx.msk [tilespmem:v23+s20+$0x0], $0xffff  }
0x4f4: {  	v1 =	vadd.bf16 v48, v1;
	v48 =	vld [tilespmem:$0x1EFD0]  }
0x4f5: {  	v61 =	vor.u32 v29, v20;
	v8 =	vadd.bf16 v9, v8;
	v9 =	vmul.bf16 v13, v47;
	v13 =	vld.idx.msk [tilespmem:v7+s19+$0x0], $0xffff  }
0x4f6: {  	v52 =	vmul.bf16 v34, v15;
	v15 =	vld [tilespmem:$0x1EF40]  }
0x4f7: {  	v59 =	vld.idx.msk [tilespmem:v12+s20+$0x0], $0xffff  }
0x4f8: {  	v47 =	vor.u32 v24, v20;
	v24 =	vld [tilespmem:$0x1F060]  }
0x4f9: {  	v8 =	vadd.bf16 v9, v8;
	v9 =	vmul.bf16 v14, v51;
	v14 =	vld.idx.msk [tilespmem:v35+s19+$0x0], $0xffff  }
0x4fa: {  	v35 =	vld.idx.msk [tilespmem:v61+s20+$0x0], $0xffff  }
0x4fb: {  	v58 =	vmul.bf16 v44, v40;
	v1 =	vadd.bf16 v52, v1;
	v52 =	vld [tilespmem:$0x1F8F0]  }
0x4fc: {  	v40 =	vor.u32 v60, v20;
	v51 =	vor.u32 v38, v20;
	v38 =	vld [tilespmem:$0x1F090]  }
0x4fd: {  	v1 =	vadd.bf16 v58, v1;
	v58 =	vld [tilespmem:$0x1F010]  }
0x4fe: {  	v8 =	vadd.bf16 v9, v8;
	v9 =	vmul.bf16 v15, v55;
	v15 =	vld.idx.msk [tilespmem:v12+s19+$0x0], $0xffff  }
0x4ff: {  	v12 =	vld [tilespmem:$0x1EF60]  }
0x500: {  	v21 =	vmul.bf16 v49, v13;
	v13 =	vld [tilespmem:$0x1EF80]  }
0x501: {  	v32 =	vor.u32 v57, v20;
	v55 =	vld.idx.msk [tilespmem:v40+s20+$0x0], $0xffff  }
0x502: {  	v26 =	vmul.bf16 v53, v14;
	v14 =	vld [tilespmem:$0x1EFA0]  }
0x503: {  	v53 =	vld [tilespmem:$0x1EFF0]  }
0x504: {  	v8 =	vadd.bf16 v9, v8;
	v57 =	vor.u32 v52, v20;
	v9 =	vmul.bf16 v12, v63;
	v12 =	vld.idx.msk [tilespmem:v50+s19+$0x0], $0xffff  }
0x505: {  	v34 =	vmul.bf16 v59, v15;
	v15 =	vld [tilespmem:$0x1EFC0]  }
0x506: {  	v50 =	vld.idx.msk [tilespmem:v32+s20+$0x0], $0xffff  }
0x507: {  	v63 =	vld [tilespmem:$0x1F030]  }
0x508: {  	v8 =	vadd.bf16 v9, v8;
	v9 =	vmul.bf16 v13, v25;
	v13 =	vld.idx.msk [tilespmem:v54+s19+$0x0], $0xffff  }
0x509: {  	v25 =	vld.idx.msk [tilespmem:v57+s19+$0x0], $0xffff  }
0x50a: {  	v8 =	vadd.bf16 v9, v8;
	v9 =	vmul.bf16 v14, v33;
	v14 =	vld.idx.msk [tilespmem:v61+s19+$0x0], $0xffff  }
0x50b: {  	v61 =	vld.idx.msk [tilespmem:v47+s20+$0x0], $0xffff  }
0x50c: {  	v33 =	vld [tilespmem:$0x1F070]  }
0x50d: {  	v44 =	vmul.bf16 v22, v12;
	v12 =	vld [tilespmem:$0x1EFE0]  }
0x50e: {  	v22 =	vld.idx.msk [tilespmem:v51+s20+$0x0], $0xffff  }
0x50f: {  	v8 =	vadd.bf16 v9, v8;
	v9 =	vmul.bf16 v15, v41;
	v15 =	vld.idx.msk [tilespmem:v23+s19+$0x0], $0xffff  }
0x510: {  	v49 =	vmul.bf16 v27, v13;
	v13 =	vld [tilespmem:$0x1F000]  }
0x511: {  	v23 =	vld [tilespmem:$0x1F050]  }
0x512: {  	v54 =	vmul.bf16 v35, v14;
	v14 =	vld [tilespmem:$0x1F020]  }
0x513: {  	v1 =	vadd.bf16 v21, v1;
	v8 =	vadd.bf16 v9, v8;
	v9 =	vmul.bf16 v12, v48;
	v12 =	vld.idx.msk [tilespmem:v32+s19+$0x0], $0xffff  }
0x514: {  	v62 =	vor.u32 v62, v20;
	v59 =	vmul.bf16 v46, v15;
	v15 =	vld [tilespmem:$0x1F040]  }
0x515: {  	v1 =	vadd.bf16 v26, v1;
	v8 =	vadd.bf16 v9, v8;
	v9 =	vmul.bf16 v13, v53;
	v13 =	vld.idx.msk [tilespmem:v40+s19+$0x0], $0xffff  }
0x516: {  	v37 =	vor.u32 v18, v20;
	v27 =	vld.idx.msk [tilespmem:v57+s20+$0x0], $0xffff  }
0x517: {  	v1 =	vadd.bf16 v34, v1;
	v57 =	vld [tilespmem:$0x1F140];
	v8 =	vadd.bf16 v9, v8;
	v9 =	vmul.bf16 v14, v58  }
0x518: {  	v21 =	vmul.bf16 v50, v12;
	v12 =	vld [tilespmem:$0x1F080]  }
0x519: {  	v1 =	vadd.bf16 v44, v1;
	v35 =	vld.idx.msk [tilespmem:v62+s20+$0x0], $0xffff;
	v8 =	vadd.bf16 v9, v8;
	v9 =	vmul.bf16 v15, v63  }
0x51a: {  	v26 =	vmul.bf16 v55, v13;
	v13 =	vld [tilespmem:$0x1F0A0]  }
0x51b: {  	v1 =	vadd.bf16 v49, v1;
	v49 =	vld.idx.msk [tilespmem:v37+s19+$0x0], $0xffff;
	v8 =	vadd.bf16 v9, v8;
	v9 =	vmul.bf16 v24, v23  }
0x51c: {  	v48 =	vld [tilespmem:$0x1F0E0]  }
0x51d: {  	v40 =	vld [tilespmem:$0x1FED0];
	v8 =	vadd.bf16 v9, v8;
	v9 =	vmul.bf16 v12, v33  }
0x51e: {  	v32 =	vor.u32 v19, v20;
	v53 =	vld [tilespmem:$0x1F110]  }
0x51f: {  	v1 =	vadd.bf16 v54, v1;
	v8 =	vadd.bf16 v9, v8;
	v9 =	vmul.bf16 v13, v38;
	v13 =	vld [tilespmem:$0x1F0B0]  }
0x520: {  	v14 =	vld.idx.msk [tilespmem:v47+s19+$0x0], $0xffff  }
0x521: {  	v1 =	vadd.bf16 v59, v1;
	v47 =	vld [tilespmem:$0x1F0D0]  }
0x522: {  	v15 =	vld.idx.msk [tilespmem:v51+s19+$0x0], $0xffff  }
0x523: {  	v1 =	vadd.bf16 v21, v1;
	v12 =	vld.idx.msk [tilespmem:v62+s19+$0x0], $0xffff  }
0x524: {  	v41 =	vld.idx.msk [tilespmem:v32+s19+$0x0], $0xffff;
	v8 =	vadd.bf16 v9, v8;
	v13 =	vmul.bf16 v16, v13  }
0x525: {  	v1 =	vadd.bf16 v26, v1;
	v34 =	vmul.bf16 v61, v14;
	v16 =	vld [tilespmem:$0x1F100]  }
0x526: {  	v5 =	vor.u32 v40, v20;
	v8 =	vadd.bf16 v13, v8;
	v13 =	vld [tilespmem:$0x1F0F0]  }
0x527: {  	v46 =	vld.idx.msk [tilespmem:v32+s20+$0x0], $0xffff;
	v1 =	vadd.bf16 v34, v1;
	v39 =	vmul.bf16 v22, v15  }
0x528: {  	v6 =	vmul.bf16 v35, v12;
	v12 =	vld [tilespmem:$0x1F120]  }
0x529: {  	v44 =	vmul.bf16 v27, v25;
	v50 =	vld.idx.msk [tilespmem:v37+s20+$0x0], $0xffff;
	v10 =	vmul.f32 v48, v47;
	v1 =	vadd.bf16 v39, v1  }
0x52a: {  	v0 =	vmul.f32 v0, v2;
	v55 =	vld [tilespmem:$0x1F130]  }
0x52b: {  	v51 =	vmax.f32 v10, $9.999999930e-09;
	v52 =	vld.idx.msk [tilespmem:v5+s19+$0x0], $0xffff;
	v1 =	vadd.bf16 v44, v1;
	v13 =	vmul.bf16 v16, v13  }
0x52c: {  	v0 =	vmax.f32 v0, $9.999999930e-09;
	v4 =	vmul.bf16 v46, v41;
	(erf) = vrcp.f32 v51;
	v5 =	vld.idx.msk [tilespmem:v5+s20+$0x0], $0xffff  }
0x52d: {  	v1 =	vadd.bf16 v6, v1;
	v10 =	vmul.bf16 v12, v53;
	v8 =	vadd.bf16 v13, v8  }
0x52e: {  	v3 =	vmul.bf16 v50, v49;
	(erf) = vrcp.f32 v0  }
0x52f: {  	v0 =	vmul.bf16 v57, v55;
	v1 =	vadd.bf16 v4, v1;
	v54 =	vadd.bf16 v10, v8;
	_ =	sdelay $0x1  }
0x530: {  	v2 =	vmul.bf16 v5, v52;
	v1 =	vadd.bf16 v3, v1;
	v0 =	vadd.bf16 v0, v54;
	_ =	sdelay $0x1  }
0x531: {  	v1 =	vadd.bf16 v2, v1;
	v58 =	vshll.u32 v0, $0x10;
	v0 =	vand.u32 $0xFFFF0000, v0  }
0x532: {  	v0 =	vadd.f32 v0, v58  }
0x533: {  	v31 =	vld [tilespmem:$0x1FE20];
	v59 =	vpop (erf);
	v61 =	vshll.u32 v1, $0x10;
	v1 =	vand.u32 $0xFFFF0000, v1  }
0x534: {  	v63 =	vld [tilespmem:$0x1F150];
	v1 =	vadd.f32 v1, v61;
	v0 =	vmul.f32 v0, v59  }
0x535: {  	v43 =	vld [tilespmem:$0x1FE60];
	v62 =	vpop (erf)  }
0x536: {  	p2 =	por p1, p1;
	v45 =	vld [tilespmem:$0x1FE30];
	v1 =	vmul.f32 v1, v62;
	v0 =	vsub.f32 $5.000000000e-01, v0  }
.Ltmp1:
0x537: {  	v42 =	vld [tilespmem:$0x1FE80];
	(pc) =	sbr.rel @p2 .LBB2_5-.Ltmp1, $4  }
0x538: {  	v56 =	vld [tilespmem:$0x1FE00];
	v1 =	vsub.f32 $5.000000000e-01, v1;
	v0 =	vmax.f32 v0, $0.0e+00  }
0x539: {  	v14 =	vld [tilespmem:$0x1FDD0];
	v0 =	vadd.f32 v0, v63  }
0x53a: {  	v15 =	vld [tilespmem:$0x1FDE0];
	v1 =	vmax.f32 v1, $0.0e+00  }
0x53b: {  	p1 =	por $0x0, $0x0;
	s29 =	simm.s32 $0x20;
	v13 =	vld [tilespmem:$0x1FDC0];
	v16 =	vadd.f32 v1, v0  }
0x53c: {  	v3 =	vld [tilespmem:$0x1F160];
	_ =	sdelay $0x1  }
0x53d: {  	v5 =	vld [tilespmem:$0x1F170];
	_ =	sdelay $0x1  }
0x53e: {  	v7 =	vld [tilespmem:$0x1F180];
	_ =	sdelay $0x2  }
0x53f: {  	v9 =	vld [tilespmem:$0x1F190]  }
0x540: {  	v2 =	vld.idx.msk [tilespmem:v3+s19+$0x0], $0xffff  }
0x541: {  	v3 =	vld.idx.msk [tilespmem:v3+s20+$0x0], $0xffff  }
0x542: {  	v4 =	vld.idx.msk [tilespmem:v5+s19+$0x0], $0xffff  }
0x543: {  	v5 =	vld.idx.msk [tilespmem:v5+s20+$0x0], $0xffff  }
0x544: {  	v6 =	vld.idx.msk [tilespmem:v7+s19+$0x0], $0xffff  }
0x545: {  	v7 =	vld.idx.msk [tilespmem:v7+s20+$0x0], $0xffff  }
0x546: {  	v10 =	vld [tilespmem:$0x1F1A0];
	v2 =	vmul.bf16 v3, v2  }
0x547: {  	v11 =	vimm.bf16 $0.0e+00  }
0x548: {  	v58 =	vld [tilespmem:$0x1F1B0];
	v4 =	vmul.bf16 v5, v4;
	v2 =	vadd.bf16 v11, v2;
	_ =	sdelay $0x1  }
0x549: {  	v2 =	vadd.bf16 v4, v2;
	v4 =	vmul.bf16 v7, v6;
	v7 =	vld [tilespmem:$0x1F1C0]  }
0x54a: {  	v59 =	vld [tilespmem:$0x1F1D0]  }
0x54b: {  	v8 =	vld.idx.msk [tilespmem:v9+s19+$0x0], $0xffff  }
0x54c: {  	v9 =	vld.idx.msk [tilespmem:v9+s20+$0x0], $0xffff  }
0x54d: {  	v3 =	vld.idx.msk [tilespmem:v10+s19+$0x0], $0xffff  }
0x54e: {  	v10 =	vld.idx.msk [tilespmem:v10+s20+$0x0], $0xffff  }
0x54f: {  	v5 =	vld.idx.msk [tilespmem:v58+s19+$0x0], $0xffff  }
0x550: {  	v11 =	vld.idx.msk [tilespmem:v58+s20+$0x0], $0xffff  }
0x551: {  	v2 =	vadd.bf16 v4, v2;
	v4 =	vmul.bf16 v9, v8;
	v6 =	vld.idx.msk [tilespmem:v7+s19+$0x0], $0xffff  }
0x552: {  	v7 =	vld.idx.msk [tilespmem:v7+s20+$0x0], $0xffff  }
0x553: {  	[tilespmem:$0x1EBB0] =	vst v60;
	v60 =	vld [tilespmem:$0x1F1E0];
	v3 =	vmul.bf16 v10, v3;
	v2 =	vadd.bf16 v4, v2;
	_ =	sdelay $0x1  }
0x554: {  	v61 =	vld [tilespmem:$0x1F1F0];
	v2 =	vadd.bf16 v3, v2;
	v3 =	vmul.bf16 v11, v5;
	_ =	sdelay $0x1  }
0x555: {  	v2 =	vadd.bf16 v3, v2;
	v3 =	vmul.bf16 v7, v6;
	v7 =	vld [tilespmem:$0x1F200]  }
0x556: {  	v62 =	vld [tilespmem:$0x1F210]  }
0x557: {  	v8 =	vld.idx.msk [tilespmem:v59+s19+$0x0], $0xffff  }
0x558: {  	v9 =	vld.idx.msk [tilespmem:v59+s20+$0x0], $0xffff  }
0x559: {  	v10 =	vld.idx.msk [tilespmem:v60+s20+$0x0], $0xffff  }
0x55a: {  	v4 =	vld.idx.msk [tilespmem:v60+s19+$0x0], $0xffff  }
0x55b: {  	v5 =	vld.idx.msk [tilespmem:v61+s19+$0x0], $0xffff  }
0x55c: {  	v11 =	vld.idx.msk [tilespmem:v61+s20+$0x0], $0xffff  }
0x55d: {  	v2 =	vadd.bf16 v3, v2;
	v3 =	vmul.bf16 v9, v8;
	v6 =	vld.idx.msk [tilespmem:v7+s19+$0x0], $0xffff  }
0x55e: {  	v7 =	vld.idx.msk [tilespmem:v7+s20+$0x0], $0xffff  }
0x55f: {  	v63 =	vld [tilespmem:$0x1F220];
	v2 =	vadd.bf16 v3, v2;
	v3 =	vmul.bf16 v10, v4;
	_ =	sdelay $0x1  }
0x560: {  	v18 =	vld [tilespmem:$0x1F230];
	v2 =	vadd.bf16 v3, v2;
	v3 =	vmul.bf16 v11, v5;
	_ =	sdelay $0x1  }
0x561: {  	v2 =	vadd.bf16 v3, v2;
	v3 =	vmul.bf16 v7, v6;
	v7 =	vld [tilespmem:$0x1F240]  }
0x562: {  	v19 =	vld [tilespmem:$0x1F250]  }
0x563: {  	v8 =	vld.idx.msk [tilespmem:v62+s19+$0x0], $0xffff  }
0x564: {  	v9 =	vld.idx.msk [tilespmem:v62+s20+$0x0], $0xffff  }
0x565: {  	v4 =	vld.idx.msk [tilespmem:v63+s19+$0x0], $0xffff  }
0x566: {  	v10 =	vld.idx.msk [tilespmem:v63+s20+$0x0], $0xffff  }
0x567: {  	v5 =	vld.idx.msk [tilespmem:v18+s19+$0x0], $0xffff  }
0x568: {  	v11 =	vld.idx.msk [tilespmem:v18+s20+$0x0], $0xffff  }
0x569: {  	v2 =	vadd.bf16 v3, v2;
	v3 =	vmul.bf16 v9, v8;
	v6 =	vld.idx.msk [tilespmem:v7+s19+$0x0], $0xffff  }
0x56a: {  	v7 =	vld.idx.msk [tilespmem:v7+s20+$0x0], $0xffff  }
0x56b: {  	v20 =	vld [tilespmem:$0x1F260];
	v2 =	vadd.bf16 v3, v2;
	v3 =	vmul.bf16 v10, v4;
	_ =	sdelay $0x1  }
0x56c: {  	v21 =	vld [tilespmem:$0x1F270];
	v2 =	vadd.bf16 v3, v2;
	v3 =	vmul.bf16 v11, v5;
	_ =	sdelay $0x1  }
0x56d: {  	v2 =	vadd.bf16 v3, v2;
	v3 =	vmul.bf16 v7, v6;
	v7 =	vld [tilespmem:$0x1F280]  }
0x56e: {  	v22 =	vld [tilespmem:$0x1F290]  }
0x56f: {  	v8 =	vld.idx.msk [tilespmem:v19+s19+$0x0], $0xffff  }
0x570: {  	v9 =	vld.idx.msk [tilespmem:v19+s20+$0x0], $0xffff  }
0x571: {  	v4 =	vld.idx.msk [tilespmem:v20+s19+$0x0], $0xffff  }
0x572: {  	v10 =	vld.idx.msk [tilespmem:v20+s20+$0x0], $0xffff  }
0x573: {  	v5 =	vld.idx.msk [tilespmem:v21+s19+$0x0], $0xffff  }
0x574: {  	v11 =	vld.idx.msk [tilespmem:v21+s20+$0x0], $0xffff  }
0x575: {  	v2 =	vadd.bf16 v3, v2;
	v3 =	vmul.bf16 v9, v8;
	v6 =	vld.idx.msk [tilespmem:v7+s19+$0x0], $0xffff  }
0x576: {  	v7 =	vld.idx.msk [tilespmem:v7+s20+$0x0], $0xffff  }
0x577: {  	v23 =	vld [tilespmem:$0x1F2A0];
	v2 =	vadd.bf16 v3, v2;
	v3 =	vmul.bf16 v10, v4;
	_ =	sdelay $0x1  }
0x578: {  	v24 =	vld [tilespmem:$0x1F2B0];
	v2 =	vadd.bf16 v3, v2;
	v3 =	vmul.bf16 v11, v5;
	_ =	sdelay $0x1  }
0x579: {  	v2 =	vadd.bf16 v3, v2;
	v3 =	vmul.bf16 v7, v6;
	v7 =	vld [tilespmem:$0x1F2C0]  }
0x57a: {  	v25 =	vld [tilespmem:$0x1F2D0]  }
0x57b: {  	v8 =	vld.idx.msk [tilespmem:v22+s19+$0x0], $0xffff  }
0x57c: {  	v9 =	vld.idx.msk [tilespmem:v22+s20+$0x0], $0xffff  }
0x57d: {  	v4 =	vld.idx.msk [tilespmem:v23+s19+$0x0], $0xffff  }
0x57e: {  	v10 =	vld.idx.msk [tilespmem:v23+s20+$0x0], $0xffff  }
0x57f: {  	v5 =	vld.idx.msk [tilespmem:v24+s19+$0x0], $0xffff  }
0x580: {  	v11 =	vld.idx.msk [tilespmem:v24+s20+$0x0], $0xffff  }
0x581: {  	v2 =	vadd.bf16 v3, v2;
	v3 =	vmul.bf16 v9, v8;
	v6 =	vld.idx.msk [tilespmem:v7+s19+$0x0], $0xffff  }
0x582: {  	v7 =	vld.idx.msk [tilespmem:v7+s20+$0x0], $0xffff  }
0x583: {  	v26 =	vld [tilespmem:$0x1F2E0];
	v2 =	vadd.bf16 v3, v2;
	v3 =	vmul.bf16 v10, v4;
	_ =	sdelay $0x1  }
0x584: {  	v27 =	vld [tilespmem:$0x1F2F0];
	v2 =	vadd.bf16 v3, v2;
	v3 =	vmul.bf16 v11, v5;
	_ =	sdelay $0x1  }
0x585: {  	v2 =	vadd.bf16 v3, v2;
	v3 =	vmul.bf16 v7, v6;
	v7 =	vld [tilespmem:$0x1F300]  }
0x586: {  	v32 =	vld [tilespmem:$0x1F310]  }
0x587: {  	v8 =	vld.idx.msk [tilespmem:v25+s19+$0x0], $0xffff  }
0x588: {  	v9 =	vld.idx.msk [tilespmem:v25+s20+$0x0], $0xffff  }
0x589: {  	v4 =	vld.idx.msk [tilespmem:v26+s19+$0x0], $0xffff  }
0x58a: {  	v10 =	vld.idx.msk [tilespmem:v26+s20+$0x0], $0xffff  }
0x58b: {  	v5 =	vld.idx.msk [tilespmem:v27+s19+$0x0], $0xffff  }
0x58c: {  	v11 =	vld.idx.msk [tilespmem:v27+s20+$0x0], $0xffff  }
0x58d: {  	v2 =	vadd.bf16 v3, v2;
	v3 =	vmul.bf16 v9, v8;
	v6 =	vld.idx.msk [tilespmem:v7+s19+$0x0], $0xffff  }
0x58e: {  	v7 =	vld.idx.msk [tilespmem:v7+s20+$0x0], $0xffff  }
0x58f: {  	v33 =	vld [tilespmem:$0x1F320];
	v2 =	vadd.bf16 v3, v2;
	v3 =	vmul.bf16 v10, v4;
	_ =	sdelay $0x1  }
0x590: {  	v34 =	vld [tilespmem:$0x1F330];
	v2 =	vadd.bf16 v3, v2;
	v3 =	vmul.bf16 v11, v5;
	_ =	sdelay $0x1  }
0x591: {  	v2 =	vadd.bf16 v3, v2;
	v3 =	vmul.bf16 v7, v6;
	v7 =	vld [tilespmem:$0x1F340]  }
0x592: {  	v35 =	vld [tilespmem:$0x1F350]  }
0x593: {  	v8 =	vld.idx.msk [tilespmem:v32+s19+$0x0], $0xffff  }
0x594: {  	v9 =	vld.idx.msk [tilespmem:v32+s20+$0x0], $0xffff  }
0x595: {  	v4 =	vld.idx.msk [tilespmem:v33+s19+$0x0], $0xffff  }
0x596: {  	v10 =	vld.idx.msk [tilespmem:v33+s20+$0x0], $0xffff  }
0x597: {  	v5 =	vld.idx.msk [tilespmem:v34+s19+$0x0], $0xffff  }
0x598: {  	v11 =	vld.idx.msk [tilespmem:v34+s20+$0x0], $0xffff  }
0x599: {  	v2 =	vadd.bf16 v3, v2;
	v3 =	vmul.bf16 v9, v8;
	v6 =	vld.idx.msk [tilespmem:v7+s19+$0x0], $0xffff  }
0x59a: {  	v7 =	vld.idx.msk [tilespmem:v7+s20+$0x0], $0xffff  }
0x59b: {  	v37 =	vld [tilespmem:$0x1F360];
	v2 =	vadd.bf16 v3, v2;
	v3 =	vmul.bf16 v10, v4;
	_ =	sdelay $0x1  }
0x59c: {  	v38 =	vld [tilespmem:$0x1F370];
	v2 =	vadd.bf16 v3, v2;
	v3 =	vmul.bf16 v11, v5;
	_ =	sdelay $0x1  }
0x59d: {  	v2 =	vadd.bf16 v3, v2;
	v3 =	vmul.bf16 v7, v6;
	v7 =	vld [tilespmem:$0x1F380]  }
0x59e: {  	v39 =	vld [tilespmem:$0x1F390]  }
0x59f: {  	v8 =	vld.idx.msk [tilespmem:v35+s19+$0x0], $0xffff  }
0x5a0: {  	v9 =	vld.idx.msk [tilespmem:v35+s20+$0x0], $0xffff  }
0x5a1: {  	v4 =	vld.idx.msk [tilespmem:v37+s19+$0x0], $0xffff  }
0x5a2: {  	v10 =	vld.idx.msk [tilespmem:v37+s20+$0x0], $0xffff  }
0x5a3: {  	v5 =	vld.idx.msk [tilespmem:v38+s19+$0x0], $0xffff  }
0x5a4: {  	v11 =	vld.idx.msk [tilespmem:v38+s20+$0x0], $0xffff  }
0x5a5: {  	v2 =	vadd.bf16 v3, v2;
	v3 =	vmul.bf16 v9, v8;
	v6 =	vld.idx.msk [tilespmem:v7+s19+$0x0], $0xffff  }
0x5a6: {  	v7 =	vld.idx.msk [tilespmem:v7+s20+$0x0], $0xffff  }
0x5a7: {  	v40 =	vld [tilespmem:$0x1F3A0];
	v2 =	vadd.bf16 v3, v2;
	v3 =	vmul.bf16 v10, v4;
	_ =	sdelay $0x1  }
0x5a8: {  	v41 =	vld [tilespmem:$0x1F3B0];
	v2 =	vadd.bf16 v3, v2;
	v3 =	vmul.bf16 v11, v5;
	_ =	sdelay $0x1  }
0x5a9: {  	v2 =	vadd.bf16 v3, v2;
	v3 =	vmul.bf16 v7, v6;
	v7 =	vld [tilespmem:$0x1F3C0]  }
0x5aa: {  	v44 =	vld [tilespmem:$0x1F3D0]  }
0x5ab: {  	v8 =	vld.idx.msk [tilespmem:v39+s19+$0x0], $0xffff  }
0x5ac: {  	v9 =	vld.idx.msk [tilespmem:v39+s20+$0x0], $0xffff  }
0x5ad: {  	v4 =	vld.idx.msk [tilespmem:v40+s19+$0x0], $0xffff  }
0x5ae: {  	v10 =	vld.idx.msk [tilespmem:v40+s20+$0x0], $0xffff  }
0x5af: {  	v5 =	vld.idx.msk [tilespmem:v41+s19+$0x0], $0xffff  }
0x5b0: {  	v11 =	vld.idx.msk [tilespmem:v41+s20+$0x0], $0xffff  }
0x5b1: {  	v2 =	vadd.bf16 v3, v2;
	v3 =	vmul.bf16 v9, v8;
	v6 =	vld.idx.msk [tilespmem:v7+s19+$0x0], $0xffff  }
0x5b2: {  	v7 =	vld.idx.msk [tilespmem:v7+s20+$0x0], $0xffff  }
0x5b3: {  	v46 =	vld [tilespmem:$0x1F3E0];
	v2 =	vadd.bf16 v3, v2;
	v3 =	vmul.bf16 v10, v4;
	_ =	sdelay $0x1  }
0x5b4: {  	v47 =	vld [tilespmem:$0x1F3F0];
	v2 =	vadd.bf16 v3, v2;
	v3 =	vmul.bf16 v11, v5;
	_ =	sdelay $0x1  }
0x5b5: {  	v2 =	vadd.bf16 v3, v2;
	v3 =	vmul.bf16 v7, v6;
	v7 =	vld [tilespmem:$0x1F400]  }
0x5b6: {  	v48 =	vld [tilespmem:$0x1F410]  }
0x5b7: {  	v8 =	vld.idx.msk [tilespmem:v44+s19+$0x0], $0xffff  }
0x5b8: {  	v9 =	vld.idx.msk [tilespmem:v44+s20+$0x0], $0xffff  }
0x5b9: {  	v4 =	vld.idx.msk [tilespmem:v46+s19+$0x0], $0xffff  }
0x5ba: {  	v10 =	vld.idx.msk [tilespmem:v46+s20+$0x0], $0xffff  }
0x5bb: {  	v5 =	vld.idx.msk [tilespmem:v47+s19+$0x0], $0xffff  }
0x5bc: {  	v11 =	vld.idx.msk [tilespmem:v47+s20+$0x0], $0xffff  }
0x5bd: {  	v2 =	vadd.bf16 v3, v2;
	v3 =	vmul.bf16 v9, v8;
	v6 =	vld.idx.msk [tilespmem:v7+s19+$0x0], $0xffff  }
0x5be: {  	v7 =	vld.idx.msk [tilespmem:v7+s20+$0x0], $0xffff  }
0x5bf: {  	v49 =	vld [tilespmem:$0x1F420];
	v2 =	vadd.bf16 v3, v2;
	v3 =	vmul.bf16 v10, v4;
	_ =	sdelay $0x1  }
0x5c0: {  	v50 =	vld [tilespmem:$0x1F430];
	v2 =	vadd.bf16 v3, v2;
	v3 =	vmul.bf16 v11, v5;
	_ =	sdelay $0x1  }
0x5c1: {  	v2 =	vadd.bf16 v3, v2;
	v3 =	vmul.bf16 v7, v6;
	v7 =	vld [tilespmem:$0x1F440]  }
0x5c2: {  	v51 =	vld [tilespmem:$0x1F450]  }
0x5c3: {  	v8 =	vld.idx.msk [tilespmem:v48+s19+$0x0], $0xffff  }
0x5c4: {  	v9 =	vld.idx.msk [tilespmem:v48+s20+$0x0], $0xffff  }
0x5c5: {  	v4 =	vld.idx.msk [tilespmem:v49+s19+$0x0], $0xffff  }
0x5c6: {  	v10 =	vld.idx.msk [tilespmem:v49+s20+$0x0], $0xffff  }
0x5c7: {  	v5 =	vld.idx.msk [tilespmem:v50+s19+$0x0], $0xffff  }
0x5c8: {  	v11 =	vld.idx.msk [tilespmem:v50+s20+$0x0], $0xffff  }
0x5c9: {  	v2 =	vadd.bf16 v3, v2;
	v3 =	vmul.bf16 v9, v8;
	v6 =	vld.idx.msk [tilespmem:v7+s19+$0x0], $0xffff  }
0x5ca: {  	v7 =	vld.idx.msk [tilespmem:v7+s20+$0x0], $0xffff  }
0x5cb: {  	v52 =	vld [tilespmem:$0x1F460];
	v2 =	vadd.bf16 v3, v2;
	v3 =	vmul.bf16 v10, v4;
	_ =	sdelay $0x1  }
0x5cc: {  	v53 =	vld [tilespmem:$0x1FC50];
	v2 =	vadd.bf16 v3, v2;
	v3 =	vmul.bf16 v11, v5;
	_ =	sdelay $0x1  }
0x5cd: {  	v2 =	vadd.bf16 v3, v2;
	v3 =	vmul.bf16 v7, v6;
	v7 =	vld [tilespmem:$0x1FC60]  }
0x5ce: {  	v54 =	vld [tilespmem:$0x1FC70]  }
0x5cf: {  	v8 =	vld.idx.msk [tilespmem:v51+s19+$0x0], $0xffff  }
0x5d0: {  	v9 =	vld.idx.msk [tilespmem:v51+s20+$0x0], $0xffff  }
0x5d1: {  	v4 =	vld.idx.msk [tilespmem:v52+s19+$0x0], $0xffff  }
0x5d2: {  	v10 =	vld.idx.msk [tilespmem:v52+s20+$0x0], $0xffff  }
0x5d3: {  	v5 =	vld.idx.msk [tilespmem:v53+s19+$0x0], $0xffff  }
0x5d4: {  	v11 =	vld.idx.msk [tilespmem:v53+s20+$0x0], $0xffff  }
0x5d5: {  	v2 =	vadd.bf16 v3, v2;
	v3 =	vmul.bf16 v9, v8;
	v6 =	vld.idx.msk [tilespmem:v7+s19+$0x0], $0xffff  }
0x5d6: {  	v7 =	vld.idx.msk [tilespmem:v7+s20+$0x0], $0xffff  }
0x5d7: {  	v55 =	vld [tilespmem:$0x1FC80];
	v2 =	vadd.bf16 v3, v2;
	v3 =	vmul.bf16 v10, v4;
	_ =	sdelay $0x1  }
0x5d8: {  	v57 =	vld [tilespmem:$0x1FC90];
	v2 =	vadd.bf16 v3, v2;
	v3 =	vmul.bf16 v11, v5;
	_ =	sdelay $0x1  }
0x5d9: {  	v2 =	vadd.bf16 v3, v2;
	v3 =	vmul.bf16 v7, v6;
	v7 =	vld [tilespmem:$0x1FCA0]  }
0x5da: {  	v58 =	vld [tilespmem:$0x1FCB0]  }
0x5db: {  	v8 =	vld.idx.msk [tilespmem:v54+s19+$0x0], $0xffff  }
0x5dc: {  	v9 =	vld.idx.msk [tilespmem:v54+s20+$0x0], $0xffff  }
0x5dd: {  	v4 =	vld.idx.msk [tilespmem:v55+s19+$0x0], $0xffff  }
0x5de: {  	v10 =	vld.idx.msk [tilespmem:v55+s20+$0x0], $0xffff  }
0x5df: {  	v5 =	vld.idx.msk [tilespmem:v57+s19+$0x0], $0xffff  }
0x5e0: {  	v11 =	vld.idx.msk [tilespmem:v57+s20+$0x0], $0xffff  }
0x5e1: {  	v2 =	vadd.bf16 v3, v2;
	v3 =	vmul.bf16 v9, v8;
	v6 =	vld.idx.msk [tilespmem:v7+s19+$0x0], $0xffff  }
0x5e2: {  	v7 =	vld.idx.msk [tilespmem:v7+s20+$0x0], $0xffff  }
0x5e3: {  	v59 =	vld [tilespmem:$0x1FCC0];
	v2 =	vadd.bf16 v3, v2;
	v3 =	vmul.bf16 v10, v4  }
0x5e4: {  	v0 =	vld [tilespmem:s26+$0xC3E0]  }
0x5e5: {  	v60 =	vld [tilespmem:$0x1FCD0];
	v2 =	vadd.bf16 v3, v2;
	v3 =	vmul.bf16 v11, v5  }
0x5e6: {  	v1 =	vld [tilespmem:s26+$0xEAF0]  }
0x5e7: {  	v2 =	vadd.bf16 v3, v2;
	v3 =	vmul.bf16 v7, v6;
	v7 =	vld [tilespmem:$0x1FCE0]  }
0x5e8: {  	v61 =	vld [tilespmem:$0x1FCF0]  }
0x5e9: {  	v8 =	vld.idx.msk [tilespmem:v58+s19+$0x0], $0xffff  }
0x5ea: {  	v9 =	vld.idx.msk [tilespmem:v58+s20+$0x0], $0xffff  }
0x5eb: {  	v4 =	vld.idx.msk [tilespmem:v59+s19+$0x0], $0xffff  }
0x5ec: {  	v10 =	vld.idx.msk [tilespmem:v59+s20+$0x0], $0xffff  }
0x5ed: {  	v5 =	vld.idx.msk [tilespmem:v60+s19+$0x0], $0xffff  }
0x5ee: {  	v11 =	vld.idx.msk [tilespmem:v60+s20+$0x0], $0xffff  }
0x5ef: {  	v2 =	vadd.bf16 v3, v2;
	v3 =	vmul.bf16 v9, v8;
	v6 =	vld.idx.msk [tilespmem:v7+s19+$0x0], $0xffff  }
0x5f0: {  	v7 =	vld.idx.msk [tilespmem:v7+s20+$0x0], $0xffff  }
0x5f1: {  	v8 =	vld.idx.msk [tilespmem:v61+s19+$0x0], $0xffff;
	v2 =	vadd.bf16 v3, v2;
	v3 =	vmul.bf16 v10, v4  }
0x5f2: {  	v9 =	vld.idx.msk [tilespmem:v61+s20+$0x0], $0xffff  }
0x5f3: {  	v62 =	vld [tilespmem:$0x1FD00];
	v2 =	vadd.bf16 v3, v2;
	v3 =	vmul.bf16 v11, v5;
	_ =	sdelay $0x1  }
0x5f4: {  	v2 =	vadd.bf16 v3, v2;
	v3 =	vmul.bf16 v7, v6;
	v6 =	vld [tilespmem:$0x1FD10];
	_ =	sdelay $0x1  }
0x5f5: {  	v2 =	vadd.bf16 v3, v2;
	v3 =	vmul.bf16 v9, v8;
	v8 =	vld [tilespmem:$0x1FD20]  }
0x5f6: {  	v0 =	vld.idx.msk [tilespmem:v0+s10+$0x0], $0xffff  }
0x5f7: {  	v63 =	vld [tilespmem:$0x1FD30]  }
0x5f8: {  	v1 =	vld.idx.msk [tilespmem:v1+s10+$0x0], $0xffff  }
0x5f9: {  	v4 =	vld.idx.msk [tilespmem:v62+s19+$0x0], $0xffff  }
0x5fa: {  	v10 =	vld.idx.msk [tilespmem:v62+s20+$0x0], $0xffff  }
0x5fb: {  	v5 =	vld.idx.msk [tilespmem:v6+s19+$0x0], $0xffff  }
0x5fc: {  	v6 =	vld.idx.msk [tilespmem:v6+s20+$0x0], $0xffff  }
0x5fd: {  	v7 =	vld.idx.msk [tilespmem:v8+s19+$0x0], $0xffff  }
0x5fe: {  	v8 =	vld.idx.msk [tilespmem:v8+s20+$0x0], $0xffff  }
0x5ff: {  	v0 =	vmul.f32 v1, v0;
	v1 =	vld.idx.msk [tilespmem:v63+s20+$0x0], $0xffff;
	v2 =	vadd.bf16 v3, v2;
	v3 =	vmul.bf16 v10, v4  }
0x600: {  	v4 =	vld.idx.msk [tilespmem:v63+s19+$0x0], $0xffff  }
0x601: {  	v2 =	vadd.bf16 v3, v2;
	v3 =	vmul.bf16 v6, v5  }
0x602: {  	v0 =	vmax.f32 v0, $9.999999930e-09  }
0x603: {  	(erf) = vrcp.f32 v0;
	v0 =	vadd.bf16 v3, v2;
	v2 =	vmul.bf16 v8, v7;
	_ =	sdelay $0x1  }
0x604: {  	v1 =	vmul.bf16 v1, v4;
	v0 =	vadd.bf16 v2, v0;
	_ =	sdelay $0x1  }
0x605: {  	v0 =	vadd.bf16 v1, v0;
	_ =	sdelay $0x1  }
0x606: {  	v1 =	vshll.u32 v0, $0x10  }
0x607: {  	v0 =	vand.u32 $0xFFFF0000, v0  }
0x608: {  	v0 =	vadd.f32 v0, v1  }
0x609: {  	s25 =	sadd.s32 $0x1, s25;
	v1 =	vpop (erf)  }
0x60a: {  	p1 =	sne.s32 s25, $0x3E;
	v0 =	vmul.f32 v0, v1  }
.Ltmp2:
0x60b: {  	_ = 	snop;
	(pc) =	sbr.rel @p1 .LBB2_2-.Ltmp2, $3  }
0x60c: {  	v0 =	vsub.f32 $5.000000000e-01, v0;
	_ =	sdelay $0x1  }
0x60d: {  	v0 =	vmax.f32 v0, $0.0e+00  }
0x60e: {  	v6 =	vlaneseq.u32;
	v0 =	vadd.f32 v0, v16  }
0x60f: {  	_ =	swait.ge [sflag:s17], $0x1400  }
0x610: {  	[sflag:s17] =	ssyncset.done $0x0  }
0x611: {  	[sflag:s17] =	ssyncadd.s32 $0xFFFFEC00  }
0x612: {  	_ =	swait.ge [sflag:s18], $0x1400  }
0x613: {  	[sflag:s18] =	ssyncset.done $0x0  }
0x614: {  	s25 =	simm.s32 $0x0;
	p1 =	por $0x1, $0x1;
	v12 =	vmov v0;
	[sflag:s18] =	ssyncadd.s32 $0xFFFFEC00  }
.LBB2_8:
0x615: {  	_ =	sdelay $0x1  }
0x616: {  	v0 =	vmov s25;
	v7 =	vld [tilespmem:$0x1FA80]  }
0x617: {  	v26 =	vld [tilespmem:$0x1FA90];
	v0 =	vshll.u32 v0, $0x6  }
0x618: {  	v24 =	vlaneseq.u32;
	v27 =	vld [tilespmem:$0x1FAA0];
	v19 =	vor.u32 v13, v0  }
0x619: {  	v50 =	vld [tilespmem:$0x1FAB0];
	v0 =	vor.u32 v24, v19  }
0x61a: {  	v17 =	vld [tilespmem:$0x1FAC0]  }
0x61b: {  	v20 =	vld [tilespmem:$0x1FDF0];
	v1 =	vor.u32 v7, v19  }
0x61c: {  	v33 =	vld [tilespmem:$0x1FAF0]  }
0x61d: {  	v36 =	vld [tilespmem:$0x1FB00];
	v4 =	vor.u32 v14, v19  }
0x61e: {  	v11 =	vld.idx.msk [tilespmem:v0+s15+$0x0], $0xffff  }
0x61f: {  	v6 =	vor.u32 v15, v19;
	v9 =	vld.idx.msk [tilespmem:v0+s16+$0x0], $0xffff  }
0x620: {  	v15 =	vld.idx.msk [tilespmem:v1+s15+$0x0], $0xffff  }
0x621: {  	[tilespmem:$0x1FA60] =	vst v12;
	v12 =	vor.u32 v50, v19;
	v13 =	vld.idx.msk [tilespmem:v1+s16+$0x0], $0xffff  }
0x622: {  	v8 =	vor.u32 v26, v19;
	v26 =	vld.idx.msk [tilespmem:v4+s15+$0x0], $0xffff  }
0x623: {  	v22 =	vld.idx.msk [tilespmem:v4+s16+$0x0], $0xffff  }
0x624: {  	v14 =	vor.u32 v17, v19;
	v46 =	vld.idx.msk [tilespmem:v6+s15+$0x0], $0xffff  }
0x625: {  	v30 =	vld.idx.msk [tilespmem:v6+s16+$0x0], $0xffff  }
0x626: {  	v62 =	vld.idx.msk [tilespmem:v12+s15+$0x0], $0xffff  }
0x627: {  	v16 =	vor.u32 v20, v19;
	v60 =	vld.idx.msk [tilespmem:v12+s16+$0x0], $0xffff  }
0x628: {  	v12 =	vld [tilespmem:$0x1FAD0]  }
0x629: {  	v28 =	vld.idx.msk [tilespmem:v14+s15+$0x0], $0xffff  }
0x62a: {  	v23 =	vor.u32 v33, v19;
	v29 =	vld.idx.msk [tilespmem:v14+s16+$0x0], $0xffff  }
0x62b: {  	v14 =	vld [tilespmem:$0x1FAE0]  }
0x62c: {  	v25 =	vor.u32 v36, v19;
	v31 =	vld.idx.msk [tilespmem:v16+s15+$0x0], $0xffff  }
0x62d: {  	v32 =	vld.idx.msk [tilespmem:v16+s16+$0x0], $0xffff  }
0x62e: {  	v16 =	vld [tilespmem:$0x1FE00]  }
0x62f: {  	v39 =	vld.idx.msk [tilespmem:v23+s15+$0x0], $0xffff  }
0x630: {  	v40 =	vld.idx.msk [tilespmem:v23+s16+$0x0], $0xffff;
	v18 =	vor.u32 v12, v19  }
0x631: {  	v41 =	vld.idx.msk [tilespmem:v25+s15+$0x0], $0xffff  }
0x632: {  	v42 =	vld.idx.msk [tilespmem:v25+s16+$0x0], $0xffff  }
0x633: {  	v23 =	vld [tilespmem:$0x1FE20]  }
0x634: {  	v25 =	vld [tilespmem:$0x1FE30];
	v21 =	vor.u32 v14, v19  }
0x635: {  	v34 =	vld.idx.msk [tilespmem:v18+s15+$0x0], $0xffff  }
0x636: {  	v35 =	vld.idx.msk [tilespmem:v18+s16+$0x0], $0xffff  }
0x637: {  	v10 =	vor.u32 v27, v19;
	v27 =	vor.u32 v16, v19;
	v18 =	vld [tilespmem:$0x1FE10]  }
0x638: {  	[tilespmem:$0x1E480] =	vst v28;
	v28 =	vld [tilespmem:$0x1FE50]  }
0x639: {  	v37 =	vld.idx.msk [tilespmem:v21+s15+$0x0], $0xffff  }
0x63a: {  	[tilespmem:$0x1E490] =	vst v29;
	v33 =	vor.u32 v23, v19;
	v38 =	vld.idx.msk [tilespmem:v21+s16+$0x0], $0xffff  }
0x63b: {  	[tilespmem:$0x1E4A0] =	vst v31;
	v21 =	vld [tilespmem:$0x1FB10]  }
0x63c: {  	[tilespmem:$0x1E4B0] =	vst v32;
	v43 =	vld.idx.msk [tilespmem:v27+s15+$0x0], $0xffff;
	v29 =	vor.u32 v18, v19  }
0x63d: {  	[tilespmem:$0x1E500] =	vst v39;
	v44 =	vld.idx.msk [tilespmem:v27+s16+$0x0], $0xffff  }
0x63e: {  	[tilespmem:$0x1E510] =	vst v40;
	v27 =	vld [tilespmem:$0x1FE40]  }
0x63f: {  	[tilespmem:$0x1E520] =	vst v41;
	v51 =	vld.idx.msk [tilespmem:v33+s15+$0x0], $0xffff;
	v39 =	vor.u32 v28, v19  }
0x640: {  	[tilespmem:$0x1E530] =	vst v42;
	v53 =	vld.idx.msk [tilespmem:v33+s16+$0x0], $0xffff  }
0x641: {  	[tilespmem:$0x1E4C0] =	vst v34;
	v45 =	vld.idx.msk [tilespmem:v29+s15+$0x0], $0xffff  }
0x642: {  	[tilespmem:$0x1E4D0] =	vst v35;
	v31 =	vor.u32 v21, v19;
	v47 =	vld.idx.msk [tilespmem:v29+s16+$0x0], $0xffff  }
0x643: {  	[tilespmem:$0x1E4E0] =	vst v37;
	v29 =	vld [tilespmem:$0x1FE60]  }
0x644: {  	[tilespmem:$0x1E4F0] =	vst v38;
	v35 =	vor.u32 v25, v19;
	v63 =	vld.idx.msk [tilespmem:v39+s15+$0x0], $0xffff  }
0x645: {  	v54 =	vld.idx.msk [tilespmem:v8+s15+$0x0], $0xffff;
	[tilespmem:$0x1E540] =	vst v43  }
0x646: {  	v32 =	vld [tilespmem:$0x1FE80];
	[tilespmem:$0x1E550] =	vst v44;
	v37 =	vor.u32 v27, v19  }
0x647: {  	[tilespmem:$0x1E5A0] =	vst v51;
	v48 =	vld.idx.msk [tilespmem:v31+s15+$0x0], $0xffff  }
0x648: {  	[tilespmem:$0x1E5B0] =	vst v53;
	v49 =	vld.idx.msk [tilespmem:v31+s16+$0x0], $0xffff;
	v41 =	vor.u32 v29, v19  }
0x649: {  	v55 =	vld.idx.msk [tilespmem:v35+s15+$0x0], $0xffff;
	[tilespmem:$0x1E600] =	vst v63  }
0x64a: {  	v57 =	vld.idx.msk [tilespmem:v35+s16+$0x0], $0xffff;
	[tilespmem:$0x1E560] =	vst v45  }
0x64b: {  	v59 =	vld.idx.msk [tilespmem:v37+s15+$0x0], $0xffff;
	[tilespmem:$0x1E570] =	vst v47  }
0x64c: {  	v61 =	vld.idx.msk [tilespmem:v37+s16+$0x0], $0xffff;
	[tilespmem:$0x1E580] =	vst v48  }
0x64d: {  	[tilespmem:$0x1E590] =	vst v49;
	v4 =	vld.idx.msk [tilespmem:v41+s15+$0x0], $0xffff  }
0x64e: {  	[tilespmem:$0x1E5C0] =	vst v55;
	v5 =	vld.idx.msk [tilespmem:v41+s16+$0x0], $0xffff  }
0x64f: {  	v52 =	vld.idx.msk [tilespmem:v8+s16+$0x0], $0xffff;
	[tilespmem:$0x1E5D0] =	vst v57  }
0x650: {  	v58 =	vld.idx.msk [tilespmem:v10+s15+$0x0], $0xffff;
	[tilespmem:$0x1E5E0] =	vst v59  }
0x651: {  	v56 =	vld.idx.msk [tilespmem:v10+s16+$0x0], $0xffff;
	[tilespmem:$0x1E5F0] =	vst v61;
	v45 =	vor.u32 v32, v19  }
0x652: {  	v39 =	vld.idx.msk [tilespmem:v39+s16+$0x0], $0xffff;
	[tilespmem:$0x1E610] =	vst v4  }
0x653: {  	v31 =	vld [tilespmem:$0x1FE70];
	[tilespmem:$0x1E620] =	vst v5  }
0x654: {  	v33 =	vld [tilespmem:$0x1FEE0];
	_ =	sdelay $0x1  }
0x655: {  	v35 =	vld.idx.msk [tilespmem:v45+s16+$0x0], $0xffff  }
0x656: {  	v34 =	vld [tilespmem:$0x1FEF0]  }
0x657: {  	v43 =	vor.u32 v31, v19  }
0x658: {  	v47 =	vor.u32 v33, v19;
	_ =	sdelay $0x1  }
0x659: {  	[tilespmem:$0x1E660] =	vst v35;
	v35 =	vld [tilespmem:$0x1FF00]  }
0x65a: {  	v49 =	vor.u32 v34, v19  }
0x65b: {  	v6 =	vld.idx.msk [tilespmem:v43+s15+$0x0], $0xffff  }
0x65c: {  	v36 =	vld.idx.msk [tilespmem:v47+s15+$0x0], $0xffff  }
0x65d: {  	v37 =	vld.idx.msk [tilespmem:v47+s16+$0x0], $0xffff  }
0x65e: {  	v8 =	vld.idx.msk [tilespmem:v43+s16+$0x0], $0xffff;
	v51 =	vor.u32 v35, v19  }
0x65f: {  	v38 =	vld.idx.msk [tilespmem:v49+s15+$0x0], $0xffff  }
0x660: {  	v40 =	vld.idx.msk [tilespmem:v49+s16+$0x0], $0xffff  }
0x661: {  	[tilespmem:$0x1E670] =	vst v36;
	v36 =	vld [tilespmem:$0x1FF10]  }
0x662: {  	[tilespmem:$0x1E680] =	vst v37;
	v37 =	vld [tilespmem:$0x1FF20]  }
0x663: {  	v41 =	vld.idx.msk [tilespmem:v51+s15+$0x0], $0xffff  }
0x664: {  	v42 =	vld.idx.msk [tilespmem:v51+s16+$0x0], $0xffff  }
0x665: {  	[tilespmem:$0x1E690] =	vst v38;
	v38 =	vld [tilespmem:$0x1FF30]  }
0x666: {  	v10 =	vld.idx.msk [tilespmem:v45+s15+$0x0], $0xffff;
	v53 =	vor.u32 v36, v19  }
0x667: {  	[tilespmem:$0x1E640] =	vst v8;
	v8 =	vld [tilespmem:$0x1FF90]  }
0x668: {  	[tilespmem:$0x1E6A0] =	vst v40;
	v40 =	vld [tilespmem:$0x1FF40];
	v55 =	vor.u32 v37, v19  }
0x669: {  	[tilespmem:$0x1E6C0] =	vst v42;
	v42 =	vld [tilespmem:$0x1FF60]  }
0x66a: {  	[tilespmem:$0x1E6B0] =	vst v41;
	v57 =	vor.u32 v38, v19;
	v41 =	vld [tilespmem:$0x1FF50]  }
0x66b: {  	v43 =	vld.idx.msk [tilespmem:v53+s15+$0x0], $0xffff  }
0x66c: {  	v44 =	vld.idx.msk [tilespmem:v53+s16+$0x0], $0xffff  }
0x66d: {  	v45 =	vld.idx.msk [tilespmem:v55+s15+$0x0], $0xffff  }
0x66e: {  	v47 =	vld.idx.msk [tilespmem:v55+s16+$0x0], $0xffff;
	v63 =	vor.u32 v42, v19  }
0x66f: {  	v59 =	vor.u32 v40, v19;
	v48 =	vld.idx.msk [tilespmem:v57+s15+$0x0], $0xffff  }
0x670: {  	v49 =	vld.idx.msk [tilespmem:v57+s16+$0x0], $0xffff  }
0x671: {  	v61 =	vor.u32 v41, v19;
	[tilespmem:$0x1E6D0] =	vst v43;
	v43 =	vld [tilespmem:$0x1FF70]  }
0x672: {  	[tilespmem:$0x1E6E0] =	vst v44;
	v44 =	vld [tilespmem:$0x1FF80]  }
0x673: {  	v2 =	vld.idx.msk [tilespmem:v63+s15+$0x0], $0xffff  }
0x674: {  	v51 =	vld.idx.msk [tilespmem:v59+s15+$0x0], $0xffff  }
0x675: {  	v53 =	vld.idx.msk [tilespmem:v59+s16+$0x0], $0xffff  }
0x676: {  	v57 =	vld.idx.msk [tilespmem:v61+s15+$0x0], $0xffff;
	v55 =	vor.u32 v43, v19  }
0x677: {  	[tilespmem:$0x1E650] =	vst v10;
	v59 =	vld.idx.msk [tilespmem:v61+s16+$0x0], $0xffff;
	v61 =	vor.u32 v44, v19  }
0x678: {  	v10 =	vld [tilespmem:$0x1FFA0];
	[tilespmem:$0x1E770] =	vst v2;
	v2 =	vor.u32 v8, v19  }
0x679: {  	[tilespmem:$0x1E700] =	vst v47;
	v47 =	vld [tilespmem:$0x1FFB0]  }
0x67a: {  	[tilespmem:$0x1E720] =	vst v49;
	v49 =	vld [tilespmem:$0x1FFC0]  }
0x67b: {  	v0 =	vld.idx.msk [tilespmem:v55+s16+$0x0], $0xffff  }
0x67c: {  	[tilespmem:$0x1E630] =	vst v6;
	v1 =	vld.idx.msk [tilespmem:v61+s16+$0x0], $0xffff  }
0x67d: {  	[tilespmem:$0x1E710] =	vst v48;
	v48 =	vld.idx.msk [tilespmem:v2+s15+$0x0], $0xffff  }
0x67e: {  	[tilespmem:$0x1E6F0] =	vst v45;
	v2 =	vld.idx.msk [tilespmem:v2+s16+$0x0], $0xffff  }
0x67f: {  	[tilespmem:$0x1E740] =	vst v53;
	v6 =	vld.idx.msk [tilespmem:v63+s16+$0x0], $0xffff  }
0x680: {  	v53 =	vld [tilespmem:$0x1FFD0];
	[tilespmem:$0x1E7A0] =	vst v0;
	v0 =	vor.u32 v10, v19  }
0x681: {  	[tilespmem:$0x1E750] =	vst v57;
	v57 =	vld [tilespmem:$0x1FFE0]  }
0x682: {  	v3 =	vld.idx.msk [tilespmem:v55+s15+$0x0], $0xffff;
	[tilespmem:$0x1E7C0] =	vst v1;
	v1 =	vor.u32 v47, v19  }
0x683: {  	v45 =	vld.idx.msk [tilespmem:v61+s15+$0x0], $0xffff;
	[tilespmem:$0x1E7E0] =	vst v2;
	v2 =	vor.u32 v49, v19  }
0x684: {  	v61 =	vld [tilespmem:$0x1FD40]  }
0x685: {  	[tilespmem:$0x1E730] =	vst v51;
	v51 =	vld.idx.msk [tilespmem:v0+s15+$0x0], $0xffff  }
0x686: {  	v0 =	vld.idx.msk [tilespmem:v0+s16+$0x0], $0xffff  }
0x687: {  	v55 =	vld.idx.msk [tilespmem:v1+s15+$0x0], $0xffff  }
0x688: {  	[tilespmem:$0x1E760] =	vst v59;
	v59 =	vld.idx.msk [tilespmem:v2+s15+$0x0], $0xffff  }
0x689: {  	v2 =	vld.idx.msk [tilespmem:v2+s16+$0x0], $0xffff  }
0x68a: {  	v1 =	vld.idx.msk [tilespmem:v1+s16+$0x0], $0xffff  }
0x68b: {  	[tilespmem:$0x1E800] =	vst v0;
	v0 =	vor.u32 v53, v19  }
0x68c: {  	[tilespmem:$0x1E780] =	vst v6  }
0x68d: {  	v6 =	vld [tilespmem:$0x1FFF0];
	[tilespmem:$0x1E7B0] =	vst v45  }
0x68e: {  	v45 =	vld [tilespmem:$0x1FD50];
	[tilespmem:$0x1E840] =	vst v2;
	v2 =	vor.u32 v61, v19  }
0x68f: {  	v47 =	vld [tilespmem:$0x1FD60];
	[tilespmem:$0x1E820] =	vst v1;
	v1 =	vor.u32 v57, v19  }
0x690: {  	v63 =	vld.idx.msk [tilespmem:v0+s15+$0x0], $0xffff  }
0x691: {  	v0 =	vld.idx.msk [tilespmem:v0+s16+$0x0], $0xffff  }
0x692: {  	[tilespmem:$0x1E7D0] =	vst v48;
	v48 =	vld [tilespmem:$0x1FD70]  }
0x693: {  	[tilespmem:$0x1E7F0] =	vst v51;
	v51 =	vld.idx.msk [tilespmem:v2+s15+$0x0], $0xffff  }
0x694: {  	v10 =	vor.u32 v45, v19;
	v8 =	vld.idx.msk [tilespmem:v1+s15+$0x0], $0xffff  }
0x695: {  	v1 =	vld.idx.msk [tilespmem:v1+s16+$0x0], $0xffff  }
0x696: {  	v49 =	vld [tilespmem:$0x1FD80];
	[tilespmem:$0x1E860] =	vst v0;
	v0 =	vor.u32 v6, v19  }
0x697: {  	v53 =	vor.u32 v47, v19;
	v2 =	vld.idx.msk [tilespmem:v2+s16+$0x0], $0xffff  }
0x698: {  	[tilespmem:$0x1E890] =	vst v51;
	v51 =	vld [tilespmem:$0x1FD90]  }
0x699: {  	[tilespmem:$0x1E830] =	vst v59;
	v59 =	vld.idx.msk [tilespmem:v10+s15+$0x0], $0xffff  }
0x69a: {  	[tilespmem:$0x1E880] =	vst v1;
	v1 =	vld.idx.msk [tilespmem:v10+s16+$0x0], $0xffff  }
0x69b: {  	[tilespmem:$0x1E810] =	vst v55;
	v61 =	vor.u32 v49, v19;
	v55 =	vld.idx.msk [tilespmem:v0+s15+$0x0], $0xffff  }
0x69c: {  	[tilespmem:$0x1E850] =	vst v63;
	v63 =	vld.idx.msk [tilespmem:v53+s15+$0x0], $0xffff  }
0x69d: {  	[tilespmem:$0x1E8A0] =	vst v2;
	v2 =	vld.idx.msk [tilespmem:v53+s16+$0x0], $0xffff;
	v6 =	vor.u32 v51, v19  }
0x69e: {  	v53 =	vld [tilespmem:$0x1FDA0]  }
0x69f: {  	v57 =	vor.u32 v48, v19;
	v0 =	vld.idx.msk [tilespmem:v0+s16+$0x0], $0xffff  }
0x6a0: {  	[tilespmem:$0x1E8B0] =	vst v55;
	v55 =	vld.idx.msk [tilespmem:v61+s15+$0x0], $0xffff  }
0x6a1: {  	[tilespmem:$0x1E8E0] =	vst v1;
	v1 =	vld.idx.msk [tilespmem:v61+s16+$0x0], $0xffff  }
0x6a2: {  	[tilespmem:$0x1E900] =	vst v2;
	v2 =	vld.idx.msk [tilespmem:v6+s16+$0x0], $0xffff  }
0x6a3: {  	v61 =	vld [tilespmem:$0x1FB60]  }
0x6a4: {  	v10 =	vor.u32 v53, v19;
	[tilespmem:$0x1E8C0] =	vst v0;
	v0 =	vld.idx.msk [tilespmem:v57+s16+$0x0], $0xffff  }
0x6a5: {  	[tilespmem:$0x1E930] =	vst v55;
	v55 =	vld [tilespmem:$0x1FDB0];
	_ =	sdelay $0x1  }
0x6a6: {  	[tilespmem:$0x1E8D0] =	vst v59;
	v59 =	vld.idx.msk [tilespmem:v6+s15+$0x0], $0xffff  }
0x6a7: {  	v6 =	vld [tilespmem:$0x1FB70];
	[tilespmem:$0x1E960] =	vst v2;
	v2 =	vor.u32 v61, v19  }
0x6a8: {  	[tilespmem:$0x1E920] =	vst v0;
	v0 =	vld.idx.msk [tilespmem:v10+s16+$0x0], $0xffff  }
0x6a9: {  	[tilespmem:$0x1E870] =	vst v8;
	v8 =	vld.idx.msk [tilespmem:v57+s15+$0x0], $0xffff;
	v57 =	vor.u32 v55, v19  }
0x6aa: {  	[tilespmem:$0x1E8F0] =	vst v63;
	v63 =	vld.idx.msk [tilespmem:v10+s15+$0x0], $0xffff  }
0x6ab: {  	v61 =	vld [tilespmem:$0x1FBC0]  }
0x6ac: {  	[tilespmem:$0x1E950] =	vst v59;
	v59 =	vld.idx.msk [tilespmem:v2+s15+$0x0], $0xffff  }
0x6ad: {  	[tilespmem:$0x1E980] =	vst v0;
	v0 =	vor.u32 v6, v19;
	v2 =	vld.idx.msk [tilespmem:v2+s16+$0x0], $0xffff  }
0x6ae: {  	[tilespmem:$0x1E910] =	vst v8;
	v8 =	vld.idx.msk [tilespmem:v57+s15+$0x0], $0xffff  }
0x6af: {  	[tilespmem:$0x1E940] =	vst v1;
	v1 =	vld.idx.msk [tilespmem:v57+s16+$0x0], $0xffff  }
0x6b0: {  	v57 =	vld [tilespmem:$0x1F7E0];
	_ =	sdelay $0x1  }
0x6b1: {  	[tilespmem:$0x1E970] =	vst v63;
	v63 =	vld.idx.msk [tilespmem:v0+s15+$0x0], $0xffff  }
0x6b2: {  	[tilespmem:$0x1E9C0] =	vst v2;
	v2 =	vor.u32 v61, v19;
	v0 =	vld.idx.msk [tilespmem:v0+s16+$0x0], $0xffff  }
0x6b3: {  	[tilespmem:$0x1E9B0] =	vst v59;
	v59 =	vld [tilespmem:$0x1F480]  }
0x6b4: {  	v10 =	vor.u32 v57, v19;
	_ =	sdelay $0x1  }
0x6b5: {  	v61 =	vld [tilespmem:$0x1F850]  }
0x6b6: {  	[tilespmem:$0x1E990] =	vst v8;
	v8 =	vld.idx.msk [tilespmem:v2+s15+$0x0], $0xffff  }
0x6b7: {  	[tilespmem:$0x1E9E0] =	vst v0;
	v0 =	vor.u32 v59, v19;
	v2 =	vld.idx.msk [tilespmem:v2+s16+$0x0], $0xffff  }
0x6b8: {  	[tilespmem:$0x1E9A0] =	vst v1;
	v1 =	vld.idx.msk [tilespmem:v10+s16+$0x0], $0xffff  }
0x6b9: {  	[tilespmem:$0x1E9D0] =	vst v63;
	v63 =	vld [tilespmem:$0x1F860]  }
0x6ba: {  	v5 =	vld [tilespmem:$0x1EBB0]  }
0x6bb: {  	v6 =	vld.idx.msk [tilespmem:v10+s15+$0x0], $0xffff  }
0x6bc: {  	v10 =	vld.idx.msk [tilespmem:v0+s15+$0x0], $0xffff  }
0x6bd: {  	v0 =	vld.idx.msk [tilespmem:v0+s16+$0x0], $0xffff;
	[tilespmem:$0x1EA00] =	vst v1;
	v1 =	vor.u32 v61, v19  }
0x6be: {  	[tilespmem:$0x1EA20] =	vst v2;
	v2 =	vor.u32 v63, v19;
	_ =	sdelay $0x1  }
0x6bf: {  	[tilespmem:$0x1EA10] =	vst v8  }
0x6c0: {  	v8 =	vld [tilespmem:$0x1FC10];
	[tilespmem:$0x1E9F0] =	vst v6  }
0x6c1: {  	[tilespmem:$0x1EA40] =	vst v0;
	v0 =	vor.u32 v5, v19;
	v6 =	vld.idx.msk [tilespmem:v1+s15+$0x0], $0xffff  }
0x6c2: {  	[tilespmem:$0x1EA30] =	vst v10;
	v10 =	vld.idx.msk [tilespmem:v2+s15+$0x0], $0xffff  }
0x6c3: {  	v1 =	vld.idx.msk [tilespmem:v1+s16+$0x0], $0xffff  }
0x6c4: {  	v2 =	vld.idx.msk [tilespmem:v2+s16+$0x0], $0xffff  }
0x6c5: {  	v5 =	vld [tilespmem:$0x1FE90]  }
0x6c6: {  	[tilespmem:$0x1EA50] =	vst v6;
	v6 =	vld.idx.msk [tilespmem:v0+s15+$0x0], $0xffff  }
0x6c7: {  	v0 =	vld.idx.msk [tilespmem:v0+s16+$0x0], $0xffff  }
0x6c8: {  	[tilespmem:$0x1EA60] =	vst v1;
	v1 =	vor.u32 v8, v19;
	v8 =	vld [tilespmem:$0x1F8F0];
	_ =	sdelay $0x2  }
0x6c9: {  	[tilespmem:$0x1EA70] =	vst v10  }
0x6ca: {  	[tilespmem:$0x1EA80] =	vst v2;
	v2 =	vor.u32 v5, v19;
	v5 =	vld [tilespmem:$0x1FEA0]  }
0x6cb: {  	[tilespmem:$0x1EAA0] =	vst v0;
	v0 =	vor.u32 v8, v19;
	v10 =	vld.idx.msk [tilespmem:v1+s15+$0x0], $0xffff  }
0x6cc: {  	v1 =	vld.idx.msk [tilespmem:v1+s16+$0x0], $0xffff;
	_ =	sdelay $0x2  }
0x6cd: {  	[tilespmem:$0x1EA90] =	vst v6;
	v6 =	vld.idx.msk [tilespmem:v2+s15+$0x0], $0xffff  }
0x6ce: {  	v8 =	vld.idx.msk [tilespmem:v0+s15+$0x0], $0xffff  }
0x6cf: {  	[tilespmem:$0x1EAC0] =	vst v1;
	v1 =	vor.u32 v5, v19;
	v0 =	vld.idx.msk [tilespmem:v0+s16+$0x0], $0xffff  }
0x6d0: {  	[tilespmem:$0x1EAB0] =	vst v10;
	v10 =	vld [tilespmem:$0x1FEB0]  }
0x6d1: {  	v2 =	vld.idx.msk [tilespmem:v2+s16+$0x0], $0xffff  }
0x6d2: {  	v5 =	vld [tilespmem:$0x1FEC0]  }
0x6d3: {  	[tilespmem:$0x1EAD0] =	vst v6;
	v6 =	vld [tilespmem:$0x1FED0]  }
0x6d4: {  	v4 =	vld.idx.msk [tilespmem:v1+s15+$0x0], $0xffff  }
0x6d5: {  	[tilespmem:$0x1EB00] =	vst v0;
	v0 =	vor.u32 v10, v19;
	v1 =	vld.idx.msk [tilespmem:v1+s16+$0x0], $0xffff;
	_ =	sdelay $0x1  }
0x6d6: {  	v52 =	vmul.bf16 v52, v54;
	v54 =	vld [tilespmem:$0x1FB70]  }
0x6d7: {  	v58 =	vmul.bf16 v56, v58;
	v56 =	vld [tilespmem:$0x1E480];
	[tilespmem:$0x1E790] =	vst v3  }
0x6d8: {  	v3 =	vld [tilespmem:s25+$0x11120];
	[tilespmem:$0x1EAE0] =	vst v2;
	v2 =	vor.u32 v6, v19  }
0x6d9: {  	[tilespmem:$0x1EB20] =	vst v1;
	v1 =	vor.u32 v5, v19;
	v5 =	vld.idx.msk [tilespmem:v0+s15+$0x0], $0xffff  }
0x6da: {  	[tilespmem:$0x1EB10] =	vst v4;
	v4 =	vld [tilespmem:s25+$0xEA10]  }
0x6db: {  	s26 =	sor.u32 $0x10, s25;
	v19 =	vld [tilespmem:$0x1FDC0]  }
0x6dc: {  	[tilespmem:$0x1EAF0] =	vst v8;
	v8 =	vmov s26;
	v0 =	vld.idx.msk [tilespmem:v0+s16+$0x0], $0xffff  }
0x6dd: {  	v10 =	vshll.u32 v8, $0x6;
	v8 =	vld.idx.msk [tilespmem:v2+s15+$0x0], $0xffff  }
0x6de: {  	[tilespmem:$0x1EB50] =	vst v5;
	v5 =	vld.idx.msk [tilespmem:v1+s15+$0x0], $0xffff  }
0x6df: {  	v6 =	vld.idx.msk [tilespmem:v1+s16+$0x0], $0xffff  }
0x6e0: {  	v19 =	vor.u32 v19, v10;
	v10 =	vld.idx.msk [tilespmem:v2+s16+$0x0], $0xffff  }
0x6e1: {  	[tilespmem:$0x1EB60] =	vst v0;
	v0 =	vor.u32 v24, v19;
	v24 =	vor.u32 v7, v19;
	v7 =	vld [tilespmem:$0x1FDD0]  }
0x6e2: {  	[tilespmem:$0x1EB90] =	vst v8;
	v8 =	vld [tilespmem:$0x1FDE0]  }
0x6e3: {  	[tilespmem:$0x1EB70] =	vst v5;
	v5 =	vld.idx.msk [tilespmem:v4+s10+$0x0], $0xffff  }
0x6e4: {  	[tilespmem:$0x1EB80] =	vst v6;
	v6 =	vld.idx.msk [tilespmem:v3+s10+$0x0], $0xffff  }
0x6e5: {  	[tilespmem:$0x1EBA0] =	vst v10;
	v10 =	vld [tilespmem:$0x1FA90]  }
0x6e6: {  	v2 =	vor.u32 v7, v19;
	v3 =	vld.idx.msk [tilespmem:v0+s16+$0x0], $0xffff  }
0x6e7: {  	v7 =	vld.idx.msk [tilespmem:v24+s15+$0x0], $0xffff  }
0x6e8: {  	v4 =	vor.u32 v8, v19;
	[tilespmem:$0x1EB30] =	vst v5;
	v5 =	vld.idx.msk [tilespmem:v0+s15+$0x0], $0xffff  }
0x6e9: {  	[tilespmem:$0x1EB40] =	vst v6;
	v6 =	vld.idx.msk [tilespmem:v24+s16+$0x0], $0xffff  }
0x6ea: {  	v0 =	vor.u32 v10, v19;
	v24 =	vld [tilespmem:$0x1FAA0]  }
0x6eb: {  	v10 =	vld.idx.msk [tilespmem:v2+s15+$0x0], $0xffff  }
0x6ec: {  	v8 =	vld.idx.msk [tilespmem:v2+s16+$0x0], $0xffff;
	v2 =	vor.u32 v50, v19  }
0x6ed: {  	v9 =	vmul.bf16 v9, v11;
	v11 =	vld.idx.msk [tilespmem:v4+s15+$0x0], $0xffff  }
0x6ee: {  	v4 =	vld.idx.msk [tilespmem:v4+s16+$0x0], $0xffff  }
0x6ef: {  	v13 =	vmul.bf16 v13, v15;
	v15 =	vld.idx.msk [tilespmem:v0+s15+$0x0], $0xffff  }
0x6f0: {  	v1 =	vor.u32 v24, v19;
	v24 =	vimm.bf16 $0.0e+00;
	v0 =	vld.idx.msk [tilespmem:v0+s16+$0x0], $0xffff  }
0x6f1: {  	v6 =	vmul.bf16 v6, v7;
	v7 =	vor.u32 v20, v19;
	v9 =	vadd.bf16 v24, v9;
	v20 =	vld.idx.msk [tilespmem:v2+s15+$0x0], $0xffff  }
0x6f2: {  	v3 =	vmul.bf16 v3, v5;
	v2 =	vld.idx.msk [tilespmem:v2+s16+$0x0], $0xffff  }
0x6f3: {  	v9 =	vadd.bf16 v13, v9;
	v13 =	vmul.bf16 v22, v26;
	v22 =	vld [tilespmem:$0x1FAF0]  }
0x6f4: {  	v3 =	vadd.bf16 v24, v3;
	v26 =	vmul.bf16 v60, v62;
	v60 =	vor.u32 v16, v19;
	v16 =	vld [tilespmem:$0x1E4B0]  }
0x6f5: {  	v62 =	vld [tilespmem:$0x1E4E0]  }
0x6f6: {  	v3 =	vadd.bf16 v6, v3;
	v6 =	vor.u32 v14, v19;
	v14 =	vld [tilespmem:$0x1E490]  }
0x6f7: {  	v5 =	vor.u32 v17, v19;
	v50 =	vmul.bf16 v8, v10;
	v8 =	vor.u32 v12, v19;
	v17 =	vld.idx.msk [tilespmem:v1+s15+$0x0], $0xffff  }
0x6f8: {  	v1 =	vld.idx.msk [tilespmem:v1+s16+$0x0], $0xffff  }
0x6f9: {  	v9 =	vadd.bf16 v13, v9;
	v13 =	vmul.bf16 v30, v46;
	v46 =	vld [tilespmem:$0x1FC10]  }
0x6fa: {  	v30 =	vld [tilespmem:$0x1FBC0]  }
0x6fb: {  	v4 =	vmul.bf16 v4, v11;
	v11 =	vld.idx.msk [tilespmem:v7+s15+$0x0], $0xffff  }
0x6fc: {  	v12 =	vld.idx.msk [tilespmem:v8+s15+$0x0], $0xffff  }
0x6fd: {  	v3 =	vadd.bf16 v50, v3;
	v9 =	vadd.bf16 v13, v9;
	v13 =	vld.idx.msk [tilespmem:v5+s15+$0x0], $0xffff  }
0x6fe: {  	v5 =	vld.idx.msk [tilespmem:v5+s16+$0x0], $0xffff  }
0x6ff: {  	v3 =	vadd.bf16 v4, v3;
	v4 =	vld.idx.msk [tilespmem:v7+s16+$0x0], $0xffff  }
0x700: {  	v50 =	vor.u32 v22, v19;
	v22 =	vmov v54;
	v54 =	vld [tilespmem:$0x1FB00]  }
0x701: {  	v7 =	vor.u32 v29, v19;
	v29 =	vld [tilespmem:$0x1E5C0]  }
0x702: {  	v9 =	vadd.bf16 v52, v9;
	v52 =	vld [tilespmem:$0x1FE90]  }
0x703: {  	v10 =	vmul.bf16 v14, v56;
	v14 =	vld.idx.msk [tilespmem:v6+s15+$0x0], $0xffff  }
0x704: {  	v0 =	vmul.bf16 v0, v15;
	v1 =	vmul.bf16 v1, v17;
	v17 =	vld [tilespmem:$0x1FB60]  }
0x705: {  	v24 =	vmov v46;
	v46 =	vld.idx.msk [tilespmem:v8+s16+$0x0], $0xffff  }
0x706: {  	v0 =	vadd.bf16 v0, v3;
	v3 =	vld.idx.msk [tilespmem:v60+s16+$0x0], $0xffff  }
0x707: {  	v9 =	vadd.bf16 v58, v9;
	v58 =	vmul.bf16 v2, v20;
	v20 =	vld [tilespmem:$0x1FED0]  }
0x708: {  	v2 =	vld.idx.msk [tilespmem:v6+s16+$0x0], $0xffff  }
0x709: {  	v56 =	vmul.bf16 v5, v13;
	v13 =	vld [tilespmem:$0x1E4D0]  }
0x70a: {  	v0 =	vadd.bf16 v1, v0;
	v1 =	vld [tilespmem:s25+$0xEA20]  }
0x70b: {  	v9 =	vadd.bf16 v26, v9;
	v26 =	vld [tilespmem:$0x1FEA0]  }
0x70c: {  	v8 =	vor.u32 v54, v19;
	v54 =	vld [tilespmem:$0x1E4A0]  }
0x70d: {  	v15 =	vld.idx.msk [tilespmem:v50+s15+$0x0], $0xffff  }
0x70e: {  	v5 =	vld.idx.msk [tilespmem:v50+s16+$0x0], $0xffff  }
0x70f: {  	v50 =	vld [tilespmem:$0x1E4C0]  }
0x710: {  	v0 =	vadd.bf16 v58, v0;
	v58 =	vor.u32 v18, v19;
	v18 =	vld [tilespmem:$0x1FEC0]  }
0x711: {  	v46 =	vmul.bf16 v46, v12;
	v12 =	vld [tilespmem:$0x1E510]  }
0x712: {  	v0 =	vadd.bf16 v56, v0;
	v56 =	vor.u32 v21, v19;
	v21 =	vld [tilespmem:$0x1E4F0]  }
0x713: {  	v9 =	vadd.bf16 v10, v9;
	v10 =	vmul.bf16 v16, v54;
	v16 =	vld [tilespmem:$0x1FEB0]  }
0x714: {  	v54 =	vmul.bf16 v4, v11;
	v4 =	vld.idx.msk [tilespmem:v8+s16+$0x0], $0xffff  }
0x715: {  	v11 =	vld.idx.msk [tilespmem:v60+s15+$0x0], $0xffff  }
0x716: {  	v60 =	vld [tilespmem:$0x1E500]  }
0x717: {  	v9 =	vadd.bf16 v10, v9;
	v10 =	vmul.bf16 v13, v50;
	v13 =	vld.idx.msk [tilespmem:v8+s15+$0x0], $0xffff  }
0x718: {  	v50 =	vor.u32 v23, v19;
	v23 =	vld [tilespmem:$0x1E540]  }
0x719: {  	v0 =	vadd.bf16 v54, v0;
	v54 =	vld [tilespmem:$0x1FFA0]  }
0x71a: {  	v1 =	vld.idx.msk [tilespmem:v1+s10+$0x0], $0xffff  }
0x71b: {  	v9 =	vadd.bf16 v10, v9;
	v10 =	vmul.bf16 v21, v62;
	v62 =	vmul.bf16 v2, v14;
	v2 =	vld.idx.msk [tilespmem:v58+s16+$0x0], $0xffff  }
0x71c: {  	v14 =	vld [tilespmem:$0x1E530]  }
0x71d: {  	v0 =	vadd.bf16 v46, v0;
	v46 =	vld [tilespmem:$0x1FF90]  }
0x71e: {  	v9 =	vadd.bf16 v10, v9;
	v10 =	vmul.bf16 v12, v60;
	v12 =	vld.idx.msk [tilespmem:v58+s15+$0x0], $0xffff  }
0x71f: {  	v58 =	vld [tilespmem:$0x1E520]  }
0x720: {  	v21 =	vor.u32 v25, v19;
	v60 =	vmul.bf16 v5, v15;
	v5 =	vld.idx.msk [tilespmem:v56+s16+$0x0], $0xffff  }
0x721: {  	v15 =	vld [tilespmem:$0x1E550]  }
0x722: {  	v0 =	vadd.bf16 v62, v0;
	v62 =	vor.u32 v27, v19;
	v27 =	vld [tilespmem:$0x1E560]  }
0x723: {  	v25 =	vmul.bf16 v4, v13;
	v4 =	vld.idx.msk [tilespmem:v50+s16+$0x0], $0xffff  }
0x724: {  	v13 =	vld [tilespmem:$0x1E570];
	v0 =	vadd.bf16 v60, v0  }
0x725: {  	v6 =	vor.u32 v28, v19;
	v28 =	vmul.bf16 v3, v11;
	v3 =	vld.idx.msk [tilespmem:v21+s16+$0x0], $0xffff  }
0x726: {  	v0 =	vadd.bf16 v25, v0;
	v25 =	vld [tilespmem:$0x1E5A0]  }
0x727: {  	v9 =	vadd.bf16 v10, v9;
	v10 =	vmul.bf16 v14, v58;
	v14 =	vld.idx.msk [tilespmem:v56+s15+$0x0], $0xffff  }
0x728: {  	v56 =	vld [tilespmem:$0x1E580]  }
0x729: {  	v58 =	vld [tilespmem:$0x1E590]  }
0x72a: {  	v11 =	vld.idx.msk [tilespmem:v62+s15+$0x0], $0xffff  }
0x72b: {  	v60 =	vmul.bf16 v2, v12;
	v2 =	vld.idx.msk [tilespmem:v62+s16+$0x0], $0xffff  }
0x72c: {  	v12 =	vld [tilespmem:$0x1E5B0]  }
0x72d: {  	v0 =	vadd.bf16 v28, v0;
	v28 =	vor.u32 v32, v19;
	v32 =	vld [tilespmem:$0x1FFE0]  }
0x72e: {  	v9 =	vadd.bf16 v10, v9;
	v10 =	vmul.bf16 v15, v23;
	v15 =	vld.idx.msk [tilespmem:v50+s15+$0x0], $0xffff  }
0x72f: {  	v50 =	vld [tilespmem:$0x1FFB0]  }
0x730: {  	v23 =	vld [tilespmem:$0x1FFC0]  }
0x731: {  	v9 =	vadd.bf16 v10, v9;
	v10 =	vmul.bf16 v13, v27;
	v13 =	vld.idx.msk [tilespmem:v21+s15+$0x0], $0xffff  }
0x732: {  	v21 =	vld [tilespmem:$0x1FD40]  }
0x733: {  	v27 =	vmul.bf16 v5, v14;
	v5 =	vld.idx.msk [tilespmem:v6+s16+$0x0], $0xffff  }
0x734: {  	v14 =	vld [tilespmem:$0x1E5D0]  }
0x735: {  	v9 =	vadd.bf16 v10, v9;
	v10 =	vmul.bf16 v58, v56;
	v58 =	vld [tilespmem:$0x1FFD0]  }
0x736: {  	v56 =	vld [tilespmem:$0x1E5E0]  }
0x737: {  	v62 =	vor.u32 v31, v19;
	v0 =	vadd.bf16 v60, v0;
	v31 =	vmul.bf16 v4, v15;
	v4 =	vld.idx.msk [tilespmem:v7+s16+$0x0], $0xffff  }
0x738: {  	v15 =	vld [tilespmem:$0x1E5F0]  }
0x739: {  	v0 =	vadd.bf16 v27, v0;
	v27 =	vmul.bf16 v2, v11;
	v2 =	vld.idx.msk [tilespmem:v28+s16+$0x0], $0xffff  }
0x73a: {  	v9 =	vadd.bf16 v10, v9;
	v10 =	vmul.bf16 v12, v25;
	v12 =	vld.idx.msk [tilespmem:v6+s15+$0x0], $0xffff  }
0x73b: {  	v25 =	vld [tilespmem:$0x1E600]  }
0x73c: {  	v60 =	vmul.bf16 v3, v13;
	v3 =	vld.idx.msk [tilespmem:v62+s16+$0x0], $0xffff  }
0x73d: {  	v13 =	vld.idx.msk [tilespmem:v28+s15+$0x0], $0xffff  }
0x73e: {  	v0 =	vadd.bf16 v31, v0;
	v31 =	vld [tilespmem:$0x1E620]  }
0x73f: {  	v28 =	vor.u32 v35, v19;
	v35 =	vld [tilespmem:$0x1E630]  }
0x740: {  	v9 =	vadd.bf16 v10, v9;
	v10 =	vmul.bf16 v14, v29;
	v14 =	vld.idx.msk [tilespmem:v7+s15+$0x0], $0xffff  }
0x741: {  	v7 =	vor.u32 v33, v19;
	v29 =	vld [tilespmem:$0x1E610]  }
0x742: {  	v9 =	vadd.bf16 v10, v9;
	v10 =	vmul.bf16 v15, v56;
	v15 =	vld.idx.msk [tilespmem:v62+s15+$0x0], $0xffff  }
0x743: {  	v0 =	vadd.bf16 v60, v0;
	v33 =	vmul.bf16 v5, v12;
	v12 =	vld [tilespmem:$0x1E640]  }
0x744: {  	v9 =	vadd.bf16 v10, v9;
	v10 =	vmul.bf16 v39, v25;
	v39 =	vld [tilespmem:$0x1FFF0]  }
0x745: {  	v0 =	vadd.bf16 v27, v0;
	v27 =	vld.idx.msk [tilespmem:v28+s16+$0x0], $0xffff  }
0x746: {  	v60 =	vor.u32 v37, v19;
	v11 =	vld.idx.msk [tilespmem:v7+s15+$0x0], $0xffff  }
0x747: {  	v62 =	vor.u32 v34, v19;
	v5 =	vld.idx.msk [tilespmem:v7+s16+$0x0], $0xffff  }
0x748: {  	v34 =	vor.u32 v36, v19;
	v36 =	vmul.bf16 v4, v14;
	v14 =	vld [tilespmem:$0x1E660]  }
0x749: {  	v9 =	vadd.bf16 v10, v9;
	v10 =	vmul.bf16 v31, v29;
	v29 =	vld [tilespmem:$0x1E670]  }
0x74a: {  	v31 =	vmul.bf16 v2, v13;
	v13 =	vld [tilespmem:$0x1E6A0]  }
0x74b: {  	v37 =	vld.idx.msk [tilespmem:v60+s16+$0x0], $0xffff  }
0x74c: {  	v56 =	vld.idx.msk [tilespmem:v62+s16+$0x0], $0xffff  }
0x74d: {  	v0 =	vadd.bf16 v33, v0;
	v25 =	vmul.bf16 v3, v15;
	v15 =	vld [tilespmem:$0x1E680]  }
0x74e: {  	v9 =	vadd.bf16 v10, v9;
	v10 =	vmul.bf16 v12, v35;
	v12 =	vld.idx.msk [tilespmem:v62+s15+$0x0], $0xffff  }
0x74f: {  	v0 =	vadd.bf16 v36, v0;
	v62 =	vld [tilespmem:$0x1E650]  }
0x750: {  	v33 =	vld.idx.msk [tilespmem:v34+s16+$0x0], $0xffff  }
0x751: {  	v35 =	vld [tilespmem:$0x1E690];
	v0 =	vadd.bf16 v25, v0  }
0x752: {  	v25 =	vld [tilespmem:$0x1E6D0]  }
0x753: {  	v0 =	vadd.bf16 v31, v0;
	v31 =	vld [tilespmem:$0x1E6F0]  }
0x754: {  	v9 =	vadd.bf16 v10, v9;
	v10 =	vmul.bf16 v14, v62;
	v14 =	vld.idx.msk [tilespmem:v28+s15+$0x0], $0xffff  }
0x755: {  	v36 =	vmul.bf16 v5, v11;
	v28 =	vor.u32 v38, v19;
	v38 =	vor.u32 v41, v19;
	v41 =	vld [tilespmem:$0x1E6C0]  }
0x756: {  	v56 =	vmul.bf16 v56, v12;
	v12 =	vld [tilespmem:$0x1E6E0]  }
0x757: {  	v0 =	vadd.bf16 v36, v0;
	v36 =	vld [tilespmem:$0x1E710]  }
0x758: {  	v9 =	vadd.bf16 v10, v9;
	v10 =	vmul.bf16 v15, v29;
	v15 =	vld.idx.msk [tilespmem:v34+s15+$0x0], $0xffff  }
0x759: {  	v34 =	vor.u32 v40, v19;
	v40 =	vld [tilespmem:$0x1E6B0]  }
0x75a: {  	v9 =	vadd.bf16 v10, v9;
	v10 =	vmul.bf16 v13, v35;
	v13 =	vld.idx.msk [tilespmem:v60+s15+$0x0], $0xffff  }
0x75b: {  	v35 =	vor.u32 v44, v19;
	v44 =	vor.u32 v54, v19;
	v54 =	vld [tilespmem:$0x1E760]  }
0x75c: {  	v11 =	vld.idx.msk [tilespmem:v28+s15+$0x0], $0xffff  }
0x75d: {  	v29 =	vor.u32 v43, v19;
	v60 =	vld.idx.msk [tilespmem:v28+s16+$0x0], $0xffff  }
0x75e: {  	v27 =	vmul.bf16 v27, v14;
	v14 =	vld [tilespmem:$0x1E700]  }
0x75f: {  	v28 =	vld.idx.msk [tilespmem:v34+s16+$0x0], $0xffff  }
0x760: {  	v33 =	vmul.bf16 v33, v15;
	v15 =	vld [tilespmem:$0x1E720]  }
0x761: {  	v9 =	vadd.bf16 v10, v9;
	v10 =	vmul.bf16 v41, v40;
	v41 =	vld [tilespmem:$0x1E730]  }
0x762: {  	v0 =	vadd.bf16 v56, v0;
	v43 =	vld.idx.msk [tilespmem:v29+s16+$0x0], $0xffff  }
0x763: {  	v40 =	vor.u32 v46, v19;
	v46 =	vld [tilespmem:$0x1E750]  }
0x764: {  	v0 =	vadd.bf16 v27, v0;
	v27 =	vld [tilespmem:$0x1E770]  }
0x765: {  	v9 =	vadd.bf16 v10, v9;
	v10 =	vmul.bf16 v12, v25;
	v12 =	vld.idx.msk [tilespmem:v34+s15+$0x0], $0xffff  }
0x766: {  	v34 =	vld.idx.msk [tilespmem:v38+s16+$0x0], $0xffff  }
0x767: {  	v62 =	vor.u32 v42, v19;
	v37 =	vmul.bf16 v37, v13;
	v13 =	vld [tilespmem:$0x1E740]  }
0x768: {  	v56 =	vld.idx.msk [tilespmem:v35+s15+$0x0], $0xffff  }
0x769: {  	v0 =	vadd.bf16 v33, v0;
	v33 =	vld [tilespmem:$0x1E790]  }
0x76a: {  	v25 =	vor.u32 v50, v19;
	v50 =	vld [tilespmem:$0x1E7F0]  }
0x76b: {  	v9 =	vadd.bf16 v10, v9;
	v10 =	vmul.bf16 v14, v31;
	v14 =	vld.idx.msk [tilespmem:v38+s15+$0x0], $0xffff  }
0x76c: {  	v38 =	vld.idx.msk [tilespmem:v62+s16+$0x0], $0xffff  }
0x76d: {  	v0 =	vadd.bf16 v37, v0;
	v37 =	vld [tilespmem:$0x1E7B0]  }
0x76e: {  	v9 =	vadd.bf16 v10, v9;
	v10 =	vmul.bf16 v15, v36;
	v15 =	vld.idx.msk [tilespmem:v62+s15+$0x0], $0xffff  }
0x76f: {  	v42 =	vmul.bf16 v60, v11;
	v62 =	vld.idx.msk [tilespmem:v35+s16+$0x0], $0xffff  }
0x770: {  	v35 =	vld.idx.msk [tilespmem:v44+s16+$0x0], $0xffff  }
0x771: {  	v0 =	vadd.bf16 v42, v0;
	v42 =	vld [tilespmem:$0x1E7D0]  }
0x772: {  	v60 =	vmul.bf16 v28, v12;
	v12 =	vld [tilespmem:$0x1E780]  }
0x773: {  	v9 =	vadd.bf16 v10, v9;
	v10 =	vmul.bf16 v13, v41;
	v13 =	vld.idx.msk [tilespmem:v29+s15+$0x0], $0xffff  }
0x774: {  	v36 =	vor.u32 v58, v19;
	v29 =	vld.idx.msk [tilespmem:v40+s16+$0x0], $0xffff  }
0x775: {  	v28 =	vmul.bf16 v34, v14;
	v14 =	vld [tilespmem:$0x1E7A0]  }
0x776: {  	v9 =	vadd.bf16 v10, v9;
	v10 =	vmul.bf16 v54, v46;
	v54 =	vld [tilespmem:$0x1E800]  }
0x777: {  	v46 =	vor.u32 v21, v19;
	v21 =	vld [tilespmem:$0x1E810]  }
0x778: {  	v0 =	vadd.bf16 v60, v0;
	v34 =	vmul.bf16 v38, v15;
	v15 =	vld [tilespmem:$0x1E7C0]  }
0x779: {  	v60 =	vld.idx.msk [tilespmem:v36+s16+$0x0], $0xffff  }
0x77a: {  	v0 =	vadd.bf16 v28, v0;
	v28 =	vld [tilespmem:$0x1E830]  }
0x77b: {  	v9 =	vadd.bf16 v10, v9;
	v10 =	vmul.bf16 v12, v27;
	v12 =	vld.idx.msk [tilespmem:v40+s15+$0x0], $0xffff  }
0x77c: {  	v40 =	vld.idx.msk [tilespmem:v25+s16+$0x0], $0xffff  }
0x77d: {  	v31 =	vor.u32 v23, v19;
	v38 =	vmul.bf16 v43, v13;
	v13 =	vld [tilespmem:$0x1E7E0]  }
0x77e: {  	v43 =	vmul.bf16 v62, v56;
	v56 =	vld.idx.msk [tilespmem:v36+s15+$0x0], $0xffff  }
0x77f: {  	v36 =	vld [tilespmem:$0x1E870]  }
0x780: {  	v41 =	vor.u32 v32, v19;
	v62 =	vor.u32 v39, v19;
	v39 =	vld [tilespmem:$0x1E890]  }
0x781: {  	v9 =	vadd.bf16 v10, v9;
	v10 =	vmul.bf16 v14, v33;
	v14 =	vld.idx.msk [tilespmem:v44+s15+$0x0], $0xffff  }
0x782: {  	v44 =	vld.idx.msk [tilespmem:v31+s16+$0x0], $0xffff  }
0x783: {  	v33 =	vld.idx.msk [tilespmem:v46+s16+$0x0], $0xffff  }
0x784: {  	v9 =	vadd.bf16 v10, v9;
	v10 =	vmul.bf16 v15, v37;
	v15 =	vld.idx.msk [tilespmem:v25+s15+$0x0], $0xffff  }
0x785: {  	v0 =	vadd.bf16 v34, v0;
	v25 =	vld.idx.msk [tilespmem:v41+s16+$0x0], $0xffff  }
0x786: {  	v37 =	vld [tilespmem:$0x1E880]  }
0x787: {  	v0 =	vadd.bf16 v38, v0;
	v58 =	vmul.bf16 v29, v12;
	v12 =	vld [tilespmem:$0x1E820]  }
0x788: {  	v29 =	vld [tilespmem:$0x1E840]  }
0x789: {  	v0 =	vadd.bf16 v43, v0;
	v43 =	vld [tilespmem:$0x1E8B0]  }
0x78a: {  	v9 =	vadd.bf16 v10, v9;
	v10 =	vmul.bf16 v13, v42;
	v13 =	vld.idx.msk [tilespmem:v31+s15+$0x0], $0xffff  }
0x78b: {  	v31 =	vld.idx.msk [tilespmem:v46+s15+$0x0], $0xffff  }
0x78c: {  	v7 =	vld.idx.msk [tilespmem:v62+s16+$0x0], $0xffff  }
0x78d: {  	v38 =	vor.u32 v48, v19;
	v46 =	vor.u32 v51, v19;
	v51 =	vld [tilespmem:$0x1E8F0]  }
0x78e: {  	v2 =	vmul.bf16 v60, v56;
	v56 =	vor.u32 v55, v19;
	v55 =	vld [tilespmem:$0x1EA10]  }
0x78f: {  	v23 =	vmul.bf16 v35, v14;
	v35 =	vld [tilespmem:$0x1E850]  }
0x790: {  	v14 =	vld [tilespmem:$0x1E860]  }
0x791: {  	v34 =	vor.u32 v45, v19;
	v0 =	vadd.bf16 v58, v0;
	v58 =	vld [tilespmem:$0x1E910]  }
0x792: {  	v42 =	vor.u32 v49, v19;
	v49 =	vld.idx.msk [tilespmem:v38+s16+$0x0], $0xffff  }
0x793: {  	v9 =	vadd.bf16 v10, v9;
	v10 =	vmul.bf16 v54, v50;
	v32 =	vmul.bf16 v40, v15;
	v15 =	vld [tilespmem:$0x1E8A0]  }
0x794: {  	v0 =	vadd.bf16 v23, v0;
	v23 =	vld [tilespmem:$0x1E930]  }
0x795: {  	v9 =	vadd.bf16 v10, v9;
	v10 =	vmul.bf16 v12, v21;
	v12 =	vld.idx.msk [tilespmem:v41+s15+$0x0], $0xffff  }
0x796: {  	v41 =	vld.idx.msk [tilespmem:v34+s16+$0x0], $0xffff  }
0x797: {  	v3 =	vmul.bf16 v44, v13;
	v13 =	vor.u32 v47, v19;
	v47 =	vld [tilespmem:$0x1E8D0]  }
0x798: {  	v54 =	vld.idx.msk [tilespmem:v42+s16+$0x0], $0xffff  }
0x799: {  	v50 =	vor.u32 v53, v19;
	v0 =	vadd.bf16 v32, v0;
	v32 =	vld.idx.msk [tilespmem:v56+s16+$0x0], $0xffff  }
0x79a: {  	v27 =	vadd.bf16 v10, v9;
	v9 =	vmul.bf16 v29, v28;
	v29 =	vld [tilespmem:$0x1E950]  }
0x79b: {  	v3 =	vadd.bf16 v3, v0;
	v0 =	vld [tilespmem:s25+$0x11130]  }
0x79c: {  	v21 =	vor.u32 v17, v19;
	v8 =	vadd.bf16 v9, v27;
	v9 =	vmul.bf16 v14, v35;
	v14 =	vld.idx.msk [tilespmem:v62+s15+$0x0], $0xffff  }
0x79d: {  	v28 =	vor.u32 v22, v19;
	v62 =	vld.idx.msk [tilespmem:v46+s16+$0x0], $0xffff  }
0x79e: {  	v27 =	vld.idx.msk [tilespmem:v50+s16+$0x0], $0xffff  }
0x79f: {  	v40 =	vmul.bf16 v25, v12;
	v12 =	vld [tilespmem:$0x1E8C0]  }
0x7a0: {  	v44 =	vmul.bf16 v33, v31;
	v2 =	vadd.bf16 v2, v3;
	v45 =	vld.idx.msk [tilespmem:v13+s16+$0x0], $0xffff  }
0x7a1: {  	v33 =	vor.u32 v57, v19;
	v8 =	vadd.bf16 v9, v8;
	v9 =	vmul.bf16 v37, v36;
	v36 =	vld.idx.msk [tilespmem:v21+s16+$0x0], $0xffff  }
0x7a2: {  	v2 =	vadd.bf16 v40, v2;
	v40 =	vld.idx.msk [tilespmem:v28+s16+$0x0], $0xffff  }
0x7a3: {  	v8 =	vadd.bf16 v9, v8;
	v9 =	vmul.bf16 v15, v39;
	v15 =	vld.idx.msk [tilespmem:v34+s15+$0x0], $0xffff  }
0x7a4: {  	v37 =	vor.u32 v30, v19;
	v34 =	vld [tilespmem:$0x1E970]  }
0x7a5: {  	v48 =	vmul.bf16 v7, v14;
	v14 =	vld [tilespmem:$0x1E900]  }
0x7a6: {  	v2 =	vadd.bf16 v44, v2;
	v44 =	vld.idx.msk [tilespmem:v33+s16+$0x0], $0xffff  }
0x7a7: {  	v8 =	vadd.bf16 v9, v8;
	v9 =	vmul.bf16 v12, v43;
	v12 =	vld.idx.msk [tilespmem:v13+s15+$0x0], $0xffff  }
0x7a8: {  	v13 =	vld [tilespmem:$0x1E8E0]  }
0x7a9: {  	v2 =	vadd.bf16 v48, v2;
	v48 =	vld.idx.msk [tilespmem:v37+s16+$0x0], $0xffff  }
0x7aa: {  	v0 =	vld.idx.msk [tilespmem:v0+s10+$0x0], $0xffff  }
0x7ab: {  	v53 =	vmul.bf16 v41, v15;
	v15 =	vld [tilespmem:$0x1E920]  }
0x7ac: {  	v41 =	vor.u32 v59, v19;
	v59 =	vld [tilespmem:$0x1EA30]  }
0x7ad: {  	v8 =	vadd.bf16 v9, v8;
	v9 =	vmul.bf16 v13, v47;
	v13 =	vld.idx.msk [tilespmem:v38+s15+$0x0], $0xffff  }
0x7ae: {  	v60 =	vmul.bf16 v45, v12;
	v12 =	vld [tilespmem:$0x1E940]  }
0x7af: {  	v38 =	vld [tilespmem:$0x1E990]  }
0x7b0: {  	v8 =	vadd.bf16 v9, v8;
	v9 =	vmul.bf16 v14, v51;
	v14 =	vld.idx.msk [tilespmem:v42+s15+$0x0], $0xffff  }
0x7b1: {  	v42 =	vld [tilespmem:$0x1E9B0]  }
0x7b2: {  	v2 =	vadd.bf16 v53, v2;
	v45 =	vor.u32 v61, v19;
	v53 =	vld.idx.msk [tilespmem:v41+s16+$0x0], $0xffff  }
0x7b3: {  	v8 =	vadd.bf16 v9, v8;
	v9 =	vmul.bf16 v15, v58;
	v15 =	vld.idx.msk [tilespmem:v46+s15+$0x0], $0xffff  }
0x7b4: {  	v46 =	vld [tilespmem:$0x1E9D0]  }
0x7b5: {  	v58 =	vor.u32 v24, v19;
	v24 =	vld [tilespmem:$0x1EA70]  }
0x7b6: {  	v25 =	vmul.bf16 v49, v13;
	v13 =	vld [tilespmem:$0x1E960]  }
0x7b7: {  	v57 =	vld.idx.msk [tilespmem:v45+s16+$0x0], $0xffff  }
0x7b8: {  	v49 =	vor.u32 v63, v19;
	v63 =	vld [tilespmem:$0x1EA50]  }
0x7b9: {  	v8 =	vadd.bf16 v9, v8;
	v9 =	vmul.bf16 v12, v23;
	v12 =	vld.idx.msk [tilespmem:v50+s15+$0x0], $0xffff  }
0x7ba: {  	v50 =	vld [tilespmem:$0x1E9F0]  }
0x7bb: {  	v23 =	vld [tilespmem:$0x1F8F0]  }
0x7bc: {  	v31 =	vmul.bf16 v54, v14;
	v14 =	vld [tilespmem:$0x1E980]  }
0x7bd: {  	v54 =	vld [tilespmem:$0x1EBB0]  }
0x7be: {  	v35 =	vmul.bf16 v62, v15;
	v15 =	vld [tilespmem:$0x1E9A0]  }
0x7bf: {  	v8 =	vadd.bf16 v9, v8;
	v9 =	vmul.bf16 v13, v29;
	v13 =	vld.idx.msk [tilespmem:v56+s15+$0x0], $0xffff  }
0x7c0: {  	v61 =	vld.idx.msk [tilespmem:v49+s16+$0x0], $0xffff  }
0x7c1: {  	v29 =	vld [tilespmem:$0x1EA90]  }
0x7c2: {  	v62 =	vor.u32 v52, v19;
	v39 =	vmul.bf16 v27, v12;
	v12 =	vld [tilespmem:$0x1E9C0]  }
0x7c3: {  	v2 =	vadd.bf16 v60, v2;
	v27 =	vld.idx.msk [tilespmem:v58+s16+$0x0], $0xffff  }
0x7c4: {  	v8 =	vadd.bf16 v9, v8;
	v9 =	vmul.bf16 v14, v34;
	v14 =	vld.idx.msk [tilespmem:v21+s15+$0x0], $0xffff  }
0x7c5: {  	v2 =	vadd.bf16 v25, v2;
	v11 =	vor.u32 v54, v19;
	v54 =	vld [tilespmem:$0x1EB70]  }
0x7c6: {  	v8 =	vadd.bf16 v9, v8;
	v9 =	vmul.bf16 v15, v38;
	v15 =	vld.idx.msk [tilespmem:v28+s15+$0x0], $0xffff  }
0x7c7: {  	v2 =	vadd.bf16 v31, v2;
	v31 =	vld.idx.msk [tilespmem:v62+s16+$0x0], $0xffff  }
0x7c8: {  	v38 =	vld [tilespmem:$0x1EAD0]  }
0x7c9: {  	v43 =	vmul.bf16 v32, v13;
	v13 =	vld [tilespmem:$0x1E9E0]  }
0x7ca: {  	v32 =	vld [tilespmem:$0x1EAB0]  }
0x7cb: {  	v8 =	vadd.bf16 v9, v8;
	v9 =	vmul.bf16 v12, v42;
	v12 =	vld.idx.msk [tilespmem:v33+s15+$0x0], $0xffff  }
0x7cc: {  	v47 =	vmul.bf16 v36, v14;
	v14 =	vld [tilespmem:$0x1EA00]  }
0x7cd: {  	v33 =	vld [tilespmem:$0x1EAC0]  }
0x7ce: {  	v51 =	vmul.bf16 v40, v15;
	v15 =	vld [tilespmem:$0x1EA20]  }
0x7cf: {  	v8 =	vadd.bf16 v9, v8;
	v9 =	vmul.bf16 v13, v46;
	v13 =	vld.idx.msk [tilespmem:v37+s15+$0x0], $0xffff  }
0x7d0: {  	v42 =	vld [tilespmem:$0x1EAF0]  }
0x7d1: {  	v8 =	vadd.bf16 v9, v8;
	v9 =	vmul.bf16 v14, v50;
	v14 =	vld.idx.msk [tilespmem:v41+s15+$0x0], $0xffff  }
0x7d2: {  	v56 =	vmul.bf16 v44, v12;
	v12 =	vld [tilespmem:$0x1EA40]  }
0x7d3: {  	v8 =	vadd.bf16 v9, v8;
	v9 =	vmul.bf16 v15, v55;
	v15 =	vld.idx.msk [tilespmem:v45+s15+$0x0], $0xffff  }
0x7d4: {  	v2 =	vadd.bf16 v35, v2;
	v60 =	vmul.bf16 v48, v13;
	v13 =	vld [tilespmem:$0x1EA60]  }
0x7d5: {  	v28 =	vor.u32 v26, v19;
	v22 =	vld.idx.msk [tilespmem:v11+s16+$0x0], $0xffff  }
0x7d6: {  	v2 =	vadd.bf16 v39, v2;
	v21 =	vmul.bf16 v53, v14;
	v14 =	vld [tilespmem:$0x1EA80]  }
0x7d7: {  	v8 =	vadd.bf16 v9, v8;
	v9 =	vmul.bf16 v12, v59;
	v12 =	vld.idx.msk [tilespmem:v49+s15+$0x0], $0xffff  }
0x7d8: {  	v2 =	vadd.bf16 v43, v2;
	v37 =	vor.u32 v16, v19;
	v25 =	vmul.bf16 v57, v15;
	v15 =	vld [tilespmem:$0x1EAA0]  }
0x7d9: {  	v8 =	vadd.bf16 v9, v8;
	v9 =	vmul.bf16 v13, v63;
	v13 =	vld.idx.msk [tilespmem:v11+s15+$0x0], $0xffff  }
0x7da: {  	v2 =	vadd.bf16 v47, v2;
	v40 =	vld.idx.msk [tilespmem:v28+s16+$0x0], $0xffff  }
0x7db: {  	v16 =	vld [tilespmem:$0x1EB20];
	v8 =	vadd.bf16 v9, v8;
	v9 =	vmul.bf16 v14, v24  }
0x7dc: {  	v2 =	vadd.bf16 v51, v2;
	v30 =	vmul.bf16 v61, v12;
	v12 =	vld [tilespmem:$0x1EAE0]  }
0x7dd: {  	v41 =	vor.u32 v18, v19;
	v45 =	vld.idx.msk [tilespmem:v37+s15+$0x0], $0xffff;
	v8 =	vadd.bf16 v9, v8;
	v9 =	vmul.bf16 v15, v29  }
0x7de: {  	v2 =	vadd.bf16 v56, v2;
	v35 =	vmul.bf16 v22, v13;
	v13 =	vld [tilespmem:$0x1EB00]  }
0x7df: {  	v47 =	vld.idx.msk [tilespmem:v37+s16+$0x0], $0xffff;
	v8 =	vadd.bf16 v9, v8;
	v9 =	vmul.bf16 v33, v32  }
0x7e0: {  	v48 =	vld [tilespmem:$0x1EB30];
	v2 =	vadd.bf16 v60, v2  }
0x7e1: {  	v49 =	vld [tilespmem:$0x1EB40];
	v11 =	vor.u32 v23, v19;
	v8 =	vadd.bf16 v9, v8;
	v9 =	vmul.bf16 v12, v38  }
0x7e2: {  	v50 =	vld.idx.msk [tilespmem:v41+s15+$0x0], $0xffff  }
0x7e3: {  	v2 =	vadd.bf16 v21, v2;
	v8 =	vadd.bf16 v9, v8;
	v9 =	vmul.bf16 v13, v42;
	v13 =	vld [tilespmem:$0x1EB10]  }
0x7e4: {  	v14 =	vld.idx.msk [tilespmem:v58+s15+$0x0], $0xffff  }
0x7e5: {  	v2 =	vadd.bf16 v25, v2;
	v15 =	vld.idx.msk [tilespmem:v62+s15+$0x0], $0xffff  }
0x7e6: {  	v34 =	vld.idx.msk [tilespmem:v11+s15+$0x0], $0xffff  }
0x7e7: {  	v2 =	vadd.bf16 v30, v2;
	v12 =	vld.idx.msk [tilespmem:v28+s15+$0x0], $0xffff  }
0x7e8: {  	v36 =	vld.idx.msk [tilespmem:v11+s16+$0x0], $0xffff;
	v8 =	vadd.bf16 v9, v8;
	v13 =	vmul.bf16 v16, v13  }
0x7e9: {  	v2 =	vadd.bf16 v35, v2;
	v39 =	vmul.bf16 v27, v14;
	v16 =	vld [tilespmem:$0x1EB60]  }
0x7ea: {  	v44 =	vor.u32 v20, v19;
	v8 =	vadd.bf16 v13, v8;
	v13 =	vld [tilespmem:$0x1EB50]  }
0x7eb: {  	v51 =	vld.idx.msk [tilespmem:v41+s16+$0x0], $0xffff;
	v2 =	vadd.bf16 v39, v2;
	v43 =	vmul.bf16 v31, v15  }
0x7ec: {  	v5 =	vmul.bf16 v40, v12;
	v12 =	vld [tilespmem:$0x1EB80]  }
0x7ed: {  	v57 =	vld [tilespmem:$0x1EB90];
	v10 =	vmul.f32 v49, v48;
	v46 =	vmul.bf16 v36, v34;
	v2 =	vadd.bf16 v43, v2  }
0x7ee: {  	v0 =	vmul.f32 v0, v1;
	v58 =	vld [tilespmem:$0x1EBA0]  }
0x7ef: {  	v4 =	vld.idx.msk [tilespmem:v44+s16+$0x0], $0xffff;
	v52 =	vmax.f32 v10, $9.999999930e-09;
	v2 =	vadd.bf16 v46, v2;
	v13 =	vmul.bf16 v16, v13  }
0x7f0: {  	v0 =	vmax.f32 v0, $9.999999930e-09;
	v53 =	vld.idx.msk [tilespmem:v44+s15+$0x0], $0xffff;
	v55 =	vmul.bf16 v47, v45;
	(erf) = vrcp.f32 v52  }
0x7f1: {  	v2 =	vadd.bf16 v5, v2;
	v10 =	vmul.bf16 v12, v54;
	v8 =	vadd.bf16 v13, v8  }
0x7f2: {  	v3 =	vmul.bf16 v51, v50;
	(erf) = vrcp.f32 v0  }
0x7f3: {  	v0 =	vmul.bf16 v58, v57;
	v2 =	vadd.bf16 v55, v2;
	v56 =	vadd.bf16 v10, v8;
	_ =	sdelay $0x1  }
0x7f4: {  	v1 =	vmul.bf16 v4, v53;
	v2 =	vadd.bf16 v3, v2;
	v0 =	vadd.bf16 v0, v56;
	_ =	sdelay $0x1  }
0x7f5: {  	v1 =	vadd.bf16 v1, v2;
	v59 =	vshll.u32 v0, $0x10;
	v0 =	vand.u32 $0xFFFF0000, v0  }
0x7f6: {  	v0 =	vadd.f32 v0, v59  }
0x7f7: {  	v60 =	vpop (erf);
	v61 =	vshll.u32 v1, $0x10;
	v1 =	vand.u32 $0xFFFF0000, v1  }
0x7f8: {  	v63 =	vld [tilespmem:$0x1FA60];
	v1 =	vadd.f32 v1, v61;
	v0 =	vmul.f32 v0, v60  }
0x7f9: {  	v62 =	vpop (erf)  }
0x7fa: {  	p2 =	por p1, p1;
	v1 =	vmul.f32 v1, v62;
	v0 =	vsub.f32 $5.000000000e-01, v0  }
.Ltmp3:
0x7fb: {  	_ = 	snop;
	(pc) =	sbr.rel @p2 .LBB2_8-.Ltmp3, $4  }
0x7fc: {  	v1 =	vsub.f32 $5.000000000e-01, v1;
	v0 =	vmax.f32 v0, $0.0e+00  }
0x7fd: {  	v14 =	vld [tilespmem:$0x1FDD0];
	v0 =	vadd.f32 v0, v63  }
0x7fe: {  	v15 =	vld [tilespmem:$0x1FDE0];
	v1 =	vmax.f32 v1, $0.0e+00  }
0x7ff: {  	p1 =	por $0x0, $0x0;
	s25 =	simm.s32 $0x20;
	v13 =	vld [tilespmem:$0x1FDC0];
	v12 =	vadd.f32 v1, v0  }
0x800: {  	v3 =	vld [tilespmem:$0x1F160];
	_ =	sdelay $0x1  }
0x801: {  	v5 =	vld [tilespmem:$0x1F170];
	_ =	sdelay $0x1  }
0x802: {  	v7 =	vld [tilespmem:$0x1F180];
	_ =	sdelay $0x3  }
0x803: {  	v2 =	vld.idx.msk [tilespmem:v3+s15+$0x0], $0xffff  }
0x804: {  	v3 =	vld.idx.msk [tilespmem:v3+s16+$0x0], $0xffff  }
0x805: {  	v4 =	vld.idx.msk [tilespmem:v5+s15+$0x0], $0xffff  }
0x806: {  	v5 =	vld.idx.msk [tilespmem:v5+s16+$0x0], $0xffff  }
0x807: {  	v6 =	vld.idx.msk [tilespmem:v7+s15+$0x0], $0xffff  }
0x808: {  	v7 =	vld.idx.msk [tilespmem:v7+s16+$0x0], $0xffff  }
0x809: {  	v2 =	vmul.bf16 v3, v2  }
0x80a: {  	v11 =	vimm.bf16 $0.0e+00  }
0x80b: {  	v4 =	vmul.bf16 v5, v4;
	v2 =	vadd.bf16 v11, v2;
	_ =	sdelay $0x1  }
0x80c: {  	v2 =	vadd.bf16 v4, v2;
	v4 =	vmul.bf16 v7, v6;
	v7 =	vld [tilespmem:$0x1F1C0];
	_ =	sdelay $0x7  }
0x80d: {  	v6 =	vld.idx.msk [tilespmem:v7+s15+$0x0], $0xffff  }
0x80e: {  	v7 =	vld.idx.msk [tilespmem:v7+s16+$0x0], $0xffff;
	_ =	sdelay $0x4  }
0x80f: {  	v57 =	vmul.bf16 v7, v6;
	v7 =	vld [tilespmem:$0x1F200];
	_ =	sdelay $0x7  }
0x810: {  	v6 =	vld.idx.msk [tilespmem:v7+s15+$0x0], $0xffff  }
0x811: {  	v7 =	vld.idx.msk [tilespmem:v7+s16+$0x0], $0xffff;
	_ =	sdelay $0x4  }
0x812: {  	v18 =	vmul.bf16 v7, v6;
	v7 =	vld [tilespmem:$0x1F240];
	_ =	sdelay $0x1  }
0x813: {  	v0 =	vld [tilespmem:$0xEA50]  }
0x814: {  	v9 =	vld [tilespmem:$0x1F190]  }
0x815: {  	v10 =	vld [tilespmem:$0x1F1A0]  }
0x816: {  	v52 =	vld [tilespmem:$0x1F1B0]  }
0x817: {  	v53 =	vld [tilespmem:$0x1F1D0]  }
0x818: {  	v54 =	vld [tilespmem:$0x1F1E0]  }
0x819: {  	v6 =	vld.idx.msk [tilespmem:v7+s15+$0x0], $0xffff  }
0x81a: {  	v7 =	vld.idx.msk [tilespmem:v7+s16+$0x0], $0xffff  }
0x81b: {  	v56 =	vld [tilespmem:$0x1F1F0]  }
0x81c: {  	v59 =	vld [tilespmem:$0x1F210]  }
0x81d: {  	v61 =	vld [tilespmem:$0x1F220]  }
0x81e: {  	v63 =	vld [tilespmem:$0x1F230]  }
0x81f: {  	v25 =	vmul.bf16 v7, v6;
	v7 =	vld [tilespmem:$0x1F280]  }
0x820: {  	v20 =	vld [tilespmem:$0x1F250]  }
0x821: {  	v22 =	vld [tilespmem:$0x1F260]  }
0x822: {  	v24 =	vld [tilespmem:$0x1F270]  }
0x823: {  	v27 =	vld [tilespmem:$0x1F290]  }
0x824: {  	v29 =	vld [tilespmem:$0x1F2A0]  }
0x825: {  	v31 =	vld [tilespmem:$0x1F2B0]  }
0x826: {  	v34 =	vld [tilespmem:$0x1F2D0]  }
0x827: {  	v6 =	vld.idx.msk [tilespmem:v7+s15+$0x0], $0xffff  }
0x828: {  	v7 =	vld.idx.msk [tilespmem:v7+s16+$0x0], $0xffff  }
0x829: {  	v36 =	vld [tilespmem:$0x1F2E0]  }
0x82a: {  	v38 =	vld [tilespmem:$0x1F2F0]  }
0x82b: {  	v41 =	vld [tilespmem:$0x1F310]  }
0x82c: {  	v43 =	vld [tilespmem:$0x1F320]  }
0x82d: {  	v32 =	vmul.bf16 v7, v6;
	v7 =	vld [tilespmem:$0x1F2C0]  }
0x82e: {  	v45 =	vld [tilespmem:$0x1F330]  }
0x82f: {  	v48 =	vld [tilespmem:$0x1F350]  }
0x830: {  	v50 =	vld [tilespmem:$0x1F360]  }
0x831: {  	v8 =	vld.idx.msk [tilespmem:v9+s15+$0x0], $0xffff  }
0x832: {  	v51 =	vld.idx.msk [tilespmem:v10+s15+$0x0], $0xffff  }
0x833: {  	v10 =	vld.idx.msk [tilespmem:v10+s16+$0x0], $0xffff  }
0x834: {  	v9 =	vld.idx.msk [tilespmem:v9+s16+$0x0], $0xffff  }
0x835: {  	v6 =	vld.idx.msk [tilespmem:v7+s15+$0x0], $0xffff  }
0x836: {  	v7 =	vld.idx.msk [tilespmem:v7+s16+$0x0], $0xffff  }
0x837: {  	v5 =	vld.idx.msk [tilespmem:v52+s15+$0x0], $0xffff  }
0x838: {  	v3 =	vmul.bf16 v10, v51;
	v10 =	vld.idx.msk [tilespmem:v54+s16+$0x0], $0xffff  }
0x839: {  	v11 =	vld.idx.msk [tilespmem:v52+s16+$0x0], $0xffff  }
0x83a: {  	v2 =	vadd.bf16 v4, v2;
	v4 =	vmul.bf16 v9, v8;
	v8 =	vld.idx.msk [tilespmem:v53+s15+$0x0], $0xffff  }
0x83b: {  	v39 =	vmul.bf16 v7, v6;
	v7 =	vld [tilespmem:$0x1F300]  }
0x83c: {  	v9 =	vld.idx.msk [tilespmem:v53+s16+$0x0], $0xffff  }
0x83d: {  	v52 =	vld [tilespmem:$0x1F370]  }
0x83e: {  	v55 =	vmul.bf16 v11, v5;
	v5 =	vld.idx.msk [tilespmem:v56+s15+$0x0], $0xffff  }
0x83f: {  	v11 =	vld.idx.msk [tilespmem:v56+s16+$0x0], $0xffff  }
0x840: {  	v2 =	vadd.bf16 v4, v2;
	v4 =	vld.idx.msk [tilespmem:v54+s15+$0x0], $0xffff  }
0x841: {  	v58 =	vmul.bf16 v9, v8;
	v8 =	vld.idx.msk [tilespmem:v59+s15+$0x0], $0xffff  }
0x842: {  	v9 =	vld.idx.msk [tilespmem:v59+s16+$0x0], $0xffff  }
0x843: {  	v6 =	vld.idx.msk [tilespmem:v7+s15+$0x0], $0xffff  }
0x844: {  	v7 =	vld.idx.msk [tilespmem:v7+s16+$0x0], $0xffff  }
0x845: {  	v59 =	vld [tilespmem:$0x1F3B0]  }
0x846: {  	v2 =	vadd.bf16 v3, v2;
	v62 =	vmul.bf16 v11, v5;
	v5 =	vld.idx.msk [tilespmem:v63+s15+$0x0], $0xffff  }
0x847: {  	v11 =	vld.idx.msk [tilespmem:v63+s16+$0x0], $0xffff  }
0x848: {  	v2 =	vadd.bf16 v55, v2;
	v55 =	vld [tilespmem:$0x1F390]  }
0x849: {  	v46 =	vmul.bf16 v7, v6;
	v7 =	vld [tilespmem:$0x1F340]  }
0x84a: {  	v60 =	vmul.bf16 v10, v4;
	v4 =	vld.idx.msk [tilespmem:v61+s15+$0x0], $0xffff  }
0x84b: {  	v10 =	vld.idx.msk [tilespmem:v61+s16+$0x0], $0xffff  }
0x84c: {  	v19 =	vmul.bf16 v9, v8;
	v8 =	vld.idx.msk [tilespmem:v20+s15+$0x0], $0xffff  }
0x84d: {  	v9 =	vld.idx.msk [tilespmem:v20+s16+$0x0], $0xffff  }
0x84e: {  	v20 =	vld [tilespmem:$0x1F3F0]  }
0x84f: {  	v23 =	vmul.bf16 v11, v5;
	v5 =	vld.idx.msk [tilespmem:v24+s15+$0x0], $0xffff  }
0x850: {  	v11 =	vld.idx.msk [tilespmem:v24+s16+$0x0], $0xffff  }
0x851: {  	v6 =	vld.idx.msk [tilespmem:v7+s15+$0x0], $0xffff  }
0x852: {  	v7 =	vld.idx.msk [tilespmem:v7+s16+$0x0], $0xffff  }
0x853: {  	v21 =	vmul.bf16 v10, v4;
	v4 =	vld.idx.msk [tilespmem:v22+s15+$0x0], $0xffff  }
0x854: {  	v10 =	vld.idx.msk [tilespmem:v22+s16+$0x0], $0xffff  }
0x855: {  	v2 =	vadd.bf16 v57, v2;
	v57 =	vld [tilespmem:$0x1F3A0]  }
0x856: {  	v26 =	vmul.bf16 v9, v8;
	v8 =	vld.idx.msk [tilespmem:v27+s15+$0x0], $0xffff  }
0x857: {  	v53 =	vmul.bf16 v7, v6;
	v7 =	vld [tilespmem:$0x1F380]  }
0x858: {  	v9 =	vld.idx.msk [tilespmem:v27+s16+$0x0], $0xffff  }
0x859: {  	v27 =	vld [tilespmem:$0x1F430]  }
0x85a: {  	v2 =	vadd.bf16 v58, v2;
	v30 =	vmul.bf16 v11, v5;
	v5 =	vld.idx.msk [tilespmem:v31+s15+$0x0], $0xffff  }
0x85b: {  	v11 =	vld.idx.msk [tilespmem:v31+s16+$0x0], $0xffff  }
0x85c: {  	v2 =	vadd.bf16 v60, v2;
	v28 =	vmul.bf16 v10, v4;
	v4 =	vld.idx.msk [tilespmem:v29+s15+$0x0], $0xffff  }
0x85d: {  	v10 =	vld.idx.msk [tilespmem:v29+s16+$0x0], $0xffff  }
0x85e: {  	v2 =	vadd.bf16 v62, v2;
	v62 =	vld [tilespmem:$0x1F3D0]  }
0x85f: {  	v6 =	vld.idx.msk [tilespmem:v7+s15+$0x0], $0xffff  }
0x860: {  	v7 =	vld.idx.msk [tilespmem:v7+s16+$0x0], $0xffff  }
0x861: {  	v33 =	vmul.bf16 v9, v8;
	v8 =	vld.idx.msk [tilespmem:v34+s15+$0x0], $0xffff  }
0x862: {  	v9 =	vld.idx.msk [tilespmem:v34+s16+$0x0], $0xffff  }
0x863: {  	v34 =	vld [tilespmem:$0x1FC50];
	v2 =	vadd.bf16 v18, v2  }
0x864: {  	v37 =	vmul.bf16 v11, v5;
	v5 =	vld.idx.msk [tilespmem:v38+s15+$0x0], $0xffff  }
0x865: {  	v2 =	vadd.bf16 v19, v2;
	v60 =	vmul.bf16 v7, v6;
	v7 =	vld [tilespmem:$0x1F3C0]  }
0x866: {  	v11 =	vld.idx.msk [tilespmem:v38+s16+$0x0], $0xffff  }
0x867: {  	v35 =	vmul.bf16 v10, v4;
	v4 =	vld.idx.msk [tilespmem:v36+s15+$0x0], $0xffff;
	v2 =	vadd.bf16 v21, v2  }
0x868: {  	v10 =	vld.idx.msk [tilespmem:v36+s16+$0x0], $0xffff  }
0x869: {  	v40 =	vmul.bf16 v9, v8;
	v8 =	vld.idx.msk [tilespmem:v41+s15+$0x0], $0xffff;
	v2 =	vadd.bf16 v23, v2  }
0x86a: {  	v9 =	vld.idx.msk [tilespmem:v41+s16+$0x0], $0xffff  }
0x86b: {  	v41 =	vld [tilespmem:$0x1FC90];
	v2 =	vadd.bf16 v25, v2  }
0x86c: {  	v44 =	vmul.bf16 v11, v5;
	v5 =	vld.idx.msk [tilespmem:v45+s15+$0x0], $0xffff  }
0x86d: {  	v2 =	vadd.bf16 v26, v2;
	v6 =	vld.idx.msk [tilespmem:v7+s15+$0x0], $0xffff  }
0x86e: {  	v7 =	vld.idx.msk [tilespmem:v7+s16+$0x0], $0xffff  }
0x86f: {  	v11 =	vld.idx.msk [tilespmem:v45+s16+$0x0], $0xffff;
	v2 =	vadd.bf16 v28, v2  }
0x870: {  	v18 =	vld [tilespmem:$0x1F3E0]  }
0x871: {  	v42 =	vmul.bf16 v10, v4;
	v4 =	vld.idx.msk [tilespmem:v43+s15+$0x0], $0xffff;
	v2 =	vadd.bf16 v30, v2  }
0x872: {  	v10 =	vld.idx.msk [tilespmem:v43+s16+$0x0], $0xffff  }
0x873: {  	v2 =	vadd.bf16 v32, v2;
	v21 =	vmul.bf16 v7, v6;
	v7 =	vld [tilespmem:$0x1F400]  }
0x874: {  	v47 =	vmul.bf16 v9, v8;
	v8 =	vld.idx.msk [tilespmem:v48+s15+$0x0], $0xffff  }
0x875: {  	v9 =	vld.idx.msk [tilespmem:v48+s16+$0x0], $0xffff;
	v2 =	vadd.bf16 v33, v2  }
0x876: {  	v48 =	vld [tilespmem:$0x1FCD0]  }
0x877: {  	v51 =	vmul.bf16 v11, v5;
	v5 =	vld.idx.msk [tilespmem:v52+s15+$0x0], $0xffff;
	v2 =	vadd.bf16 v35, v2  }
0x878: {  	v11 =	vld.idx.msk [tilespmem:v52+s16+$0x0], $0xffff  }
0x879: {  	v49 =	vmul.bf16 v10, v4;
	v4 =	vld.idx.msk [tilespmem:v50+s15+$0x0], $0xffff;
	v2 =	vadd.bf16 v37, v2  }
0x87a: {  	v10 =	vld.idx.msk [tilespmem:v50+s16+$0x0], $0xffff  }
0x87b: {  	v2 =	vadd.bf16 v39, v2;
	v6 =	vld.idx.msk [tilespmem:v7+s15+$0x0], $0xffff  }
0x87c: {  	v7 =	vld.idx.msk [tilespmem:v7+s16+$0x0], $0xffff  }
0x87d: {  	v23 =	vld [tilespmem:$0x1F410];
	v2 =	vadd.bf16 v40, v2  }
0x87e: {  	v54 =	vmul.bf16 v9, v8;
	v8 =	vld.idx.msk [tilespmem:v55+s15+$0x0], $0xffff  }
0x87f: {  	v9 =	vld.idx.msk [tilespmem:v55+s16+$0x0], $0xffff;
	v2 =	vadd.bf16 v42, v2  }
0x880: {  	v58 =	vmul.bf16 v11, v5;
	v5 =	vld.idx.msk [tilespmem:v59+s15+$0x0], $0xffff  }
0x881: {  	v2 =	vadd.bf16 v44, v2;
	v28 =	vmul.bf16 v7, v6;
	v7 =	vld [tilespmem:$0x1F440]  }
0x882: {  	v11 =	vld.idx.msk [tilespmem:v59+s16+$0x0], $0xffff  }
0x883: {  	v56 =	vmul.bf16 v10, v4;
	v4 =	vld.idx.msk [tilespmem:v57+s15+$0x0], $0xffff;
	v2 =	vadd.bf16 v46, v2  }
0x884: {  	v10 =	vld.idx.msk [tilespmem:v57+s16+$0x0], $0xffff  }
0x885: {  	v25 =	vld [tilespmem:$0x1F420];
	v2 =	vadd.bf16 v47, v2  }
0x886: {  	v61 =	vmul.bf16 v9, v8;
	v8 =	vld.idx.msk [tilespmem:v62+s15+$0x0], $0xffff  }
0x887: {  	v9 =	vld.idx.msk [tilespmem:v62+s16+$0x0], $0xffff;
	v2 =	vadd.bf16 v49, v2  }
0x888: {  	v19 =	vmul.bf16 v11, v5;
	v5 =	vld.idx.msk [tilespmem:v20+s15+$0x0], $0xffff  }
0x889: {  	v2 =	vadd.bf16 v51, v2;
	v6 =	vld.idx.msk [tilespmem:v7+s15+$0x0], $0xffff  }
0x88a: {  	v7 =	vld.idx.msk [tilespmem:v7+s16+$0x0], $0xffff  }
0x88b: {  	v11 =	vld.idx.msk [tilespmem:v20+s16+$0x0], $0xffff;
	v2 =	vadd.bf16 v53, v2  }
0x88c: {  	v63 =	vmul.bf16 v10, v4;
	v4 =	vld.idx.msk [tilespmem:v18+s15+$0x0], $0xffff  }
0x88d: {  	v10 =	vld.idx.msk [tilespmem:v18+s16+$0x0], $0xffff;
	v2 =	vadd.bf16 v54, v2  }
0x88e: {  	v22 =	vmul.bf16 v9, v8;
	v8 =	vld.idx.msk [tilespmem:v23+s15+$0x0], $0xffff  }
0x88f: {  	v2 =	vadd.bf16 v56, v2;
	v35 =	vmul.bf16 v7, v6;
	v7 =	vld [tilespmem:$0x1FC60]  }
0x890: {  	v9 =	vld.idx.msk [tilespmem:v23+s16+$0x0], $0xffff  }
0x891: {  	v30 =	vld [tilespmem:$0x1F450];
	v2 =	vadd.bf16 v58, v2  }
0x892: {  	v26 =	vmul.bf16 v11, v5;
	v5 =	vld.idx.msk [tilespmem:v27+s15+$0x0], $0xffff  }
0x893: {  	v11 =	vld.idx.msk [tilespmem:v27+s16+$0x0], $0xffff;
	v2 =	vadd.bf16 v60, v2  }
0x894: {  	v24 =	vmul.bf16 v10, v4;
	v4 =	vld.idx.msk [tilespmem:v25+s15+$0x0], $0xffff  }
0x895: {  	v10 =	vld.idx.msk [tilespmem:v25+s16+$0x0], $0xffff;
	v2 =	vadd.bf16 v61, v2  }
0x896: {  	v32 =	vld [tilespmem:$0x1F460]  }
0x897: {  	v2 =	vadd.bf16 v63, v2;
	v6 =	vld.idx.msk [tilespmem:v7+s15+$0x0], $0xffff  }
0x898: {  	v7 =	vld.idx.msk [tilespmem:v7+s16+$0x0], $0xffff  }
0x899: {  	v29 =	vmul.bf16 v9, v8;
	v8 =	vld.idx.msk [tilespmem:v30+s15+$0x0], $0xffff;
	v2 =	vadd.bf16 v19, v2  }
0x89a: {  	v37 =	vld [tilespmem:$0x1FC70]  }
0x89b: {  	v9 =	vld.idx.msk [tilespmem:v30+s16+$0x0], $0xffff;
	v2 =	vadd.bf16 v21, v2  }
0x89c: {  	v33 =	vmul.bf16 v11, v5;
	v5 =	vld.idx.msk [tilespmem:v34+s15+$0x0], $0xffff  }
0x89d: {  	v2 =	vadd.bf16 v22, v2;
	v42 =	vmul.bf16 v7, v6;
	v7 =	vld [tilespmem:$0x1FCA0]  }
0x89e: {  	v11 =	vld.idx.msk [tilespmem:v34+s16+$0x0], $0xffff  }
0x89f: {  	v31 =	vmul.bf16 v10, v4;
	v4 =	vld.idx.msk [tilespmem:v32+s15+$0x0], $0xffff;
	v2 =	vadd.bf16 v24, v2  }
0x8a0: {  	v10 =	vld.idx.msk [tilespmem:v32+s16+$0x0], $0xffff  }
0x8a1: {  	v39 =	vld [tilespmem:$0x1FC80];
	v2 =	vadd.bf16 v26, v2  }
0x8a2: {  	v36 =	vmul.bf16 v9, v8;
	v8 =	vld.idx.msk [tilespmem:v37+s15+$0x0], $0xffff  }
0x8a3: {  	v9 =	vld.idx.msk [tilespmem:v37+s16+$0x0], $0xffff;
	v2 =	vadd.bf16 v28, v2  }
0x8a4: {  	v40 =	vmul.bf16 v11, v5;
	v5 =	vld.idx.msk [tilespmem:v41+s15+$0x0], $0xffff  }
0x8a5: {  	v2 =	vadd.bf16 v29, v2;
	v6 =	vld.idx.msk [tilespmem:v7+s15+$0x0], $0xffff  }
0x8a6: {  	v7 =	vld.idx.msk [tilespmem:v7+s16+$0x0], $0xffff  }
0x8a7: {  	v44 =	vld [tilespmem:$0x1FCB0];
	v2 =	vadd.bf16 v31, v2  }
0x8a8: {  	v11 =	vld.idx.msk [tilespmem:v41+s16+$0x0], $0xffff  }
0x8a9: {  	v38 =	vmul.bf16 v10, v4;
	v4 =	vld.idx.msk [tilespmem:v39+s15+$0x0], $0xffff;
	v2 =	vadd.bf16 v33, v2  }
0x8aa: {  	v46 =	vld [tilespmem:$0x1FCC0]  }
0x8ab: {  	v2 =	vadd.bf16 v35, v2;
	v49 =	vmul.bf16 v7, v6;
	v7 =	vld [tilespmem:$0x1FCE0]  }
0x8ac: {  	v10 =	vld.idx.msk [tilespmem:v39+s16+$0x0], $0xffff  }
0x8ad: {  	v51 =	vld [tilespmem:$0x1FCF0];
	v2 =	vadd.bf16 v36, v2  }
0x8ae: {  	v1 =	vld [tilespmem:$0x11160]  }
0x8af: {  	v43 =	vmul.bf16 v9, v8;
	v8 =	vld.idx.msk [tilespmem:v44+s15+$0x0], $0xffff;
	v2 =	vadd.bf16 v38, v2  }
0x8b0: {  	v9 =	vld.idx.msk [tilespmem:v44+s16+$0x0], $0xffff  }
0x8b1: {  	v47 =	vmul.bf16 v11, v5;
	v5 =	vld.idx.msk [tilespmem:v48+s15+$0x0], $0xffff;
	v2 =	vadd.bf16 v40, v2  }
0x8b2: {  	v45 =	vmul.bf16 v10, v4;
	v4 =	vld.idx.msk [tilespmem:v46+s15+$0x0], $0xffff  }
0x8b3: {  	v2 =	vadd.bf16 v42, v2;
	v6 =	vld.idx.msk [tilespmem:v7+s15+$0x0], $0xffff  }
0x8b4: {  	v7 =	vld.idx.msk [tilespmem:v7+s16+$0x0], $0xffff  }
0x8b5: {  	v50 =	vmul.bf16 v9, v8;
	v8 =	vld.idx.msk [tilespmem:v51+s15+$0x0], $0xffff;
	v2 =	vadd.bf16 v43, v2  }
0x8b6: {  	v9 =	vld.idx.msk [tilespmem:v51+s16+$0x0], $0xffff  }
0x8b7: {  	v53 =	vld [tilespmem:$0x1FD00];
	v2 =	vadd.bf16 v45, v2  }
0x8b8: {  	v10 =	vld.idx.msk [tilespmem:v46+s16+$0x0], $0xffff  }
0x8b9: {  	v2 =	vadd.bf16 v47, v2;
	v55 =	vmul.bf16 v7, v6;
	v6 =	vld [tilespmem:$0x1FD10]  }
0x8ba: {  	v11 =	vld.idx.msk [tilespmem:v48+s16+$0x0], $0xffff  }
0x8bb: {  	v56 =	vmul.bf16 v9, v8;
	v8 =	vld [tilespmem:$0x1FD20];
	v2 =	vadd.bf16 v49, v2  }
0x8bc: {  	v0 =	vld.idx.msk [tilespmem:v0+s10+$0x0], $0xffff  }
0x8bd: {  	v52 =	vmul.bf16 v10, v4;
	v58 =	vld [tilespmem:$0x1FD30];
	v2 =	vadd.bf16 v50, v2  }
0x8be: {  	v1 =	vld.idx.msk [tilespmem:v1+s10+$0x0], $0xffff  }
0x8bf: {  	v54 =	vmul.bf16 v11, v5;
	v4 =	vld.idx.msk [tilespmem:v53+s15+$0x0], $0xffff;
	v2 =	vadd.bf16 v52, v2  }
0x8c0: {  	v10 =	vld.idx.msk [tilespmem:v53+s16+$0x0], $0xffff  }
0x8c1: {  	v2 =	vadd.bf16 v54, v2;
	v5 =	vld.idx.msk [tilespmem:v6+s15+$0x0], $0xffff  }
0x8c2: {  	v6 =	vld.idx.msk [tilespmem:v6+s16+$0x0], $0xffff  }
0x8c3: {  	v7 =	vld.idx.msk [tilespmem:v8+s15+$0x0], $0xffff;
	v2 =	vadd.bf16 v55, v2  }
0x8c4: {  	v8 =	vld.idx.msk [tilespmem:v8+s16+$0x0], $0xffff  }
0x8c5: {  	v0 =	vmul.f32 v1, v0;
	v57 =	vmul.bf16 v10, v4;
	v4 =	vld.idx.msk [tilespmem:v58+s15+$0x0], $0xffff;
	v2 =	vadd.bf16 v56, v2  }
0x8c6: {  	v59 =	vld.idx.msk [tilespmem:v58+s16+$0x0], $0xffff  }
0x8c7: {  	v0 =	vmax.f32 v0, $9.999999930e-09;
	v2 =	vadd.bf16 v57, v2;
	v60 =	vmul.bf16 v6, v5  }
0x8c8: {  	(erf) = vrcp.f32 v0  }
0x8c9: {  	v62 =	vmul.bf16 v8, v7;
	v61 =	vadd.bf16 v60, v2;
	_ =	sdelay $0x1  }
0x8ca: {  	v1 =	vmul.bf16 v59, v4;
	v0 =	vadd.bf16 v62, v61;
	_ =	sdelay $0x1  }
0x8cb: {  	v0 =	vadd.bf16 v1, v0;
	_ =	sdelay $0x1  }
0x8cc: {  	v1 =	vshll.u32 v0, $0x10;
	v0 =	vand.u32 $0xFFFF0000, v0  }
0x8cd: {  	v0 =	vadd.f32 v0, v1  }
0x8ce: {  	v63 =	vpop (erf)  }
0x8cf: {  	v0 =	vmul.f32 v0, v63;
	_ =	sdelay $0x1  }
0x8d0: {  	v0 =	vsub.f32 $5.000000000e-01, v0;
	_ =	sdelay $0x1  }
0x8d1: {  	v0 =	vmax.f32 v0, $0.0e+00  }
0x8d2: {  	v0 =	vadd.f32 v0, v12;
	_ =	sdelay $0x1  }
0x8d3: {  	[tilespmem:$0x16170] =	vst v0  }
0x8d4: {  	[hbm4b:s7+s3] =	stream.linear.scatter [tilespmem:s23], [sflag:$0x5], $0x10, $0x38;
	[tilespmem:$0x16180] =	vst v63  }
0x8d5: {  	s24 =	sadd.s32 $0x1, s24;
	_ =	swait.ge [sflag:s11], $0x10  }
0x8d6: {  	p1 =	sne.s32 s24, s8;
	v36 =	vld [tilespmem:$0x1FDF0]  }
.Ltmp4:
0x8d7: {  	v56 =	vld [tilespmem:$0x1FE00];
	(pc) =	sbr.rel @p1 .LBB2_1-.Ltmp4, $4  }
0x8d8: {  	v38 =	vld [tilespmem:$0x1FE20]  }
0x8d9: {  	v45 =	vld [tilespmem:$0x1FE30]  }
0x8da: {  	[sflag:s11] =	ssyncset.done $0x0;
	v43 =	vld [tilespmem:$0x1FE60]  }
0x8db: {  	v6 =	vlaneseq.u32;
	v42 =	vld [tilespmem:$0x1FE80];
	[sflag:s11] =	ssyncadd.s32 $0xFFFFFFF0  }
0x8dc: {  	_ =	sfence.sel $0x180000  }
0x8dd: {  	[bflag:$0x0] =	sbarrier.arrive $0xFFFF  }
0x8de: {  	_ =	strace $0x90000047  }
0x8df: {  	s0 =	sadd.s32 @!p0 $0x100000, s1;
	[bflag:$0x2] =	sbarrier.arrive $0xFFFF  }
0x8e0: {  	[sflag:s0] =	ssyncadd.tile.s32 @!p0 $0x1;
	_ =	shalt  }
.Lfunc_end2:
_tile_overlayer_lowered:
.L_overlay_start_2:
0x8e1: {  	(tag) =	ssettag $0x2  }
0x8e2: {  	s0 =	rddreg [dreg:$0x0];
	s2 =	stileid.u32  }
0x8e3: {  	s1 =	rddreg [dreg:$0x1];
	p0 =	sne.s32 s2, $0x0  }
0x8e4: {  	s3 =	rddreg [dreg:$0x2];
	[bflag:$0x3] =	sbarrier.arrive $0xFFFF;
	s2 =	simm.s32 @!p0 $0x1C05  }
0x8e5: {  	[timem:s3], [sflag:s2] =	dma.local @!p0 [hbm:s0], s1  }
0x8e6: {  	s0 =	simm.s32 @!p0 $0x5  }
0x8e7: {  	_ =	swait.ge @!p0 [sflag:s0], s1  }
0x8e8: {  	s1 =	ssub.s32 @!p0 $0x0, s1;
	[sflag:s0] =	ssyncset.done @!p0 $0x0  }
0x8e9: {  	[sflag:s0] =	ssyncadd.s32 @!p0 s1  }
0x8ea: {  	[bflag:$0x3] =	sbarrier.arrive $0xFFFF  }
0x8eb: {  	_ =	shalt  }

</sc_bundles>
